<compile_context>
chip_gen: v7x
topology: tpu7x:2x2x1
jax: 0.10.2.dev20260603
libtpu: 0.0.44.dev20260713+nightly
codegen_flags: <defaults>
</compile_context>

<pallas_src>
import functools

import jax
import jax.numpy as jnp
from jax import lax
from jax.experimental import pallas as pl
from jax.experimental.pallas import tpu as pltpu
from jax.experimental.pallas import tpu_sc as plsc

BATCH = 4096
SEQ = 200
D = 64
NC = 2
NS = 16
NW = NC * NS
BPW = BATCH // NW
C = SEQ
NBUF = 4
NG = 13
GBYTES_MAIN = 192


def _pe_table():
    pos = jnp.arange(SEQ, dtype=jnp.float32)[:, None]
    i = jnp.arange(0, D, 2, dtype=jnp.float32)
    div = jnp.exp(-jnp.log(10000.0) * i / D)
    pe = jnp.zeros((SEQ, D), dtype=jnp.float32)
    pe = pe.at[:, 0::2].set(jnp.sin(pos * div))
    pe = pe.at[:, 1::2].set(jnp.cos(pos * div))
    return jnp.pad(pe, ((0, 0), (0, 2 * D - D)))


def _sc_embed(table_p, idx, pe_p):
    mesh = plsc.VectorSubcoreMesh(
        core_axis_name="c", subcore_axis_name="s",
        num_cores=NC, num_subcores=NS)

    @functools.partial(
        pl.kernel,
        out_type=jax.ShapeDtypeStruct((BATCH, SEQ, 2 * D), jnp.float32),
        mesh=mesh,
        compiler_params=pltpu.CompilerParams(use_tc_tiling_on_sc=True),
        scratch_types=[
            pltpu.VMEM((SEQ, 2 * D), jnp.float32),
        ] + [pltpu.VMEM((C,), jnp.int32) for _ in range(NBUF)]
          + [pltpu.VMEM((C, 2 * D), jnp.float32) for _ in range(NBUF)]
          + [pltpu.SemaphoreType.DMA for _ in range(3 * NBUF)],
    )
    def body(table_hbm, idx_hbm, pe_hbm, out_hbm,
             pe_v, i0, i1, i2, i3, r0, r1, r2, r3,
             gi0, gi1, gi2, gi3, g0s, g1s, g2s, g3s, s0s, s1s, s2s, s3s):
        idxs = (i0, i1, i2, i3)
        rows = (r0, r1, r2, r3)
        isem = (gi0, gi1, gi2, gi3)
        gsem = (g0s, g1s, g2s, g3s)
        ssem = (s0s, s1s, s2s, s3s)
        wid = lax.axis_index("s") * NC + lax.axis_index("c")
        bbase = wid * BPW

        pltpu.sync_copy(pe_hbm, pe_v)

        def issue_gather(v):
            for k in range(NG):
                o = min(k * 16, C - 16)
                iv = idxs[v][pl.ds(o, 16)]
                pltpu.async_copy(
                    table_hbm.at[iv], rows[v].at[pl.ds(o, 16)], gsem[v])

        for h in range(NBUF):
            pltpu.async_copy(idx_hbm.at[wid, h], idxs[h], isem[h])
        pltpu.make_async_copy(idx_hbm.at[wid, 0], idxs[0], isem[0]).wait()
        issue_gather(0)

        def outer(i, carry):
            for b in range(NBUF):
                g = i * NBUF + b
                vb = (b + 1) % NBUF
                pltpu.make_async_copy(
                    table_hbm.at[pl.ds(0, GBYTES_MAIN)],
                    rows[b].at[pl.ds(0, GBYTES_MAIN)], gsem[b]).wait()
                pltpu.make_async_copy(
                    table_hbm.at[pl.ds(0, 16)],
                    rows[b].at[pl.ds(0, 16)], gsem[b]).wait()
                h = g + 1

                @pl.when(g + NBUF < BPW)
                def _(b=b, g=g):
                    pltpu.async_copy(
                        idx_hbm.at[wid, g + NBUF], idxs[b], isem[b])

                @pl.when((h >= NBUF) & (h < BPW))
                def _(vb=vb):
                    pltpu.make_async_copy(
                        rows[vb], out_hbm.at[bbase], ssem[vb]).wait()

                @pl.when(h < BPW)
                def _(vb=vb, h=h):
                    pltpu.make_async_copy(
                        idx_hbm.at[wid, 0], idxs[vb], isem[vb]).wait()
                    issue_gather(vb)

                def add_body(jj, _, b=b):
                    for r in range(8):
                        j = jj * 8 + r
                        for dd in range(4):
                            sl = pl.ds(dd * 16, 16)
                            plsc.addupdate(rows[b].at[j, sl], pe_v[j, sl])
                    return 0

                lax.fori_loop(0, C // 8, add_body, 0)
                pltpu.async_copy(rows[b], out_hbm.at[bbase + g], ssem[b])
            return carry

        lax.fori_loop(0, BPW // NBUF, outer, 0)

        for g in range(BPW - NBUF + 1, BPW):
            b = g % NBUF
            pltpu.make_async_copy(
                rows[b], out_hbm.at[bbase], ssem[b]).wait()

    return body(table_p, idx, pe_p)


def kernel(x, table):
    idx = x.astype(jnp.int32).reshape(NW, BPW, SEQ)
    table_p = jnp.pad(table, ((0, 0), (0, 2 * D - D)))
    return _sc_embed(table_p, idx, _pe_table())[..., :D]

# --- scband reference (transcript-rebuilt; emitter-appended) ---
"""Pipeline reference for scband-seq-embedding-34325378629922 (READ-ONLY COPY).

The authoritative reference and input builder live on the scoring server;
editing this copy changes nothing except your own understanding.
"""

import jax, jax.numpy as jnp
import numpy as np

VOCAB = 1000000
D_MODEL = 64
BATCH = 4096
SEQ_LEN = 200


def _positional_encoding(seq_len, d_model):
    pos = jnp.arange(seq_len, dtype=jnp.float32)[:, None]
    i = jnp.arange(0, d_model, 2, dtype=jnp.float32)
    div = jnp.exp(-jnp.log(10000.0) * i / d_model)
    pe = jnp.zeros((seq_len, d_model), dtype=jnp.float32)
    pe = pe.at[:, 0::2].set(jnp.sin(pos * div))
    pe = pe.at[:, 1::2].set(jnp.cos(pos * div))
    return pe


def setup_inputs(seed: int = 0) -> dict:
    key = jax.random.key(seed)
    k1, k2 = jax.random.split(key)
    x = jax.random.randint(k1, (BATCH, SEQ_LEN), 0, VOCAB)
    table = jax.random.normal(k2, (VOCAB, D_MODEL), dtype=jnp.float32)
    return {"x": x, "table": table}


def reference(x, table):
    # nn.Embedding lookup
    emb = jnp.take(table, x, axis=0)  # [B, S, D]
    # PositionalEncoding: standard sinusoidal PE added to embeddings
    pe = _positional_encoding(emb.shape[1], emb.shape[2])
    return emb + pe[None, :, :]

if __name__ == "__main__":
    import jax
    _d = setup_inputs()
    print(jax.jit(kernel)(*tuple(_d.values())))

</pallas_src>

<mosaic_0001>
#map = affine_map<(d0, d1) -> (0, 0)>
#map1 = affine_map<(d0, d1) -> (0, 0, 0)>
module attributes {stable_mosaic.version = 14 : i64} {
  func.func @body(%arg0: i32, %arg1: i32, %arg2: memref<1000000x128xf32, #tpu.memory_space<hbm>>, %arg3: memref<32x128x200xi32, #tpu.memory_space<hbm>>, %arg4: memref<200x128xf32, #tpu.memory_space<hbm>>, %arg5: memref<4096x200x128xf32, #tpu.memory_space<hbm>>, %arg6: memref<200x128xf32, #tpu.memory_space<vmem>>, %arg7: memref<200xi32, #tpu.memory_space<vmem>>, %arg8: memref<200xi32, #tpu.memory_space<vmem>>, %arg9: memref<200xi32, #tpu.memory_space<vmem>>, %arg10: memref<200xi32, #tpu.memory_space<vmem>>, %arg11: memref<200x128xf32, #tpu.memory_space<vmem>>, %arg12: memref<200x128xf32, #tpu.memory_space<vmem>>, %arg13: memref<200x128xf32, #tpu.memory_space<vmem>>, %arg14: memref<200x128xf32, #tpu.memory_space<vmem>>, %arg15: memref<!tpu.dma_semaphore, #tpu.memory_space<semaphore_mem>>, %arg16: memref<!tpu.dma_semaphore, #tpu.memory_space<semaphore_mem>>, %arg17: memref<!tpu.dma_semaphore, #tpu.memory_space<semaphore_mem>>, %arg18: memref<!tpu.dma_semaphore, #tpu.memory_space<semaphore_mem>>, %arg19: memref<!tpu.dma_semaphore, #tpu.memory_space<semaphore_mem>>, %arg20: memref<!tpu.dma_semaphore, #tpu.memory_space<semaphore_mem>>, %arg21: memref<!tpu.dma_semaphore, #tpu.memory_space<semaphore_mem>>, %arg22: memref<!tpu.dma_semaphore, #tpu.memory_space<semaphore_mem>>, %arg23: memref<!tpu.dma_semaphore, #tpu.memory_space<semaphore_mem>>, %arg24: memref<!tpu.dma_semaphore, #tpu.memory_space<semaphore_mem>>, %arg25: memref<!tpu.dma_semaphore, #tpu.memory_space<semaphore_mem>>, %arg26: memref<!tpu.dma_semaphore, #tpu.memory_space<semaphore_mem>>) attributes {dimension_semantics = [#tpu.dimension_semantics<core_parallel>, #tpu.dimension_semantics<subcore_parallel>], iteration_bounds = array<i64: 2, 16>, scalar_prefetch = 0 : i64, scratch_operands = 21 : i64, tpu.core_type = #tpu.core_type<sc_vector_subcore>, window_params = [{transform_indices = #map}, {transform_indices = #map1}, {transform_indices = #map}, {transform_indices = #map1}]} {
    %mul3A = arith.constant 2 : i32
    %mul3A_0 = arith.muli %arg1, %mul3A : i32
    %add3A = arith.addi %mul3A_0, %arg0 : i32
    %mul3A_1 = arith.constant 128 : i32
    %mul3A_2 = arith.muli %add3A, %mul3A_1 : i32
    "tpu.region"() ({
      %run_scoped3A = tpu.sem_alloc : memref<!tpu.dma_semaphore, #tpu.memory_space<semaphore_mem>>
      tpu.enqueue_dma source(%arg4 : memref<200x128xf32, #tpu.memory_space<hbm>>) target(%arg6 : memref<200x128xf32, #tpu.memory_space<vmem>>) target_semaphore(%run_scoped3A : memref<!tpu.dma_semaphore, #tpu.memory_space<semaphore_mem>>)
      tpu.wait_dma2 semaphore(%run_scoped3A : memref<!tpu.dma_semaphore, #tpu.memory_space<semaphore_mem>>) src(%arg4 : memref<200x128xf32, #tpu.memory_space<hbm>>) dst(%arg6 : memref<200x128xf32, #tpu.memory_space<vmem>>)
      tpu.yield
    }) : () -> ()
    %dma_start3A = arith.constant 0 : i32
    %dma_start3A_3 = arith.constant 0 : i32
    %dma_start3A_4 = tpu.memref_slice %arg3[%add3A, %dma_start3A, %dma_start3A_3] : memref<32x128x200xi32, #tpu.memory_space<hbm>> -> memref<1x1x200xi32, #tpu.memory_space<hbm>>
    %dma_start3A_5 = tpu.memref_squeeze %dma_start3A_4 : memref<1x1x200xi32, #tpu.memory_space<hbm>> -> memref<200xi32, #tpu.memory_space<hbm>>
    %dma_start3A_6 = arith.constant 0 : i32
    %dma_start3A_7 = tpu.memref_slice %arg3[%add3A, %dma_start3A, %dma_start3A_6] : memref<32x128x200xi32, #tpu.memory_space<hbm>> -> memref<1x1x200xi32, #tpu.memory_space<hbm>>
    %dma_start3A_8 = tpu.memref_squeeze %dma_start3A_7 : memref<1x1x200xi32, #tpu.memory_space<hbm>> -> memref<200xi32, #tpu.memory_space<hbm>>
    tpu.enqueue_dma source(%dma_start3A_8 : memref<200xi32, #tpu.memory_space<hbm>>) target(%arg7 : memref<200xi32, #tpu.memory_space<vmem>>) target_semaphore(%arg15 : memref<!tpu.dma_semaphore, #tpu.memory_space<semaphore_mem>>)
    %dma_start3A_9 = arith.constant 1 : i32
    %dma_start3A_10 = arith.constant 0 : i32
    %dma_start3A_11 = tpu.memref_slice %arg3[%add3A, %dma_start3A_9, %dma_start3A_10] : memref<32x128x200xi32, #tpu.memory_space<hbm>> -> memref<1x1x200xi32, #tpu.memory_space<hbm>>
    %dma_start3A_12 = tpu.memref_squeeze %dma_start3A_11 : memref<1x1x200xi32, #tpu.memory_space<hbm>> -> memref<200xi32, #tpu.memory_space<hbm>>
    %dma_start3A_13 = arith.constant 0 : i32
    %dma_start3A_14 = tpu.memref_slice %arg3[%add3A, %dma_start3A_9, %dma_start3A_13] : memref<32x128x200xi32, #tpu.memory_space<hbm>> -> memref<1x1x200xi32, #tpu.memory_space<hbm>>
    %dma_start3A_15 = tpu.memref_squeeze %dma_start3A_14 : memref<1x1x200xi32, #tpu.memory_space<hbm>> -> memref<200xi32, #tpu.memory_space<hbm>>
    tpu.enqueue_dma source(%dma_start3A_15 : memref<200xi32, #tpu.memory_space<hbm>>) target(%arg8 : memref<200xi32, #tpu.memory_space<vmem>>) target_semaphore(%arg16 : memref<!tpu.dma_semaphore, #tpu.memory_space<semaphore_mem>>)
    %dma_start3A_16 = arith.constant 2 : i32
    %dma_start3A_17 = arith.constant 0 : i32
    %dma_start3A_18 = tpu.memref_slice %arg3[%add3A, %dma_start3A_16, %dma_start3A_17] : memref<32x128x200xi32, #tpu.memory_space<hbm>> -> memref<1x1x200xi32, #tpu.memory_space<hbm>>
    %dma_start3A_19 = tpu.memref_squeeze %dma_start3A_18 : memref<1x1x200xi32, #tpu.memory_space<hbm>> -> memref<200xi32, #tpu.memory_space<hbm>>
    %dma_start3A_20 = arith.constant 0 : i32
    %dma_start3A_21 = tpu.memref_slice %arg3[%add3A, %dma_start3A_16, %dma_start3A_20] : memref<32x128x200xi32, #tpu.memory_space<hbm>> -> memref<1x1x200xi32, #tpu.memory_space<hbm>>
    %dma_start3A_22 = tpu.memref_squeeze %dma_start3A_21 : memref<1x1x200xi32, #tpu.memory_space<hbm>> -> memref<200xi32, #tpu.memory_space<hbm>>
    tpu.enqueue_dma source(%dma_start3A_22 : memref<200xi32, #tpu.memory_space<hbm>>) target(%arg9 : memref<200xi32, #tpu.memory_space<vmem>>) target_semaphore(%arg17 : memref<!tpu.dma_semaphore, #tpu.memory_space<semaphore_mem>>)
    %dma_start3A_23 = arith.constant 3 : i32
    %dma_start3A_24 = arith.constant 0 : i32
    %dma_start3A_25 = tpu.memref_slice %arg3[%add3A, %dma_start3A_23, %dma_start3A_24] : memref<32x128x200xi32, #tpu.memory_space<hbm>> -> memref<1x1x200xi32, #tpu.memory_space<hbm>>
    %dma_start3A_26 = tpu.memref_squeeze %dma_start3A_25 : memref<1x1x200xi32, #tpu.memory_space<hbm>> -> memref<200xi32, #tpu.memory_space<hbm>>
    %dma_start3A_27 = arith.constant 0 : i32
    %dma_start3A_28 = tpu.memref_slice %arg3[%add3A, %dma_start3A_23, %dma_start3A_27] : memref<32x128x200xi32, #tpu.memory_space<hbm>> -> memref<1x1x200xi32, #tpu.memory_space<hbm>>
    %dma_start3A_29 = tpu.memref_squeeze %dma_start3A_28 : memref<1x1x200xi32, #tpu.memory_space<hbm>> -> memref<200xi32, #tpu.memory_space<hbm>>
    tpu.enqueue_dma source(%dma_start3A_29 : memref<200xi32, #tpu.memory_space<hbm>>) target(%arg10 : memref<200xi32, #tpu.memory_space<vmem>>) target_semaphore(%arg18 : memref<!tpu.dma_semaphore, #tpu.memory_space<semaphore_mem>>)
    %dma_wait3A = arith.constant 0 : i32
    %dma_wait3A_30 = arith.constant 0 : i32
    %dma_wait3A_31 = tpu.memref_slice %arg3[%add3A, %dma_wait3A, %dma_wait3A_30] : memref<32x128x200xi32, #tpu.memory_space<hbm>> -> memref<1x1x200xi32, #tpu.memory_space<hbm>>
    %dma_wait3A_32 = tpu.memref_squeeze %dma_wait3A_31 : memref<1x1x200xi32, #tpu.memory_space<hbm>> -> memref<200xi32, #tpu.memory_space<hbm>>
    %dma_wait3A_33 = arith.constant 0 : i32
    %dma_wait3A_34 = tpu.memref_slice %arg3[%add3A, %dma_wait3A, %dma_wait3A_33] : memref<32x128x200xi32, #tpu.memory_space<hbm>> -> memref<1x1x200xi32, #tpu.memory_space<hbm>>
    %dma_wait3A_35 = tpu.memref_squeeze %dma_wait3A_34 : memref<1x1x200xi32, #tpu.memory_space<hbm>> -> memref<200xi32, #tpu.memory_space<hbm>>
    tpu.wait_dma2 semaphore(%arg15 : memref<!tpu.dma_semaphore, #tpu.memory_space<semaphore_mem>>) src(%dma_wait3A_35 : memref<200xi32, #tpu.memory_space<hbm>>) dst(%arg7 : memref<200xi32, #tpu.memory_space<vmem>>)
    %get3A = arith.constant 0 : index
    %get3A_36 = tpu.vector_load %arg7[%get3A] {strides = array<i32>} : memref<200xi32, #tpu.memory_space<vmem>>, vector<16xi32>,
    %get3A_37 = vector.shape_cast %get3A_36 : vector<16xi32> to vector<16xi32>
    %dma_start3A_38 = arith.constant 0 : i32
    %dma_start3A_39 = arith.constant 0 : i32
    %dma_start3A_40 = tpu.memref_slice %arg11[%dma_start3A_38, %dma_start3A_39] : memref<200x128xf32, #tpu.memory_space<vmem>> -> memref<16x128xf32, #tpu.memory_space<vmem>>
    %dma_start3A_41 = arith.constant 0 : i32
    %dma_start3A_42 = arith.constant 0 : i32
    %dma_start3A_43 = tpu.memref_slice %arg2[%dma_start3A_41, %dma_start3A_42] : memref<1000000x128xf32, #tpu.memory_space<hbm>> -> memref<1000000x128xf32, #tpu.memory_space<hbm>>
    tpu.enqueue_indirect_dma source(%dma_start3A_43 : memref<1000000x128xf32, #tpu.memory_space<hbm>>) target(%dma_start3A_40 : memref<16x128xf32, #tpu.memory_space<vmem>>) offsets(%get3A_37 : vector<16xi32>) semaphore(%arg19 : memref<!tpu.dma_semaphore, #tpu.memory_space<semaphore_mem>>)
    %get3A_44 = arith.constant 16 : index
    %get3A_45 = tpu.vector_load %arg7[%get3A_44] {strides = array<i32>} : memref<200xi32, #tpu.memory_space<vmem>>, vector<16xi32>,
    %get3A_46 = vector.shape_cast %get3A_45 : vector<16xi32> to vector<16xi32>
    %dma_start3A_47 = arith.constant 16 : i32
    %dma_start3A_48 = arith.constant 0 : i32
    %dma_start3A_49 = tpu.memref_slice %arg11[%dma_start3A_47, %dma_start3A_48] : memref<200x128xf32, #tpu.memory_space<vmem>> -> memref<16x128xf32, #tpu.memory_space<vmem>>
    %dma_start3A_50 = arith.constant 0 : i32
    %dma_start3A_51 = arith.constant 0 : i32
    %dma_start3A_52 = tpu.memref_slice %arg2[%dma_start3A_50, %dma_start3A_51] : memref<1000000x128xf32, #tpu.memory_space<hbm>> -> memref<1000000x128xf32, #tpu.memory_space<hbm>>
    tpu.enqueue_indirect_dma source(%dma_start3A_52 : memref<1000000x128xf32, #tpu.memory_space<hbm>>) target(%dma_start3A_49 : memref<16x128xf32, #tpu.memory_space<vmem>>) offsets(%get3A_46 : vector<16xi32>) semaphore(%arg19 : memref<!tpu.dma_semaphore, #tpu.memory_space<semaphore_mem>>)
    %get3A_53 = arith.constant 32 : index
    %get3A_54 = tpu.vector_load %arg7[%get3A_53] {strides = array<i32>} : memref<200xi32, #tpu.memory_space<vmem>>, vector<16xi32>,
    %get3A_55 = vector.shape_cast %get3A_54 : vector<16xi32> to vector<16xi32>
    %dma_start3A_56 = arith.constant 32 : i32
    %dma_start3A_57 = arith.constant 0 : i32
    %dma_start3A_58 = tpu.memref_slice %arg11[%dma_start3A_56, %dma_start3A_57] : memref<200x128xf32, #tpu.memory_space<vmem>> -> memref<16x128xf32, #tpu.memory_space<vmem>>
    %dma_start3A_59 = arith.constant 0 : i32
    %dma_start3A_60 = arith.constant 0 : i32
    %dma_start3A_61 = tpu.memref_slice %arg2[%dma_start3A_59, %dma_start3A_60] : memref<1000000x128xf32, #tpu.memory_space<hbm>> -> memref<1000000x128xf32, #tpu.memory_space<hbm>>
    tpu.enqueue_indirect_dma source(%dma_start3A_61 : memref<1000000x128xf32, #tpu.memory_space<hbm>>) target(%dma_start3A_58 : memref<16x128xf32, #tpu.memory_space<vmem>>) offsets(%get3A_55 : vector<16xi32>) semaphore(%arg19 : memref<!tpu.dma_semaphore, #tpu.memory_space<semaphore_mem>>)
    %get3A_62 = arith.constant 48 : index
    %get3A_63 = tpu.vector_load %arg7[%get3A_62] {strides = array<i32>} : memref<200xi32, #tpu.memory_space<vmem>>, vector<16xi32>,
    %get3A_64 = vector.shape_cast %get3A_63 : vector<16xi32> to vector<16xi32>
    %dma_start3A_65 = arith.constant 48 : i32
    %dma_start3A_66 = arith.constant 0 : i32
    %dma_start3A_67 = tpu.memref_slice %arg11[%dma_start3A_65, %dma_start3A_66] : memref<200x128xf32, #tpu.memory_space<vmem>> -> memref<16x128xf32, #tpu.memory_space<vmem>>
    %dma_start3A_68 = arith.constant 0 : i32
    %dma_start3A_69 = arith.constant 0 : i32
    %dma_start3A_70 = tpu.memref_slice %arg2[%dma_start3A_68, %dma_start3A_69] : memref<1000000x128xf32, #tpu.memory_space<hbm>> -> memref<1000000x128xf32, #tpu.memory_space<hbm>>
    tpu.enqueue_indirect_dma source(%dma_start3A_70 : memref<1000000x128xf32, #tpu.memory_space<hbm>>) target(%dma_start3A_67 : memref<16x128xf32, #tpu.memory_space<vmem>>) offsets(%get3A_64 : vector<16xi32>) semaphore(%arg19 : memref<!tpu.dma_semaphore, #tpu.memory_space<semaphore_mem>>)
    %get3A_71 = arith.constant 64 : index
    %get3A_72 = tpu.vector_load %arg7[%get3A_71] {strides = array<i32>} : memref<200xi32, #tpu.memory_space<vmem>>, vector<16xi32>,
    %get3A_73 = vector.shape_cast %get3A_72 : vector<16xi32> to vector<16xi32>
    %dma_start3A_74 = arith.constant 64 : i32
    %dma_start3A_75 = arith.constant 0 : i32
    %dma_start3A_76 = tpu.memref_slice %arg11[%dma_start3A_74, %dma_start3A_75] : memref<200x128xf32, #tpu.memory_space<vmem>> -> memref<16x128xf32, #tpu.memory_space<vmem>>
    %dma_start3A_77 = arith.constant 0 : i32
    %dma_start3A_78 = arith.constant 0 : i32
    %dma_start3A_79 = tpu.memref_slice %arg2[%dma_start3A_77, %dma_start3A_78] : memref<1000000x128xf32, #tpu.memory_space<hbm>> -> memref<1000000x128xf32, #tpu.memory_space<hbm>>
    tpu.enqueue_indirect_dma source(%dma_start3A_79 : memref<1000000x128xf32, #tpu.memory_space<hbm>>) target(%dma_start3A_76 : memref<16x128xf32, #tpu.memory_space<vmem>>) offsets(%get3A_73 : vector<16xi32>) semaphore(%arg19 : memref<!tpu.dma_semaphore, #tpu.memory_space<semaphore_mem>>)
    %get3A_80 = arith.constant 80 : index
    %get3A_81 = tpu.vector_load %arg7[%get3A_80] {strides = array<i32>} : memref<200xi32, #tpu.memory_space<vmem>>, vector<16xi32>,
    %get3A_82 = vector.shape_cast %get3A_81 : vector<16xi32> to vector<16xi32>
    %dma_start3A_83 = arith.constant 80 : i32
    %dma_start3A_84 = arith.constant 0 : i32
    %dma_start3A_85 = tpu.memref_slice %arg11[%dma_start3A_83, %dma_start3A_84] : memref<200x128xf32, #tpu.memory_space<vmem>> -> memref<16x128xf32, #tpu.memory_space<vmem>>
    %dma_start3A_86 = arith.constant 0 : i32
    %dma_start3A_87 = arith.constant 0 : i32
    %dma_start3A_88 = tpu.memref_slice %arg2[%dma_start3A_86, %dma_start3A_87] : memref<1000000x128xf32, #tpu.memory_space<hbm>> -> memref<1000000x128xf32, #tpu.memory_space<hbm>>
    tpu.enqueue_indirect_dma source(%dma_start3A_88 : memref<1000000x128xf32, #tpu.memory_space<hbm>>) target(%dma_start3A_85 : memref<16x128xf32, #tpu.memory_space<vmem>>) offsets(%get3A_82 : vector<16xi32>) semaphore(%arg19 : memref<!tpu.dma_semaphore, #tpu.memory_space<semaphore_mem>>)
    %get3A_89 = arith.constant 96 : index
    %get3A_90 = tpu.vector_load %arg7[%get3A_89] {strides = array<i32>} : memref<200xi32, #tpu.memory_space<vmem>>, vector<16xi32>,
    %get3A_91 = vector.shape_cast %get3A_90 : vector<16xi32> to vector<16xi32>
    %dma_start3A_92 = arith.constant 96 : i32
    %dma_start3A_93 = arith.constant 0 : i32
    %dma_start3A_94 = tpu.memref_slice %arg11[%dma_start3A_92, %dma_start3A_93] : memref<200x128xf32, #tpu.memory_space<vmem>> -> memref<16x128xf32, #tpu.memory_space<vmem>>
    %dma_start3A_95 = arith.constant 0 : i32
    %dma_start3A_96 = arith.constant 0 : i32
    %dma_start3A_97 = tpu.memref_slice %arg2[%dma_start3A_95, %dma_start3A_96] : memref<1000000x128xf32, #tpu.memory_space<hbm>> -> memref<1000000x128xf32, #tpu.memory_space<hbm>>
    tpu.enqueue_indirect_dma source(%dma_start3A_97 : memref<1000000x128xf32, #tpu.memory_space<hbm>>) target(%dma_start3A_94 : memref<16x128xf32, #tpu.memory_space<vmem>>) offsets(%get3A_91 : vector<16xi32>) semaphore(%arg19 : memref<!tpu.dma_semaphore, #tpu.memory_space<semaphore_mem>>)
    %get3A_98 = arith.constant 112 : index
    %get3A_99 = tpu.vector_load %arg7[%get3A_98] {strides = array<i32>} : memref<200xi32, #tpu.memory_space<vmem>>, vector<16xi32>,
    %get3A_100 = vector.shape_cast %get3A_99 : vector<16xi32> to vector<16xi32>
    %dma_start3A_101 = arith.constant 112 : i32
    %dma_start3A_102 = arith.constant 0 : i32
    %dma_start3A_103 = tpu.memref_slice %arg11[%dma_start3A_101, %dma_start3A_102] : memref<200x128xf32, #tpu.memory_space<vmem>> -> memref<16x128xf32, #tpu.memory_space<vmem>>
    %dma_start3A_104 = arith.constant 0 : i32
    %dma_start3A_105 = arith.constant 0 : i32
    %dma_start3A_106 = tpu.memref_slice %arg2[%dma_start3A_104, %dma_start3A_105] : memref<1000000x128xf32, #tpu.memory_space<hbm>> -> memref<1000000x128xf32, #tpu.memory_space<hbm>>
    tpu.enqueue_indirect_dma source(%dma_start3A_106 : memref<1000000x128xf32, #tpu.memory_space<hbm>>) target(%dma_start3A_103 : memref<16x128xf32, #tpu.memory_space<vmem>>) offsets(%get3A_100 : vector<16xi32>) semaphore(%arg19 : memref<!tpu.dma_semaphore, #tpu.memory_space<semaphore_mem>>)
    %get3A_107 = arith.constant 128 : index
    %get3A_108 = tpu.vector_load %arg7[%get3A_107] {strides = array<i32>} : memref<200xi32, #tpu.memory_space<vmem>>, vector<16xi32>,
    %get3A_109 = vector.shape_cast %get3A_108 : vector<16xi32> to vector<16xi32>
    %dma_start3A_110 = arith.constant 128 : i32
    %dma_start3A_111 = arith.constant 0 : i32
    %dma_start3A_112 = tpu.memref_slice %arg11[%dma_start3A_110, %dma_start3A_111] : memref<200x128xf32, #tpu.memory_space<vmem>> -> memref<16x128xf32, #tpu.memory_space<vmem>>
    %dma_start3A_113 = arith.constant 0 : i32
    %dma_start3A_114 = arith.constant 0 : i32
    %dma_start3A_115 = tpu.memref_slice %arg2[%dma_start3A_113, %dma_start3A_114] : memref<1000000x128xf32, #tpu.memory_space<hbm>> -> memref<1000000x128xf32, #tpu.memory_space<hbm>>
    tpu.enqueue_indirect_dma source(%dma_start3A_115 : memref<1000000x128xf32, #tpu.memory_space<hbm>>) target(%dma_start3A_112 : memref<16x128xf32, #tpu.memory_space<vmem>>) offsets(%get3A_109 : vector<16xi32>) semaphore(%arg19 : memref<!tpu.dma_semaphore, #tpu.memory_space<semaphore_mem>>)
    %get3A_116 = arith.constant 144 : index
    %get3A_117 = tpu.vector_load %arg7[%get3A_116] {strides = array<i32>} : memref<200xi32, #tpu.memory_space<vmem>>, vector<16xi32>,
    %get3A_118 = vector.shape_cast %get3A_117 : vector<16xi32> to vector<16xi32>
    %dma_start3A_119 = arith.constant 144 : i32
    %dma_start3A_120 = arith.constant 0 : i32
    %dma_start3A_121 = tpu.memref_slice %arg11[%dma_start3A_119, %dma_start3A_120] : memref<200x128xf32, #tpu.memory_space<vmem>> -> memref<16x128xf32, #tpu.memory_space<vmem>>
    %dma_start3A_122 = arith.constant 0 : i32
    %dma_start3A_123 = arith.constant 0 : i32
    %dma_start3A_124 = tpu.memref_slice %arg2[%dma_start3A_122, %dma_start3A_123] : memref<1000000x128xf32, #tpu.memory_space<hbm>> -> memref<1000000x128xf32, #tpu.memory_space<hbm>>
    tpu.enqueue_indirect_dma source(%dma_start3A_124 : memref<1000000x128xf32, #tpu.memory_space<hbm>>) target(%dma_start3A_121 : memref<16x128xf32, #tpu.memory_space<vmem>>) offsets(%get3A_118 : vector<16xi32>) semaphore(%arg19 : memref<!tpu.dma_semaphore, #tpu.memory_space<semaphore_mem>>)
    %get3A_125 = arith.constant 160 : index
    %get3A_126 = tpu.vector_load %arg7[%get3A_125] {strides = array<i32>} : memref<200xi32, #tpu.memory_space<vmem>>, vector<16xi32>,
    %get3A_127 = vector.shape_cast %get3A_126 : vector<16xi32> to vector<16xi32>
    %dma_start3A_128 = arith.constant 160 : i32
    %dma_start3A_129 = arith.constant 0 : i32
    %dma_start3A_130 = tpu.memref_slice %arg11[%dma_start3A_128, %dma_start3A_129] : memref<200x128xf32, #tpu.memory_space<vmem>> -> memref<16x128xf32, #tpu.memory_space<vmem>>
    %dma_start3A_131 = arith.constant 0 : i32
    %dma_start3A_132 = arith.constant 0 : i32
    %dma_start3A_133 = tpu.memref_slice %arg2[%dma_start3A_131, %dma_start3A_132] : memref<1000000x128xf32, #tpu.memory_space<hbm>> -> memref<1000000x128xf32, #tpu.memory_space<hbm>>
    tpu.enqueue_indirect_dma source(%dma_start3A_133 : memref<1000000x128xf32, #tpu.memory_space<hbm>>) target(%dma_start3A_130 : memref<16x128xf32, #tpu.memory_space<vmem>>) offsets(%get3A_127 : vector<16xi32>) semaphore(%arg19 : memref<!tpu.dma_semaphore, #tpu.memory_space<semaphore_mem>>)
    %get3A_134 = arith.constant 176 : index
    %get3A_135 = tpu.vector_load %arg7[%get3A_134] {strides = array<i32>} : memref<200xi32, #tpu.memory_space<vmem>>, vector<16xi32>,
    %get3A_136 = vector.shape_cast %get3A_135 : vector<16xi32> to vector<16xi32>
    %dma_start3A_137 = arith.constant 176 : i32
    %dma_start3A_138 = arith.constant 0 : i32
    %dma_start3A_139 = tpu.memref_slice %arg11[%dma_start3A_137, %dma_start3A_138] : memref<200x128xf32, #tpu.memory_space<vmem>> -> memref<16x128xf32, #tpu.memory_space<vmem>>
    %dma_start3A_140 = arith.constant 0 : i32
    %dma_start3A_141 = arith.constant 0 : i32
    %dma_start3A_142 = tpu.memref_slice %arg2[%dma_start3A_140, %dma_start3A_141] : memref<1000000x128xf32, #tpu.memory_space<hbm>> -> memref<1000000x128xf32, #tpu.memory_space<hbm>>
    tpu.enqueue_indirect_dma source(%dma_start3A_142 : memref<1000000x128xf32, #tpu.memory_space<hbm>>) target(%dma_start3A_139 : memref<16x128xf32, #tpu.memory_space<vmem>>) offsets(%get3A_136 : vector<16xi32>) semaphore(%arg19 : memref<!tpu.dma_semaphore, #tpu.memory_space<semaphore_mem>>)
    %get3A_143 = arith.constant 184 : index
    %get3A_144 = tpu.vector_load %arg7[%get3A_143] {strides = array<i32>} : memref<200xi32, #tpu.memory_space<vmem>>, vector<16xi32>,
    %get3A_145 = vector.shape_cast %get3A_144 : vector<16xi32> to vector<16xi32>
    %dma_start3A_146 = arith.constant 184 : i32
    %dma_start3A_147 = arith.constant 0 : i32
    %dma_start3A_148 = tpu.memref_slice %arg11[%dma_start3A_146, %dma_start3A_147] : memref<200x128xf32, #tpu.memory_space<vmem>> -> memref<16x128xf32, #tpu.memory_space<vmem>>
    %dma_start3A_149 = arith.constant 0 : i32
    %dma_start3A_150 = arith.constant 0 : i32
    %dma_start3A_151 = tpu.memref_slice %arg2[%dma_start3A_149, %dma_start3A_150] : memref<1000000x128xf32, #tpu.memory_space<hbm>> -> memref<1000000x128xf32, #tpu.memory_space<hbm>>
    tpu.enqueue_indirect_dma source(%dma_start3A_151 : memref<1000000x128xf32, #tpu.memory_space<hbm>>) target(%dma_start3A_148 : memref<16x128xf32, #tpu.memory_space<vmem>>) offsets(%get3A_145 : vector<16xi32>) semaphore(%arg19 : memref<!tpu.dma_semaphore, #tpu.memory_space<semaphore_mem>>)
    %scan3A = arith.constant 0 : i32
    %scan3A_152 = arith.constant 0 : i32
    %scan3A_153 = arith.constant 32 : i32
    %scan3A_154 = arith.addi %scan3A_152, %scan3A_153 : i32
    %scan3A_155 = arith.constant 1 : i32
    scf.for %scan3A_181 = %scan3A_152 to %scan3A_154 step %scan3A_155  : i32 {
      %mul3A_182 = arith.constant 4 : i32
      %mul3A_183 = arith.muli %scan3A_181, %mul3A_182 : i32
      %add3A_184 = arith.constant 0 : i32
      %add3A_185 = arith.addi %mul3A_183, %add3A_184 : i32
      %dma_wait3A_186 = arith.constant 0 : i32
      %dma_wait3A_187 = arith.constant 0 : i32
      %dma_wait3A_188 = tpu.memref_slice %arg11[%dma_wait3A_186, %dma_wait3A_187] : memref<200x128xf32, #tpu.memory_space<vmem>> -> memref<192x128xf32, #tpu.memory_space<vmem>>
      %dma_wait3A_189 = arith.constant 0 : i32
      %dma_wait3A_190 = arith.constant 0 : i32
      %dma_wait3A_191 = tpu.memref_slice %arg2[%dma_wait3A_189, %dma_wait3A_190] : memref<1000000x128xf32, #tpu.memory_space<hbm>> -> memref<192x128xf32, #tpu.memory_space<hbm>>
      %dma_wait3A_192 = arith.constant 0 : i32
      %dma_wait3A_193 = arith.constant 0 : i32
      %dma_wait3A_194 = tpu.memref_slice %arg11[%dma_wait3A_192, %dma_wait3A_193] : memref<200x128xf32, #tpu.memory_space<vmem>> -> memref<192x128xf32, #tpu.memory_space<vmem>>
      %dma_wait3A_195 = arith.constant 0 : i32
      %dma_wait3A_196 = arith.constant 0 : i32
      %dma_wait3A_197 = tpu.memref_slice %arg2[%dma_wait3A_195, %dma_wait3A_196] : memref<1000000x128xf32, #tpu.memory_space<hbm>> -> memref<192x128xf32, #tpu.memory_space<hbm>>
      tpu.wait_dma2 semaphore(%arg19 : memref<!tpu.dma_semaphore, #tpu.memory_space<semaphore_mem>>) src(%dma_wait3A_197 : memref<192x128xf32, #tpu.memory_space<hbm>>) dst(%dma_wait3A_194 : memref<192x128xf32, #tpu.memory_space<vmem>>)
      %dma_wait3A_198 = arith.constant 0 : i32
      %dma_wait3A_199 = arith.constant 0 : i32
      %dma_wait3A_200 = tpu.memref_slice %arg11[%dma_wait3A_198, %dma_wait3A_199] : memref<200x128xf32, #tpu.memory_space<vmem>> -> memref<16x128xf32, #tpu.memory_space<vmem>>
      %dma_wait3A_201 = arith.constant 0 : i32
      %dma_wait3A_202 = arith.constant 0 : i32
      %dma_wait3A_203 = tpu.memref_slice %arg2[%dma_wait3A_201, %dma_wait3A_202] : memref<1000000x128xf32, #tpu.memory_space<hbm>> -> memref<16x128xf32, #tpu.memory_space<hbm>>
      %dma_wait3A_204 = arith.constant 0 : i32
      %dma_wait3A_205 = arith.constant 0 : i32
      %dma_wait3A_206 = tpu.memref_slice %arg11[%dma_wait3A_204, %dma_wait3A_205] : memref<200x128xf32, #tpu.memory_space<vmem>> -> memref<16x128xf32, #tpu.memory_space<vmem>>
      %dma_wait3A_207 = arith.constant 0 : i32
      %dma_wait3A_208 = arith.constant 0 : i32
      %dma_wait3A_209 = tpu.memref_slice %arg2[%dma_wait3A_207, %dma_wait3A_208] : memref<1000000x128xf32, #tpu.memory_space<hbm>> -> memref<16x128xf32, #tpu.memory_space<hbm>>
      tpu.wait_dma2 semaphore(%arg19 : memref<!tpu.dma_semaphore, #tpu.memory_space<semaphore_mem>>) src(%dma_wait3A_209 : memref<16x128xf32, #tpu.memory_space<hbm>>) dst(%dma_wait3A_206 : memref<16x128xf32, #tpu.memory_space<vmem>>)
      %add3A_210 = arith.constant 1 : i32
      %add3A_211 = arith.addi %add3A_185, %add3A_210 : i32
      %add3A_212 = arith.constant 4 : i32
      %add3A_213 = arith.addi %add3A_185, %add3A_212 : i32
      %lt3A = arith.constant 128 : i32
      %lt3A_214 = arith.cmpi slt, %add3A_213, %lt3A : i32
      %convert_element_type3A = arith.extui %lt3A_214 : i1 to i32
      %cond3A = arith.constant 0 : i32
      %cond3A_215 = arith.cmpi ne, %convert_element_type3A, %cond3A : i32
      scf.if %cond3A_215 {
        %add3A_441 = arith.constant 4 : i32
        %add3A_442 = arith.addi %add3A_185, %add3A_441 : i32
        %dma_start3A_443 = arith.constant 0 : i32
        %dma_start3A_444 = tpu.memref_slice %arg3[%add3A, %add3A_442, %dma_start3A_443] : memref<32x128x200xi32, #tpu.memory_space<hbm>> -> memref<1x1x200xi32, #tpu.memory_space<hbm>>
        %dma_start3A_445 = tpu.memref_squeeze %dma_start3A_444 : memref<1x1x200xi32, #tpu.memory_space<hbm>> -> memref<200xi32, #tpu.memory_space<hbm>>
        %dma_start3A_446 = arith.constant 0 : i32
        %dma_start3A_447 = tpu.memref_slice %arg3[%add3A, %add3A_442, %dma_start3A_446] : memref<32x128x200xi32, #tpu.memory_space<hbm>> -> memref<1x1x200xi32, #tpu.memory_space<hbm>>
        %dma_start3A_448 = tpu.memref_squeeze %dma_start3A_447 : memref<1x1x200xi32, #tpu.memory_space<hbm>> -> memref<200xi32, #tpu.memory_space<hbm>>
        tpu.enqueue_dma source(%dma_start3A_448 : memref<200xi32, #tpu.memory_space<hbm>>) target(%arg7 : memref<200xi32, #tpu.memory_space<vmem>>) target_semaphore(%arg15 : memref<!tpu.dma_semaphore, #tpu.memory_space<semaphore_mem>>)
      } else {
      }
      %ge3A = arith.constant 4 : i32
      %ge3A_216 = arith.cmpi sge, %add3A_211, %ge3A : i32
      %lt3A_217 = arith.constant 128 : i32
      %lt3A_218 = arith.cmpi slt, %add3A_211, %lt3A_217 : i32
      %and3A = arith.andi %ge3A_216, %lt3A_218 : i1
      %convert_element_type3A_219 = arith.extui %and3A : i1 to i32
      %cond3A_220 = arith.constant 0 : i32
      %cond3A_221 = arith.cmpi ne, %convert_element_type3A_219, %cond3A_220 : i32
      scf.if %cond3A_221 {
        %dma_wait3A_441 = arith.constant 0 : i32
        %dma_wait3A_442 = arith.constant 0 : i32
        %dma_wait3A_443 = tpu.memref_slice %arg5[%mul3A_2, %dma_wait3A_441, %dma_wait3A_442] : memref<4096x200x128xf32, #tpu.memory_space<hbm>> -> memref<1x200x128xf32, #tpu.memory_space<hbm>>
        %dma_wait3A_444 = tpu.memref_squeeze %dma_wait3A_443 : memref<1x200x128xf32, #tpu.memory_space<hbm>> -> memref<200x128xf32, #tpu.memory_space<hbm>>
        %dma_wait3A_445 = arith.constant 0 : i32
        %dma_wait3A_446 = arith.constant 0 : i32
        %dma_wait3A_447 = tpu.memref_slice %arg5[%mul3A_2, %dma_wait3A_445, %dma_wait3A_446] : memref<4096x200x128xf32, #tpu.memory_space<hbm>> -> memref<1x200x128xf32, #tpu.memory_space<hbm>>
        %dma_wait3A_448 = tpu.memref_squeeze %dma_wait3A_447 : memref<1x200x128xf32, #tpu.memory_space<hbm>> -> memref<200x128xf32, #tpu.memory_space<hbm>>
        tpu.wait_dma2 semaphore(%arg24 : memref<!tpu.dma_semaphore, #tpu.memory_space<semaphore_mem>>) src(%arg12 : memref<200x128xf32, #tpu.memory_space<vmem>>) dst(%dma_wait3A_448 : memref<200x128xf32, #tpu.memory_space<hbm>>)
      } else {
      }
      %lt3A_222 = arith.constant 128 : i32
      %lt3A_223 = arith.cmpi slt, %add3A_211, %lt3A_222 : i32
      %convert_element_type3A_224 = arith.extui %lt3A_223 : i1 to i32
      %cond3A_225 = arith.constant 0 : i32
      %cond3A_226 = arith.cmpi ne, %convert_element_type3A_224, %cond3A_225 : i32
      scf.if %cond3A_226 {
        %dma_wait3A_441 = arith.constant 0 : i32
        %dma_wait3A_442 = arith.constant 0 : i32
        %dma_wait3A_443 = tpu.memref_slice %arg3[%add3A, %dma_wait3A_441, %dma_wait3A_442] : memref<32x128x200xi32, #tpu.memory_space<hbm>> -> memref<1x1x200xi32, #tpu.memory_space<hbm>>
        %dma_wait3A_444 = tpu.memref_squeeze %dma_wait3A_443 : memref<1x1x200xi32, #tpu.memory_space<hbm>> -> memref<200xi32, #tpu.memory_space<hbm>>
        %dma_wait3A_445 = arith.constant 0 : i32
        %dma_wait3A_446 = tpu.memref_slice %arg3[%add3A, %dma_wait3A_441, %dma_wait3A_445] : memref<32x128x200xi32, #tpu.memory_space<hbm>> -> memref<1x1x200xi32, #tpu.memory_space<hbm>>
        %dma_wait3A_447 = tpu.memref_squeeze %dma_wait3A_446 : memref<1x1x200xi32, #tpu.memory_space<hbm>> -> memref<200xi32, #tpu.memory_space<hbm>>
        tpu.wait_dma2 semaphore(%arg16 : memref<!tpu.dma_semaphore, #tpu.memory_space<semaphore_mem>>) src(%dma_wait3A_447 : memref<200xi32, #tpu.memory_space<hbm>>) dst(%arg8 : memref<200xi32, #tpu.memory_space<vmem>>)
        %get3A_448 = arith.constant 0 : index
        %get3A_449 = tpu.vector_load %arg8[%get3A_448] {strides = array<i32>} : memref<200xi32, #tpu.memory_space<vmem>>, vector<16xi32>,
        %get3A_450 = vector.shape_cast %get3A_449 : vector<16xi32> to vector<16xi32>
        %dma_start3A_451 = arith.constant 0 : i32
        %dma_start3A_452 = arith.constant 0 : i32
        %dma_start3A_453 = tpu.memref_slice %arg12[%dma_start3A_451, %dma_start3A_452] : memref<200x128xf32, #tpu.memory_space<vmem>> -> memref<16x128xf32, #tpu.memory_space<vmem>>
        %dma_start3A_454 = arith.constant 0 : i32
        %dma_start3A_455 = arith.constant 0 : i32
        %dma_start3A_456 = tpu.memref_slice %arg2[%dma_start3A_454, %dma_start3A_455] : memref<1000000x128xf32, #tpu.memory_space<hbm>> -> memref<1000000x128xf32, #tpu.memory_space<hbm>>
        tpu.enqueue_indirect_dma source(%dma_start3A_456 : memref<1000000x128xf32, #tpu.memory_space<hbm>>) target(%dma_start3A_453 : memref<16x128xf32, #tpu.memory_space<vmem>>) offsets(%get3A_450 : vector<16xi32>) semaphore(%arg20 : memref<!tpu.dma_semaphore, #tpu.memory_space<semaphore_mem>>)
        %get3A_457 = arith.constant 16 : index
        %get3A_458 = tpu.vector_load %arg8[%get3A_457] {strides = array<i32>} : memref<200xi32, #tpu.memory_space<vmem>>, vector<16xi32>,
        %get3A_459 = vector.shape_cast %get3A_458 : vector<16xi32> to vector<16xi32>
        %dma_start3A_460 = arith.constant 16 : i32
        %dma_start3A_461 = arith.constant 0 : i32
        %dma_start3A_462 = tpu.memref_slice %arg12[%dma_start3A_460, %dma_start3A_461] : memref<200x128xf32, #tpu.memory_space<vmem>> -> memref<16x128xf32, #tpu.memory_space<vmem>>
        %dma_start3A_463 = arith.constant 0 : i32
        %dma_start3A_464 = arith.constant 0 : i32
        %dma_start3A_465 = tpu.memref_slice %arg2[%dma_start3A_463, %dma_start3A_464] : memref<1000000x128xf32, #tpu.memory_space<hbm>> -> memref<1000000x128xf32, #tpu.memory_space<hbm>>
        tpu.enqueue_indirect_dma source(%dma_start3A_465 : memref<1000000x128xf32, #tpu.memory_space<hbm>>) target(%dma_start3A_462 : memref<16x128xf32, #tpu.memory_space<vmem>>) offsets(%get3A_459 : vector<16xi32>) semaphore(%arg20 : memref<!tpu.dma_semaphore, #tpu.memory_space<semaphore_mem>>)
        %get3A_466 = arith.constant 32 : index
        %get3A_467 = tpu.vector_load %arg8[%get3A_466] {strides = array<i32>} : memref<200xi32, #tpu.memory_space<vmem>>, vector<16xi32>,
        %get3A_468 = vector.shape_cast %get3A_467 : vector<16xi32> to vector<16xi32>
        %dma_start3A_469 = arith.constant 32 : i32
        %dma_start3A_470 = arith.constant 0 : i32
        %dma_start3A_471 = tpu.memref_slice %arg12[%dma_start3A_469, %dma_start3A_470] : memref<200x128xf32, #tpu.memory_space<vmem>> -> memref<16x128xf32, #tpu.memory_space<vmem>>
        %dma_start3A_472 = arith.constant 0 : i32
        %dma_start3A_473 = arith.constant 0 : i32
        %dma_start3A_474 = tpu.memref_slice %arg2[%dma_start3A_472, %dma_start3A_473] : memref<1000000x128xf32, #tpu.memory_space<hbm>> -> memref<1000000x128xf32, #tpu.memory_space<hbm>>
        tpu.enqueue_indirect_dma source(%dma_start3A_474 : memref<1000000x128xf32, #tpu.memory_space<hbm>>) target(%dma_start3A_471 : memref<16x128xf32, #tpu.memory_space<vmem>>) offsets(%get3A_468 : vector<16xi32>) semaphore(%arg20 : memref<!tpu.dma_semaphore, #tpu.memory_space<semaphore_mem>>)
        %get3A_475 = arith.constant 48 : index
        %get3A_476 = tpu.vector_load %arg8[%get3A_475] {strides = array<i32>} : memref<200xi32, #tpu.memory_space<vmem>>, vector<16xi32>,
        %get3A_477 = vector.shape_cast %get3A_476 : vector<16xi32> to vector<16xi32>
        %dma_start3A_478 = arith.constant 48 : i32
        %dma_start3A_479 = arith.constant 0 : i32
        %dma_start3A_480 = tpu.memref_slice %arg12[%dma_start3A_478, %dma_start3A_479] : memref<200x128xf32, #tpu.memory_space<vmem>> -> memref<16x128xf32, #tpu.memory_space<vmem>>
        %dma_start3A_481 = arith.constant 0 : i32
        %dma_start3A_482 = arith.constant 0 : i32
        %dma_start3A_483 = tpu.memref_slice %arg2[%dma_start3A_481, %dma_start3A_482] : memref<1000000x128xf32, #tpu.memory_space<hbm>> -> memref<1000000x128xf32, #tpu.memory_space<hbm>>
        tpu.enqueue_indirect_dma source(%dma_start3A_483 : memref<1000000x128xf32, #tpu.memory_space<hbm>>) target(%dma_start3A_480 : memref<16x128xf32, #tpu.memory_space<vmem>>) offsets(%get3A_477 : vector<16xi32>) semaphore(%arg20 : memref<!tpu.dma_semaphore, #tpu.memory_space<semaphore_mem>>)
        %get3A_484 = arith.constant 64 : index
        %get3A_485 = tpu.vector_load %arg8[%get3A_484] {strides = array<i32>} : memref<200xi32, #tpu.memory_space<vmem>>, vector<16xi32>,
        %get3A_486 = vector.shape_cast %get3A_485 : vector<16xi32> to vector<16xi32>
        %dma_start3A_487 = arith.constant 64 : i32
        %dma_start3A_488 = arith.constant 0 : i32
        %dma_start3A_489 = tpu.memref_slice %arg12[%dma_start3A_487, %dma_start3A_488] : memref<200x128xf32, #tpu.memory_space<vmem>> -> memref<16x128xf32, #tpu.memory_space<vmem>>
        %dma_start3A_490 = arith.constant 0 : i32
        %dma_start3A_491 = arith.constant 0 : i32
        %dma_start3A_492 = tpu.memref_slice %arg2[%dma_start3A_490, %dma_start3A_491] : memref<1000000x128xf32, #tpu.memory_space<hbm>> -> memref<1000000x128xf32, #tpu.memory_space<hbm>>
        tpu.enqueue_indirect_dma source(%dma_start3A_492 : memref<1000000x128xf32, #tpu.memory_space<hbm>>) target(%dma_start3A_489 : memref<16x128xf32, #tpu.memory_space<vmem>>) offsets(%get3A_486 : vector<16xi32>) semaphore(%arg20 : memref<!tpu.dma_semaphore, #tpu.memory_space<semaphore_mem>>)
        %get3A_493 = arith.constant 80 : index
        %get3A_494 = tpu.vector_load %arg8[%get3A_493] {strides = array<i32>} : memref<200xi32, #tpu.memory_space<vmem>>, vector<16xi32>,
        %get3A_495 = vector.shape_cast %get3A_494 : vector<16xi32> to vector<16xi32>
        %dma_start3A_496 = arith.constant 80 : i32
        %dma_start3A_497 = arith.constant 0 : i32
        %dma_start3A_498 = tpu.memref_slice %arg12[%dma_start3A_496, %dma_start3A_497] : memref<200x128xf32, #tpu.memory_space<vmem>> -> memref<16x128xf32, #tpu.memory_space<vmem>>
        %dma_start3A_499 = arith.constant 0 : i32
        %dma_start3A_500 = arith.constant 0 : i32
        %dma_start3A_501 = tpu.memref_slice %arg2[%dma_start3A_499, %dma_start3A_500] : memref<1000000x128xf32, #tpu.memory_space<hbm>> -> memref<1000000x128xf32, #tpu.memory_space<hbm>>
        tpu.enqueue_indirect_dma source(%dma_start3A_501 : memref<1000000x128xf32, #tpu.memory_space<hbm>>) target(%dma_start3A_498 : memref<16x128xf32, #tpu.memory_space<vmem>>) offsets(%get3A_495 : vector<16xi32>) semaphore(%arg20 : memref<!tpu.dma_semaphore, #tpu.memory_space<semaphore_mem>>)
        %get3A_502 = arith.constant 96 : index
        %get3A_503 = tpu.vector_load %arg8[%get3A_502] {strides = array<i32>} : memref<200xi32, #tpu.memory_space<vmem>>, vector<16xi32>,
        %get3A_504 = vector.shape_cast %get3A_503 : vector<16xi32> to vector<16xi32>
        %dma_start3A_505 = arith.constant 96 : i32
        %dma_start3A_506 = arith.constant 0 : i32
        %dma_start3A_507 = tpu.memref_slice %arg12[%dma_start3A_505, %dma_start3A_506] : memref<200x128xf32, #tpu.memory_space<vmem>> -> memref<16x128xf32, #tpu.memory_space<vmem>>
        %dma_start3A_508 = arith.constant 0 : i32
        %dma_start3A_509 = arith.constant 0 : i32
        %dma_start3A_510 = tpu.memref_slice %arg2[%dma_start3A_508, %dma_start3A_509] : memref<1000000x128xf32, #tpu.memory_space<hbm>> -> memref<1000000x128xf32, #tpu.memory_space<hbm>>
        tpu.enqueue_indirect_dma source(%dma_start3A_510 : memref<1000000x128xf32, #tpu.memory_space<hbm>>) target(%dma_start3A_507 : memref<16x128xf32, #tpu.memory_space<vmem>>) offsets(%get3A_504 : vector<16xi32>) semaphore(%arg20 : memref<!tpu.dma_semaphore, #tpu.memory_space<semaphore_mem>>)
        %get3A_511 = arith.constant 112 : index
        %get3A_512 = tpu.vector_load %arg8[%get3A_511] {strides = array<i32>} : memref<200xi32, #tpu.memory_space<vmem>>, vector<16xi32>,
        %get3A_513 = vector.shape_cast %get3A_512 : vector<16xi32> to vector<16xi32>
        %dma_start3A_514 = arith.constant 112 : i32
        %dma_start3A_515 = arith.constant 0 : i32
        %dma_start3A_516 = tpu.memref_slice %arg12[%dma_start3A_514, %dma_start3A_515] : memref<200x128xf32, #tpu.memory_space<vmem>> -> memref<16x128xf32, #tpu.memory_space<vmem>>
        %dma_start3A_517 = arith.constant 0 : i32
        %dma_start3A_518 = arith.constant 0 : i32
        %dma_start3A_519 = tpu.memref_slice %arg2[%dma_start3A_517, %dma_start3A_518] : memref<1000000x128xf32, #tpu.memory_space<hbm>> -> memref<1000000x128xf32, #tpu.memory_space<hbm>>
        tpu.enqueue_indirect_dma source(%dma_start3A_519 : memref<1000000x128xf32, #tpu.memory_space<hbm>>) target(%dma_start3A_516 : memref<16x128xf32, #tpu.memory_space<vmem>>) offsets(%get3A_513 : vector<16xi32>) semaphore(%arg20 : memref<!tpu.dma_semaphore, #tpu.memory_space<semaphore_mem>>)
        %get3A_520 = arith.constant 128 : index
        %get3A_521 = tpu.vector_load %arg8[%get3A_520] {strides = array<i32>} : memref<200xi32, #tpu.memory_space<vmem>>, vector<16xi32>,
        %get3A_522 = vector.shape_cast %get3A_521 : vector<16xi32> to vector<16xi32>
        %dma_start3A_523 = arith.constant 128 : i32
        %dma_start3A_524 = arith.constant 0 : i32
        %dma_start3A_525 = tpu.memref_slice %arg12[%dma_start3A_523, %dma_start3A_524] : memref<200x128xf32, #tpu.memory_space<vmem>> -> memref<16x128xf32, #tpu.memory_space<vmem>>
        %dma_start3A_526 = arith.constant 0 : i32
        %dma_start3A_527 = arith.constant 0 : i32
        %dma_start3A_528 = tpu.memref_slice %arg2[%dma_start3A_526, %dma_start3A_527] : memref<1000000x128xf32, #tpu.memory_space<hbm>> -> memref<1000000x128xf32, #tpu.memory_space<hbm>>
        tpu.enqueue_indirect_dma source(%dma_start3A_528 : memref<1000000x128xf32, #tpu.memory_space<hbm>>) target(%dma_start3A_525 : memref<16x128xf32, #tpu.memory_space<vmem>>) offsets(%get3A_522 : vector<16xi32>) semaphore(%arg20 : memref<!tpu.dma_semaphore, #tpu.memory_space<semaphore_mem>>)
        %get3A_529 = arith.constant 144 : index
        %get3A_530 = tpu.vector_load %arg8[%get3A_529] {strides = array<i32>} : memref<200xi32, #tpu.memory_space<vmem>>, vector<16xi32>,
        %get3A_531 = vector.shape_cast %get3A_530 : vector<16xi32> to vector<16xi32>
        %dma_start3A_532 = arith.constant 144 : i32
        %dma_start3A_533 = arith.constant 0 : i32
        %dma_start3A_534 = tpu.memref_slice %arg12[%dma_start3A_532, %dma_start3A_533] : memref<200x128xf32, #tpu.memory_space<vmem>> -> memref<16x128xf32, #tpu.memory_space<vmem>>
        %dma_start3A_535 = arith.constant 0 : i32
        %dma_start3A_536 = arith.constant 0 : i32
        %dma_start3A_537 = tpu.memref_slice %arg2[%dma_start3A_535, %dma_start3A_536] : memref<1000000x128xf32, #tpu.memory_space<hbm>> -> memref<1000000x128xf32, #tpu.memory_space<hbm>>
        tpu.enqueue_indirect_dma source(%dma_start3A_537 : memref<1000000x128xf32, #tpu.memory_space<hbm>>) target(%dma_start3A_534 : memref<16x128xf32, #tpu.memory_space<vmem>>) offsets(%get3A_531 : vector<16xi32>) semaphore(%arg20 : memref<!tpu.dma_semaphore, #tpu.memory_space<semaphore_mem>>)
        %get3A_538 = arith.constant 160 : index
        %get3A_539 = tpu.vector_load %arg8[%get3A_538] {strides = array<i32>} : memref<200xi32, #tpu.memory_space<vmem>>, vector<16xi32>,
        %get3A_540 = vector.shape_cast %get3A_539 : vector<16xi32> to vector<16xi32>
        %dma_start3A_541 = arith.constant 160 : i32
        %dma_start3A_542 = arith.constant 0 : i32
        %dma_start3A_543 = tpu.memref_slice %arg12[%dma_start3A_541, %dma_start3A_542] : memref<200x128xf32, #tpu.memory_space<vmem>> -> memref<16x128xf32, #tpu.memory_space<vmem>>
        %dma_start3A_544 = arith.constant 0 : i32
        %dma_start3A_545 = arith.constant 0 : i32
        %dma_start3A_546 = tpu.memref_slice %arg2[%dma_start3A_544, %dma_start3A_545] : memref<1000000x128xf32, #tpu.memory_space<hbm>> -> memref<1000000x128xf32, #tpu.memory_space<hbm>>
        tpu.enqueue_indirect_dma source(%dma_start3A_546 : memref<1000000x128xf32, #tpu.memory_space<hbm>>) target(%dma_start3A_543 : memref<16x128xf32, #tpu.memory_space<vmem>>) offsets(%get3A_540 : vector<16xi32>) semaphore(%arg20 : memref<!tpu.dma_semaphore, #tpu.memory_space<semaphore_mem>>)
        %get3A_547 = arith.constant 176 : index
        %get3A_548 = tpu.vector_load %arg8[%get3A_547] {strides = array<i32>} : memref<200xi32, #tpu.memory_space<vmem>>, vector<16xi32>,
        %get3A_549 = vector.shape_cast %get3A_548 : vector<16xi32> to vector<16xi32>
        %dma_start3A_550 = arith.constant 176 : i32
        %dma_start3A_551 = arith.constant 0 : i32
        %dma_start3A_552 = tpu.memref_slice %arg12[%dma_start3A_550, %dma_start3A_551] : memref<200x128xf32, #tpu.memory_space<vmem>> -> memref<16x128xf32, #tpu.memory_space<vmem>>
        %dma_start3A_553 = arith.constant 0 : i32
        %dma_start3A_554 = arith.constant 0 : i32
        %dma_start3A_555 = tpu.memref_slice %arg2[%dma_start3A_553, %dma_start3A_554] : memref<1000000x128xf32, #tpu.memory_space<hbm>> -> memref<1000000x128xf32, #tpu.memory_space<hbm>>
        tpu.enqueue_indirect_dma source(%dma_start3A_555 : memref<1000000x128xf32, #tpu.memory_space<hbm>>) target(%dma_start3A_552 : memref<16x128xf32, #tpu.memory_space<vmem>>) offsets(%get3A_549 : vector<16xi32>) semaphore(%arg20 : memref<!tpu.dma_semaphore, #tpu.memory_space<semaphore_mem>>)
        %get3A_556 = arith.constant 184 : index
        %get3A_557 = tpu.vector_load %arg8[%get3A_556] {strides = array<i32>} : memref<200xi32, #tpu.memory_space<vmem>>, vector<16xi32>,
        %get3A_558 = vector.shape_cast %get3A_557 : vector<16xi32> to vector<16xi32>
        %dma_start3A_559 = arith.constant 184 : i32
        %dma_start3A_560 = arith.constant 0 : i32
        %dma_start3A_561 = tpu.memref_slice %arg12[%dma_start3A_559, %dma_start3A_560] : memref<200x128xf32, #tpu.memory_space<vmem>> -> memref<16x128xf32, #tpu.memory_space<vmem>>
        %dma_start3A_562 = arith.constant 0 : i32
        %dma_start3A_563 = arith.constant 0 : i32
        %dma_start3A_564 = tpu.memref_slice %arg2[%dma_start3A_562, %dma_start3A_563] : memref<1000000x128xf32, #tpu.memory_space<hbm>> -> memref<1000000x128xf32, #tpu.memory_space<hbm>>
        tpu.enqueue_indirect_dma source(%dma_start3A_564 : memref<1000000x128xf32, #tpu.memory_space<hbm>>) target(%dma_start3A_561 : memref<16x128xf32, #tpu.memory_space<vmem>>) offsets(%get3A_558 : vector<16xi32>) semaphore(%arg20 : memref<!tpu.dma_semaphore, #tpu.memory_space<semaphore_mem>>)
      } else {
      }
      %scan3A_227 = arith.constant 0 : i32
      %scan3A_228 = arith.constant 0 : i32
      %scan3A_229 = arith.constant 25 : i32
      %scan3A_230 = arith.addi %scan3A_228, %scan3A_229 : i32
      %scan3A_231 = arith.constant 1 : i32
      %scan3A_232 = scf.for %scan3A_441 = %scan3A_228 to %scan3A_230 step %scan3A_231 iter_args(%scan3A_442 = %scan3A_227) -> (i32)  : i32 {
        %mul3A_443 = arith.constant 8 : i32
        %mul3A_444 = arith.muli %scan3A_441, %mul3A_443 : i32
        %add3A_445 = arith.constant 0 : i32
        %add3A_446 = arith.addi %mul3A_444, %add3A_445 : i32
        %get3A_447 = arith.index_cast %add3A_446 : i32 to index
        %get3A_448 = arith.constant 0 : index
        %get3A_449 = tpu.vector_load %arg6[%get3A_447, %get3A_448] {strides = array<i32>} : memref<200x128xf32, #tpu.memory_space<vmem>>, vector<1x16xf32>,
        %get3A_450 = vector.shape_cast %get3A_449 : vector<1x16xf32> to vector<16xf32>
        %swap3A = arith.index_cast %add3A_446 : i32 to index
        %swap3A_451 = arith.constant 0 : index
        %swap3A_452 = tpu.vector_load %arg11[%swap3A, %swap3A_451] {strides = array<i32>} : memref<200x128xf32, #tpu.memory_space<vmem>>, vector<1x16xf32>,
        %swap3A_453 = vector.shape_cast %swap3A_452 : vector<1x16xf32> to vector<16xf32>
        %swap3A_454 = vector.shape_cast %get3A_450 : vector<16xf32> to vector<1x16xf32>
        tpu.vector_store %arg11[%swap3A, %swap3A_451], %swap3A_454 {add = true, strides = array<i32>} : memref<200x128xf32, #tpu.memory_space<vmem>>, vector<1x16xf32>,
        %get3A_455 = arith.index_cast %add3A_446 : i32 to index
        %get3A_456 = arith.constant 16 : index
        %get3A_457 = tpu.vector_load %arg6[%get3A_455, %get3A_456] {strides = array<i32>} : memref<200x128xf32, #tpu.memory_space<vmem>>, vector<1x16xf32>,
        %get3A_458 = vector.shape_cast %get3A_457 : vector<1x16xf32> to vector<16xf32>
        %swap3A_459 = arith.index_cast %add3A_446 : i32 to index
        %swap3A_460 = arith.constant 16 : index
        %swap3A_461 = tpu.vector_load %arg11[%swap3A_459, %swap3A_460] {strides = array<i32>} : memref<200x128xf32, #tpu.memory_space<vmem>>, vector<1x16xf32>,
        %swap3A_462 = vector.shape_cast %swap3A_461 : vector<1x16xf32> to vector<16xf32>
        %swap3A_463 = vector.shape_cast %get3A_458 : vector<16xf32> to vector<1x16xf32>
        tpu.vector_store %arg11[%swap3A_459, %swap3A_460], %swap3A_463 {add = true, strides = array<i32>} : memref<200x128xf32, #tpu.memory_space<vmem>>, vector<1x16xf32>,
        %get3A_464 = arith.index_cast %add3A_446 : i32 to index
        %get3A_465 = arith.constant 32 : index
        %get3A_466 = tpu.vector_load %arg6[%get3A_464, %get3A_465] {strides = array<i32>} : memref<200x128xf32, #tpu.memory_space<vmem>>, vector<1x16xf32>,
        %get3A_467 = vector.shape_cast %get3A_466 : vector<1x16xf32> to vector<16xf32>
        %swap3A_468 = arith.index_cast %add3A_446 : i32 to index
        %swap3A_469 = arith.constant 32 : index
        %swap3A_470 = tpu.vector_load %arg11[%swap3A_468, %swap3A_469] {strides = array<i32>} : memref<200x128xf32, #tpu.memory_space<vmem>>, vector<1x16xf32>,
        %swap3A_471 = vector.shape_cast %swap3A_470 : vector<1x16xf32> to vector<16xf32>
        %swap3A_472 = vector.shape_cast %get3A_467 : vector<16xf32> to vector<1x16xf32>
        tpu.vector_store %arg11[%swap3A_468, %swap3A_469], %swap3A_472 {add = true, strides = array<i32>} : memref<200x128xf32, #tpu.memory_space<vmem>>, vector<1x16xf32>,
        %get3A_473 = arith.index_cast %add3A_446 : i32 to index
        %get3A_474 = arith.constant 48 : index
        %get3A_475 = tpu.vector_load %arg6[%get3A_473, %get3A_474] {strides = array<i32>} : memref<200x128xf32, #tpu.memory_space<vmem>>, vector<1x16xf32>,
        %get3A_476 = vector.shape_cast %get3A_475 : vector<1x16xf32> to vector<16xf32>
        %swap3A_477 = arith.index_cast %add3A_446 : i32 to index
        %swap3A_478 = arith.constant 48 : index
        %swap3A_479 = tpu.vector_load %arg11[%swap3A_477, %swap3A_478] {strides = array<i32>} : memref<200x128xf32, #tpu.memory_space<vmem>>, vector<1x16xf32>,
        %swap3A_480 = vector.shape_cast %swap3A_479 : vector<1x16xf32> to vector<16xf32>
        %swap3A_481 = vector.shape_cast %get3A_476 : vector<16xf32> to vector<1x16xf32>
        tpu.vector_store %arg11[%swap3A_477, %swap3A_478], %swap3A_481 {add = true, strides = array<i32>} : memref<200x128xf32, #tpu.memory_space<vmem>>, vector<1x16xf32>,
        %mul3A_482 = arith.constant 8 : i32
        %mul3A_483 = arith.muli %scan3A_441, %mul3A_482 : i32
        %add3A_484 = arith.constant 1 : i32
        %add3A_485 = arith.addi %mul3A_483, %add3A_484 : i32
        %get3A_486 = arith.index_cast %add3A_485 : i32 to index
        %get3A_487 = arith.constant 0 : index
        %get3A_488 = tpu.vector_load %arg6[%get3A_486, %get3A_487] {strides = array<i32>} : memref<200x128xf32, #tpu.memory_space<vmem>>, vector<1x16xf32>,
        %get3A_489 = vector.shape_cast %get3A_488 : vector<1x16xf32> to vector<16xf32>
        %swap3A_490 = arith.index_cast %add3A_485 : i32 to index
        %swap3A_491 = arith.constant 0 : index
        %swap3A_492 = tpu.vector_load %arg11[%swap3A_490, %swap3A_491] {strides = array<i32>} : memref<200x128xf32, #tpu.memory_space<vmem>>, vector<1x16xf32>,
        %swap3A_493 = vector.shape_cast %swap3A_492 : vector<1x16xf32> to vector<16xf32>
        %swap3A_494 = vector.shape_cast %get3A_489 : vector<16xf32> to vector<1x16xf32>
        tpu.vector_store %arg11[%swap3A_490, %swap3A_491], %swap3A_494 {add = true, strides = array<i32>} : memref<200x128xf32, #tpu.memory_space<vmem>>, vector<1x16xf32>,
        %get3A_495 = arith.index_cast %add3A_485 : i32 to index
        %get3A_496 = arith.constant 16 : index
        %get3A_497 = tpu.vector_load %arg6[%get3A_495, %get3A_496] {strides = array<i32>} : memref<200x128xf32, #tpu.memory_space<vmem>>, vector<1x16xf32>,
        %get3A_498 = vector.shape_cast %get3A_497 : vector<1x16xf32> to vector<16xf32>
        %swap3A_499 = arith.index_cast %add3A_485 : i32 to index
        %swap3A_500 = arith.constant 16 : index
        %swap3A_501 = tpu.vector_load %arg11[%swap3A_499, %swap3A_500] {strides = array<i32>} : memref<200x128xf32, #tpu.memory_space<vmem>>, vector<1x16xf32>,
        %swap3A_502 = vector.shape_cast %swap3A_501 : vector<1x16xf32> to vector<16xf32>
        %swap3A_503 = vector.shape_cast %get3A_498 : vector<16xf32> to vector<1x16xf32>
        tpu.vector_store %arg11[%swap3A_499, %swap3A_500], %swap3A_503 {add = true, strides = array<i32>} : memref<200x128xf32, #tpu.memory_space<vmem>>, vector<1x16xf32>,
        %get3A_504 = arith.index_cast %add3A_485 : i32 to index
        %get3A_505 = arith.constant 32 : index
        %get3A_506 = tpu.vector_load %arg6[%get3A_504, %get3A_505] {strides = array<i32>} : memref<200x128xf32, #tpu.memory_space<vmem>>, vector<1x16xf32>,
        %get3A_507 = vector.shape_cast %get3A_506 : vector<1x16xf32> to vector<16xf32>
        %swap3A_508 = arith.index_cast %add3A_485 : i32 to index
        %swap3A_509 = arith.constant 32 : index
        %swap3A_510 = tpu.vector_load %arg11[%swap3A_508, %swap3A_509] {strides = array<i32>} : memref<200x128xf32, #tpu.memory_space<vmem>>, vector<1x16xf32>,
        %swap3A_511 = vector.shape_cast %swap3A_510 : vector<1x16xf32> to vector<16xf32>
        %swap3A_512 = vector.shape_cast %get3A_507 : vector<16xf32> to vector<1x16xf32>
        tpu.vector_store %arg11[%swap3A_508, %swap3A_509], %swap3A_512 {add = true, strides = array<i32>} : memref<200x128xf32, #tpu.memory_space<vmem>>, vector<1x16xf32>,
        %get3A_513 = arith.index_cast %add3A_485 : i32 to index
        %get3A_514 = arith.constant 48 : index
        %get3A_515 = tpu.vector_load %arg6[%get3A_513, %get3A_514] {strides = array<i32>} : memref<200x128xf32, #tpu.memory_space<vmem>>, vector<1x16xf32>,
        %get3A_516 = vector.shape_cast %get3A_515 : vector<1x16xf32> to vector<16xf32>
        %swap3A_517 = arith.index_cast %add3A_485 : i32 to index
        %swap3A_518 = arith.constant 48 : index
        %swap3A_519 = tpu.vector_load %arg11[%swap3A_517, %swap3A_518] {strides = array<i32>} : memref<200x128xf32, #tpu.memory_space<vmem>>, vector<1x16xf32>,
        %swap3A_520 = vector.shape_cast %swap3A_519 : vector<1x16xf32> to vector<16xf32>
        %swap3A_521 = vector.shape_cast %get3A_516 : vector<16xf32> to vector<1x16xf32>
        tpu.vector_store %arg11[%swap3A_517, %swap3A_518], %swap3A_521 {add = true, strides = array<i32>} : memref<200x128xf32, #tpu.memory_space<vmem>>, vector<1x16xf32>,
        %mul3A_522 = arith.constant 8 : i32
        %mul3A_523 = arith.muli %scan3A_441, %mul3A_522 : i32
        %add3A_524 = arith.constant 2 : i32
        %add3A_525 = arith.addi %mul3A_523, %add3A_524 : i32
        %get3A_526 = arith.index_cast %add3A_525 : i32 to index
        %get3A_527 = arith.constant 0 : index
        %get3A_528 = tpu.vector_load %arg6[%get3A_526, %get3A_527] {strides = array<i32>} : memref<200x128xf32, #tpu.memory_space<vmem>>, vector<1x16xf32>,
        %get3A_529 = vector.shape_cast %get3A_528 : vector<1x16xf32> to vector<16xf32>
        %swap3A_530 = arith.index_cast %add3A_525 : i32 to index
        %swap3A_531 = arith.constant 0 : index
        %swap3A_532 = tpu.vector_load %arg11[%swap3A_530, %swap3A_531] {strides = array<i32>} : memref<200x128xf32, #tpu.memory_space<vmem>>, vector<1x16xf32>,
        %swap3A_533 = vector.shape_cast %swap3A_532 : vector<1x16xf32> to vector<16xf32>
        %swap3A_534 = vector.shape_cast %get3A_529 : vector<16xf32> to vector<1x16xf32>
        tpu.vector_store %arg11[%swap3A_530, %swap3A_531], %swap3A_534 {add = true, strides = array<i32>} : memref<200x128xf32, #tpu.memory_space<vmem>>, vector<1x16xf32>,
        %get3A_535 = arith.index_cast %add3A_525 : i32 to index
        %get3A_536 = arith.constant 16 : index
        %get3A_537 = tpu.vector_load %arg6[%get3A_535, %get3A_536] {strides = array<i32>} : memref<200x128xf32, #tpu.memory_space<vmem>>, vector<1x16xf32>,
        %get3A_538 = vector.shape_cast %get3A_537 : vector<1x16xf32> to vector<16xf32>
        %swap3A_539 = arith.index_cast %add3A_525 : i32 to index
        %swap3A_540 = arith.constant 16 : index
        %swap3A_541 = tpu.vector_load %arg11[%swap3A_539, %swap3A_540] {strides = array<i32>} : memref<200x128xf32, #tpu.memory_space<vmem>>, vector<1x16xf32>,
        %swap3A_542 = vector.shape_cast %swap3A_541 : vector<1x16xf32> to vector<16xf32>
        %swap3A_543 = vector.shape_cast %get3A_538 : vector<16xf32> to vector<1x16xf32>
        tpu.vector_store %arg11[%swap3A_539, %swap3A_540], %swap3A_543 {add = true, strides = array<i32>} : memref<200x128xf32, #tpu.memory_space<vmem>>, vector<1x16xf32>,
        %get3A_544 = arith.index_cast %add3A_525 : i32 to index
        %get3A_545 = arith.constant 32 : index
        %get3A_546 = tpu.vector_load %arg6[%get3A_544, %get3A_545] {strides = array<i32>} : memref<200x128xf32, #tpu.memory_space<vmem>>, vector<1x16xf32>,
        %get3A_547 = vector.shape_cast %get3A_546 : vector<1x16xf32> to vector<16xf32>
        %swap3A_548 = arith.index_cast %add3A_525 : i32 to index
        %swap3A_549 = arith.constant 32 : index
        %swap3A_550 = tpu.vector_load %arg11[%swap3A_548, %swap3A_549] {strides = array<i32>} : memref<200x128xf32, #tpu.memory_space<vmem>>, vector<1x16xf32>,
        %swap3A_551 = vector.shape_cast %swap3A_550 : vector<1x16xf32> to vector<16xf32>
        %swap3A_552 = vector.shape_cast %get3A_547 : vector<16xf32> to vector<1x16xf32>
        tpu.vector_store %arg11[%swap3A_548, %swap3A_549], %swap3A_552 {add = true, strides = array<i32>} : memref<200x128xf32, #tpu.memory_space<vmem>>, vector<1x16xf32>,
        %get3A_553 = arith.index_cast %add3A_525 : i32 to index
        %get3A_554 = arith.constant 48 : index
        %get3A_555 = tpu.vector_load %arg6[%get3A_553, %get3A_554] {strides = array<i32>} : memref<200x128xf32, #tpu.memory_space<vmem>>, vector<1x16xf32>,
        %get3A_556 = vector.shape_cast %get3A_555 : vector<1x16xf32> to vector<16xf32>
        %swap3A_557 = arith.index_cast %add3A_525 : i32 to index
        %swap3A_558 = arith.constant 48 : index
        %swap3A_559 = tpu.vector_load %arg11[%swap3A_557, %swap3A_558] {strides = array<i32>} : memref<200x128xf32, #tpu.memory_space<vmem>>, vector<1x16xf32>,
        %swap3A_560 = vector.shape_cast %swap3A_559 : vector<1x16xf32> to vector<16xf32>
        %swap3A_561 = vector.shape_cast %get3A_556 : vector<16xf32> to vector<1x16xf32>
        tpu.vector_store %arg11[%swap3A_557, %swap3A_558], %swap3A_561 {add = true, strides = array<i32>} : memref<200x128xf32, #tpu.memory_space<vmem>>, vector<1x16xf32>,
        %mul3A_562 = arith.constant 8 : i32
        %mul3A_563 = arith.muli %scan3A_441, %mul3A_562 : i32
        %add3A_564 = arith.constant 3 : i32
        %add3A_565 = arith.addi %mul3A_563, %add3A_564 : i32
        %get3A_566 = arith.index_cast %add3A_565 : i32 to index
        %get3A_567 = arith.constant 0 : index
        %get3A_568 = tpu.vector_load %arg6[%get3A_566, %get3A_567] {strides = array<i32>} : memref<200x128xf32, #tpu.memory_space<vmem>>, vector<1x16xf32>,
        %get3A_569 = vector.shape_cast %get3A_568 : vector<1x16xf32> to vector<16xf32>
        %swap3A_570 = arith.index_cast %add3A_565 : i32 to index
        %swap3A_571 = arith.constant 0 : index
        %swap3A_572 = tpu.vector_load %arg11[%swap3A_570, %swap3A_571] {strides = array<i32>} : memref<200x128xf32, #tpu.memory_space<vmem>>, vector<1x16xf32>,
        %swap3A_573 = vector.shape_cast %swap3A_572 : vector<1x16xf32> to vector<16xf32>
        %swap3A_574 = vector.shape_cast %get3A_569 : vector<16xf32> to vector<1x16xf32>
        tpu.vector_store %arg11[%swap3A_570, %swap3A_571], %swap3A_574 {add = true, strides = array<i32>} : memref<200x128xf32, #tpu.memory_space<vmem>>, vector<1x16xf32>,
        %get3A_575 = arith.index_cast %add3A_565 : i32 to index
        %get3A_576 = arith.constant 16 : index
        %get3A_577 = tpu.vector_load %arg6[%get3A_575, %get3A_576] {strides = array<i32>} : memref<200x128xf32, #tpu.memory_space<vmem>>, vector<1x16xf32>,
        %get3A_578 = vector.shape_cast %get3A_577 : vector<1x16xf32> to vector<16xf32>
        %swap3A_579 = arith.index_cast %add3A_565 : i32 to index
        %swap3A_580 = arith.constant 16 : index
        %swap3A_581 = tpu.vector_load %arg11[%swap3A_579, %swap3A_580] {strides = array<i32>} : memref<200x128xf32, #tpu.memory_space<vmem>>, vector<1x16xf32>,
        %swap3A_582 = vector.shape_cast %swap3A_581 : vector<1x16xf32> to vector<16xf32>
        %swap3A_583 = vector.shape_cast %get3A_578 : vector<16xf32> to vector<1x16xf32>
        tpu.vector_store %arg11[%swap3A_579, %swap3A_580], %swap3A_583 {add = true, strides = array<i32>} : memref<200x128xf32, #tpu.memory_space<vmem>>, vector<1x16xf32>,
        %get3A_584 = arith.index_cast %add3A_565 : i32 to index
        %get3A_585 = arith.constant 32 : index
        %get3A_586 = tpu.vector_load %arg6[%get3A_584, %get3A_585] {strides = array<i32>} : memref<200x128xf32, #tpu.memory_space<vmem>>, vector<1x16xf32>,
        %get3A_587 = vector.shape_cast %get3A_586 : vector<1x16xf32> to vector<16xf32>
        %swap3A_588 = arith.index_cast %add3A_565 : i32 to index
        %swap3A_589 = arith.constant 32 : index
        %swap3A_590 = tpu.vector_load %arg11[%swap3A_588, %swap3A_589] {strides = array<i32>} : memref<200x128xf32, #tpu.memory_space<vmem>>, vector<1x16xf32>,
        %swap3A_591 = vector.shape_cast %swap3A_590 : vector<1x16xf32> to vector<16xf32>
        %swap3A_592 = vector.shape_cast %get3A_587 : vector<16xf32> to vector<1x16xf32>
        tpu.vector_store %arg11[%swap3A_588, %swap3A_589], %swap3A_592 {add = true, strides = array<i32>} : memref<200x128xf32, #tpu.memory_space<vmem>>, vector<1x16xf32>,
        %get3A_593 = arith.index_cast %add3A_565 : i32 to index
        %get3A_594 = arith.constant 48 : index
        %get3A_595 = tpu.vector_load %arg6[%get3A_593, %get3A_594] {strides = array<i32>} : memref<200x128xf32, #tpu.memory_space<vmem>>, vector<1x16xf32>,
        %get3A_596 = vector.shape_cast %get3A_595 : vector<1x16xf32> to vector<16xf32>
        %swap3A_597 = arith.index_cast %add3A_565 : i32 to index
        %swap3A_598 = arith.constant 48 : index
        %swap3A_599 = tpu.vector_load %arg11[%swap3A_597, %swap3A_598] {strides = array<i32>} : memref<200x128xf32, #tpu.memory_space<vmem>>, vector<1x16xf32>,
        %swap3A_600 = vector.shape_cast %swap3A_599 : vector<1x16xf32> to vector<16xf32>
        %swap3A_601 = vector.shape_cast %get3A_596 : vector<16xf32> to vector<1x16xf32>
        tpu.vector_store %arg11[%swap3A_597, %swap3A_598], %swap3A_601 {add = true, strides = array<i32>} : memref<200x128xf32, #tpu.memory_space<vmem>>, vector<1x16xf32>,
        %mul3A_602 = arith.constant 8 : i32
        %mul3A_603 = arith.muli %scan3A_441, %mul3A_602 : i32
        %add3A_604 = arith.constant 4 : i32
        %add3A_605 = arith.addi %mul3A_603, %add3A_604 : i32
        %get3A_606 = arith.index_cast %add3A_605 : i32 to index
        %get3A_607 = arith.constant 0 : index
        %get3A_608 = tpu.vector_load %arg6[%get3A_606, %get3A_607] {strides = array<i32>} : memref<200x128xf32, #tpu.memory_space<vmem>>, vector<1x16xf32>,
        %get3A_609 = vector.shape_cast %get3A_608 : vector<1x16xf32> to vector<16xf32>
        %swap3A_610 = arith.index_cast %add3A_605 : i32 to index
        %swap3A_611 = arith.constant 0 : index
        %swap3A_612 = tpu.vector_load %arg11[%swap3A_610, %swap3A_611] {strides = array<i32>} : memref<200x128xf32, #tpu.memory_space<vmem>>, vector<1x16xf32>,
        %swap3A_613 = vector.shape_cast %swap3A_612 : vector<1x16xf32> to vector<16xf32>
        %swap3A_614 = vector.shape_cast %get3A_609 : vector<16xf32> to vector<1x16xf32>
        tpu.vector_store %arg11[%swap3A_610, %swap3A_611], %swap3A_614 {add = true, strides = array<i32>} : memref<200x128xf32, #tpu.memory_space<vmem>>, vector<1x16xf32>,
        %get3A_615 = arith.index_cast %add3A_605 : i32 to index
        %get3A_616 = arith.constant 16 : index
        %get3A_617 = tpu.vector_load %arg6[%get3A_615, %get3A_616] {strides = array<i32>} : memref<200x128xf32, #tpu.memory_space<vmem>>, vector<1x16xf32>,
        %get3A_618 = vector.shape_cast %get3A_617 : vector<1x16xf32> to vector<16xf32>
        %swap3A_619 = arith.index_cast %add3A_605 : i32 to index
        %swap3A_620 = arith.constant 16 : index
        %swap3A_621 = tpu.vector_load %arg11[%swap3A_619, %swap3A_620] {strides = array<i32>} : memref<200x128xf32, #tpu.memory_space<vmem>>, vector<1x16xf32>,
        %swap3A_622 = vector.shape_cast %swap3A_621 : vector<1x16xf32> to vector<16xf32>
        %swap3A_623 = vector.shape_cast %get3A_618 : vector<16xf32> to vector<1x16xf32>
        tpu.vector_store %arg11[%swap3A_619, %swap3A_620], %swap3A_623 {add = true, strides = array<i32>} : memref<200x128xf32, #tpu.memory_space<vmem>>, vector<1x16xf32>,
        %get3A_624 = arith.index_cast %add3A_605 : i32 to index
        %get3A_625 = arith.constant 32 : index
        %get3A_626 = tpu.vector_load %arg6[%get3A_624, %get3A_625] {strides = array<i32>} : memref<200x128xf32, #tpu.memory_space<vmem>>, vector<1x16xf32>,
        %get3A_627 = vector.shape_cast %get3A_626 : vector<1x16xf32> to vector<16xf32>
        %swap3A_628 = arith.index_cast %add3A_605 : i32 to index
        %swap3A_629 = arith.constant 32 : index
        %swap3A_630 = tpu.vector_load %arg11[%swap3A_628, %swap3A_629] {strides = array<i32>} : memref<200x128xf32, #tpu.memory_space<vmem>>, vector<1x16xf32>,
        %swap3A_631 = vector.shape_cast %swap3A_630 : vector<1x16xf32> to vector<16xf32>
        %swap3A_632 = vector.shape_cast %get3A_627 : vector<16xf32> to vector<1x16xf32>
        tpu.vector_store %arg11[%swap3A_628, %swap3A_629], %swap3A_632 {add = true, strides = array<i32>} : memref<200x128xf32, #tpu.memory_space<vmem>>, vector<1x16xf32>,
        %get3A_633 = arith.index_cast %add3A_605 : i32 to index
        %get3A_634 = arith.constant 48 : index
        %get3A_635 = tpu.vector_load %arg6[%get3A_633, %get3A_634] {strides = array<i32>} : memref<200x128xf32, #tpu.memory_space<vmem>>, vector<1x16xf32>,
        %get3A_636 = vector.shape_cast %get3A_635 : vector<1x16xf32> to vector<16xf32>
        %swap3A_637 = arith.index_cast %add3A_605 : i32 to index
        %swap3A_638 = arith.constant 48 : index
        %swap3A_639 = tpu.vector_load %arg11[%swap3A_637, %swap3A_638] {strides = array<i32>} : memref<200x128xf32, #tpu.memory_space<vmem>>, vector<1x16xf32>,
        %swap3A_640 = vector.shape_cast %swap3A_639 : vector<1x16xf32> to vector<16xf32>
        %swap3A_641 = vector.shape_cast %get3A_636 : vector<16xf32> to vector<1x16xf32>
        tpu.vector_store %arg11[%swap3A_637, %swap3A_638], %swap3A_641 {add = true, strides = array<i32>} : memref<200x128xf32, #tpu.memory_space<vmem>>, vector<1x16xf32>,
        %mul3A_642 = arith.constant 8 : i32
        %mul3A_643 = arith.muli %scan3A_441, %mul3A_642 : i32
        %add3A_644 = arith.constant 5 : i32
        %add3A_645 = arith.addi %mul3A_643, %add3A_644 : i32
        %get3A_646 = arith.index_cast %add3A_645 : i32 to index
        %get3A_647 = arith.constant 0 : index
        %get3A_648 = tpu.vector_load %arg6[%get3A_646, %get3A_647] {strides = array<i32>} : memref<200x128xf32, #tpu.memory_space<vmem>>, vector<1x16xf32>,
        %get3A_649 = vector.shape_cast %get3A_648 : vector<1x16xf32> to vector<16xf32>
        %swap3A_650 = arith.index_cast %add3A_645 : i32 to index
        %swap3A_651 = arith.constant 0 : index
        %swap3A_652 = tpu.vector_load %arg11[%swap3A_650, %swap3A_651] {strides = array<i32>} : memref<200x128xf32, #tpu.memory_space<vmem>>, vector<1x16xf32>,
        %swap3A_653 = vector.shape_cast %swap3A_652 : vector<1x16xf32> to vector<16xf32>
        %swap3A_654 = vector.shape_cast %get3A_649 : vector<16xf32> to vector<1x16xf32>
        tpu.vector_store %arg11[%swap3A_650, %swap3A_651], %swap3A_654 {add = true, strides = array<i32>} : memref<200x128xf32, #tpu.memory_space<vmem>>, vector<1x16xf32>,
        %get3A_655 = arith.index_cast %add3A_645 : i32 to index
        %get3A_656 = arith.constant 16 : index
        %get3A_657 = tpu.vector_load %arg6[%get3A_655, %get3A_656] {strides = array<i32>} : memref<200x128xf32, #tpu.memory_space<vmem>>, vector<1x16xf32>,
        %get3A_658 = vector.shape_cast %get3A_657 : vector<1x16xf32> to vector<16xf32>
        %swap3A_659 = arith.index_cast %add3A_645 : i32 to index
        %swap3A_660 = arith.constant 16 : index
        %swap3A_661 = tpu.vector_load %arg11[%swap3A_659, %swap3A_660] {strides = array<i32>} : memref<200x128xf32, #tpu.memory_space<vmem>>, vector<1x16xf32>,
        %swap3A_662 = vector.shape_cast %swap3A_661 : vector<1x16xf32> to vector<16xf32>
        %swap3A_663 = vector.shape_cast %get3A_658 : vector<16xf32> to vector<1x16xf32>
        tpu.vector_store %arg11[%swap3A_659, %swap3A_660], %swap3A_663 {add = true, strides = array<i32>} : memref<200x128xf32, #tpu.memory_space<vmem>>, vector<1x16xf32>,
        %get3A_664 = arith.index_cast %add3A_645 : i32 to index
        %get3A_665 = arith.constant 32 : index
        %get3A_666 = tpu.vector_load %arg6[%get3A_664, %get3A_665] {strides = array<i32>} : memref<200x128xf32, #tpu.memory_space<vmem>>, vector<1x16xf32>,
        %get3A_667 = vector.shape_cast %get3A_666 : vector<1x16xf32> to vector<16xf32>
        %swap3A_668 = arith.index_cast %add3A_645 : i32 to index
        %swap3A_669 = arith.constant 32 : index
        %swap3A_670 = tpu.vector_load %arg11[%swap3A_668, %swap3A_669] {strides = array<i32>} : memref<200x128xf32, #tpu.memory_space<vmem>>, vector<1x16xf32>,
        %swap3A_671 = vector.shape_cast %swap3A_670 : vector<1x16xf32> to vector<16xf32>
        %swap3A_672 = vector.shape_cast %get3A_667 : vector<16xf32> to vector<1x16xf32>
        tpu.vector_store %arg11[%swap3A_668, %swap3A_669], %swap3A_672 {add = true, strides = array<i32>} : memref<200x128xf32, #tpu.memory_space<vmem>>, vector<1x16xf32>,
        %get3A_673 = arith.index_cast %add3A_645 : i32 to index
        %get3A_674 = arith.constant 48 : index
        %get3A_675 = tpu.vector_load %arg6[%get3A_673, %get3A_674] {strides = array<i32>} : memref<200x128xf32, #tpu.memory_space<vmem>>, vector<1x16xf32>,
        %get3A_676 = vector.shape_cast %get3A_675 : vector<1x16xf32> to vector<16xf32>
        %swap3A_677 = arith.index_cast %add3A_645 : i32 to index
        %swap3A_678 = arith.constant 48 : index
        %swap3A_679 = tpu.vector_load %arg11[%swap3A_677, %swap3A_678] {strides = array<i32>} : memref<200x128xf32, #tpu.memory_space<vmem>>, vector<1x16xf32>,
        %swap3A_680 = vector.shape_cast %swap3A_679 : vector<1x16xf32> to vector<16xf32>
        %swap3A_681 = vector.shape_cast %get3A_676 : vector<16xf32> to vector<1x16xf32>
        tpu.vector_store %arg11[%swap3A_677, %swap3A_678], %swap3A_681 {add = true, strides = array<i32>} : memref<200x128xf32, #tpu.memory_space<vmem>>, vector<1x16xf32>,
        %mul3A_682 = arith.constant 8 : i32
        %mul3A_683 = arith.muli %scan3A_441, %mul3A_682 : i32
        %add3A_684 = arith.constant 6 : i32
        %add3A_685 = arith.addi %mul3A_683, %add3A_684 : i32
        %get3A_686 = arith.index_cast %add3A_685 : i32 to index
        %get3A_687 = arith.constant 0 : index
        %get3A_688 = tpu.vector_load %arg6[%get3A_686, %get3A_687] {strides = array<i32>} : memref<200x128xf32, #tpu.memory_space<vmem>>, vector<1x16xf32>,
        %get3A_689 = vector.shape_cast %get3A_688 : vector<1x16xf32> to vector<16xf32>
        %swap3A_690 = arith.index_cast %add3A_685 : i32 to index
        %swap3A_691 = arith.constant 0 : index
        %swap3A_692 = tpu.vector_load %arg11[%swap3A_690, %swap3A_691] {strides = array<i32>} : memref<200x128xf32, #tpu.memory_space<vmem>>, vector<1x16xf32>,
        %swap3A_693 = vector.shape_cast %swap3A_692 : vector<1x16xf32> to vector<16xf32>
        %swap3A_694 = vector.shape_cast %get3A_689 : vector<16xf32> to vector<1x16xf32>
        tpu.vector_store %arg11[%swap3A_690, %swap3A_691], %swap3A_694 {add = true, strides = array<i32>} : memref<200x128xf32, #tpu.memory_space<vmem>>, vector<1x16xf32>,
        %get3A_695 = arith.index_cast %add3A_685 : i32 to index
        %get3A_696 = arith.constant 16 : index
        %get3A_697 = tpu.vector_load %arg6[%get3A_695, %get3A_696] {strides = array<i32>} : memref<200x128xf32, #tpu.memory_space<vmem>>, vector<1x16xf32>,
        %get3A_698 = vector.shape_cast %get3A_697 : vector<1x16xf32> to vector<16xf32>
        %swap3A_699 = arith.index_cast %add3A_685 : i32 to index
        %swap3A_700 = arith.constant 16 : index
        %swap3A_701 = tpu.vector_load %arg11[%swap3A_699, %swap3A_700] {strides = array<i32>} : memref<200x128xf32, #tpu.memory_space<vmem>>, vector<1x16xf32>,
        %swap3A_702 = vector.shape_cast %swap3A_701 : vector<1x16xf32> to vector<16xf32>
        %swap3A_703 = vector.shape_cast %get3A_698 : vector<16xf32> to vector<1x16xf32>
        tpu.vector_store %arg11[%swap3A_699, %swap3A_700], %swap3A_703 {add = true, strides = array<i32>} : memref<200x128xf32, #tpu.memory_space<vmem>>, vector<1x16xf32>,
        %get3A_704 = arith.index_cast %add3A_685 : i32 to index
        %get3A_705 = arith.constant 32 : index
        %get3A_706 = tpu.vector_load %arg6[%get3A_704, %get3A_705] {strides = array<i32>} : memref<200x128xf32, #tpu.memory_space<vmem>>, vector<1x16xf32>,
        %get3A_707 = vector.shape_cast %get3A_706 : vector<1x16xf32> to vector<16xf32>
        %swap3A_708 = arith.index_cast %add3A_685 : i32 to index
        %swap3A_709 = arith.constant 32 : index
        %swap3A_710 = tpu.vector_load %arg11[%swap3A_708, %swap3A_709] {strides = array<i32>} : memref<200x128xf32, #tpu.memory_space<vmem>>, vector<1x16xf32>,
        %swap3A_711 = vector.shape_cast %swap3A_710 : vector<1x16xf32> to vector<16xf32>
        %swap3A_712 = vector.shape_cast %get3A_707 : vector<16xf32> to vector<1x16xf32>
        tpu.vector_store %arg11[%swap3A_708, %swap3A_709], %swap3A_712 {add = true, strides = array<i32>} : memref<200x128xf32, #tpu.memory_space<vmem>>, vector<1x16xf32>,
        %get3A_713 = arith.index_cast %add3A_685 : i32 to index
        %get3A_714 = arith.constant 48 : index
        %get3A_715 = tpu.vector_load %arg6[%get3A_713, %get3A_714] {strides = array<i32>} : memref<200x128xf32, #tpu.memory_space<vmem>>, vector<1x16xf32>,
        %get3A_716 = vector.shape_cast %get3A_715 : vector<1x16xf32> to vector<16xf32>
        %swap3A_717 = arith.index_cast %add3A_685 : i32 to index
        %swap3A_718 = arith.constant 48 : index
        %swap3A_719 = tpu.vector_load %arg11[%swap3A_717, %swap3A_718] {strides = array<i32>} : memref<200x128xf32, #tpu.memory_space<vmem>>, vector<1x16xf32>,
        %swap3A_720 = vector.shape_cast %swap3A_719 : vector<1x16xf32> to vector<16xf32>
        %swap3A_721 = vector.shape_cast %get3A_716 : vector<16xf32> to vector<1x16xf32>
        tpu.vector_store %arg11[%swap3A_717, %swap3A_718], %swap3A_721 {add = true, strides = array<i32>} : memref<200x128xf32, #tpu.memory_space<vmem>>, vector<1x16xf32>,
        %mul3A_722 = arith.constant 8 : i32
        %mul3A_723 = arith.muli %scan3A_441, %mul3A_722 : i32
        %add3A_724 = arith.constant 7 : i32
        %add3A_725 = arith.addi %mul3A_723, %add3A_724 : i32
        %get3A_726 = arith.index_cast %add3A_725 : i32 to index
        %get3A_727 = arith.constant 0 : index
        %get3A_728 = tpu.vector_load %arg6[%get3A_726, %get3A_727] {strides = array<i32>} : memref<200x128xf32, #tpu.memory_space<vmem>>, vector<1x16xf32>,
        %get3A_729 = vector.shape_cast %get3A_728 : vector<1x16xf32> to vector<16xf32>
        %swap3A_730 = arith.index_cast %add3A_725 : i32 to index
        %swap3A_731 = arith.constant 0 : index
        %swap3A_732 = tpu.vector_load %arg11[%swap3A_730, %swap3A_731] {strides = array<i32>} : memref<200x128xf32, #tpu.memory_space<vmem>>, vector<1x16xf32>,
        %swap3A_733 = vector.shape_cast %swap3A_732 : vector<1x16xf32> to vector<16xf32>
        %swap3A_734 = vector.shape_cast %get3A_729 : vector<16xf32> to vector<1x16xf32>
        tpu.vector_store %arg11[%swap3A_730, %swap3A_731], %swap3A_734 {add = true, strides = array<i32>} : memref<200x128xf32, #tpu.memory_space<vmem>>, vector<1x16xf32>,
        %get3A_735 = arith.index_cast %add3A_725 : i32 to index
        %get3A_736 = arith.constant 16 : index
        %get3A_737 = tpu.vector_load %arg6[%get3A_735, %get3A_736] {strides = array<i32>} : memref<200x128xf32, #tpu.memory_space<vmem>>, vector<1x16xf32>,
        %get3A_738 = vector.shape_cast %get3A_737 : vector<1x16xf32> to vector<16xf32>
        %swap3A_739 = arith.index_cast %add3A_725 : i32 to index
        %swap3A_740 = arith.constant 16 : index
        %swap3A_741 = tpu.vector_load %arg11[%swap3A_739, %swap3A_740] {strides = array<i32>} : memref<200x128xf32, #tpu.memory_space<vmem>>, vector<1x16xf32>,
        %swap3A_742 = vector.shape_cast %swap3A_741 : vector<1x16xf32> to vector<16xf32>
        %swap3A_743 = vector.shape_cast %get3A_738 : vector<16xf32> to vector<1x16xf32>
        tpu.vector_store %arg11[%swap3A_739, %swap3A_740], %swap3A_743 {add = true, strides = array<i32>} : memref<200x128xf32, #tpu.memory_space<vmem>>, vector<1x16xf32>,
        %get3A_744 = arith.index_cast %add3A_725 : i32 to index
        %get3A_745 = arith.constant 32 : index
        %get3A_746 = tpu.vector_load %arg6[%get3A_744, %get3A_745] {strides = array<i32>} : memref<200x128xf32, #tpu.memory_space<vmem>>, vector<1x16xf32>,
        %get3A_747 = vector.shape_cast %get3A_746 : vector<1x16xf32> to vector<16xf32>
        %swap3A_748 = arith.index_cast %add3A_725 : i32 to index
        %swap3A_749 = arith.constant 32 : index
        %swap3A_750 = tpu.vector_load %arg11[%swap3A_748, %swap3A_749] {strides = array<i32>} : memref<200x128xf32, #tpu.memory_space<vmem>>, vector<1x16xf32>,
        %swap3A_751 = vector.shape_cast %swap3A_750 : vector<1x16xf32> to vector<16xf32>
        %swap3A_752 = vector.shape_cast %get3A_747 : vector<16xf32> to vector<1x16xf32>
        tpu.vector_store %arg11[%swap3A_748, %swap3A_749], %swap3A_752 {add = true, strides = array<i32>} : memref<200x128xf32, #tpu.memory_space<vmem>>, vector<1x16xf32>,
        %get3A_753 = arith.index_cast %add3A_725 : i32 to index
        %get3A_754 = arith.constant 48 : index
        %get3A_755 = tpu.vector_load %arg6[%get3A_753, %get3A_754] {strides = array<i32>} : memref<200x128xf32, #tpu.memory_space<vmem>>, vector<1x16xf32>,
        %get3A_756 = vector.shape_cast %get3A_755 : vector<1x16xf32> to vector<16xf32>
        %swap3A_757 = arith.index_cast %add3A_725 : i32 to index
        %swap3A_758 = arith.constant 48 : index
        %swap3A_759 = tpu.vector_load %arg11[%swap3A_757, %swap3A_758] {strides = array<i32>} : memref<200x128xf32, #tpu.memory_space<vmem>>, vector<1x16xf32>,
        %swap3A_760 = vector.shape_cast %swap3A_759 : vector<1x16xf32> to vector<16xf32>
        %swap3A_761 = vector.shape_cast %get3A_756 : vector<16xf32> to vector<1x16xf32>
        tpu.vector_store %arg11[%swap3A_757, %swap3A_758], %swap3A_761 {add = true, strides = array<i32>} : memref<200x128xf32, #tpu.memory_space<vmem>>, vector<1x16xf32>,
        %scan3A_762 = arith.constant 0 : i32
        scf.yield %scan3A_762 : i32
      }
      %scan3A_233 = arith.constant 25 : i32
      %add3A_234 = arith.addi %mul3A_2, %add3A_185 : i32
      %dma_start3A_235 = arith.constant 0 : i32
      %dma_start3A_236 = arith.constant 0 : i32
      %dma_start3A_237 = tpu.memref_slice %arg5[%add3A_234, %dma_start3A_235, %dma_start3A_236] : memref<4096x200x128xf32, #tpu.memory_space<hbm>> -> memref<1x200x128xf32, #tpu.memory_space<hbm>>
      %dma_start3A_238 = tpu.memref_squeeze %dma_start3A_237 : memref<1x200x128xf32, #tpu.memory_space<hbm>> -> memref<200x128xf32, #tpu.memory_space<hbm>>
      %dma_start3A_239 = arith.constant 0 : i32
      %dma_start3A_240 = arith.constant 0 : i32
      %dma_start3A_241 = tpu.memref_slice %arg5[%add3A_234, %dma_start3A_239, %dma_start3A_240] : memref<4096x200x128xf32, #tpu.memory_space<hbm>> -> memref<1x200x128xf32, #tpu.memory_space<hbm>>
      %dma_start3A_242 = tpu.memref_squeeze %dma_start3A_241 : memref<1x200x128xf32, #tpu.memory_space<hbm>> -> memref<200x128xf32, #tpu.memory_space<hbm>>
      tpu.enqueue_dma source(%arg11 : memref<200x128xf32, #tpu.memory_space<vmem>>) target(%dma_start3A_242 : memref<200x128xf32, #tpu.memory_space<hbm>>) target_semaphore(%arg23 : memref<!tpu.dma_semaphore, #tpu.memory_space<semaphore_mem>>)
      %mul3A_243 = arith.constant 4 : i32
      %mul3A_244 = arith.muli %scan3A_181, %mul3A_243 : i32
      %add3A_245 = arith.constant 1 : i32
      %add3A_246 = arith.addi %mul3A_244, %add3A_245 : i32
      %dma_wait3A_247 = arith.constant 0 : i32
      %dma_wait3A_248 = arith.constant 0 : i32
      %dma_wait3A_249 = tpu.memref_slice %arg12[%dma_wait3A_247, %dma_wait3A_248] : memref<200x128xf32, #tpu.memory_space<vmem>> -> memref<192x128xf32, #tpu.memory_space<vmem>>
      %dma_wait3A_250 = arith.constant 0 : i32
      %dma_wait3A_251 = arith.constant 0 : i32
      %dma_wait3A_252 = tpu.memref_slice %arg2[%dma_wait3A_250, %dma_wait3A_251] : memref<1000000x128xf32, #tpu.memory_space<hbm>> -> memref<192x128xf32, #tpu.memory_space<hbm>>
      %dma_wait3A_253 = arith.constant 0 : i32
      %dma_wait3A_254 = arith.constant 0 : i32
      %dma_wait3A_255 = tpu.memref_slice %arg12[%dma_wait3A_253, %dma_wait3A_254] : memref<200x128xf32, #tpu.memory_space<vmem>> -> memref<192x128xf32, #tpu.memory_space<vmem>>
      %dma_wait3A_256 = arith.constant 0 : i32
      %dma_wait3A_257 = arith.constant 0 : i32
      %dma_wait3A_258 = tpu.memref_slice %arg2[%dma_wait3A_256, %dma_wait3A_257] : memref<1000000x128xf32, #tpu.memory_space<hbm>> -> memref<192x128xf32, #tpu.memory_space<hbm>>
      tpu.wait_dma2 semaphore(%arg20 : memref<!tpu.dma_semaphore, #tpu.memory_space<semaphore_mem>>) src(%dma_wait3A_258 : memref<192x128xf32, #tpu.memory_space<hbm>>) dst(%dma_wait3A_255 : memref<192x128xf32, #tpu.memory_space<vmem>>)
      %dma_wait3A_259 = arith.constant 0 : i32
      %dma_wait3A_260 = arith.constant 0 : i32
      %dma_wait3A_261 = tpu.memref_slice %arg12[%dma_wait3A_259, %dma_wait3A_260] : memref<200x128xf32, #tpu.memory_space<vmem>> -> memref<16x128xf32, #tpu.memory_space<vmem>>
      %dma_wait3A_262 = arith.constant 0 : i32
      %dma_wait3A_263 = arith.constant 0 : i32
      %dma_wait3A_264 = tpu.memref_slice %arg2[%dma_wait3A_262, %dma_wait3A_263] : memref<1000000x128xf32, #tpu.memory_space<hbm>> -> memref<16x128xf32, #tpu.memory_space<hbm>>
      %dma_wait3A_265 = arith.constant 0 : i32
      %dma_wait3A_266 = arith.constant 0 : i32
      %dma_wait3A_267 = tpu.memref_slice %arg12[%dma_wait3A_265, %dma_wait3A_266] : memref<200x128xf32, #tpu.memory_space<vmem>> -> memref<16x128xf32, #tpu.memory_space<vmem>>
      %dma_wait3A_268 = arith.constant 0 : i32
      %dma_wait3A_269 = arith.constant 0 : i32
      %dma_wait3A_270 = tpu.memref_slice %arg2[%dma_wait3A_268, %dma_wait3A_269] : memref<1000000x128xf32, #tpu.memory_space<hbm>> -> memref<16x128xf32, #tpu.memory_space<hbm>>
      tpu.wait_dma2 semaphore(%arg20 : memref<!tpu.dma_semaphore, #tpu.memory_space<semaphore_mem>>) src(%dma_wait3A_270 : memref<16x128xf32, #tpu.memory_space<hbm>>) dst(%dma_wait3A_267 : memref<16x128xf32, #tpu.memory_space<vmem>>)
      %add3A_271 = arith.constant 1 : i32
      %add3A_272 = arith.addi %add3A_246, %add3A_271 : i32
      %add3A_273 = arith.constant 4 : i32
      %add3A_274 = arith.addi %add3A_246, %add3A_273 : i32
      %lt3A_275 = arith.constant 128 : i32
      %lt3A_276 = arith.cmpi slt, %add3A_274, %lt3A_275 : i32
      %convert_element_type3A_277 = arith.extui %lt3A_276 : i1 to i32
      %cond3A_278 = arith.constant 0 : i32
      %cond3A_279 = arith.cmpi ne, %convert_element_type3A_277, %cond3A_278 : i32
      scf.if %cond3A_279 {
        %add3A_441 = arith.constant 4 : i32
        %add3A_442 = arith.addi %add3A_246, %add3A_441 : i32
        %dma_start3A_443 = arith.constant 0 : i32
        %dma_start3A_444 = tpu.memref_slice %arg3[%add3A, %add3A_442, %dma_start3A_443] : memref<32x128x200xi32, #tpu.memory_space<hbm>> -> memref<1x1x200xi32, #tpu.memory_space<hbm>>
        %dma_start3A_445 = tpu.memref_squeeze %dma_start3A_444 : memref<1x1x200xi32, #tpu.memory_space<hbm>> -> memref<200xi32, #tpu.memory_space<hbm>>
        %dma_start3A_446 = arith.constant 0 : i32
        %dma_start3A_447 = tpu.memref_slice %arg3[%add3A, %add3A_442, %dma_start3A_446] : memref<32x128x200xi32, #tpu.memory_space<hbm>> -> memref<1x1x200xi32, #tpu.memory_space<hbm>>
        %dma_start3A_448 = tpu.memref_squeeze %dma_start3A_447 : memref<1x1x200xi32, #tpu.memory_space<hbm>> -> memref<200xi32, #tpu.memory_space<hbm>>
        tpu.enqueue_dma source(%dma_start3A_448 : memref<200xi32, #tpu.memory_space<hbm>>) target(%arg8 : memref<200xi32, #tpu.memory_space<vmem>>) target_semaphore(%arg16 : memref<!tpu.dma_semaphore, #tpu.memory_space<semaphore_mem>>)
      } else {
      }
      %ge3A_280 = arith.constant 4 : i32
      %ge3A_281 = arith.cmpi sge, %add3A_272, %ge3A_280 : i32
      %lt3A_282 = arith.constant 128 : i32
      %lt3A_283 = arith.cmpi slt, %add3A_272, %lt3A_282 : i32
      %and3A_284 = arith.andi %ge3A_281, %lt3A_283 : i1
      %convert_element_type3A_285 = arith.extui %and3A_284 : i1 to i32
      %cond3A_286 = arith.constant 0 : i32
      %cond3A_287 = arith.cmpi ne, %convert_element_type3A_285, %cond3A_286 : i32
      scf.if %cond3A_287 {
        %dma_wait3A_441 = arith.constant 0 : i32
        %dma_wait3A_442 = arith.constant 0 : i32
        %dma_wait3A_443 = tpu.memref_slice %arg5[%mul3A_2, %dma_wait3A_441, %dma_wait3A_442] : memref<4096x200x128xf32, #tpu.memory_space<hbm>> -> memref<1x200x128xf32, #tpu.memory_space<hbm>>
        %dma_wait3A_444 = tpu.memref_squeeze %dma_wait3A_443 : memref<1x200x128xf32, #tpu.memory_space<hbm>> -> memref<200x128xf32, #tpu.memory_space<hbm>>
        %dma_wait3A_445 = arith.constant 0 : i32
        %dma_wait3A_446 = arith.constant 0 : i32
        %dma_wait3A_447 = tpu.memref_slice %arg5[%mul3A_2, %dma_wait3A_445, %dma_wait3A_446] : memref<4096x200x128xf32, #tpu.memory_space<hbm>> -> memref<1x200x128xf32, #tpu.memory_space<hbm>>
        %dma_wait3A_448 = tpu.memref_squeeze %dma_wait3A_447 : memref<1x200x128xf32, #tpu.memory_space<hbm>> -> memref<200x128xf32, #tpu.memory_space<hbm>>
        tpu.wait_dma2 semaphore(%arg25 : memref<!tpu.dma_semaphore, #tpu.memory_space<semaphore_mem>>) src(%arg13 : memref<200x128xf32, #tpu.memory_space<vmem>>) dst(%dma_wait3A_448 : memref<200x128xf32, #tpu.memory_space<hbm>>)
      } else {
      }
      %lt3A_288 = arith.constant 128 : i32
      %lt3A_289 = arith.cmpi slt, %add3A_272, %lt3A_288 : i32
      %convert_element_type3A_290 = arith.extui %lt3A_289 : i1 to i32
      %cond3A_291 = arith.constant 0 : i32
      %cond3A_292 = arith.cmpi ne, %convert_element_type3A_290, %cond3A_291 : i32
      scf.if %cond3A_292 {
        %dma_wait3A_441 = arith.constant 0 : i32
        %dma_wait3A_442 = arith.constant 0 : i32
        %dma_wait3A_443 = tpu.memref_slice %arg3[%add3A, %dma_wait3A_441, %dma_wait3A_442] : memref<32x128x200xi32, #tpu.memory_space<hbm>> -> memref<1x1x200xi32, #tpu.memory_space<hbm>>
        %dma_wait3A_444 = tpu.memref_squeeze %dma_wait3A_443 : memref<1x1x200xi32, #tpu.memory_space<hbm>> -> memref<200xi32, #tpu.memory_space<hbm>>
        %dma_wait3A_445 = arith.constant 0 : i32
        %dma_wait3A_446 = tpu.memref_slice %arg3[%add3A, %dma_wait3A_441, %dma_wait3A_445] : memref<32x128x200xi32, #tpu.memory_space<hbm>> -> memref<1x1x200xi32, #tpu.memory_space<hbm>>
        %dma_wait3A_447 = tpu.memref_squeeze %dma_wait3A_446 : memref<1x1x200xi32, #tpu.memory_space<hbm>> -> memref<200xi32, #tpu.memory_space<hbm>>
        tpu.wait_dma2 semaphore(%arg17 : memref<!tpu.dma_semaphore, #tpu.memory_space<semaphore_mem>>) src(%dma_wait3A_447 : memref<200xi32, #tpu.memory_space<hbm>>) dst(%arg9 : memref<200xi32, #tpu.memory_space<vmem>>)
        %get3A_448 = arith.constant 0 : index
        %get3A_449 = tpu.vector_load %arg9[%get3A_448] {strides = array<i32>} : memref<200xi32, #tpu.memory_space<vmem>>, vector<16xi32>,
        %get3A_450 = vector.shape_cast %get3A_449 : vector<16xi32> to vector<16xi32>
        %dma_start3A_451 = arith.constant 0 : i32
        %dma_start3A_452 = arith.constant 0 : i32
        %dma_start3A_453 = tpu.memref_slice %arg13[%dma_start3A_451, %dma_start3A_452] : memref<200x128xf32, #tpu.memory_space<vmem>> -> memref<16x128xf32, #tpu.memory_space<vmem>>
        %dma_start3A_454 = arith.constant 0 : i32
        %dma_start3A_455 = arith.constant 0 : i32
        %dma_start3A_456 = tpu.memref_slice %arg2[%dma_start3A_454, %dma_start3A_455] : memref<1000000x128xf32, #tpu.memory_space<hbm>> -> memref<1000000x128xf32, #tpu.memory_space<hbm>>
        tpu.enqueue_indirect_dma source(%dma_start3A_456 : memref<1000000x128xf32, #tpu.memory_space<hbm>>) target(%dma_start3A_453 : memref<16x128xf32, #tpu.memory_space<vmem>>) offsets(%get3A_450 : vector<16xi32>) semaphore(%arg21 : memref<!tpu.dma_semaphore, #tpu.memory_space<semaphore_mem>>)
        %get3A_457 = arith.constant 16 : index
        %get3A_458 = tpu.vector_load %arg9[%get3A_457] {strides = array<i32>} : memref<200xi32, #tpu.memory_space<vmem>>, vector<16xi32>,
        %get3A_459 = vector.shape_cast %get3A_458 : vector<16xi32> to vector<16xi32>
        %dma_start3A_460 = arith.constant 16 : i32
        %dma_start3A_461 = arith.constant 0 : i32
        %dma_start3A_462 = tpu.memref_slice %arg13[%dma_start3A_460, %dma_start3A_461] : memref<200x128xf32, #tpu.memory_space<vmem>> -> memref<16x128xf32, #tpu.memory_space<vmem>>
        %dma_start3A_463 = arith.constant 0 : i32
        %dma_start3A_464 = arith.constant 0 : i32
        %dma_start3A_465 = tpu.memref_slice %arg2[%dma_start3A_463, %dma_start3A_464] : memref<1000000x128xf32, #tpu.memory_space<hbm>> -> memref<1000000x128xf32, #tpu.memory_space<hbm>>
        tpu.enqueue_indirect_dma source(%dma_start3A_465 : memref<1000000x128xf32, #tpu.memory_space<hbm>>) target(%dma_start3A_462 : memref<16x128xf32, #tpu.memory_space<vmem>>) offsets(%get3A_459 : vector<16xi32>) semaphore(%arg21 : memref<!tpu.dma_semaphore, #tpu.memory_space<semaphore_mem>>)
        %get3A_466 = arith.constant 32 : index
        %get3A_467 = tpu.vector_load %arg9[%get3A_466] {strides = array<i32>} : memref<200xi32, #tpu.memory_space<vmem>>, vector<16xi32>,
        %get3A_468 = vector.shape_cast %get3A_467 : vector<16xi32> to vector<16xi32>
        %dma_start3A_469 = arith.constant 32 : i32
        %dma_start3A_470 = arith.constant 0 : i32
        %dma_start3A_471 = tpu.memref_slice %arg13[%dma_start3A_469, %dma_start3A_470] : memref<200x128xf32, #tpu.memory_space<vmem>> -> memref<16x128xf32, #tpu.memory_space<vmem>>
        %dma_start3A_472 = arith.constant 0 : i32
        %dma_start3A_473 = arith.constant 0 : i32
        %dma_start3A_474 = tpu.memref_slice %arg2[%dma_start3A_472, %dma_start3A_473] : memref<1000000x128xf32, #tpu.memory_space<hbm>> -> memref<1000000x128xf32, #tpu.memory_space<hbm>>
        tpu.enqueue_indirect_dma source(%dma_start3A_474 : memref<1000000x128xf32, #tpu.memory_space<hbm>>) target(%dma_start3A_471 : memref<16x128xf32, #tpu.memory_space<vmem>>) offsets(%get3A_468 : vector<16xi32>) semaphore(%arg21 : memref<!tpu.dma_semaphore, #tpu.memory_space<semaphore_mem>>)
        %get3A_475 = arith.constant 48 : index
        %get3A_476 = tpu.vector_load %arg9[%get3A_475] {strides = array<i32>} : memref<200xi32, #tpu.memory_space<vmem>>, vector<16xi32>,
        %get3A_477 = vector.shape_cast %get3A_476 : vector<16xi32> to vector<16xi32>
        %dma_start3A_478 = arith.constant 48 : i32
        %dma_start3A_479 = arith.constant 0 : i32
        %dma_start3A_480 = tpu.memref_slice %arg13[%dma_start3A_478, %dma_start3A_479] : memref<200x128xf32, #tpu.memory_space<vmem>> -> memref<16x128xf32, #tpu.memory_space<vmem>>
        %dma_start3A_481 = arith.constant 0 : i32
        %dma_start3A_482 = arith.constant 0 : i32
        %dma_start3A_483 = tpu.memref_slice %arg2[%dma_start3A_481, %dma_start3A_482] : memref<1000000x128xf32, #tpu.memory_space<hbm>> -> memref<1000000x128xf32, #tpu.memory_space<hbm>>
        tpu.enqueue_indirect_dma source(%dma_start3A_483 : memref<1000000x128xf32, #tpu.memory_space<hbm>>) target(%dma_start3A_480 : memref<16x128xf32, #tpu.memory_space<vmem>>) offsets(%get3A_477 : vector<16xi32>) semaphore(%arg21 : memref<!tpu.dma_semaphore, #tpu.memory_space<semaphore_mem>>)
        %get3A_484 = arith.constant 64 : index
        %get3A_485 = tpu.vector_load %arg9[%get3A_484] {strides = array<i32>} : memref<200xi32, #tpu.memory_space<vmem>>, vector<16xi32>,
        %get3A_486 = vector.shape_cast %get3A_485 : vector<16xi32> to vector<16xi32>
        %dma_start3A_487 = arith.constant 64 : i32
        %dma_start3A_488 = arith.constant 0 : i32
        %dma_start3A_489 = tpu.memref_slice %arg13[%dma_start3A_487, %dma_start3A_488] : memref<200x128xf32, #tpu.memory_space<vmem>> -> memref<16x128xf32, #tpu.memory_space<vmem>>
        %dma_start3A_490 = arith.constant 0 : i32
        %dma_start3A_491 = arith.constant 0 : i32
        %dma_start3A_492 = tpu.memref_slice %arg2[%dma_start3A_490, %dma_start3A_491] : memref<1000000x128xf32, #tpu.memory_space<hbm>> -> memref<1000000x128xf32, #tpu.memory_space<hbm>>
        tpu.enqueue_indirect_dma source(%dma_start3A_492 : memref<1000000x128xf32, #tpu.memory_space<hbm>>) target(%dma_start3A_489 : memref<16x128xf32, #tpu.memory_space<vmem>>) offsets(%get3A_486 : vector<16xi32>) semaphore(%arg21 : memref<!tpu.dma_semaphore, #tpu.memory_space<semaphore_mem>>)
        %get3A_493 = arith.constant 80 : index
        %get3A_494 = tpu.vector_load %arg9[%get3A_493] {strides = array<i32>} : memref<200xi32, #tpu.memory_space<vmem>>, vector<16xi32>,
        %get3A_495 = vector.shape_cast %get3A_494 : vector<16xi32> to vector<16xi32>
        %dma_start3A_496 = arith.constant 80 : i32
        %dma_start3A_497 = arith.constant 0 : i32
        %dma_start3A_498 = tpu.memref_slice %arg13[%dma_start3A_496, %dma_start3A_497] : memref<200x128xf32, #tpu.memory_space<vmem>> -> memref<16x128xf32, #tpu.memory_space<vmem>>
        %dma_start3A_499 = arith.constant 0 : i32
        %dma_start3A_500 = arith.constant 0 : i32
        %dma_start3A_501 = tpu.memref_slice %arg2[%dma_start3A_499, %dma_start3A_500] : memref<1000000x128xf32, #tpu.memory_space<hbm>> -> memref<1000000x128xf32, #tpu.memory_space<hbm>>
        tpu.enqueue_indirect_dma source(%dma_start3A_501 : memref<1000000x128xf32, #tpu.memory_space<hbm>>) target(%dma_start3A_498 : memref<16x128xf32, #tpu.memory_space<vmem>>) offsets(%get3A_495 : vector<16xi32>) semaphore(%arg21 : memref<!tpu.dma_semaphore, #tpu.memory_space<semaphore_mem>>)
        %get3A_502 = arith.constant 96 : index
        %get3A_503 = tpu.vector_load %arg9[%get3A_502] {strides = array<i32>} : memref<200xi32, #tpu.memory_space<vmem>>, vector<16xi32>,
        %get3A_504 = vector.shape_cast %get3A_503 : vector<16xi32> to vector<16xi32>
        %dma_start3A_505 = arith.constant 96 : i32
        %dma_start3A_506 = arith.constant 0 : i32
        %dma_start3A_507 = tpu.memref_slice %arg13[%dma_start3A_505, %dma_start3A_506] : memref<200x128xf32, #tpu.memory_space<vmem>> -> memref<16x128xf32, #tpu.memory_space<vmem>>
        %dma_start3A_508 = arith.constant 0 : i32
        %dma_start3A_509 = arith.constant 0 : i32
        %dma_start3A_510 = tpu.memref_slice %arg2[%dma_start3A_508, %dma_start3A_509] : memref<1000000x128xf32, #tpu.memory_space<hbm>> -> memref<1000000x128xf32, #tpu.memory_space<hbm>>
        tpu.enqueue_indirect_dma source(%dma_start3A_510 : memref<1000000x128xf32, #tpu.memory_space<hbm>>) target(%dma_start3A_507 : memref<16x128xf32, #tpu.memory_space<vmem>>) offsets(%get3A_504 : vector<16xi32>) semaphore(%arg21 : memref<!tpu.dma_semaphore, #tpu.memory_space<semaphore_mem>>)
        %get3A_511 = arith.constant 112 : index
        %get3A_512 = tpu.vector_load %arg9[%get3A_511] {strides = array<i32>} : memref<200xi32, #tpu.memory_space<vmem>>, vector<16xi32>,
        %get3A_513 = vector.shape_cast %get3A_512 : vector<16xi32> to vector<16xi32>
        %dma_start3A_514 = arith.constant 112 : i32
        %dma_start3A_515 = arith.constant 0 : i32
        %dma_start3A_516 = tpu.memref_slice %arg13[%dma_start3A_514, %dma_start3A_515] : memref<200x128xf32, #tpu.memory_space<vmem>> -> memref<16x128xf32, #tpu.memory_space<vmem>>
        %dma_start3A_517 = arith.constant 0 : i32
        %dma_start3A_518 = arith.constant 0 : i32
        %dma_start3A_519 = tpu.memref_slice %arg2[%dma_start3A_517, %dma_start3A_518] : memref<1000000x128xf32, #tpu.memory_space<hbm>> -> memref<1000000x128xf32, #tpu.memory_space<hbm>>
        tpu.enqueue_indirect_dma source(%dma_start3A_519 : memref<1000000x128xf32, #tpu.memory_space<hbm>>) target(%dma_start3A_516 : memref<16x128xf32, #tpu.memory_space<vmem>>) offsets(%get3A_513 : vector<16xi32>) semaphore(%arg21 : memref<!tpu.dma_semaphore, #tpu.memory_space<semaphore_mem>>)
        %get3A_520 = arith.constant 128 : index
        %get3A_521 = tpu.vector_load %arg9[%get3A_520] {strides = array<i32>} : memref<200xi32, #tpu.memory_space<vmem>>, vector<16xi32>,
        %get3A_522 = vector.shape_cast %get3A_521 : vector<16xi32> to vector<16xi32>
        %dma_start3A_523 = arith.constant 128 : i32
        %dma_start3A_524 = arith.constant 0 : i32
        %dma_start3A_525 = tpu.memref_slice %arg13[%dma_start3A_523, %dma_start3A_524] : memref<200x128xf32, #tpu.memory_space<vmem>> -> memref<16x128xf32, #tpu.memory_space<vmem>>
        %dma_start3A_526 = arith.constant 0 : i32
        %dma_start3A_527 = arith.constant 0 : i32
        %dma_start3A_528 = tpu.memref_slice %arg2[%dma_start3A_526, %dma_start3A_527] : memref<1000000x128xf32, #tpu.memory_space<hbm>> -> memref<1000000x128xf32, #tpu.memory_space<hbm>>
        tpu.enqueue_indirect_dma source(%dma_start3A_528 : memref<1000000x128xf32, #tpu.memory_space<hbm>>) target(%dma_start3A_525 : memref<16x128xf32, #tpu.memory_space<vmem>>) offsets(%get3A_522 : vector<16xi32>) semaphore(%arg21 : memref<!tpu.dma_semaphore, #tpu.memory_space<semaphore_mem>>)
        %get3A_529 = arith.constant 144 : index
        %get3A_530 = tpu.vector_load %arg9[%get3A_529] {strides = array<i32>} : memref<200xi32, #tpu.memory_space<vmem>>, vector<16xi32>,
        %get3A_531 = vector.shape_cast %get3A_530 : vector<16xi32> to vector<16xi32>
        %dma_start3A_532 = arith.constant 144 : i32
        %dma_start3A_533 = arith.constant 0 : i32
        %dma_start3A_534 = tpu.memref_slice %arg13[%dma_start3A_532, %dma_start3A_533] : memref<200x128xf32, #tpu.memory_space<vmem>> -> memref<16x128xf32, #tpu.memory_space<vmem>>
        %dma_start3A_535 = arith.constant 0 : i32
        %dma_start3A_536 = arith.constant 0 : i32
        %dma_start3A_537 = tpu.memref_slice %arg2[%dma_start3A_535, %dma_start3A_536] : memref<1000000x128xf32, #tpu.memory_space<hbm>> -> memref<1000000x128xf32, #tpu.memory_space<hbm>>
        tpu.enqueue_indirect_dma source(%dma_start3A_537 : memref<1000000x128xf32, #tpu.memory_space<hbm>>) target(%dma_start3A_534 : memref<16x128xf32, #tpu.memory_space<vmem>>) offsets(%get3A_531 : vector<16xi32>) semaphore(%arg21 : memref<!tpu.dma_semaphore, #tpu.memory_space<semaphore_mem>>)
        %get3A_538 = arith.constant 160 : index
        %get3A_539 = tpu.vector_load %arg9[%get3A_538] {strides = array<i32>} : memref<200xi32, #tpu.memory_space<vmem>>, vector<16xi32>,
        %get3A_540 = vector.shape_cast %get3A_539 : vector<16xi32> to vector<16xi32>
        %dma_start3A_541 = arith.constant 160 : i32
        %dma_start3A_542 = arith.constant 0 : i32
        %dma_start3A_543 = tpu.memref_slice %arg13[%dma_start3A_541, %dma_start3A_542] : memref<200x128xf32, #tpu.memory_space<vmem>> -> memref<16x128xf32, #tpu.memory_space<vmem>>
        %dma_start3A_544 = arith.constant 0 : i32
        %dma_start3A_545 = arith.constant 0 : i32
        %dma_start3A_546 = tpu.memref_slice %arg2[%dma_start3A_544, %dma_start3A_545] : memref<1000000x128xf32, #tpu.memory_space<hbm>> -> memref<1000000x128xf32, #tpu.memory_space<hbm>>
        tpu.enqueue_indirect_dma source(%dma_start3A_546 : memref<1000000x128xf32, #tpu.memory_space<hbm>>) target(%dma_start3A_543 : memref<16x128xf32, #tpu.memory_space<vmem>>) offsets(%get3A_540 : vector<16xi32>) semaphore(%arg21 : memref<!tpu.dma_semaphore, #tpu.memory_space<semaphore_mem>>)
        %get3A_547 = arith.constant 176 : index
        %get3A_548 = tpu.vector_load %arg9[%get3A_547] {strides = array<i32>} : memref<200xi32, #tpu.memory_space<vmem>>, vector<16xi32>,
        %get3A_549 = vector.shape_cast %get3A_548 : vector<16xi32> to vector<16xi32>
        %dma_start3A_550 = arith.constant 176 : i32
        %dma_start3A_551 = arith.constant 0 : i32
        %dma_start3A_552 = tpu.memref_slice %arg13[%dma_start3A_550, %dma_start3A_551] : memref<200x128xf32, #tpu.memory_space<vmem>> -> memref<16x128xf32, #tpu.memory_space<vmem>>
        %dma_start3A_553 = arith.constant 0 : i32
        %dma_start3A_554 = arith.constant 0 : i32
        %dma_start3A_555 = tpu.memref_slice %arg2[%dma_start3A_553, %dma_start3A_554] : memref<1000000x128xf32, #tpu.memory_space<hbm>> -> memref<1000000x128xf32, #tpu.memory_space<hbm>>
        tpu.enqueue_indirect_dma source(%dma_start3A_555 : memref<1000000x128xf32, #tpu.memory_space<hbm>>) target(%dma_start3A_552 : memref<16x128xf32, #tpu.memory_space<vmem>>) offsets(%get3A_549 : vector<16xi32>) semaphore(%arg21 : memref<!tpu.dma_semaphore, #tpu.memory_space<semaphore_mem>>)
        %get3A_556 = arith.constant 184 : index
        %get3A_557 = tpu.vector_load %arg9[%get3A_556] {strides = array<i32>} : memref<200xi32, #tpu.memory_space<vmem>>, vector<16xi32>,
        %get3A_558 = vector.shape_cast %get3A_557 : vector<16xi32> to vector<16xi32>
        %dma_start3A_559 = arith.constant 184 : i32
        %dma_start3A_560 = arith.constant 0 : i32
        %dma_start3A_561 = tpu.memref_slice %arg13[%dma_start3A_559, %dma_start3A_560] : memref<200x128xf32, #tpu.memory_space<vmem>> -> memref<16x128xf32, #tpu.memory_space<vmem>>
        %dma_start3A_562 = arith.constant 0 : i32
        %dma_start3A_563 = arith.constant 0 : i32
        %dma_start3A_564 = tpu.memref_slice %arg2[%dma_start3A_562, %dma_start3A_563] : memref<1000000x128xf32, #tpu.memory_space<hbm>> -> memref<1000000x128xf32, #tpu.memory_space<hbm>>
        tpu.enqueue_indirect_dma source(%dma_start3A_564 : memref<1000000x128xf32, #tpu.memory_space<hbm>>) target(%dma_start3A_561 : memref<16x128xf32, #tpu.memory_space<vmem>>) offsets(%get3A_558 : vector<16xi32>) semaphore(%arg21 : memref<!tpu.dma_semaphore, #tpu.memory_space<semaphore_mem>>)
      } else {
      }
      %scan3A_293 = arith.constant 0 : i32
      %scan3A_294 = arith.constant 0 : i32
      %scan3A_295 = arith.constant 25 : i32
      %scan3A_296 = arith.addi %scan3A_294, %scan3A_295 : i32
      %scan3A_297 = arith.constant 1 : i32
      %scan3A_298 = scf.for %scan3A_441 = %scan3A_294 to %scan3A_296 step %scan3A_297 iter_args(%scan3A_442 = %scan3A_293) -> (i32)  : i32 {
        %mul3A_443 = arith.constant 8 : i32
        %mul3A_444 = arith.muli %scan3A_441, %mul3A_443 : i32
        %add3A_445 = arith.constant 0 : i32
        %add3A_446 = arith.addi %mul3A_444, %add3A_445 : i32
        %get3A_447 = arith.index_cast %add3A_446 : i32 to index
        %get3A_448 = arith.constant 0 : index
        %get3A_449 = tpu.vector_load %arg6[%get3A_447, %get3A_448] {strides = array<i32>} : memref<200x128xf32, #tpu.memory_space<vmem>>, vector<1x16xf32>,
        %get3A_450 = vector.shape_cast %get3A_449 : vector<1x16xf32> to vector<16xf32>
        %swap3A = arith.index_cast %add3A_446 : i32 to index
        %swap3A_451 = arith.constant 0 : index
        %swap3A_452 = tpu.vector_load %arg12[%swap3A, %swap3A_451] {strides = array<i32>} : memref<200x128xf32, #tpu.memory_space<vmem>>, vector<1x16xf32>,
        %swap3A_453 = vector.shape_cast %swap3A_452 : vector<1x16xf32> to vector<16xf32>
        %swap3A_454 = vector.shape_cast %get3A_450 : vector<16xf32> to vector<1x16xf32>
        tpu.vector_store %arg12[%swap3A, %swap3A_451], %swap3A_454 {add = true, strides = array<i32>} : memref<200x128xf32, #tpu.memory_space<vmem>>, vector<1x16xf32>,
        %get3A_455 = arith.index_cast %add3A_446 : i32 to index
        %get3A_456 = arith.constant 16 : index
        %get3A_457 = tpu.vector_load %arg6[%get3A_455, %get3A_456] {strides = array<i32>} : memref<200x128xf32, #tpu.memory_space<vmem>>, vector<1x16xf32>,
        %get3A_458 = vector.shape_cast %get3A_457 : vector<1x16xf32> to vector<16xf32>
        %swap3A_459 = arith.index_cast %add3A_446 : i32 to index
        %swap3A_460 = arith.constant 16 : index
        %swap3A_461 = tpu.vector_load %arg12[%swap3A_459, %swap3A_460] {strides = array<i32>} : memref<200x128xf32, #tpu.memory_space<vmem>>, vector<1x16xf32>,
        %swap3A_462 = vector.shape_cast %swap3A_461 : vector<1x16xf32> to vector<16xf32>
        %swap3A_463 = vector.shape_cast %get3A_458 : vector<16xf32> to vector<1x16xf32>
        tpu.vector_store %arg12[%swap3A_459, %swap3A_460], %swap3A_463 {add = true, strides = array<i32>} : memref<200x128xf32, #tpu.memory_space<vmem>>, vector<1x16xf32>,
        %get3A_464 = arith.index_cast %add3A_446 : i32 to index
        %get3A_465 = arith.constant 32 : index
        %get3A_466 = tpu.vector_load %arg6[%get3A_464, %get3A_465] {strides = array<i32>} : memref<200x128xf32, #tpu.memory_space<vmem>>, vector<1x16xf32>,
        %get3A_467 = vector.shape_cast %get3A_466 : vector<1x16xf32> to vector<16xf32>
        %swap3A_468 = arith.index_cast %add3A_446 : i32 to index
        %swap3A_469 = arith.constant 32 : index
        %swap3A_470 = tpu.vector_load %arg12[%swap3A_468, %swap3A_469] {strides = array<i32>} : memref<200x128xf32, #tpu.memory_space<vmem>>, vector<1x16xf32>,
        %swap3A_471 = vector.shape_cast %swap3A_470 : vector<1x16xf32> to vector<16xf32>
        %swap3A_472 = vector.shape_cast %get3A_467 : vector<16xf32> to vector<1x16xf32>
        tpu.vector_store %arg12[%swap3A_468, %swap3A_469], %swap3A_472 {add = true, strides = array<i32>} : memref<200x128xf32, #tpu.memory_space<vmem>>, vector<1x16xf32>,
        %get3A_473 = arith.index_cast %add3A_446 : i32 to index
        %get3A_474 = arith.constant 48 : index
        %get3A_475 = tpu.vector_load %arg6[%get3A_473, %get3A_474] {strides = array<i32>} : memref<200x128xf32, #tpu.memory_space<vmem>>, vector<1x16xf32>,
        %get3A_476 = vector.shape_cast %get3A_475 : vector<1x16xf32> to vector<16xf32>
        %swap3A_477 = arith.index_cast %add3A_446 : i32 to index
        %swap3A_478 = arith.constant 48 : index
        %swap3A_479 = tpu.vector_load %arg12[%swap3A_477, %swap3A_478] {strides = array<i32>} : memref<200x128xf32, #tpu.memory_space<vmem>>, vector<1x16xf32>,
        %swap3A_480 = vector.shape_cast %swap3A_479 : vector<1x16xf32> to vector<16xf32>
        %swap3A_481 = vector.shape_cast %get3A_476 : vector<16xf32> to vector<1x16xf32>
        tpu.vector_store %arg12[%swap3A_477, %swap3A_478], %swap3A_481 {add = true, strides = array<i32>} : memref<200x128xf32, #tpu.memory_space<vmem>>, vector<1x16xf32>,
        %mul3A_482 = arith.constant 8 : i32
        %mul3A_483 = arith.muli %scan3A_441, %mul3A_482 : i32
        %add3A_484 = arith.constant 1 : i32
        %add3A_485 = arith.addi %mul3A_483, %add3A_484 : i32
        %get3A_486 = arith.index_cast %add3A_485 : i32 to index
        %get3A_487 = arith.constant 0 : index
        %get3A_488 = tpu.vector_load %arg6[%get3A_486, %get3A_487] {strides = array<i32>} : memref<200x128xf32, #tpu.memory_space<vmem>>, vector<1x16xf32>,
        %get3A_489 = vector.shape_cast %get3A_488 : vector<1x16xf32> to vector<16xf32>
        %swap3A_490 = arith.index_cast %add3A_485 : i32 to index
        %swap3A_491 = arith.constant 0 : index
        %swap3A_492 = tpu.vector_load %arg12[%swap3A_490, %swap3A_491] {strides = array<i32>} : memref<200x128xf32, #tpu.memory_space<vmem>>, vector<1x16xf32>,
        %swap3A_493 = vector.shape_cast %swap3A_492 : vector<1x16xf32> to vector<16xf32>
        %swap3A_494 = vector.shape_cast %get3A_489 : vector<16xf32> to vector<1x16xf32>
        tpu.vector_store %arg12[%swap3A_490, %swap3A_491], %swap3A_494 {add = true, strides = array<i32>} : memref<200x128xf32, #tpu.memory_space<vmem>>, vector<1x16xf32>,
        %get3A_495 = arith.index_cast %add3A_485 : i32 to index
        %get3A_496 = arith.constant 16 : index
        %get3A_497 = tpu.vector_load %arg6[%get3A_495, %get3A_496] {strides = array<i32>} : memref<200x128xf32, #tpu.memory_space<vmem>>, vector<1x16xf32>,
        %get3A_498 = vector.shape_cast %get3A_497 : vector<1x16xf32> to vector<16xf32>
        %swap3A_499 = arith.index_cast %add3A_485 : i32 to index
        %swap3A_500 = arith.constant 16 : index
        %swap3A_501 = tpu.vector_load %arg12[%swap3A_499, %swap3A_500] {strides = array<i32>} : memref<200x128xf32, #tpu.memory_space<vmem>>, vector<1x16xf32>,
        %swap3A_502 = vector.shape_cast %swap3A_501 : vector<1x16xf32> to vector<16xf32>
        %swap3A_503 = vector.shape_cast %get3A_498 : vector<16xf32> to vector<1x16xf32>
        tpu.vector_store %arg12[%swap3A_499, %swap3A_500], %swap3A_503 {add = true, strides = array<i32>} : memref<200x128xf32, #tpu.memory_space<vmem>>, vector<1x16xf32>,
        %get3A_504 = arith.index_cast %add3A_485 : i32 to index
        %get3A_505 = arith.constant 32 : index
        %get3A_506 = tpu.vector_load %arg6[%get3A_504, %get3A_505] {strides = array<i32>} : memref<200x128xf32, #tpu.memory_space<vmem>>, vector<1x16xf32>,
        %get3A_507 = vector.shape_cast %get3A_506 : vector<1x16xf32> to vector<16xf32>
        %swap3A_508 = arith.index_cast %add3A_485 : i32 to index
        %swap3A_509 = arith.constant 32 : index
        %swap3A_510 = tpu.vector_load %arg12[%swap3A_508, %swap3A_509] {strides = array<i32>} : memref<200x128xf32, #tpu.memory_space<vmem>>, vector<1x16xf32>,
        %swap3A_511 = vector.shape_cast %swap3A_510 : vector<1x16xf32> to vector<16xf32>
        %swap3A_512 = vector.shape_cast %get3A_507 : vector<16xf32> to vector<1x16xf32>
        tpu.vector_store %arg12[%swap3A_508, %swap3A_509], %swap3A_512 {add = true, strides = array<i32>} : memref<200x128xf32, #tpu.memory_space<vmem>>, vector<1x16xf32>,
        %get3A_513 = arith.index_cast %add3A_485 : i32 to index
        %get3A_514 = arith.constant 48 : index
        %get3A_515 = tpu.vector_load %arg6[%get3A_513, %get3A_514] {strides = array<i32>} : memref<200x128xf32, #tpu.memory_space<vmem>>, vector<1x16xf32>,
        %get3A_516 = vector.shape_cast %get3A_515 : vector<1x16xf32> to vector<16xf32>
        %swap3A_517 = arith.index_cast %add3A_485 : i32 to index
        %swap3A_518 = arith.constant 48 : index
        %swap3A_519 = tpu.vector_load %arg12[%swap3A_517, %swap3A_518] {strides = array<i32>} : memref<200x128xf32, #tpu.memory_space<vmem>>, vector<1x16xf32>,
        %swap3A_520 = vector.shape_cast %swap3A_519 : vector<1x16xf32> to vector<16xf32>
        %swap3A_521 = vector.shape_cast %get3A_516 : vector<16xf32> to vector<1x16xf32>
        tpu.vector_store %arg12[%swap3A_517, %swap3A_518], %swap3A_521 {add = true, strides = array<i32>} : memref<200x128xf32, #tpu.memory_space<vmem>>, vector<1x16xf32>,
        %mul3A_522 = arith.constant 8 : i32
        %mul3A_523 = arith.muli %scan3A_441, %mul3A_522 : i32
        %add3A_524 = arith.constant 2 : i32
        %add3A_525 = arith.addi %mul3A_523, %add3A_524 : i32
        %get3A_526 = arith.index_cast %add3A_525 : i32 to index
        %get3A_527 = arith.constant 0 : index
        %get3A_528 = tpu.vector_load %arg6[%get3A_526, %get3A_527] {strides = array<i32>} : memref<200x128xf32, #tpu.memory_space<vmem>>, vector<1x16xf32>,
        %get3A_529 = vector.shape_cast %get3A_528 : vector<1x16xf32> to vector<16xf32>
        %swap3A_530 = arith.index_cast %add3A_525 : i32 to index
        %swap3A_531 = arith.constant 0 : index
        %swap3A_532 = tpu.vector_load %arg12[%swap3A_530, %swap3A_531] {strides = array<i32>} : memref<200x128xf32, #tpu.memory_space<vmem>>, vector<1x16xf32>,
        %swap3A_533 = vector.shape_cast %swap3A_532 : vector<1x16xf32> to vector<16xf32>
        %swap3A_534 = vector.shape_cast %get3A_529 : vector<16xf32> to vector<1x16xf32>
        tpu.vector_store %arg12[%swap3A_530, %swap3A_531], %swap3A_534 {add = true, strides = array<i32>} : memref<200x128xf32, #tpu.memory_space<vmem>>, vector<1x16xf32>,
        %get3A_535 = arith.index_cast %add3A_525 : i32 to index
        %get3A_536 = arith.constant 16 : index
        %get3A_537 = tpu.vector_load %arg6[%get3A_535, %get3A_536] {strides = array<i32>} : memref<200x128xf32, #tpu.memory_space<vmem>>, vector<1x16xf32>,
        %get3A_538 = vector.shape_cast %get3A_537 : vector<1x16xf32> to vector<16xf32>
        %swap3A_539 = arith.index_cast %add3A_525 : i32 to index
        %swap3A_540 = arith.constant 16 : index
        %swap3A_541 = tpu.vector_load %arg12[%swap3A_539, %swap3A_540] {strides = array<i32>} : memref<200x128xf32, #tpu.memory_space<vmem>>, vector<1x16xf32>,
        %swap3A_542 = vector.shape_cast %swap3A_541 : vector<1x16xf32> to vector<16xf32>
        %swap3A_543 = vector.shape_cast %get3A_538 : vector<16xf32> to vector<1x16xf32>
        tpu.vector_store %arg12[%swap3A_539, %swap3A_540], %swap3A_543 {add = true, strides = array<i32>} : memref<200x128xf32, #tpu.memory_space<vmem>>, vector<1x16xf32>,
        %get3A_544 = arith.index_cast %add3A_525 : i32 to index
        %get3A_545 = arith.constant 32 : index
        %get3A_546 = tpu.vector_load %arg6[%get3A_544, %get3A_545] {strides = array<i32>} : memref<200x128xf32, #tpu.memory_space<vmem>>, vector<1x16xf32>,
        %get3A_547 = vector.shape_cast %get3A_546 : vector<1x16xf32> to vector<16xf32>
        %swap3A_548 = arith.index_cast %add3A_525 : i32 to index
        %swap3A_549 = arith.constant 32 : index
        %swap3A_550 = tpu.vector_load %arg12[%swap3A_548, %swap3A_549] {strides = array<i32>} : memref<200x128xf32, #tpu.memory_space<vmem>>, vector<1x16xf32>,
        %swap3A_551 = vector.shape_cast %swap3A_550 : vector<1x16xf32> to vector<16xf32>
        %swap3A_552 = vector.shape_cast %get3A_547 : vector<16xf32> to vector<1x16xf32>
        tpu.vector_store %arg12[%swap3A_548, %swap3A_549], %swap3A_552 {add = true, strides = array<i32>} : memref<200x128xf32, #tpu.memory_space<vmem>>, vector<1x16xf32>,
        %get3A_553 = arith.index_cast %add3A_525 : i32 to index
        %get3A_554 = arith.constant 48 : index
        %get3A_555 = tpu.vector_load %arg6[%get3A_553, %get3A_554] {strides = array<i32>} : memref<200x128xf32, #tpu.memory_space<vmem>>, vector<1x16xf32>,
        %get3A_556 = vector.shape_cast %get3A_555 : vector<1x16xf32> to vector<16xf32>
        %swap3A_557 = arith.index_cast %add3A_525 : i32 to index
        %swap3A_558 = arith.constant 48 : index
        %swap3A_559 = tpu.vector_load %arg12[%swap3A_557, %swap3A_558] {strides = array<i32>} : memref<200x128xf32, #tpu.memory_space<vmem>>, vector<1x16xf32>,
        %swap3A_560 = vector.shape_cast %swap3A_559 : vector<1x16xf32> to vector<16xf32>
        %swap3A_561 = vector.shape_cast %get3A_556 : vector<16xf32> to vector<1x16xf32>
        tpu.vector_store %arg12[%swap3A_557, %swap3A_558], %swap3A_561 {add = true, strides = array<i32>} : memref<200x128xf32, #tpu.memory_space<vmem>>, vector<1x16xf32>,
        %mul3A_562 = arith.constant 8 : i32
        %mul3A_563 = arith.muli %scan3A_441, %mul3A_562 : i32
        %add3A_564 = arith.constant 3 : i32
        %add3A_565 = arith.addi %mul3A_563, %add3A_564 : i32
        %get3A_566 = arith.index_cast %add3A_565 : i32 to index
        %get3A_567 = arith.constant 0 : index
        %get3A_568 = tpu.vector_load %arg6[%get3A_566, %get3A_567] {strides = array<i32>} : memref<200x128xf32, #tpu.memory_space<vmem>>, vector<1x16xf32>,
        %get3A_569 = vector.shape_cast %get3A_568 : vector<1x16xf32> to vector<16xf32>
        %swap3A_570 = arith.index_cast %add3A_565 : i32 to index
        %swap3A_571 = arith.constant 0 : index
        %swap3A_572 = tpu.vector_load %arg12[%swap3A_570, %swap3A_571] {strides = array<i32>} : memref<200x128xf32, #tpu.memory_space<vmem>>, vector<1x16xf32>,
        %swap3A_573 = vector.shape_cast %swap3A_572 : vector<1x16xf32> to vector<16xf32>
        %swap3A_574 = vector.shape_cast %get3A_569 : vector<16xf32> to vector<1x16xf32>
        tpu.vector_store %arg12[%swap3A_570, %swap3A_571], %swap3A_574 {add = true, strides = array<i32>} : memref<200x128xf32, #tpu.memory_space<vmem>>, vector<1x16xf32>,
        %get3A_575 = arith.index_cast %add3A_565 : i32 to index
        %get3A_576 = arith.constant 16 : index
        %get3A_577 = tpu.vector_load %arg6[%get3A_575, %get3A_576] {strides = array<i32>} : memref<200x128xf32, #tpu.memory_space<vmem>>, vector<1x16xf32>,
        %get3A_578 = vector.shape_cast %get3A_577 : vector<1x16xf32> to vector<16xf32>
        %swap3A_579 = arith.index_cast %add3A_565 : i32 to index
        %swap3A_580 = arith.constant 16 : index
        %swap3A_581 = tpu.vector_load %arg12[%swap3A_579, %swap3A_580] {strides = array<i32>} : memref<200x128xf32, #tpu.memory_space<vmem>>, vector<1x16xf32>,
        %swap3A_582 = vector.shape_cast %swap3A_581 : vector<1x16xf32> to vector<16xf32>
        %swap3A_583 = vector.shape_cast %get3A_578 : vector<16xf32> to vector<1x16xf32>
        tpu.vector_store %arg12[%swap3A_579, %swap3A_580], %swap3A_583 {add = true, strides = array<i32>} : memref<200x128xf32, #tpu.memory_space<vmem>>, vector<1x16xf32>,
        %get3A_584 = arith.index_cast %add3A_565 : i32 to index
        %get3A_585 = arith.constant 32 : index
        %get3A_586 = tpu.vector_load %arg6[%get3A_584, %get3A_585] {strides = array<i32>} : memref<200x128xf32, #tpu.memory_space<vmem>>, vector<1x16xf32>,
        %get3A_587 = vector.shape_cast %get3A_586 : vector<1x16xf32> to vector<16xf32>
        %swap3A_588 = arith.index_cast %add3A_565 : i32 to index
        %swap3A_589 = arith.constant 32 : index
        %swap3A_590 = tpu.vector_load %arg12[%swap3A_588, %swap3A_589] {strides = array<i32>} : memref<200x128xf32, #tpu.memory_space<vmem>>, vector<1x16xf32>,
        %swap3A_591 = vector.shape_cast %swap3A_590 : vector<1x16xf32> to vector<16xf32>
        %swap3A_592 = vector.shape_cast %get3A_587 : vector<16xf32> to vector<1x16xf32>
        tpu.vector_store %arg12[%swap3A_588, %swap3A_589], %swap3A_592 {add = true, strides = array<i32>} : memref<200x128xf32, #tpu.memory_space<vmem>>, vector<1x16xf32>,
        %get3A_593 = arith.index_cast %add3A_565 : i32 to index
        %get3A_594 = arith.constant 48 : index
        %get3A_595 = tpu.vector_load %arg6[%get3A_593, %get3A_594] {strides = array<i32>} : memref<200x128xf32, #tpu.memory_space<vmem>>, vector<1x16xf32>,
        %get3A_596 = vector.shape_cast %get3A_595 : vector<1x16xf32> to vector<16xf32>
        %swap3A_597 = arith.index_cast %add3A_565 : i32 to index
        %swap3A_598 = arith.constant 48 : index
        %swap3A_599 = tpu.vector_load %arg12[%swap3A_597, %swap3A_598] {strides = array<i32>} : memref<200x128xf32, #tpu.memory_space<vmem>>, vector<1x16xf32>,
        %swap3A_600 = vector.shape_cast %swap3A_599 : vector<1x16xf32> to vector<16xf32>
        %swap3A_601 = vector.shape_cast %get3A_596 : vector<16xf32> to vector<1x16xf32>
        tpu.vector_store %arg12[%swap3A_597, %swap3A_598], %swap3A_601 {add = true, strides = array<i32>} : memref<200x128xf32, #tpu.memory_space<vmem>>, vector<1x16xf32>,
        %mul3A_602 = arith.constant 8 : i32
        %mul3A_603 = arith.muli %scan3A_441, %mul3A_602 : i32
        %add3A_604 = arith.constant 4 : i32
        %add3A_605 = arith.addi %mul3A_603, %add3A_604 : i32
        %get3A_606 = arith.index_cast %add3A_605 : i32 to index
        %get3A_607 = arith.constant 0 : index
        %get3A_608 = tpu.vector_load %arg6[%get3A_606, %get3A_607] {strides = array<i32>} : memref<200x128xf32, #tpu.memory_space<vmem>>, vector<1x16xf32>,
        %get3A_609 = vector.shape_cast %get3A_608 : vector<1x16xf32> to vector<16xf32>
        %swap3A_610 = arith.index_cast %add3A_605 : i32 to index
        %swap3A_611 = arith.constant 0 : index
        %swap3A_612 = tpu.vector_load %arg12[%swap3A_610, %swap3A_611] {strides = array<i32>} : memref<200x128xf32, #tpu.memory_space<vmem>>, vector<1x16xf32>,
        %swap3A_613 = vector.shape_cast %swap3A_612 : vector<1x16xf32> to vector<16xf32>
        %swap3A_614 = vector.shape_cast %get3A_609 : vector<16xf32> to vector<1x16xf32>
        tpu.vector_store %arg12[%swap3A_610, %swap3A_611], %swap3A_614 {add = true, strides = array<i32>} : memref<200x128xf32, #tpu.memory_space<vmem>>, vector<1x16xf32>,
        %get3A_615 = arith.index_cast %add3A_605 : i32 to index
        %get3A_616 = arith.constant 16 : index
        %get3A_617 = tpu.vector_load %arg6[%get3A_615, %get3A_616] {strides = array<i32>} : memref<200x128xf32, #tpu.memory_space<vmem>>, vector<1x16xf32>,
        %get3A_618 = vector.shape_cast %get3A_617 : vector<1x16xf32> to vector<16xf32>
        %swap3A_619 = arith.index_cast %add3A_605 : i32 to index
        %swap3A_620 = arith.constant 16 : index
        %swap3A_621 = tpu.vector_load %arg12[%swap3A_619, %swap3A_620] {strides = array<i32>} : memref<200x128xf32, #tpu.memory_space<vmem>>, vector<1x16xf32>,
        %swap3A_622 = vector.shape_cast %swap3A_621 : vector<1x16xf32> to vector<16xf32>
        %swap3A_623 = vector.shape_cast %get3A_618 : vector<16xf32> to vector<1x16xf32>
        tpu.vector_store %arg12[%swap3A_619, %swap3A_620], %swap3A_623 {add = true, strides = array<i32>} : memref<200x128xf32, #tpu.memory_space<vmem>>, vector<1x16xf32>,
        %get3A_624 = arith.index_cast %add3A_605 : i32 to index
        %get3A_625 = arith.constant 32 : index
        %get3A_626 = tpu.vector_load %arg6[%get3A_624, %get3A_625] {strides = array<i32>} : memref<200x128xf32, #tpu.memory_space<vmem>>, vector<1x16xf32>,
        %get3A_627 = vector.shape_cast %get3A_626 : vector<1x16xf32> to vector<16xf32>
        %swap3A_628 = arith.index_cast %add3A_605 : i32 to index
        %swap3A_629 = arith.constant 32 : index
        %swap3A_630 = tpu.vector_load %arg12[%swap3A_628, %swap3A_629] {strides = array<i32>} : memref<200x128xf32, #tpu.memory_space<vmem>>, vector<1x16xf32>,
        %swap3A_631 = vector.shape_cast %swap3A_630 : vector<1x16xf32> to vector<16xf32>
        %swap3A_632 = vector.shape_cast %get3A_627 : vector<16xf32> to vector<1x16xf32>
        tpu.vector_store %arg12[%swap3A_628, %swap3A_629], %swap3A_632 {add = true, strides = array<i32>} : memref<200x128xf32, #tpu.memory_space<vmem>>, vector<1x16xf32>,
        %get3A_633 = arith.index_cast %add3A_605 : i32 to index
        %get3A_634 = arith.constant 48 : index
        %get3A_635 = tpu.vector_load %arg6[%get3A_633, %get3A_634] {strides = array<i32>} : memref<200x128xf32, #tpu.memory_space<vmem>>, vector<1x16xf32>,
        %get3A_636 = vector.shape_cast %get3A_635 : vector<1x16xf32> to vector<16xf32>
        %swap3A_637 = arith.index_cast %add3A_605 : i32 to index
        %swap3A_638 = arith.constant 48 : index
        %swap3A_639 = tpu.vector_load %arg12[%swap3A_637, %swap3A_638] {strides = array<i32>} : memref<200x128xf32, #tpu.memory_space<vmem>>, vector<1x16xf32>,
        %swap3A_640 = vector.shape_cast %swap3A_639 : vector<1x16xf32> to vector<16xf32>
        %swap3A_641 = vector.shape_cast %get3A_636 : vector<16xf32> to vector<1x16xf32>
        tpu.vector_store %arg12[%swap3A_637, %swap3A_638], %swap3A_641 {add = true, strides = array<i32>} : memref<200x128xf32, #tpu.memory_space<vmem>>, vector<1x16xf32>,
        %mul3A_642 = arith.constant 8 : i32
        %mul3A_643 = arith.muli %scan3A_441, %mul3A_642 : i32
        %add3A_644 = arith.constant 5 : i32
        %add3A_645 = arith.addi %mul3A_643, %add3A_644 : i32
        %get3A_646 = arith.index_cast %add3A_645 : i32 to index
        %get3A_647 = arith.constant 0 : index
        %get3A_648 = tpu.vector_load %arg6[%get3A_646, %get3A_647] {strides = array<i32>} : memref<200x128xf32, #tpu.memory_space<vmem>>, vector<1x16xf32>,
        %get3A_649 = vector.shape_cast %get3A_648 : vector<1x16xf32> to vector<16xf32>
        %swap3A_650 = arith.index_cast %add3A_645 : i32 to index
        %swap3A_651 = arith.constant 0 : index
        %swap3A_652 = tpu.vector_load %arg12[%swap3A_650, %swap3A_651] {strides = array<i32>} : memref<200x128xf32, #tpu.memory_space<vmem>>, vector<1x16xf32>,
        %swap3A_653 = vector.shape_cast %swap3A_652 : vector<1x16xf32> to vector<16xf32>
        %swap3A_654 = vector.shape_cast %get3A_649 : vector<16xf32> to vector<1x16xf32>
        tpu.vector_store %arg12[%swap3A_650, %swap3A_651], %swap3A_654 {add = true, strides = array<i32>} : memref<200x128xf32, #tpu.memory_space<vmem>>, vector<1x16xf32>,
        %get3A_655 = arith.index_cast %add3A_645 : i32 to index
        %get3A_656 = arith.constant 16 : index
        %get3A_657 = tpu.vector_load %arg6[%get3A_655, %get3A_656] {strides = array<i32>} : memref<200x128xf32, #tpu.memory_space<vmem>>, vector<1x16xf32>,
        %get3A_658 = vector.shape_cast %get3A_657 : vector<1x16xf32> to vector<16xf32>
        %swap3A_659 = arith.index_cast %add3A_645 : i32 to index
        %swap3A_660 = arith.constant 16 : index
        %swap3A_661 = tpu.vector_load %arg12[%swap3A_659, %swap3A_660] {strides = array<i32>} : memref<200x128xf32, #tpu.memory_space<vmem>>, vector<1x16xf32>,
        %swap3A_662 = vector.shape_cast %swap3A_661 : vector<1x16xf32> to vector<16xf32>
        %swap3A_663 = vector.shape_cast %get3A_658 : vector<16xf32> to vector<1x16xf32>
        tpu.vector_store %arg12[%swap3A_659, %swap3A_660], %swap3A_663 {add = true, strides = array<i32>} : memref<200x128xf32, #tpu.memory_space<vmem>>, vector<1x16xf32>,
        %get3A_664 = arith.index_cast %add3A_645 : i32 to index
        %get3A_665 = arith.constant 32 : index
        %get3A_666 = tpu.vector_load %arg6[%get3A_664, %get3A_665] {strides = array<i32>} : memref<200x128xf32, #tpu.memory_space<vmem>>, vector<1x16xf32>,
        %get3A_667 = vector.shape_cast %get3A_666 : vector<1x16xf32> to vector<16xf32>
        %swap3A_668 = arith.index_cast %add3A_645 : i32 to index
        %swap3A_669 = arith.constant 32 : index
        %swap3A_670 = tpu.vector_load %arg12[%swap3A_668, %swap3A_669] {strides = array<i32>} : memref<200x128xf32, #tpu.memory_space<vmem>>, vector<1x16xf32>,
        %swap3A_671 = vector.shape_cast %swap3A_670 : vector<1x16xf32> to vector<16xf32>
        %swap3A_672 = vector.shape_cast %get3A_667 : vector<16xf32> to vector<1x16xf32>
        tpu.vector_store %arg12[%swap3A_668, %swap3A_669], %swap3A_672 {add = true, strides = array<i32>} : memref<200x128xf32, #tpu.memory_space<vmem>>, vector<1x16xf32>,
        %get3A_673 = arith.index_cast %add3A_645 : i32 to index
        %get3A_674 = arith.constant 48 : index
        %get3A_675 = tpu.vector_load %arg6[%get3A_673, %get3A_674] {strides = array<i32>} : memref<200x128xf32, #tpu.memory_space<vmem>>, vector<1x16xf32>,
        %get3A_676 = vector.shape_cast %get3A_675 : vector<1x16xf32> to vector<16xf32>
        %swap3A_677 = arith.index_cast %add3A_645 : i32 to index
        %swap3A_678 = arith.constant 48 : index
        %swap3A_679 = tpu.vector_load %arg12[%swap3A_677, %swap3A_678] {strides = array<i32>} : memref<200x128xf32, #tpu.memory_space<vmem>>, vector<1x16xf32>,
        %swap3A_680 = vector.shape_cast %swap3A_679 : vector<1x16xf32> to vector<16xf32>
        %swap3A_681 = vector.shape_cast %get3A_676 : vector<16xf32> to vector<1x16xf32>
        tpu.vector_store %arg12[%swap3A_677, %swap3A_678], %swap3A_681 {add = true, strides = array<i32>} : memref<200x128xf32, #tpu.memory_space<vmem>>, vector<1x16xf32>,
        %mul3A_682 = arith.constant 8 : i32
        %mul3A_683 = arith.muli %scan3A_441, %mul3A_682 : i32
        %add3A_684 = arith.constant 6 : i32
        %add3A_685 = arith.addi %mul3A_683, %add3A_684 : i32
        %get3A_686 = arith.index_cast %add3A_685 : i32 to index
        %get3A_687 = arith.constant 0 : index
        %get3A_688 = tpu.vector_load %arg6[%get3A_686, %get3A_687] {strides = array<i32>} : memref<200x128xf32, #tpu.memory_space<vmem>>, vector<1x16xf32>,
        %get3A_689 = vector.shape_cast %get3A_688 : vector<1x16xf32> to vector<16xf32>
        %swap3A_690 = arith.index_cast %add3A_685 : i32 to index
        %swap3A_691 = arith.constant 0 : index
        %swap3A_692 = tpu.vector_load %arg12[%swap3A_690, %swap3A_691] {strides = array<i32>} : memref<200x128xf32, #tpu.memory_space<vmem>>, vector<1x16xf32>,
        %swap3A_693 = vector.shape_cast %swap3A_692 : vector<1x16xf32> to vector<16xf32>
        %swap3A_694 = vector.shape_cast %get3A_689 : vector<16xf32> to vector<1x16xf32>
        tpu.vector_store %arg12[%swap3A_690, %swap3A_691], %swap3A_694 {add = true, strides = array<i32>} : memref<200x128xf32, #tpu.memory_space<vmem>>, vector<1x16xf32>,
        %get3A_695 = arith.index_cast %add3A_685 : i32 to index
        %get3A_696 = arith.constant 16 : index
        %get3A_697 = tpu.vector_load %arg6[%get3A_695, %get3A_696] {strides = array<i32>} : memref<200x128xf32, #tpu.memory_space<vmem>>, vector<1x16xf32>,
        %get3A_698 = vector.shape_cast %get3A_697 : vector<1x16xf32> to vector<16xf32>
        %swap3A_699 = arith.index_cast %add3A_685 : i32 to index
        %swap3A_700 = arith.constant 16 : index
        %swap3A_701 = tpu.vector_load %arg12[%swap3A_699, %swap3A_700] {strides = array<i32>} : memref<200x128xf32, #tpu.memory_space<vmem>>, vector<1x16xf32>,
        %swap3A_702 = vector.shape_cast %swap3A_701 : vector<1x16xf32> to vector<16xf32>
        %swap3A_703 = vector.shape_cast %get3A_698 : vector<16xf32> to vector<1x16xf32>
        tpu.vector_store %arg12[%swap3A_699, %swap3A_700], %swap3A_703 {add = true, strides = array<i32>} : memref<200x128xf32, #tpu.memory_space<vmem>>, vector<1x16xf32>,
        %get3A_704 = arith.index_cast %add3A_685 : i32 to index
        %get3A_705 = arith.constant 32 : index
        %get3A_706 = tpu.vector_load %arg6[%get3A_704, %get3A_705] {strides = array<i32>} : memref<200x128xf32, #tpu.memory_space<vmem>>, vector<1x16xf32>,
        %get3A_707 = vector.shape_cast %get3A_706 : vector<1x16xf32> to vector<16xf32>
        %swap3A_708 = arith.index_cast %add3A_685 : i32 to index
        %swap3A_709 = arith.constant 32 : index
        %swap3A_710 = tpu.vector_load %arg12[%swap3A_708, %swap3A_709] {strides = array<i32>} : memref<200x128xf32, #tpu.memory_space<vmem>>, vector<1x16xf32>,
        %swap3A_711 = vector.shape_cast %swap3A_710 : vector<1x16xf32> to vector<16xf32>
        %swap3A_712 = vector.shape_cast %get3A_707 : vector<16xf32> to vector<1x16xf32>
        tpu.vector_store %arg12[%swap3A_708, %swap3A_709], %swap3A_712 {add = true, strides = array<i32>} : memref<200x128xf32, #tpu.memory_space<vmem>>, vector<1x16xf32>,
        %get3A_713 = arith.index_cast %add3A_685 : i32 to index
        %get3A_714 = arith.constant 48 : index
        %get3A_715 = tpu.vector_load %arg6[%get3A_713, %get3A_714] {strides = array<i32>} : memref<200x128xf32, #tpu.memory_space<vmem>>, vector<1x16xf32>,
        %get3A_716 = vector.shape_cast %get3A_715 : vector<1x16xf32> to vector<16xf32>
        %swap3A_717 = arith.index_cast %add3A_685 : i32 to index
        %swap3A_718 = arith.constant 48 : index
        %swap3A_719 = tpu.vector_load %arg12[%swap3A_717, %swap3A_718] {strides = array<i32>} : memref<200x128xf32, #tpu.memory_space<vmem>>, vector<1x16xf32>,
        %swap3A_720 = vector.shape_cast %swap3A_719 : vector<1x16xf32> to vector<16xf32>
        %swap3A_721 = vector.shape_cast %get3A_716 : vector<16xf32> to vector<1x16xf32>
        tpu.vector_store %arg12[%swap3A_717, %swap3A_718], %swap3A_721 {add = true, strides = array<i32>} : memref<200x128xf32, #tpu.memory_space<vmem>>, vector<1x16xf32>,
        %mul3A_722 = arith.constant 8 : i32
        %mul3A_723 = arith.muli %scan3A_441, %mul3A_722 : i32
        %add3A_724 = arith.constant 7 : i32
        %add3A_725 = arith.addi %mul3A_723, %add3A_724 : i32
        %get3A_726 = arith.index_cast %add3A_725 : i32 to index
        %get3A_727 = arith.constant 0 : index
        %get3A_728 = tpu.vector_load %arg6[%get3A_726, %get3A_727] {strides = array<i32>} : memref<200x128xf32, #tpu.memory_space<vmem>>, vector<1x16xf32>,
        %get3A_729 = vector.shape_cast %get3A_728 : vector<1x16xf32> to vector<16xf32>
        %swap3A_730 = arith.index_cast %add3A_725 : i32 to index
        %swap3A_731 = arith.constant 0 : index
        %swap3A_732 = tpu.vector_load %arg12[%swap3A_730, %swap3A_731] {strides = array<i32>} : memref<200x128xf32, #tpu.memory_space<vmem>>, vector<1x16xf32>,
        %swap3A_733 = vector.shape_cast %swap3A_732 : vector<1x16xf32> to vector<16xf32>
        %swap3A_734 = vector.shape_cast %get3A_729 : vector<16xf32> to vector<1x16xf32>
        tpu.vector_store %arg12[%swap3A_730, %swap3A_731], %swap3A_734 {add = true, strides = array<i32>} : memref<200x128xf32, #tpu.memory_space<vmem>>, vector<1x16xf32>,
        %get3A_735 = arith.index_cast %add3A_725 : i32 to index
        %get3A_736 = arith.constant 16 : index
        %get3A_737 = tpu.vector_load %arg6[%get3A_735, %get3A_736] {strides = array<i32>} : memref<200x128xf32, #tpu.memory_space<vmem>>, vector<1x16xf32>,
        %get3A_738 = vector.shape_cast %get3A_737 : vector<1x16xf32> to vector<16xf32>
        %swap3A_739 = arith.index_cast %add3A_725 : i32 to index
        %swap3A_740 = arith.constant 16 : index
        %swap3A_741 = tpu.vector_load %arg12[%swap3A_739, %swap3A_740] {strides = array<i32>} : memref<200x128xf32, #tpu.memory_space<vmem>>, vector<1x16xf32>,
        %swap3A_742 = vector.shape_cast %swap3A_741 : vector<1x16xf32> to vector<16xf32>
        %swap3A_743 = vector.shape_cast %get3A_738 : vector<16xf32> to vector<1x16xf32>
        tpu.vector_store %arg12[%swap3A_739, %swap3A_740], %swap3A_743 {add = true, strides = array<i32>} : memref<200x128xf32, #tpu.memory_space<vmem>>, vector<1x16xf32>,
        %get3A_744 = arith.index_cast %add3A_725 : i32 to index
        %get3A_745 = arith.constant 32 : index
        %get3A_746 = tpu.vector_load %arg6[%get3A_744, %get3A_745] {strides = array<i32>} : memref<200x128xf32, #tpu.memory_space<vmem>>, vector<1x16xf32>,
        %get3A_747 = vector.shape_cast %get3A_746 : vector<1x16xf32> to vector<16xf32>
        %swap3A_748 = arith.index_cast %add3A_725 : i32 to index
        %swap3A_749 = arith.constant 32 : index
        %swap3A_750 = tpu.vector_load %arg12[%swap3A_748, %swap3A_749] {strides = array<i32>} : memref<200x128xf32, #tpu.memory_space<vmem>>, vector<1x16xf32>,
        %swap3A_751 = vector.shape_cast %swap3A_750 : vector<1x16xf32> to vector<16xf32>
        %swap3A_752 = vector.shape_cast %get3A_747 : vector<16xf32> to vector<1x16xf32>
        tpu.vector_store %arg12[%swap3A_748, %swap3A_749], %swap3A_752 {add = true, strides = array<i32>} : memref<200x128xf32, #tpu.memory_space<vmem>>, vector<1x16xf32>,
        %get3A_753 = arith.index_cast %add3A_725 : i32 to index
        %get3A_754 = arith.constant 48 : index
        %get3A_755 = tpu.vector_load %arg6[%get3A_753, %get3A_754] {strides = array<i32>} : memref<200x128xf32, #tpu.memory_space<vmem>>, vector<1x16xf32>,
        %get3A_756 = vector.shape_cast %get3A_755 : vector<1x16xf32> to vector<16xf32>
        %swap3A_757 = arith.index_cast %add3A_725 : i32 to index
        %swap3A_758 = arith.constant 48 : index
        %swap3A_759 = tpu.vector_load %arg12[%swap3A_757, %swap3A_758] {strides = array<i32>} : memref<200x128xf32, #tpu.memory_space<vmem>>, vector<1x16xf32>,
        %swap3A_760 = vector.shape_cast %swap3A_759 : vector<1x16xf32> to vector<16xf32>
        %swap3A_761 = vector.shape_cast %get3A_756 : vector<16xf32> to vector<1x16xf32>
        tpu.vector_store %arg12[%swap3A_757, %swap3A_758], %swap3A_761 {add = true, strides = array<i32>} : memref<200x128xf32, #tpu.memory_space<vmem>>, vector<1x16xf32>,
        %scan3A_762 = arith.constant 0 : i32
        scf.yield %scan3A_762 : i32
      }
      %scan3A_299 = arith.constant 25 : i32
      %add3A_300 = arith.addi %mul3A_2, %add3A_246 : i32
      %dma_start3A_301 = arith.constant 0 : i32
      %dma_start3A_302 = arith.constant 0 : i32
      %dma_start3A_303 = tpu.memref_slice %arg5[%add3A_300, %dma_start3A_301, %dma_start3A_302] : memref<4096x200x128xf32, #tpu.memory_space<hbm>> -> memref<1x200x128xf32, #tpu.memory_space<hbm>>
      %dma_start3A_304 = tpu.memref_squeeze %dma_start3A_303 : memref<1x200x128xf32, #tpu.memory_space<hbm>> -> memref<200x128xf32, #tpu.memory_space<hbm>>
      %dma_start3A_305 = arith.constant 0 : i32
      %dma_start3A_306 = arith.constant 0 : i32
      %dma_start3A_307 = tpu.memref_slice %arg5[%add3A_300, %dma_start3A_305, %dma_start3A_306] : memref<4096x200x128xf32, #tpu.memory_space<hbm>> -> memref<1x200x128xf32, #tpu.memory_space<hbm>>
      %dma_start3A_308 = tpu.memref_squeeze %dma_start3A_307 : memref<1x200x128xf32, #tpu.memory_space<hbm>> -> memref<200x128xf32, #tpu.memory_space<hbm>>
      tpu.enqueue_dma source(%arg12 : memref<200x128xf32, #tpu.memory_space<vmem>>) target(%dma_start3A_308 : memref<200x128xf32, #tpu.memory_space<hbm>>) target_semaphore(%arg24 : memref<!tpu.dma_semaphore, #tpu.memory_space<semaphore_mem>>)
      %mul3A_309 = arith.constant 4 : i32
      %mul3A_310 = arith.muli %scan3A_181, %mul3A_309 : i32
      %add3A_311 = arith.constant 2 : i32
      %add3A_312 = arith.addi %mul3A_310, %add3A_311 : i32
      %dma_wait3A_313 = arith.constant 0 : i32
      %dma_wait3A_314 = arith.constant 0 : i32
      %dma_wait3A_315 = tpu.memref_slice %arg13[%dma_wait3A_313, %dma_wait3A_314] : memref<200x128xf32, #tpu.memory_space<vmem>> -> memref<192x128xf32, #tpu.memory_space<vmem>>
      %dma_wait3A_316 = arith.constant 0 : i32
      %dma_wait3A_317 = arith.constant 0 : i32
      %dma_wait3A_318 = tpu.memref_slice %arg2[%dma_wait3A_316, %dma_wait3A_317] : memref<1000000x128xf32, #tpu.memory_space<hbm>> -> memref<192x128xf32, #tpu.memory_space<hbm>>
      %dma_wait3A_319 = arith.constant 0 : i32
      %dma_wait3A_320 = arith.constant 0 : i32
      %dma_wait3A_321 = tpu.memref_slice %arg13[%dma_wait3A_319, %dma_wait3A_320] : memref<200x128xf32, #tpu.memory_space<vmem>> -> memref<192x128xf32, #tpu.memory_space<vmem>>
      %dma_wait3A_322 = arith.constant 0 : i32
      %dma_wait3A_323 = arith.constant 0 : i32
      %dma_wait3A_324 = tpu.memref_slice %arg2[%dma_wait3A_322, %dma_wait3A_323] : memref<1000000x128xf32, #tpu.memory_space<hbm>> -> memref<192x128xf32, #tpu.memory_space<hbm>>
      tpu.wait_dma2 semaphore(%arg21 : memref<!tpu.dma_semaphore, #tpu.memory_space<semaphore_mem>>) src(%dma_wait3A_324 : memref<192x128xf32, #tpu.memory_space<hbm>>) dst(%dma_wait3A_321 : memref<192x128xf32, #tpu.memory_space<vmem>>)
      %dma_wait3A_325 = arith.constant 0 : i32
      %dma_wait3A_326 = arith.constant 0 : i32
      %dma_wait3A_327 = tpu.memref_slice %arg13[%dma_wait3A_325, %dma_wait3A_326] : memref<200x128xf32, #tpu.memory_space<vmem>> -> memref<16x128xf32, #tpu.memory_space<vmem>>
      %dma_wait3A_328 = arith.constant 0 : i32
      %dma_wait3A_329 = arith.constant 0 : i32
      %dma_wait3A_330 = tpu.memref_slice %arg2[%dma_wait3A_328, %dma_wait3A_329] : memref<1000000x128xf32, #tpu.memory_space<hbm>> -> memref<16x128xf32, #tpu.memory_space<hbm>>
      %dma_wait3A_331 = arith.constant 0 : i32
      %dma_wait3A_332 = arith.constant 0 : i32
      %dma_wait3A_333 = tpu.memref_slice %arg13[%dma_wait3A_331, %dma_wait3A_332] : memref<200x128xf32, #tpu.memory_space<vmem>> -> memref<16x128xf32, #tpu.memory_space<vmem>>
      %dma_wait3A_334 = arith.constant 0 : i32
      %dma_wait3A_335 = arith.constant 0 : i32
      %dma_wait3A_336 = tpu.memref_slice %arg2[%dma_wait3A_334, %dma_wait3A_335] : memref<1000000x128xf32, #tpu.memory_space<hbm>> -> memref<16x128xf32, #tpu.memory_space<hbm>>
      tpu.wait_dma2 semaphore(%arg21 : memref<!tpu.dma_semaphore, #tpu.memory_space<semaphore_mem>>) src(%dma_wait3A_336 : memref<16x128xf32, #tpu.memory_space<hbm>>) dst(%dma_wait3A_333 : memref<16x128xf32, #tpu.memory_space<vmem>>)
      %add3A_337 = arith.constant 1 : i32
      %add3A_338 = arith.addi %add3A_312, %add3A_337 : i32
      %add3A_339 = arith.constant 4 : i32
      %add3A_340 = arith.addi %add3A_312, %add3A_339 : i32
      %lt3A_341 = arith.constant 128 : i32
      %lt3A_342 = arith.cmpi slt, %add3A_340, %lt3A_341 : i32
      %convert_element_type3A_343 = arith.extui %lt3A_342 : i1 to i32
      %cond3A_344 = arith.constant 0 : i32
      %cond3A_345 = arith.cmpi ne, %convert_element_type3A_343, %cond3A_344 : i32
      scf.if %cond3A_345 {
        %add3A_441 = arith.constant 4 : i32
        %add3A_442 = arith.addi %add3A_312, %add3A_441 : i32
        %dma_start3A_443 = arith.constant 0 : i32
        %dma_start3A_444 = tpu.memref_slice %arg3[%add3A, %add3A_442, %dma_start3A_443] : memref<32x128x200xi32, #tpu.memory_space<hbm>> -> memref<1x1x200xi32, #tpu.memory_space<hbm>>
        %dma_start3A_445 = tpu.memref_squeeze %dma_start3A_444 : memref<1x1x200xi32, #tpu.memory_space<hbm>> -> memref<200xi32, #tpu.memory_space<hbm>>
        %dma_start3A_446 = arith.constant 0 : i32
        %dma_start3A_447 = tpu.memref_slice %arg3[%add3A, %add3A_442, %dma_start3A_446] : memref<32x128x200xi32, #tpu.memory_space<hbm>> -> memref<1x1x200xi32, #tpu.memory_space<hbm>>
        %dma_start3A_448 = tpu.memref_squeeze %dma_start3A_447 : memref<1x1x200xi32, #tpu.memory_space<hbm>> -> memref<200xi32, #tpu.memory_space<hbm>>
        tpu.enqueue_dma source(%dma_start3A_448 : memref<200xi32, #tpu.memory_space<hbm>>) target(%arg9 : memref<200xi32, #tpu.memory_space<vmem>>) target_semaphore(%arg17 : memref<!tpu.dma_semaphore, #tpu.memory_space<semaphore_mem>>)
      } else {
      }
      %ge3A_346 = arith.constant 4 : i32
      %ge3A_347 = arith.cmpi sge, %add3A_338, %ge3A_346 : i32
      %lt3A_348 = arith.constant 128 : i32
      %lt3A_349 = arith.cmpi slt, %add3A_338, %lt3A_348 : i32
      %and3A_350 = arith.andi %ge3A_347, %lt3A_349 : i1
      %convert_element_type3A_351 = arith.extui %and3A_350 : i1 to i32
      %cond3A_352 = arith.constant 0 : i32
      %cond3A_353 = arith.cmpi ne, %convert_element_type3A_351, %cond3A_352 : i32
      scf.if %cond3A_353 {
        %dma_wait3A_441 = arith.constant 0 : i32
        %dma_wait3A_442 = arith.constant 0 : i32
        %dma_wait3A_443 = tpu.memref_slice %arg5[%mul3A_2, %dma_wait3A_441, %dma_wait3A_442] : memref<4096x200x128xf32, #tpu.memory_space<hbm>> -> memref<1x200x128xf32, #tpu.memory_space<hbm>>
        %dma_wait3A_444 = tpu.memref_squeeze %dma_wait3A_443 : memref<1x200x128xf32, #tpu.memory_space<hbm>> -> memref<200x128xf32, #tpu.memory_space<hbm>>
        %dma_wait3A_445 = arith.constant 0 : i32
        %dma_wait3A_446 = arith.constant 0 : i32
        %dma_wait3A_447 = tpu.memref_slice %arg5[%mul3A_2, %dma_wait3A_445, %dma_wait3A_446] : memref<4096x200x128xf32, #tpu.memory_space<hbm>> -> memref<1x200x128xf32, #tpu.memory_space<hbm>>
        %dma_wait3A_448 = tpu.memref_squeeze %dma_wait3A_447 : memref<1x200x128xf32, #tpu.memory_space<hbm>> -> memref<200x128xf32, #tpu.memory_space<hbm>>
        tpu.wait_dma2 semaphore(%arg26 : memref<!tpu.dma_semaphore, #tpu.memory_space<semaphore_mem>>) src(%arg14 : memref<200x128xf32, #tpu.memory_space<vmem>>) dst(%dma_wait3A_448 : memref<200x128xf32, #tpu.memory_space<hbm>>)
      } else {
      }
      %lt3A_354 = arith.constant 128 : i32
      %lt3A_355 = arith.cmpi slt, %add3A_338, %lt3A_354 : i32
      %convert_element_type3A_356 = arith.extui %lt3A_355 : i1 to i32
      %cond3A_357 = arith.constant 0 : i32
      %cond3A_358 = arith.cmpi ne, %convert_element_type3A_356, %cond3A_357 : i32
      scf.if %cond3A_358 {
        %dma_wait3A_441 = arith.constant 0 : i32
        %dma_wait3A_442 = arith.constant 0 : i32
        %dma_wait3A_443 = tpu.memref_slice %arg3[%add3A, %dma_wait3A_441, %dma_wait3A_442] : memref<32x128x200xi32, #tpu.memory_space<hbm>> -> memref<1x1x200xi32, #tpu.memory_space<hbm>>
        %dma_wait3A_444 = tpu.memref_squeeze %dma_wait3A_443 : memref<1x1x200xi32, #tpu.memory_space<hbm>> -> memref<200xi32, #tpu.memory_space<hbm>>
        %dma_wait3A_445 = arith.constant 0 : i32
        %dma_wait3A_446 = tpu.memref_slice %arg3[%add3A, %dma_wait3A_441, %dma_wait3A_445] : memref<32x128x200xi32, #tpu.memory_space<hbm>> -> memref<1x1x200xi32, #tpu.memory_space<hbm>>
        %dma_wait3A_447 = tpu.memref_squeeze %dma_wait3A_446 : memref<1x1x200xi32, #tpu.memory_space<hbm>> -> memref<200xi32, #tpu.memory_space<hbm>>
        tpu.wait_dma2 semaphore(%arg18 : memref<!tpu.dma_semaphore, #tpu.memory_space<semaphore_mem>>) src(%dma_wait3A_447 : memref<200xi32, #tpu.memory_space<hbm>>) dst(%arg10 : memref<200xi32, #tpu.memory_space<vmem>>)
        %get3A_448 = arith.constant 0 : index
        %get3A_449 = tpu.vector_load %arg10[%get3A_448] {strides = array<i32>} : memref<200xi32, #tpu.memory_space<vmem>>, vector<16xi32>,
        %get3A_450 = vector.shape_cast %get3A_449 : vector<16xi32> to vector<16xi32>
        %dma_start3A_451 = arith.constant 0 : i32
        %dma_start3A_452 = arith.constant 0 : i32
        %dma_start3A_453 = tpu.memref_slice %arg14[%dma_start3A_451, %dma_start3A_452] : memref<200x128xf32, #tpu.memory_space<vmem>> -> memref<16x128xf32, #tpu.memory_space<vmem>>
        %dma_start3A_454 = arith.constant 0 : i32
        %dma_start3A_455 = arith.constant 0 : i32
        %dma_start3A_456 = tpu.memref_slice %arg2[%dma_start3A_454, %dma_start3A_455] : memref<1000000x128xf32, #tpu.memory_space<hbm>> -> memref<1000000x128xf32, #tpu.memory_space<hbm>>
        tpu.enqueue_indirect_dma source(%dma_start3A_456 : memref<1000000x128xf32, #tpu.memory_space<hbm>>) target(%dma_start3A_453 : memref<16x128xf32, #tpu.memory_space<vmem>>) offsets(%get3A_450 : vector<16xi32>) semaphore(%arg22 : memref<!tpu.dma_semaphore, #tpu.memory_space<semaphore_mem>>)
        %get3A_457 = arith.constant 16 : index
        %get3A_458 = tpu.vector_load %arg10[%get3A_457] {strides = array<i32>} : memref<200xi32, #tpu.memory_space<vmem>>, vector<16xi32>,
        %get3A_459 = vector.shape_cast %get3A_458 : vector<16xi32> to vector<16xi32>
        %dma_start3A_460 = arith.constant 16 : i32
        %dma_start3A_461 = arith.constant 0 : i32
        %dma_start3A_462 = tpu.memref_slice %arg14[%dma_start3A_460, %dma_start3A_461] : memref<200x128xf32, #tpu.memory_space<vmem>> -> memref<16x128xf32, #tpu.memory_space<vmem>>
        %dma_start3A_463 = arith.constant 0 : i32
        %dma_start3A_464 = arith.constant 0 : i32
        %dma_start3A_465 = tpu.memref_slice %arg2[%dma_start3A_463, %dma_start3A_464] : memref<1000000x128xf32, #tpu.memory_space<hbm>> -> memref<1000000x128xf32, #tpu.memory_space<hbm>>
        tpu.enqueue_indirect_dma source(%dma_start3A_465 : memref<1000000x128xf32, #tpu.memory_space<hbm>>) target(%dma_start3A_462 : memref<16x128xf32, #tpu.memory_space<vmem>>) offsets(%get3A_459 : vector<16xi32>) semaphore(%arg22 : memref<!tpu.dma_semaphore, #tpu.memory_space<semaphore_mem>>)
        %get3A_466 = arith.constant 32 : index
        %get3A_467 = tpu.vector_load %arg10[%get3A_466] {strides = array<i32>} : memref<200xi32, #tpu.memory_space<vmem>>, vector<16xi32>,
        %get3A_468 = vector.shape_cast %get3A_467 : vector<16xi32> to vector<16xi32>
        %dma_start3A_469 = arith.constant 32 : i32
        %dma_start3A_470 = arith.constant 0 : i32
        %dma_start3A_471 = tpu.memref_slice %arg14[%dma_start3A_469, %dma_start3A_470] : memref<200x128xf32, #tpu.memory_space<vmem>> -> memref<16x128xf32, #tpu.memory_space<vmem>>
        %dma_start3A_472 = arith.constant 0 : i32
        %dma_start3A_473 = arith.constant 0 : i32
        %dma_start3A_474 = tpu.memref_slice %arg2[%dma_start3A_472, %dma_start3A_473] : memref<1000000x128xf32, #tpu.memory_space<hbm>> -> memref<1000000x128xf32, #tpu.memory_space<hbm>>
        tpu.enqueue_indirect_dma source(%dma_start3A_474 : memref<1000000x128xf32, #tpu.memory_space<hbm>>) target(%dma_start3A_471 : memref<16x128xf32, #tpu.memory_space<vmem>>) offsets(%get3A_468 : vector<16xi32>) semaphore(%arg22 : memref<!tpu.dma_semaphore, #tpu.memory_space<semaphore_mem>>)
        %get3A_475 = arith.constant 48 : index
        %get3A_476 = tpu.vector_load %arg10[%get3A_475] {strides = array<i32>} : memref<200xi32, #tpu.memory_space<vmem>>, vector<16xi32>,
        %get3A_477 = vector.shape_cast %get3A_476 : vector<16xi32> to vector<16xi32>
        %dma_start3A_478 = arith.constant 48 : i32
        %dma_start3A_479 = arith.constant 0 : i32
        %dma_start3A_480 = tpu.memref_slice %arg14[%dma_start3A_478, %dma_start3A_479] : memref<200x128xf32, #tpu.memory_space<vmem>> -> memref<16x128xf32, #tpu.memory_space<vmem>>
        %dma_start3A_481 = arith.constant 0 : i32
        %dma_start3A_482 = arith.constant 0 : i32
        %dma_start3A_483 = tpu.memref_slice %arg2[%dma_start3A_481, %dma_start3A_482] : memref<1000000x128xf32, #tpu.memory_space<hbm>> -> memref<1000000x128xf32, #tpu.memory_space<hbm>>
        tpu.enqueue_indirect_dma source(%dma_start3A_483 : memref<1000000x128xf32, #tpu.memory_space<hbm>>) target(%dma_start3A_480 : memref<16x128xf32, #tpu.memory_space<vmem>>) offsets(%get3A_477 : vector<16xi32>) semaphore(%arg22 : memref<!tpu.dma_semaphore, #tpu.memory_space<semaphore_mem>>)
        %get3A_484 = arith.constant 64 : index
        %get3A_485 = tpu.vector_load %arg10[%get3A_484] {strides = array<i32>} : memref<200xi32, #tpu.memory_space<vmem>>, vector<16xi32>,
        %get3A_486 = vector.shape_cast %get3A_485 : vector<16xi32> to vector<16xi32>
        %dma_start3A_487 = arith.constant 64 : i32
        %dma_start3A_488 = arith.constant 0 : i32
        %dma_start3A_489 = tpu.memref_slice %arg14[%dma_start3A_487, %dma_start3A_488] : memref<200x128xf32, #tpu.memory_space<vmem>> -> memref<16x128xf32, #tpu.memory_space<vmem>>
        %dma_start3A_490 = arith.constant 0 : i32
        %dma_start3A_491 = arith.constant 0 : i32
        %dma_start3A_492 = tpu.memref_slice %arg2[%dma_start3A_490, %dma_start3A_491] : memref<1000000x128xf32, #tpu.memory_space<hbm>> -> memref<1000000x128xf32, #tpu.memory_space<hbm>>
        tpu.enqueue_indirect_dma source(%dma_start3A_492 : memref<1000000x128xf32, #tpu.memory_space<hbm>>) target(%dma_start3A_489 : memref<16x128xf32, #tpu.memory_space<vmem>>) offsets(%get3A_486 : vector<16xi32>) semaphore(%arg22 : memref<!tpu.dma_semaphore, #tpu.memory_space<semaphore_mem>>)
        %get3A_493 = arith.constant 80 : index
        %get3A_494 = tpu.vector_load %arg10[%get3A_493] {strides = array<i32>} : memref<200xi32, #tpu.memory_space<vmem>>, vector<16xi32>,
        %get3A_495 = vector.shape_cast %get3A_494 : vector<16xi32> to vector<16xi32>
        %dma_start3A_496 = arith.constant 80 : i32
        %dma_start3A_497 = arith.constant 0 : i32
        %dma_start3A_498 = tpu.memref_slice %arg14[%dma_start3A_496, %dma_start3A_497] : memref<200x128xf32, #tpu.memory_space<vmem>> -> memref<16x128xf32, #tpu.memory_space<vmem>>
        %dma_start3A_499 = arith.constant 0 : i32
        %dma_start3A_500 = arith.constant 0 : i32
        %dma_start3A_501 = tpu.memref_slice %arg2[%dma_start3A_499, %dma_start3A_500] : memref<1000000x128xf32, #tpu.memory_space<hbm>> -> memref<1000000x128xf32, #tpu.memory_space<hbm>>
        tpu.enqueue_indirect_dma source(%dma_start3A_501 : memref<1000000x128xf32, #tpu.memory_space<hbm>>) target(%dma_start3A_498 : memref<16x128xf32, #tpu.memory_space<vmem>>) offsets(%get3A_495 : vector<16xi32>) semaphore(%arg22 : memref<!tpu.dma_semaphore, #tpu.memory_space<semaphore_mem>>)
        %get3A_502 = arith.constant 96 : index
        %get3A_503 = tpu.vector_load %arg10[%get3A_502] {strides = array<i32>} : memref<200xi32, #tpu.memory_space<vmem>>, vector<16xi32>,
        %get3A_504 = vector.shape_cast %get3A_503 : vector<16xi32> to vector<16xi32>
        %dma_start3A_505 = arith.constant 96 : i32
        %dma_start3A_506 = arith.constant 0 : i32
        %dma_start3A_507 = tpu.memref_slice %arg14[%dma_start3A_505, %dma_start3A_506] : memref<200x128xf32, #tpu.memory_space<vmem>> -> memref<16x128xf32, #tpu.memory_space<vmem>>
        %dma_start3A_508 = arith.constant 0 : i32
        %dma_start3A_509 = arith.constant 0 : i32
        %dma_start3A_510 = tpu.memref_slice %arg2[%dma_start3A_508, %dma_start3A_509] : memref<1000000x128xf32, #tpu.memory_space<hbm>> -> memref<1000000x128xf32, #tpu.memory_space<hbm>>
        tpu.enqueue_indirect_dma source(%dma_start3A_510 : memref<1000000x128xf32, #tpu.memory_space<hbm>>) target(%dma_start3A_507 : memref<16x128xf32, #tpu.memory_space<vmem>>) offsets(%get3A_504 : vector<16xi32>) semaphore(%arg22 : memref<!tpu.dma_semaphore, #tpu.memory_space<semaphore_mem>>)
        %get3A_511 = arith.constant 112 : index
        %get3A_512 = tpu.vector_load %arg10[%get3A_511] {strides = array<i32>} : memref<200xi32, #tpu.memory_space<vmem>>, vector<16xi32>,
        %get3A_513 = vector.shape_cast %get3A_512 : vector<16xi32> to vector<16xi32>
        %dma_start3A_514 = arith.constant 112 : i32
        %dma_start3A_515 = arith.constant 0 : i32
        %dma_start3A_516 = tpu.memref_slice %arg14[%dma_start3A_514, %dma_start3A_515] : memref<200x128xf32, #tpu.memory_space<vmem>> -> memref<16x128xf32, #tpu.memory_space<vmem>>
        %dma_start3A_517 = arith.constant 0 : i32
        %dma_start3A_518 = arith.constant 0 : i32
        %dma_start3A_519 = tpu.memref_slice %arg2[%dma_start3A_517, %dma_start3A_518] : memref<1000000x128xf32, #tpu.memory_space<hbm>> -> memref<1000000x128xf32, #tpu.memory_space<hbm>>
        tpu.enqueue_indirect_dma source(%dma_start3A_519 : memref<1000000x128xf32, #tpu.memory_space<hbm>>) target(%dma_start3A_516 : memref<16x128xf32, #tpu.memory_space<vmem>>) offsets(%get3A_513 : vector<16xi32>) semaphore(%arg22 : memref<!tpu.dma_semaphore, #tpu.memory_space<semaphore_mem>>)
        %get3A_520 = arith.constant 128 : index
        %get3A_521 = tpu.vector_load %arg10[%get3A_520] {strides = array<i32>} : memref<200xi32, #tpu.memory_space<vmem>>, vector<16xi32>,
        %get3A_522 = vector.shape_cast %get3A_521 : vector<16xi32> to vector<16xi32>
        %dma_start3A_523 = arith.constant 128 : i32
        %dma_start3A_524 = arith.constant 0 : i32
        %dma_start3A_525 = tpu.memref_slice %arg14[%dma_start3A_523, %dma_start3A_524] : memref<200x128xf32, #tpu.memory_space<vmem>> -> memref<16x128xf32, #tpu.memory_space<vmem>>
        %dma_start3A_526 = arith.constant 0 : i32
        %dma_start3A_527 = arith.constant 0 : i32
        %dma_start3A_528 = tpu.memref_slice %arg2[%dma_start3A_526, %dma_start3A_527] : memref<1000000x128xf32, #tpu.memory_space<hbm>> -> memref<1000000x128xf32, #tpu.memory_space<hbm>>
        tpu.enqueue_indirect_dma source(%dma_start3A_528 : memref<1000000x128xf32, #tpu.memory_space<hbm>>) target(%dma_start3A_525 : memref<16x128xf32, #tpu.memory_space<vmem>>) offsets(%get3A_522 : vector<16xi32>) semaphore(%arg22 : memref<!tpu.dma_semaphore, #tpu.memory_space<semaphore_mem>>)
        %get3A_529 = arith.constant 144 : index
        %get3A_530 = tpu.vector_load %arg10[%get3A_529] {strides = array<i32>} : memref<200xi32, #tpu.memory_space<vmem>>, vector<16xi32>,
        %get3A_531 = vector.shape_cast %get3A_530 : vector<16xi32> to vector<16xi32>
        %dma_start3A_532 = arith.constant 144 : i32
        %dma_start3A_533 = arith.constant 0 : i32
        %dma_start3A_534 = tpu.memref_slice %arg14[%dma_start3A_532, %dma_start3A_533] : memref<200x128xf32, #tpu.memory_space<vmem>> -> memref<16x128xf32, #tpu.memory_space<vmem>>
        %dma_start3A_535 = arith.constant 0 : i32
        %dma_start3A_536 = arith.constant 0 : i32
        %dma_start3A_537 = tpu.memref_slice %arg2[%dma_start3A_535, %dma_start3A_536] : memref<1000000x128xf32, #tpu.memory_space<hbm>> -> memref<1000000x128xf32, #tpu.memory_space<hbm>>
        tpu.enqueue_indirect_dma source(%dma_start3A_537 : memref<1000000x128xf32, #tpu.memory_space<hbm>>) target(%dma_start3A_534 : memref<16x128xf32, #tpu.memory_space<vmem>>) offsets(%get3A_531 : vector<16xi32>) semaphore(%arg22 : memref<!tpu.dma_semaphore, #tpu.memory_space<semaphore_mem>>)
        %get3A_538 = arith.constant 160 : index
        %get3A_539 = tpu.vector_load %arg10[%get3A_538] {strides = array<i32>} : memref<200xi32, #tpu.memory_space<vmem>>, vector<16xi32>,
        %get3A_540 = vector.shape_cast %get3A_539 : vector<16xi32> to vector<16xi32>
        %dma_start3A_541 = arith.constant 160 : i32
        %dma_start3A_542 = arith.constant 0 : i32
        %dma_start3A_543 = tpu.memref_slice %arg14[%dma_start3A_541, %dma_start3A_542] : memref<200x128xf32, #tpu.memory_space<vmem>> -> memref<16x128xf32, #tpu.memory_space<vmem>>
        %dma_start3A_544 = arith.constant 0 : i32
        %dma_start3A_545 = arith.constant 0 : i32
        %dma_start3A_546 = tpu.memref_slice %arg2[%dma_start3A_544, %dma_start3A_545] : memref<1000000x128xf32, #tpu.memory_space<hbm>> -> memref<1000000x128xf32, #tpu.memory_space<hbm>>
        tpu.enqueue_indirect_dma source(%dma_start3A_546 : memref<1000000x128xf32, #tpu.memory_space<hbm>>) target(%dma_start3A_543 : memref<16x128xf32, #tpu.memory_space<vmem>>) offsets(%get3A_540 : vector<16xi32>) semaphore(%arg22 : memref<!tpu.dma_semaphore, #tpu.memory_space<semaphore_mem>>)
        %get3A_547 = arith.constant 176 : index
        %get3A_548 = tpu.vector_load %arg10[%get3A_547] {strides = array<i32>} : memref<200xi32, #tpu.memory_space<vmem>>, vector<16xi32>,
        %get3A_549 = vector.shape_cast %get3A_548 : vector<16xi32> to vector<16xi32>
        %dma_start3A_550 = arith.constant 176 : i32
        %dma_start3A_551 = arith.constant 0 : i32
        %dma_start3A_552 = tpu.memref_slice %arg14[%dma_start3A_550, %dma_start3A_551] : memref<200x128xf32, #tpu.memory_space<vmem>> -> memref<16x128xf32, #tpu.memory_space<vmem>>
        %dma_start3A_553 = arith.constant 0 : i32
        %dma_start3A_554 = arith.constant 0 : i32
        %dma_start3A_555 = tpu.memref_slice %arg2[%dma_start3A_553, %dma_start3A_554] : memref<1000000x128xf32, #tpu.memory_space<hbm>> -> memref<1000000x128xf32, #tpu.memory_space<hbm>>
        tpu.enqueue_indirect_dma source(%dma_start3A_555 : memref<1000000x128xf32, #tpu.memory_space<hbm>>) target(%dma_start3A_552 : memref<16x128xf32, #tpu.memory_space<vmem>>) offsets(%get3A_549 : vector<16xi32>) semaphore(%arg22 : memref<!tpu.dma_semaphore, #tpu.memory_space<semaphore_mem>>)
        %get3A_556 = arith.constant 184 : index
        %get3A_557 = tpu.vector_load %arg10[%get3A_556] {strides = array<i32>} : memref<200xi32, #tpu.memory_space<vmem>>, vector<16xi32>,
        %get3A_558 = vector.shape_cast %get3A_557 : vector<16xi32> to vector<16xi32>
        %dma_start3A_559 = arith.constant 184 : i32
        %dma_start3A_560 = arith.constant 0 : i32
        %dma_start3A_561 = tpu.memref_slice %arg14[%dma_start3A_559, %dma_start3A_560] : memref<200x128xf32, #tpu.memory_space<vmem>> -> memref<16x128xf32, #tpu.memory_space<vmem>>
        %dma_start3A_562 = arith.constant 0 : i32
        %dma_start3A_563 = arith.constant 0 : i32
        %dma_start3A_564 = tpu.memref_slice %arg2[%dma_start3A_562, %dma_start3A_563] : memref<1000000x128xf32, #tpu.memory_space<hbm>> -> memref<1000000x128xf32, #tpu.memory_space<hbm>>
        tpu.enqueue_indirect_dma source(%dma_start3A_564 : memref<1000000x128xf32, #tpu.memory_space<hbm>>) target(%dma_start3A_561 : memref<16x128xf32, #tpu.memory_space<vmem>>) offsets(%get3A_558 : vector<16xi32>) semaphore(%arg22 : memref<!tpu.dma_semaphore, #tpu.memory_space<semaphore_mem>>)
      } else {
      }
      %scan3A_359 = arith.constant 0 : i32
      %scan3A_360 = arith.constant 0 : i32
      %scan3A_361 = arith.constant 25 : i32
      %scan3A_362 = arith.addi %scan3A_360, %scan3A_361 : i32
      %scan3A_363 = arith.constant 1 : i32
      %scan3A_364 = scf.for %scan3A_441 = %scan3A_360 to %scan3A_362 step %scan3A_363 iter_args(%scan3A_442 = %scan3A_359) -> (i32)  : i32 {
        %mul3A_443 = arith.constant 8 : i32
        %mul3A_444 = arith.muli %scan3A_441, %mul3A_443 : i32
        %add3A_445 = arith.constant 0 : i32
        %add3A_446 = arith.addi %mul3A_444, %add3A_445 : i32
        %get3A_447 = arith.index_cast %add3A_446 : i32 to index
        %get3A_448 = arith.constant 0 : index
        %get3A_449 = tpu.vector_load %arg6[%get3A_447, %get3A_448] {strides = array<i32>} : memref<200x128xf32, #tpu.memory_space<vmem>>, vector<1x16xf32>,
        %get3A_450 = vector.shape_cast %get3A_449 : vector<1x16xf32> to vector<16xf32>
        %swap3A = arith.index_cast %add3A_446 : i32 to index
        %swap3A_451 = arith.constant 0 : index
        %swap3A_452 = tpu.vector_load %arg13[%swap3A, %swap3A_451] {strides = array<i32>} : memref<200x128xf32, #tpu.memory_space<vmem>>, vector<1x16xf32>,
        %swap3A_453 = vector.shape_cast %swap3A_452 : vector<1x16xf32> to vector<16xf32>
        %swap3A_454 = vector.shape_cast %get3A_450 : vector<16xf32> to vector<1x16xf32>
        tpu.vector_store %arg13[%swap3A, %swap3A_451], %swap3A_454 {add = true, strides = array<i32>} : memref<200x128xf32, #tpu.memory_space<vmem>>, vector<1x16xf32>,
        %get3A_455 = arith.index_cast %add3A_446 : i32 to index
        %get3A_456 = arith.constant 16 : index
        %get3A_457 = tpu.vector_load %arg6[%get3A_455, %get3A_456] {strides = array<i32>} : memref<200x128xf32, #tpu.memory_space<vmem>>, vector<1x16xf32>,
        %get3A_458 = vector.shape_cast %get3A_457 : vector<1x16xf32> to vector<16xf32>
        %swap3A_459 = arith.index_cast %add3A_446 : i32 to index
        %swap3A_460 = arith.constant 16 : index
        %swap3A_461 = tpu.vector_load %arg13[%swap3A_459, %swap3A_460] {strides = array<i32>} : memref<200x128xf32, #tpu.memory_space<vmem>>, vector<1x16xf32>,
        %swap3A_462 = vector.shape_cast %swap3A_461 : vector<1x16xf32> to vector<16xf32>
        %swap3A_463 = vector.shape_cast %get3A_458 : vector<16xf32> to vector<1x16xf32>
        tpu.vector_store %arg13[%swap3A_459, %swap3A_460], %swap3A_463 {add = true, strides = array<i32>} : memref<200x128xf32, #tpu.memory_space<vmem>>, vector<1x16xf32>,
        %get3A_464 = arith.index_cast %add3A_446 : i32 to index
        %get3A_465 = arith.constant 32 : index
        %get3A_466 = tpu.vector_load %arg6[%get3A_464, %get3A_465] {strides = array<i32>} : memref<200x128xf32, #tpu.memory_space<vmem>>, vector<1x16xf32>,
        %get3A_467 = vector.shape_cast %get3A_466 : vector<1x16xf32> to vector<16xf32>
        %swap3A_468 = arith.index_cast %add3A_446 : i32 to index
        %swap3A_469 = arith.constant 32 : index
        %swap3A_470 = tpu.vector_load %arg13[%swap3A_468, %swap3A_469] {strides = array<i32>} : memref<200x128xf32, #tpu.memory_space<vmem>>, vector<1x16xf32>,
        %swap3A_471 = vector.shape_cast %swap3A_470 : vector<1x16xf32> to vector<16xf32>
        %swap3A_472 = vector.shape_cast %get3A_467 : vector<16xf32> to vector<1x16xf32>
        tpu.vector_store %arg13[%swap3A_468, %swap3A_469], %swap3A_472 {add = true, strides = array<i32>} : memref<200x128xf32, #tpu.memory_space<vmem>>, vector<1x16xf32>,
        %get3A_473 = arith.index_cast %add3A_446 : i32 to index
        %get3A_474 = arith.constant 48 : index
        %get3A_475 = tpu.vector_load %arg6[%get3A_473, %get3A_474] {strides = array<i32>} : memref<200x128xf32, #tpu.memory_space<vmem>>, vector<1x16xf32>,
        %get3A_476 = vector.shape_cast %get3A_475 : vector<1x16xf32> to vector<16xf32>
        %swap3A_477 = arith.index_cast %add3A_446 : i32 to index
        %swap3A_478 = arith.constant 48 : index
        %swap3A_479 = tpu.vector_load %arg13[%swap3A_477, %swap3A_478] {strides = array<i32>} : memref<200x128xf32, #tpu.memory_space<vmem>>, vector<1x16xf32>,
        %swap3A_480 = vector.shape_cast %swap3A_479 : vector<1x16xf32> to vector<16xf32>
        %swap3A_481 = vector.shape_cast %get3A_476 : vector<16xf32> to vector<1x16xf32>
        tpu.vector_store %arg13[%swap3A_477, %swap3A_478], %swap3A_481 {add = true, strides = array<i32>} : memref<200x128xf32, #tpu.memory_space<vmem>>, vector<1x16xf32>,
        %mul3A_482 = arith.constant 8 : i32
        %mul3A_483 = arith.muli %scan3A_441, %mul3A_482 : i32
        %add3A_484 = arith.constant 1 : i32
        %add3A_485 = arith.addi %mul3A_483, %add3A_484 : i32
        %get3A_486 = arith.index_cast %add3A_485 : i32 to index
        %get3A_487 = arith.constant 0 : index
        %get3A_488 = tpu.vector_load %arg6[%get3A_486, %get3A_487] {strides = array<i32>} : memref<200x128xf32, #tpu.memory_space<vmem>>, vector<1x16xf32>,
        %get3A_489 = vector.shape_cast %get3A_488 : vector<1x16xf32> to vector<16xf32>
        %swap3A_490 = arith.index_cast %add3A_485 : i32 to index
        %swap3A_491 = arith.constant 0 : index
        %swap3A_492 = tpu.vector_load %arg13[%swap3A_490, %swap3A_491] {strides = array<i32>} : memref<200x128xf32, #tpu.memory_space<vmem>>, vector<1x16xf32>,
        %swap3A_493 = vector.shape_cast %swap3A_492 : vector<1x16xf32> to vector<16xf32>
        %swap3A_494 = vector.shape_cast %get3A_489 : vector<16xf32> to vector<1x16xf32>
        tpu.vector_store %arg13[%swap3A_490, %swap3A_491], %swap3A_494 {add = true, strides = array<i32>} : memref<200x128xf32, #tpu.memory_space<vmem>>, vector<1x16xf32>,
        %get3A_495 = arith.index_cast %add3A_485 : i32 to index
        %get3A_496 = arith.constant 16 : index
        %get3A_497 = tpu.vector_load %arg6[%get3A_495, %get3A_496] {strides = array<i32>} : memref<200x128xf32, #tpu.memory_space<vmem>>, vector<1x16xf32>,
        %get3A_498 = vector.shape_cast %get3A_497 : vector<1x16xf32> to vector<16xf32>
        %swap3A_499 = arith.index_cast %add3A_485 : i32 to index
        %swap3A_500 = arith.constant 16 : index
        %swap3A_501 = tpu.vector_load %arg13[%swap3A_499, %swap3A_500] {strides = array<i32>} : memref<200x128xf32, #tpu.memory_space<vmem>>, vector<1x16xf32>,
        %swap3A_502 = vector.shape_cast %swap3A_501 : vector<1x16xf32> to vector<16xf32>
        %swap3A_503 = vector.shape_cast %get3A_498 : vector<16xf32> to vector<1x16xf32>
        tpu.vector_store %arg13[%swap3A_499, %swap3A_500], %swap3A_503 {add = true, strides = array<i32>} : memref<200x128xf32, #tpu.memory_space<vmem>>, vector<1x16xf32>,
        %get3A_504 = arith.index_cast %add3A_485 : i32 to index
        %get3A_505 = arith.constant 32 : index
        %get3A_506 = tpu.vector_load %arg6[%get3A_504, %get3A_505] {strides = array<i32>} : memref<200x128xf32, #tpu.memory_space<vmem>>, vector<1x16xf32>,
        %get3A_507 = vector.shape_cast %get3A_506 : vector<1x16xf32> to vector<16xf32>
        %swap3A_508 = arith.index_cast %add3A_485 : i32 to index
        %swap3A_509 = arith.constant 32 : index
        %swap3A_510 = tpu.vector_load %arg13[%swap3A_508, %swap3A_509] {strides = array<i32>} : memref<200x128xf32, #tpu.memory_space<vmem>>, vector<1x16xf32>,
        %swap3A_511 = vector.shape_cast %swap3A_510 : vector<1x16xf32> to vector<16xf32>
        %swap3A_512 = vector.shape_cast %get3A_507 : vector<16xf32> to vector<1x16xf32>
        tpu.vector_store %arg13[%swap3A_508, %swap3A_509], %swap3A_512 {add = true, strides = array<i32>} : memref<200x128xf32, #tpu.memory_space<vmem>>, vector<1x16xf32>,
        %get3A_513 = arith.index_cast %add3A_485 : i32 to index
        %get3A_514 = arith.constant 48 : index
        %get3A_515 = tpu.vector_load %arg6[%get3A_513, %get3A_514] {strides = array<i32>} : memref<200x128xf32, #tpu.memory_space<vmem>>, vector<1x16xf32>,
        %get3A_516 = vector.shape_cast %get3A_515 : vector<1x16xf32> to vector<16xf32>
        %swap3A_517 = arith.index_cast %add3A_485 : i32 to index
        %swap3A_518 = arith.constant 48 : index
        %swap3A_519 = tpu.vector_load %arg13[%swap3A_517, %swap3A_518] {strides = array<i32>} : memref<200x128xf32, #tpu.memory_space<vmem>>, vector<1x16xf32>,
        %swap3A_520 = vector.shape_cast %swap3A_519 : vector<1x16xf32> to vector<16xf32>
        %swap3A_521 = vector.shape_cast %get3A_516 : vector<16xf32> to vector<1x16xf32>
        tpu.vector_store %arg13[%swap3A_517, %swap3A_518], %swap3A_521 {add = true, strides = array<i32>} : memref<200x128xf32, #tpu.memory_space<vmem>>, vector<1x16xf32>,
        %mul3A_522 = arith.constant 8 : i32
        %mul3A_523 = arith.muli %scan3A_441, %mul3A_522 : i32
        %add3A_524 = arith.constant 2 : i32
        %add3A_525 = arith.addi %mul3A_523, %add3A_524 : i32
        %get3A_526 = arith.index_cast %add3A_525 : i32 to index
        %get3A_527 = arith.constant 0 : index
        %get3A_528 = tpu.vector_load %arg6[%get3A_526, %get3A_527] {strides = array<i32>} : memref<200x128xf32, #tpu.memory_space<vmem>>, vector<1x16xf32>,
        %get3A_529 = vector.shape_cast %get3A_528 : vector<1x16xf32> to vector<16xf32>
        %swap3A_530 = arith.index_cast %add3A_525 : i32 to index
        %swap3A_531 = arith.constant 0 : index
        %swap3A_532 = tpu.vector_load %arg13[%swap3A_530, %swap3A_531] {strides = array<i32>} : memref<200x128xf32, #tpu.memory_space<vmem>>, vector<1x16xf32>,
        %swap3A_533 = vector.shape_cast %swap3A_532 : vector<1x16xf32> to vector<16xf32>
        %swap3A_534 = vector.shape_cast %get3A_529 : vector<16xf32> to vector<1x16xf32>
        tpu.vector_store %arg13[%swap3A_530, %swap3A_531], %swap3A_534 {add = true, strides = array<i32>} : memref<200x128xf32, #tpu.memory_space<vmem>>, vector<1x16xf32>,
        %get3A_535 = arith.index_cast %add3A_525 : i32 to index
        %get3A_536 = arith.constant 16 : index
        %get3A_537 = tpu.vector_load %arg6[%get3A_535, %get3A_536] {strides = array<i32>} : memref<200x128xf32, #tpu.memory_space<vmem>>, vector<1x16xf32>,
        %get3A_538 = vector.shape_cast %get3A_537 : vector<1x16xf32> to vector<16xf32>
        %swap3A_539 = arith.index_cast %add3A_525 : i32 to index
        %swap3A_540 = arith.constant 16 : index
        %swap3A_541 = tpu.vector_load %arg13[%swap3A_539, %swap3A_540] {strides = array<i32>} : memref<200x128xf32, #tpu.memory_space<vmem>>, vector<1x16xf32>,
        %swap3A_542 = vector.shape_cast %swap3A_541 : vector<1x16xf32> to vector<16xf32>
        %swap3A_543 = vector.shape_cast %get3A_538 : vector<16xf32> to vector<1x16xf32>
        tpu.vector_store %arg13[%swap3A_539, %swap3A_540], %swap3A_543 {add = true, strides = array<i32>} : memref<200x128xf32, #tpu.memory_space<vmem>>, vector<1x16xf32>,
        %get3A_544 = arith.index_cast %add3A_525 : i32 to index
        %get3A_545 = arith.constant 32 : index
        %get3A_546 = tpu.vector_load %arg6[%get3A_544, %get3A_545] {strides = array<i32>} : memref<200x128xf32, #tpu.memory_space<vmem>>, vector<1x16xf32>,
        %get3A_547 = vector.shape_cast %get3A_546 : vector<1x16xf32> to vector<16xf32>
        %swap3A_548 = arith.index_cast %add3A_525 : i32 to index
        %swap3A_549 = arith.constant 32 : index
        %swap3A_550 = tpu.vector_load %arg13[%swap3A_548, %swap3A_549] {strides = array<i32>} : memref<200x128xf32, #tpu.memory_space<vmem>>, vector<1x16xf32>,
        %swap3A_551 = vector.shape_cast %swap3A_550 : vector<1x16xf32> to vector<16xf32>
        %swap3A_552 = vector.shape_cast %get3A_547 : vector<16xf32> to vector<1x16xf32>
        tpu.vector_store %arg13[%swap3A_548, %swap3A_549], %swap3A_552 {add = true, strides = array<i32>} : memref<200x128xf32, #tpu.memory_space<vmem>>, vector<1x16xf32>,
        %get3A_553 = arith.index_cast %add3A_525 : i32 to index
        %get3A_554 = arith.constant 48 : index
        %get3A_555 = tpu.vector_load %arg6[%get3A_553, %get3A_554] {strides = array<i32>} : memref<200x128xf32, #tpu.memory_space<vmem>>, vector<1x16xf32>,
        %get3A_556 = vector.shape_cast %get3A_555 : vector<1x16xf32> to vector<16xf32>
        %swap3A_557 = arith.index_cast %add3A_525 : i32 to index
        %swap3A_558 = arith.constant 48 : index
        %swap3A_559 = tpu.vector_load %arg13[%swap3A_557, %swap3A_558] {strides = array<i32>} : memref<200x128xf32, #tpu.memory_space<vmem>>, vector<1x16xf32>,
        %swap3A_560 = vector.shape_cast %swap3A_559 : vector<1x16xf32> to vector<16xf32>
        %swap3A_561 = vector.shape_cast %get3A_556 : vector<16xf32> to vector<1x16xf32>
        tpu.vector_store %arg13[%swap3A_557, %swap3A_558], %swap3A_561 {add = true, strides = array<i32>} : memref<200x128xf32, #tpu.memory_space<vmem>>, vector<1x16xf32>,
        %mul3A_562 = arith.constant 8 : i32
        %mul3A_563 = arith.muli %scan3A_441, %mul3A_562 : i32
        %add3A_564 = arith.constant 3 : i32
        %add3A_565 = arith.addi %mul3A_563, %add3A_564 : i32
        %get3A_566 = arith.index_cast %add3A_565 : i32 to index
        %get3A_567 = arith.constant 0 : index
        %get3A_568 = tpu.vector_load %arg6[%get3A_566, %get3A_567] {strides = array<i32>} : memref<200x128xf32, #tpu.memory_space<vmem>>, vector<1x16xf32>,
        %get3A_569 = vector.shape_cast %get3A_568 : vector<1x16xf32> to vector<16xf32>
        %swap3A_570 = arith.index_cast %add3A_565 : i32 to index
        %swap3A_571 = arith.constant 0 : index
        %swap3A_572 = tpu.vector_load %arg13[%swap3A_570, %swap3A_571] {strides = array<i32>} : memref<200x128xf32, #tpu.memory_space<vmem>>, vector<1x16xf32>,
        %swap3A_573 = vector.shape_cast %swap3A_572 : vector<1x16xf32> to vector<16xf32>
        %swap3A_574 = vector.shape_cast %get3A_569 : vector<16xf32> to vector<1x16xf32>
        tpu.vector_store %arg13[%swap3A_570, %swap3A_571], %swap3A_574 {add = true, strides = array<i32>} : memref<200x128xf32, #tpu.memory_space<vmem>>, vector<1x16xf32>,
        %get3A_575 = arith.index_cast %add3A_565 : i32 to index
        %get3A_576 = arith.constant 16 : index
        %get3A_577 = tpu.vector_load %arg6[%get3A_575, %get3A_576] {strides = array<i32>} : memref<200x128xf32, #tpu.memory_space<vmem>>, vector<1x16xf32>,
        %get3A_578 = vector.shape_cast %get3A_577 : vector<1x16xf32> to vector<16xf32>
        %swap3A_579 = arith.index_cast %add3A_565 : i32 to index
        %swap3A_580 = arith.constant 16 : index
        %swap3A_581 = tpu.vector_load %arg13[%swap3A_579, %swap3A_580] {strides = array<i32>} : memref<200x128xf32, #tpu.memory_space<vmem>>, vector<1x16xf32>,
        %swap3A_582 = vector.shape_cast %swap3A_581 : vector<1x16xf32> to vector<16xf32>
        %swap3A_583 = vector.shape_cast %get3A_578 : vector<16xf32> to vector<1x16xf32>
        tpu.vector_store %arg13[%swap3A_579, %swap3A_580], %swap3A_583 {add = true, strides = array<i32>} : memref<200x128xf32, #tpu.memory_space<vmem>>, vector<1x16xf32>,
        %get3A_584 = arith.index_cast %add3A_565 : i32 to index
        %get3A_585 = arith.constant 32 : index
        %get3A_586 = tpu.vector_load %arg6[%get3A_584, %get3A_585] {strides = array<i32>} : memref<200x128xf32, #tpu.memory_space<vmem>>, vector<1x16xf32>,
        %get3A_587 = vector.shape_cast %get3A_586 : vector<1x16xf32> to vector<16xf32>
        %swap3A_588 = arith.index_cast %add3A_565 : i32 to index
        %swap3A_589 = arith.constant 32 : index
        %swap3A_590 = tpu.vector_load %arg13[%swap3A_588, %swap3A_589] {strides = array<i32>} : memref<200x128xf32, #tpu.memory_space<vmem>>, vector<1x16xf32>,
        %swap3A_591 = vector.shape_cast %swap3A_590 : vector<1x16xf32> to vector<16xf32>
        %swap3A_592 = vector.shape_cast %get3A_587 : vector<16xf32> to vector<1x16xf32>
        tpu.vector_store %arg13[%swap3A_588, %swap3A_589], %swap3A_592 {add = true, strides = array<i32>} : memref<200x128xf32, #tpu.memory_space<vmem>>, vector<1x16xf32>,
        %get3A_593 = arith.index_cast %add3A_565 : i32 to index
        %get3A_594 = arith.constant 48 : index
        %get3A_595 = tpu.vector_load %arg6[%get3A_593, %get3A_594] {strides = array<i32>} : memref<200x128xf32, #tpu.memory_space<vmem>>, vector<1x16xf32>,
        %get3A_596 = vector.shape_cast %get3A_595 : vector<1x16xf32> to vector<16xf32>
        %swap3A_597 = arith.index_cast %add3A_565 : i32 to index
        %swap3A_598 = arith.constant 48 : index
        %swap3A_599 = tpu.vector_load %arg13[%swap3A_597, %swap3A_598] {strides = array<i32>} : memref<200x128xf32, #tpu.memory_space<vmem>>, vector<1x16xf32>,
        %swap3A_600 = vector.shape_cast %swap3A_599 : vector<1x16xf32> to vector<16xf32>
        %swap3A_601 = vector.shape_cast %get3A_596 : vector<16xf32> to vector<1x16xf32>
        tpu.vector_store %arg13[%swap3A_597, %swap3A_598], %swap3A_601 {add = true, strides = array<i32>} : memref<200x128xf32, #tpu.memory_space<vmem>>, vector<1x16xf32>,
        %mul3A_602 = arith.constant 8 : i32
        %mul3A_603 = arith.muli %scan3A_441, %mul3A_602 : i32
        %add3A_604 = arith.constant 4 : i32
        %add3A_605 = arith.addi %mul3A_603, %add3A_604 : i32
        %get3A_606 = arith.index_cast %add3A_605 : i32 to index
        %get3A_607 = arith.constant 0 : index
        %get3A_608 = tpu.vector_load %arg6[%get3A_606, %get3A_607] {strides = array<i32>} : memref<200x128xf32, #tpu.memory_space<vmem>>, vector<1x16xf32>,
        %get3A_609 = vector.shape_cast %get3A_608 : vector<1x16xf32> to vector<16xf32>
        %swap3A_610 = arith.index_cast %add3A_605 : i32 to index
        %swap3A_611 = arith.constant 0 : index
        %swap3A_612 = tpu.vector_load %arg13[%swap3A_610, %swap3A_611] {strides = array<i32>} : memref<200x128xf32, #tpu.memory_space<vmem>>, vector<1x16xf32>,
        %swap3A_613 = vector.shape_cast %swap3A_612 : vector<1x16xf32> to vector<16xf32>
        %swap3A_614 = vector.shape_cast %get3A_609 : vector<16xf32> to vector<1x16xf32>
        tpu.vector_store %arg13[%swap3A_610, %swap3A_611], %swap3A_614 {add = true, strides = array<i32>} : memref<200x128xf32, #tpu.memory_space<vmem>>, vector<1x16xf32>,
        %get3A_615 = arith.index_cast %add3A_605 : i32 to index
        %get3A_616 = arith.constant 16 : index
        %get3A_617 = tpu.vector_load %arg6[%get3A_615, %get3A_616] {strides = array<i32>} : memref<200x128xf32, #tpu.memory_space<vmem>>, vector<1x16xf32>,
        %get3A_618 = vector.shape_cast %get3A_617 : vector<1x16xf32> to vector<16xf32>
        %swap3A_619 = arith.index_cast %add3A_605 : i32 to index
        %swap3A_620 = arith.constant 16 : index
        %swap3A_621 = tpu.vector_load %arg13[%swap3A_619, %swap3A_620] {strides = array<i32>} : memref<200x128xf32, #tpu.memory_space<vmem>>, vector<1x16xf32>,
        %swap3A_622 = vector.shape_cast %swap3A_621 : vector<1x16xf32> to vector<16xf32>
        %swap3A_623 = vector.shape_cast %get3A_618 : vector<16xf32> to vector<1x16xf32>
        tpu.vector_store %arg13[%swap3A_619, %swap3A_620], %swap3A_623 {add = true, strides = array<i32>} : memref<200x128xf32, #tpu.memory_space<vmem>>, vector<1x16xf32>,
        %get3A_624 = arith.index_cast %add3A_605 : i32 to index
        %get3A_625 = arith.constant 32 : index
        %get3A_626 = tpu.vector_load %arg6[%get3A_624, %get3A_625] {strides = array<i32>} : memref<200x128xf32, #tpu.memory_space<vmem>>, vector<1x16xf32>,
        %get3A_627 = vector.shape_cast %get3A_626 : vector<1x16xf32> to vector<16xf32>
        %swap3A_628 = arith.index_cast %add3A_605 : i32 to index
        %swap3A_629 = arith.constant 32 : index
        %swap3A_630 = tpu.vector_load %arg13[%swap3A_628, %swap3A_629] {strides = array<i32>} : memref<200x128xf32, #tpu.memory_space<vmem>>, vector<1x16xf32>,
        %swap3A_631 = vector.shape_cast %swap3A_630 : vector<1x16xf32> to vector<16xf32>
        %swap3A_632 = vector.shape_cast %get3A_627 : vector<16xf32> to vector<1x16xf32>
        tpu.vector_store %arg13[%swap3A_628, %swap3A_629], %swap3A_632 {add = true, strides = array<i32>} : memref<200x128xf32, #tpu.memory_space<vmem>>, vector<1x16xf32>,
        %get3A_633 = arith.index_cast %add3A_605 : i32 to index
        %get3A_634 = arith.constant 48 : index
        %get3A_635 = tpu.vector_load %arg6[%get3A_633, %get3A_634] {strides = array<i32>} : memref<200x128xf32, #tpu.memory_space<vmem>>, vector<1x16xf32>,
        %get3A_636 = vector.shape_cast %get3A_635 : vector<1x16xf32> to vector<16xf32>
        %swap3A_637 = arith.index_cast %add3A_605 : i32 to index
        %swap3A_638 = arith.constant 48 : index
        %swap3A_639 = tpu.vector_load %arg13[%swap3A_637, %swap3A_638] {strides = array<i32>} : memref<200x128xf32, #tpu.memory_space<vmem>>, vector<1x16xf32>,
        %swap3A_640 = vector.shape_cast %swap3A_639 : vector<1x16xf32> to vector<16xf32>
        %swap3A_641 = vector.shape_cast %get3A_636 : vector<16xf32> to vector<1x16xf32>
        tpu.vector_store %arg13[%swap3A_637, %swap3A_638], %swap3A_641 {add = true, strides = array<i32>} : memref<200x128xf32, #tpu.memory_space<vmem>>, vector<1x16xf32>,
        %mul3A_642 = arith.constant 8 : i32
        %mul3A_643 = arith.muli %scan3A_441, %mul3A_642 : i32
        %add3A_644 = arith.constant 5 : i32
        %add3A_645 = arith.addi %mul3A_643, %add3A_644 : i32
        %get3A_646 = arith.index_cast %add3A_645 : i32 to index
        %get3A_647 = arith.constant 0 : index
        %get3A_648 = tpu.vector_load %arg6[%get3A_646, %get3A_647] {strides = array<i32>} : memref<200x128xf32, #tpu.memory_space<vmem>>, vector<1x16xf32>,
        %get3A_649 = vector.shape_cast %get3A_648 : vector<1x16xf32> to vector<16xf32>
        %swap3A_650 = arith.index_cast %add3A_645 : i32 to index
        %swap3A_651 = arith.constant 0 : index
        %swap3A_652 = tpu.vector_load %arg13[%swap3A_650, %swap3A_651] {strides = array<i32>} : memref<200x128xf32, #tpu.memory_space<vmem>>, vector<1x16xf32>,
        %swap3A_653 = vector.shape_cast %swap3A_652 : vector<1x16xf32> to vector<16xf32>
        %swap3A_654 = vector.shape_cast %get3A_649 : vector<16xf32> to vector<1x16xf32>
        tpu.vector_store %arg13[%swap3A_650, %swap3A_651], %swap3A_654 {add = true, strides = array<i32>} : memref<200x128xf32, #tpu.memory_space<vmem>>, vector<1x16xf32>,
        %get3A_655 = arith.index_cast %add3A_645 : i32 to index
        %get3A_656 = arith.constant 16 : index
        %get3A_657 = tpu.vector_load %arg6[%get3A_655, %get3A_656] {strides = array<i32>} : memref<200x128xf32, #tpu.memory_space<vmem>>, vector<1x16xf32>,
        %get3A_658 = vector.shape_cast %get3A_657 : vector<1x16xf32> to vector<16xf32>
        %swap3A_659 = arith.index_cast %add3A_645 : i32 to index
        %swap3A_660 = arith.constant 16 : index
        %swap3A_661 = tpu.vector_load %arg13[%swap3A_659, %swap3A_660] {strides = array<i32>} : memref<200x128xf32, #tpu.memory_space<vmem>>, vector<1x16xf32>,
        %swap3A_662 = vector.shape_cast %swap3A_661 : vector<1x16xf32> to vector<16xf32>
        %swap3A_663 = vector.shape_cast %get3A_658 : vector<16xf32> to vector<1x16xf32>
        tpu.vector_store %arg13[%swap3A_659, %swap3A_660], %swap3A_663 {add = true, strides = array<i32>} : memref<200x128xf32, #tpu.memory_space<vmem>>, vector<1x16xf32>,
        %get3A_664 = arith.index_cast %add3A_645 : i32 to index
        %get3A_665 = arith.constant 32 : index
        %get3A_666 = tpu.vector_load %arg6[%get3A_664, %get3A_665] {strides = array<i32>} : memref<200x128xf32, #tpu.memory_space<vmem>>, vector<1x16xf32>,
        %get3A_667 = vector.shape_cast %get3A_666 : vector<1x16xf32> to vector<16xf32>
        %swap3A_668 = arith.index_cast %add3A_645 : i32 to index
        %swap3A_669 = arith.constant 32 : index
        %swap3A_670 = tpu.vector_load %arg13[%swap3A_668, %swap3A_669] {strides = array<i32>} : memref<200x128xf32, #tpu.memory_space<vmem>>, vector<1x16xf32>,
        %swap3A_671 = vector.shape_cast %swap3A_670 : vector<1x16xf32> to vector<16xf32>
        %swap3A_672 = vector.shape_cast %get3A_667 : vector<16xf32> to vector<1x16xf32>
        tpu.vector_store %arg13[%swap3A_668, %swap3A_669], %swap3A_672 {add = true, strides = array<i32>} : memref<200x128xf32, #tpu.memory_space<vmem>>, vector<1x16xf32>,
        %get3A_673 = arith.index_cast %add3A_645 : i32 to index
        %get3A_674 = arith.constant 48 : index
        %get3A_675 = tpu.vector_load %arg6[%get3A_673, %get3A_674] {strides = array<i32>} : memref<200x128xf32, #tpu.memory_space<vmem>>, vector<1x16xf32>,
        %get3A_676 = vector.shape_cast %get3A_675 : vector<1x16xf32> to vector<16xf32>
        %swap3A_677 = arith.index_cast %add3A_645 : i32 to index
        %swap3A_678 = arith.constant 48 : index
        %swap3A_679 = tpu.vector_load %arg13[%swap3A_677, %swap3A_678] {strides = array<i32>} : memref<200x128xf32, #tpu.memory_space<vmem>>, vector<1x16xf32>,
        %swap3A_680 = vector.shape_cast %swap3A_679 : vector<1x16xf32> to vector<16xf32>
        %swap3A_681 = vector.shape_cast %get3A_676 : vector<16xf32> to vector<1x16xf32>
        tpu.vector_store %arg13[%swap3A_677, %swap3A_678], %swap3A_681 {add = true, strides = array<i32>} : memref<200x128xf32, #tpu.memory_space<vmem>>, vector<1x16xf32>,
        %mul3A_682 = arith.constant 8 : i32
        %mul3A_683 = arith.muli %scan3A_441, %mul3A_682 : i32
        %add3A_684 = arith.constant 6 : i32
        %add3A_685 = arith.addi %mul3A_683, %add3A_684 : i32
        %get3A_686 = arith.index_cast %add3A_685 : i32 to index
        %get3A_687 = arith.constant 0 : index
        %get3A_688 = tpu.vector_load %arg6[%get3A_686, %get3A_687] {strides = array<i32>} : memref<200x128xf32, #tpu.memory_space<vmem>>, vector<1x16xf32>,
        %get3A_689 = vector.shape_cast %get3A_688 : vector<1x16xf32> to vector<16xf32>
        %swap3A_690 = arith.index_cast %add3A_685 : i32 to index
        %swap3A_691 = arith.constant 0 : index
        %swap3A_692 = tpu.vector_load %arg13[%swap3A_690, %swap3A_691] {strides = array<i32>} : memref<200x128xf32, #tpu.memory_space<vmem>>, vector<1x16xf32>,
        %swap3A_693 = vector.shape_cast %swap3A_692 : vector<1x16xf32> to vector<16xf32>
        %swap3A_694 = vector.shape_cast %get3A_689 : vector<16xf32> to vector<1x16xf32>
        tpu.vector_store %arg13[%swap3A_690, %swap3A_691], %swap3A_694 {add = true, strides = array<i32>} : memref<200x128xf32, #tpu.memory_space<vmem>>, vector<1x16xf32>,
        %get3A_695 = arith.index_cast %add3A_685 : i32 to index
        %get3A_696 = arith.constant 16 : index
        %get3A_697 = tpu.vector_load %arg6[%get3A_695, %get3A_696] {strides = array<i32>} : memref<200x128xf32, #tpu.memory_space<vmem>>, vector<1x16xf32>,
        %get3A_698 = vector.shape_cast %get3A_697 : vector<1x16xf32> to vector<16xf32>
        %swap3A_699 = arith.index_cast %add3A_685 : i32 to index
        %swap3A_700 = arith.constant 16 : index
        %swap3A_701 = tpu.vector_load %arg13[%swap3A_699, %swap3A_700] {strides = array<i32>} : memref<200x128xf32, #tpu.memory_space<vmem>>, vector<1x16xf32>,
        %swap3A_702 = vector.shape_cast %swap3A_701 : vector<1x16xf32> to vector<16xf32>
        %swap3A_703 = vector.shape_cast %get3A_698 : vector<16xf32> to vector<1x16xf32>
        tpu.vector_store %arg13[%swap3A_699, %swap3A_700], %swap3A_703 {add = true, strides = array<i32>} : memref<200x128xf32, #tpu.memory_space<vmem>>, vector<1x16xf32>,
        %get3A_704 = arith.index_cast %add3A_685 : i32 to index
        %get3A_705 = arith.constant 32 : index
        %get3A_706 = tpu.vector_load %arg6[%get3A_704, %get3A_705] {strides = array<i32>} : memref<200x128xf32, #tpu.memory_space<vmem>>, vector<1x16xf32>,
        %get3A_707 = vector.shape_cast %get3A_706 : vector<1x16xf32> to vector<16xf32>
        %swap3A_708 = arith.index_cast %add3A_685 : i32 to index
        %swap3A_709 = arith.constant 32 : index
        %swap3A_710 = tpu.vector_load %arg13[%swap3A_708, %swap3A_709] {strides = array<i32>} : memref<200x128xf32, #tpu.memory_space<vmem>>, vector<1x16xf32>,
        %swap3A_711 = vector.shape_cast %swap3A_710 : vector<1x16xf32> to vector<16xf32>
        %swap3A_712 = vector.shape_cast %get3A_707 : vector<16xf32> to vector<1x16xf32>
        tpu.vector_store %arg13[%swap3A_708, %swap3A_709], %swap3A_712 {add = true, strides = array<i32>} : memref<200x128xf32, #tpu.memory_space<vmem>>, vector<1x16xf32>,
        %get3A_713 = arith.index_cast %add3A_685 : i32 to index
        %get3A_714 = arith.constant 48 : index
        %get3A_715 = tpu.vector_load %arg6[%get3A_713, %get3A_714] {strides = array<i32>} : memref<200x128xf32, #tpu.memory_space<vmem>>, vector<1x16xf32>,
        %get3A_716 = vector.shape_cast %get3A_715 : vector<1x16xf32> to vector<16xf32>
        %swap3A_717 = arith.index_cast %add3A_685 : i32 to index
        %swap3A_718 = arith.constant 48 : index
        %swap3A_719 = tpu.vector_load %arg13[%swap3A_717, %swap3A_718] {strides = array<i32>} : memref<200x128xf32, #tpu.memory_space<vmem>>, vector<1x16xf32>,
        %swap3A_720 = vector.shape_cast %swap3A_719 : vector<1x16xf32> to vector<16xf32>
        %swap3A_721 = vector.shape_cast %get3A_716 : vector<16xf32> to vector<1x16xf32>
        tpu.vector_store %arg13[%swap3A_717, %swap3A_718], %swap3A_721 {add = true, strides = array<i32>} : memref<200x128xf32, #tpu.memory_space<vmem>>, vector<1x16xf32>,
        %mul3A_722 = arith.constant 8 : i32
        %mul3A_723 = arith.muli %scan3A_441, %mul3A_722 : i32
        %add3A_724 = arith.constant 7 : i32
        %add3A_725 = arith.addi %mul3A_723, %add3A_724 : i32
        %get3A_726 = arith.index_cast %add3A_725 : i32 to index
        %get3A_727 = arith.constant 0 : index
        %get3A_728 = tpu.vector_load %arg6[%get3A_726, %get3A_727] {strides = array<i32>} : memref<200x128xf32, #tpu.memory_space<vmem>>, vector<1x16xf32>,
        %get3A_729 = vector.shape_cast %get3A_728 : vector<1x16xf32> to vector<16xf32>
        %swap3A_730 = arith.index_cast %add3A_725 : i32 to index
        %swap3A_731 = arith.constant 0 : index
        %swap3A_732 = tpu.vector_load %arg13[%swap3A_730, %swap3A_731] {strides = array<i32>} : memref<200x128xf32, #tpu.memory_space<vmem>>, vector<1x16xf32>,
        %swap3A_733 = vector.shape_cast %swap3A_732 : vector<1x16xf32> to vector<16xf32>
        %swap3A_734 = vector.shape_cast %get3A_729 : vector<16xf32> to vector<1x16xf32>
        tpu.vector_store %arg13[%swap3A_730, %swap3A_731], %swap3A_734 {add = true, strides = array<i32>} : memref<200x128xf32, #tpu.memory_space<vmem>>, vector<1x16xf32>,
        %get3A_735 = arith.index_cast %add3A_725 : i32 to index
        %get3A_736 = arith.constant 16 : index
        %get3A_737 = tpu.vector_load %arg6[%get3A_735, %get3A_736] {strides = array<i32>} : memref<200x128xf32, #tpu.memory_space<vmem>>, vector<1x16xf32>,
        %get3A_738 = vector.shape_cast %get3A_737 : vector<1x16xf32> to vector<16xf32>
        %swap3A_739 = arith.index_cast %add3A_725 : i32 to index
        %swap3A_740 = arith.constant 16 : index
        %swap3A_741 = tpu.vector_load %arg13[%swap3A_739, %swap3A_740] {strides = array<i32>} : memref<200x128xf32, #tpu.memory_space<vmem>>, vector<1x16xf32>,
        %swap3A_742 = vector.shape_cast %swap3A_741 : vector<1x16xf32> to vector<16xf32>
        %swap3A_743 = vector.shape_cast %get3A_738 : vector<16xf32> to vector<1x16xf32>
        tpu.vector_store %arg13[%swap3A_739, %swap3A_740], %swap3A_743 {add = true, strides = array<i32>} : memref<200x128xf32, #tpu.memory_space<vmem>>, vector<1x16xf32>,
        %get3A_744 = arith.index_cast %add3A_725 : i32 to index
        %get3A_745 = arith.constant 32 : index
        %get3A_746 = tpu.vector_load %arg6[%get3A_744, %get3A_745] {strides = array<i32>} : memref<200x128xf32, #tpu.memory_space<vmem>>, vector<1x16xf32>,
        %get3A_747 = vector.shape_cast %get3A_746 : vector<1x16xf32> to vector<16xf32>
        %swap3A_748 = arith.index_cast %add3A_725 : i32 to index
        %swap3A_749 = arith.constant 32 : index
        %swap3A_750 = tpu.vector_load %arg13[%swap3A_748, %swap3A_749] {strides = array<i32>} : memref<200x128xf32, #tpu.memory_space<vmem>>, vector<1x16xf32>,
        %swap3A_751 = vector.shape_cast %swap3A_750 : vector<1x16xf32> to vector<16xf32>
        %swap3A_752 = vector.shape_cast %get3A_747 : vector<16xf32> to vector<1x16xf32>
        tpu.vector_store %arg13[%swap3A_748, %swap3A_749], %swap3A_752 {add = true, strides = array<i32>} : memref<200x128xf32, #tpu.memory_space<vmem>>, vector<1x16xf32>,
        %get3A_753 = arith.index_cast %add3A_725 : i32 to index
        %get3A_754 = arith.constant 48 : index
        %get3A_755 = tpu.vector_load %arg6[%get3A_753, %get3A_754] {strides = array<i32>} : memref<200x128xf32, #tpu.memory_space<vmem>>, vector<1x16xf32>,
        %get3A_756 = vector.shape_cast %get3A_755 : vector<1x16xf32> to vector<16xf32>
        %swap3A_757 = arith.index_cast %add3A_725 : i32 to index
        %swap3A_758 = arith.constant 48 : index
        %swap3A_759 = tpu.vector_load %arg13[%swap3A_757, %swap3A_758] {strides = array<i32>} : memref<200x128xf32, #tpu.memory_space<vmem>>, vector<1x16xf32>,
        %swap3A_760 = vector.shape_cast %swap3A_759 : vector<1x16xf32> to vector<16xf32>
        %swap3A_761 = vector.shape_cast %get3A_756 : vector<16xf32> to vector<1x16xf32>
        tpu.vector_store %arg13[%swap3A_757, %swap3A_758], %swap3A_761 {add = true, strides = array<i32>} : memref<200x128xf32, #tpu.memory_space<vmem>>, vector<1x16xf32>,
        %scan3A_762 = arith.constant 0 : i32
        scf.yield %scan3A_762 : i32
      }
      %scan3A_365 = arith.constant 25 : i32
      %add3A_366 = arith.addi %mul3A_2, %add3A_312 : i32
      %dma_start3A_367 = arith.constant 0 : i32
      %dma_start3A_368 = arith.constant 0 : i32
      %dma_start3A_369 = tpu.memref_slice %arg5[%add3A_366, %dma_start3A_367, %dma_start3A_368] : memref<4096x200x128xf32, #tpu.memory_space<hbm>> -> memref<1x200x128xf32, #tpu.memory_space<hbm>>
      %dma_start3A_370 = tpu.memref_squeeze %dma_start3A_369 : memref<1x200x128xf32, #tpu.memory_space<hbm>> -> memref<200x128xf32, #tpu.memory_space<hbm>>
      %dma_start3A_371 = arith.constant 0 : i32
      %dma_start3A_372 = arith.constant 0 : i32
      %dma_start3A_373 = tpu.memref_slice %arg5[%add3A_366, %dma_start3A_371, %dma_start3A_372] : memref<4096x200x128xf32, #tpu.memory_space<hbm>> -> memref<1x200x128xf32, #tpu.memory_space<hbm>>
      %dma_start3A_374 = tpu.memref_squeeze %dma_start3A_373 : memref<1x200x128xf32, #tpu.memory_space<hbm>> -> memref<200x128xf32, #tpu.memory_space<hbm>>
      tpu.enqueue_dma source(%arg13 : memref<200x128xf32, #tpu.memory_space<vmem>>) target(%dma_start3A_374 : memref<200x128xf32, #tpu.memory_space<hbm>>) target_semaphore(%arg25 : memref<!tpu.dma_semaphore, #tpu.memory_space<semaphore_mem>>)
      %mul3A_375 = arith.constant 4 : i32
      %mul3A_376 = arith.muli %scan3A_181, %mul3A_375 : i32
      %add3A_377 = arith.constant 3 : i32
      %add3A_378 = arith.addi %mul3A_376, %add3A_377 : i32
      %dma_wait3A_379 = arith.constant 0 : i32
      %dma_wait3A_380 = arith.constant 0 : i32
      %dma_wait3A_381 = tpu.memref_slice %arg14[%dma_wait3A_379, %dma_wait3A_380] : memref<200x128xf32, #tpu.memory_space<vmem>> -> memref<192x128xf32, #tpu.memory_space<vmem>>
      %dma_wait3A_382 = arith.constant 0 : i32
      %dma_wait3A_383 = arith.constant 0 : i32
      %dma_wait3A_384 = tpu.memref_slice %arg2[%dma_wait3A_382, %dma_wait3A_383] : memref<1000000x128xf32, #tpu.memory_space<hbm>> -> memref<192x128xf32, #tpu.memory_space<hbm>>
      %dma_wait3A_385 = arith.constant 0 : i32
      %dma_wait3A_386 = arith.constant 0 : i32
      %dma_wait3A_387 = tpu.memref_slice %arg14[%dma_wait3A_385, %dma_wait3A_386] : memref<200x128xf32, #tpu.memory_space<vmem>> -> memref<192x128xf32, #tpu.memory_space<vmem>>
      %dma_wait3A_388 = arith.constant 0 : i32
      %dma_wait3A_389 = arith.constant 0 : i32
      %dma_wait3A_390 = tpu.memref_slice %arg2[%dma_wait3A_388, %dma_wait3A_389] : memref<1000000x128xf32, #tpu.memory_space<hbm>> -> memref<192x128xf32, #tpu.memory_space<hbm>>
      tpu.wait_dma2 semaphore(%arg22 : memref<!tpu.dma_semaphore, #tpu.memory_space<semaphore_mem>>) src(%dma_wait3A_390 : memref<192x128xf32, #tpu.memory_space<hbm>>) dst(%dma_wait3A_387 : memref<192x128xf32, #tpu.memory_space<vmem>>)
      %dma_wait3A_391 = arith.constant 0 : i32
      %dma_wait3A_392 = arith.constant 0 : i32
      %dma_wait3A_393 = tpu.memref_slice %arg14[%dma_wait3A_391, %dma_wait3A_392] : memref<200x128xf32, #tpu.memory_space<vmem>> -> memref<16x128xf32, #tpu.memory_space<vmem>>
      %dma_wait3A_394 = arith.constant 0 : i32
      %dma_wait3A_395 = arith.constant 0 : i32
      %dma_wait3A_396 = tpu.memref_slice %arg2[%dma_wait3A_394, %dma_wait3A_395] : memref<1000000x128xf32, #tpu.memory_space<hbm>> -> memref<16x128xf32, #tpu.memory_space<hbm>>
      %dma_wait3A_397 = arith.constant 0 : i32
      %dma_wait3A_398 = arith.constant 0 : i32
      %dma_wait3A_399 = tpu.memref_slice %arg14[%dma_wait3A_397, %dma_wait3A_398] : memref<200x128xf32, #tpu.memory_space<vmem>> -> memref<16x128xf32, #tpu.memory_space<vmem>>
      %dma_wait3A_400 = arith.constant 0 : i32
      %dma_wait3A_401 = arith.constant 0 : i32
      %dma_wait3A_402 = tpu.memref_slice %arg2[%dma_wait3A_400, %dma_wait3A_401] : memref<1000000x128xf32, #tpu.memory_space<hbm>> -> memref<16x128xf32, #tpu.memory_space<hbm>>
      tpu.wait_dma2 semaphore(%arg22 : memref<!tpu.dma_semaphore, #tpu.memory_space<semaphore_mem>>) src(%dma_wait3A_402 : memref<16x128xf32, #tpu.memory_space<hbm>>) dst(%dma_wait3A_399 : memref<16x128xf32, #tpu.memory_space<vmem>>)
      %add3A_403 = arith.constant 1 : i32
      %add3A_404 = arith.addi %add3A_378, %add3A_403 : i32
      %add3A_405 = arith.constant 4 : i32
      %add3A_406 = arith.addi %add3A_378, %add3A_405 : i32
      %lt3A_407 = arith.constant 128 : i32
      %lt3A_408 = arith.cmpi slt, %add3A_406, %lt3A_407 : i32
      %convert_element_type3A_409 = arith.extui %lt3A_408 : i1 to i32
      %cond3A_410 = arith.constant 0 : i32
      %cond3A_411 = arith.cmpi ne, %convert_element_type3A_409, %cond3A_410 : i32
      scf.if %cond3A_411 {
        %add3A_441 = arith.constant 4 : i32
        %add3A_442 = arith.addi %add3A_378, %add3A_441 : i32
        %dma_start3A_443 = arith.constant 0 : i32
        %dma_start3A_444 = tpu.memref_slice %arg3[%add3A, %add3A_442, %dma_start3A_443] : memref<32x128x200xi32, #tpu.memory_space<hbm>> -> memref<1x1x200xi32, #tpu.memory_space<hbm>>
        %dma_start3A_445 = tpu.memref_squeeze %dma_start3A_444 : memref<1x1x200xi32, #tpu.memory_space<hbm>> -> memref<200xi32, #tpu.memory_space<hbm>>
        %dma_start3A_446 = arith.constant 0 : i32
        %dma_start3A_447 = tpu.memref_slice %arg3[%add3A, %add3A_442, %dma_start3A_446] : memref<32x128x200xi32, #tpu.memory_space<hbm>> -> memref<1x1x200xi32, #tpu.memory_space<hbm>>
        %dma_start3A_448 = tpu.memref_squeeze %dma_start3A_447 : memref<1x1x200xi32, #tpu.memory_space<hbm>> -> memref<200xi32, #tpu.memory_space<hbm>>
        tpu.enqueue_dma source(%dma_start3A_448 : memref<200xi32, #tpu.memory_space<hbm>>) target(%arg10 : memref<200xi32, #tpu.memory_space<vmem>>) target_semaphore(%arg18 : memref<!tpu.dma_semaphore, #tpu.memory_space<semaphore_mem>>)
      } else {
      }
      %ge3A_412 = arith.constant 4 : i32
      %ge3A_413 = arith.cmpi sge, %add3A_404, %ge3A_412 : i32
      %lt3A_414 = arith.constant 128 : i32
      %lt3A_415 = arith.cmpi slt, %add3A_404, %lt3A_414 : i32
      %and3A_416 = arith.andi %ge3A_413, %lt3A_415 : i1
      %convert_element_type3A_417 = arith.extui %and3A_416 : i1 to i32
      %cond3A_418 = arith.constant 0 : i32
      %cond3A_419 = arith.cmpi ne, %convert_element_type3A_417, %cond3A_418 : i32
      scf.if %cond3A_419 {
        %dma_wait3A_441 = arith.constant 0 : i32
        %dma_wait3A_442 = arith.constant 0 : i32
        %dma_wait3A_443 = tpu.memref_slice %arg5[%mul3A_2, %dma_wait3A_441, %dma_wait3A_442] : memref<4096x200x128xf32, #tpu.memory_space<hbm>> -> memref<1x200x128xf32, #tpu.memory_space<hbm>>
        %dma_wait3A_444 = tpu.memref_squeeze %dma_wait3A_443 : memref<1x200x128xf32, #tpu.memory_space<hbm>> -> memref<200x128xf32, #tpu.memory_space<hbm>>
        %dma_wait3A_445 = arith.constant 0 : i32
        %dma_wait3A_446 = arith.constant 0 : i32
        %dma_wait3A_447 = tpu.memref_slice %arg5[%mul3A_2, %dma_wait3A_445, %dma_wait3A_446] : memref<4096x200x128xf32, #tpu.memory_space<hbm>> -> memref<1x200x128xf32, #tpu.memory_space<hbm>>
        %dma_wait3A_448 = tpu.memref_squeeze %dma_wait3A_447 : memref<1x200x128xf32, #tpu.memory_space<hbm>> -> memref<200x128xf32, #tpu.memory_space<hbm>>
        tpu.wait_dma2 semaphore(%arg23 : memref<!tpu.dma_semaphore, #tpu.memory_space<semaphore_mem>>) src(%arg11 : memref<200x128xf32, #tpu.memory_space<vmem>>) dst(%dma_wait3A_448 : memref<200x128xf32, #tpu.memory_space<hbm>>)
      } else {
      }
      %lt3A_420 = arith.constant 128 : i32
      %lt3A_421 = arith.cmpi slt, %add3A_404, %lt3A_420 : i32
      %convert_element_type3A_422 = arith.extui %lt3A_421 : i1 to i32
      %cond3A_423 = arith.constant 0 : i32
      %cond3A_424 = arith.cmpi ne, %convert_element_type3A_422, %cond3A_423 : i32
      scf.if %cond3A_424 {
        %dma_wait3A_441 = arith.constant 0 : i32
        %dma_wait3A_442 = arith.constant 0 : i32
        %dma_wait3A_443 = tpu.memref_slice %arg3[%add3A, %dma_wait3A_441, %dma_wait3A_442] : memref<32x128x200xi32, #tpu.memory_space<hbm>> -> memref<1x1x200xi32, #tpu.memory_space<hbm>>
        %dma_wait3A_444 = tpu.memref_squeeze %dma_wait3A_443 : memref<1x1x200xi32, #tpu.memory_space<hbm>> -> memref<200xi32, #tpu.memory_space<hbm>>
        %dma_wait3A_445 = arith.constant 0 : i32
        %dma_wait3A_446 = tpu.memref_slice %arg3[%add3A, %dma_wait3A_441, %dma_wait3A_445] : memref<32x128x200xi32, #tpu.memory_space<hbm>> -> memref<1x1x200xi32, #tpu.memory_space<hbm>>
        %dma_wait3A_447 = tpu.memref_squeeze %dma_wait3A_446 : memref<1x1x200xi32, #tpu.memory_space<hbm>> -> memref<200xi32, #tpu.memory_space<hbm>>
        tpu.wait_dma2 semaphore(%arg15 : memref<!tpu.dma_semaphore, #tpu.memory_space<semaphore_mem>>) src(%dma_wait3A_447 : memref<200xi32, #tpu.memory_space<hbm>>) dst(%arg7 : memref<200xi32, #tpu.memory_space<vmem>>)
        %get3A_448 = arith.constant 0 : index
        %get3A_449 = tpu.vector_load %arg7[%get3A_448] {strides = array<i32>} : memref<200xi32, #tpu.memory_space<vmem>>, vector<16xi32>,
        %get3A_450 = vector.shape_cast %get3A_449 : vector<16xi32> to vector<16xi32>
        %dma_start3A_451 = arith.constant 0 : i32
        %dma_start3A_452 = arith.constant 0 : i32
        %dma_start3A_453 = tpu.memref_slice %arg11[%dma_start3A_451, %dma_start3A_452] : memref<200x128xf32, #tpu.memory_space<vmem>> -> memref<16x128xf32, #tpu.memory_space<vmem>>
        %dma_start3A_454 = arith.constant 0 : i32
        %dma_start3A_455 = arith.constant 0 : i32
        %dma_start3A_456 = tpu.memref_slice %arg2[%dma_start3A_454, %dma_start3A_455] : memref<1000000x128xf32, #tpu.memory_space<hbm>> -> memref<1000000x128xf32, #tpu.memory_space<hbm>>
        tpu.enqueue_indirect_dma source(%dma_start3A_456 : memref<1000000x128xf32, #tpu.memory_space<hbm>>) target(%dma_start3A_453 : memref<16x128xf32, #tpu.memory_space<vmem>>) offsets(%get3A_450 : vector<16xi32>) semaphore(%arg19 : memref<!tpu.dma_semaphore, #tpu.memory_space<semaphore_mem>>)
        %get3A_457 = arith.constant 16 : index
        %get3A_458 = tpu.vector_load %arg7[%get3A_457] {strides = array<i32>} : memref<200xi32, #tpu.memory_space<vmem>>, vector<16xi32>,
        %get3A_459 = vector.shape_cast %get3A_458 : vector<16xi32> to vector<16xi32>
        %dma_start3A_460 = arith.constant 16 : i32
        %dma_start3A_461 = arith.constant 0 : i32
        %dma_start3A_462 = tpu.memref_slice %arg11[%dma_start3A_460, %dma_start3A_461] : memref<200x128xf32, #tpu.memory_space<vmem>> -> memref<16x128xf32, #tpu.memory_space<vmem>>
        %dma_start3A_463 = arith.constant 0 : i32
        %dma_start3A_464 = arith.constant 0 : i32
        %dma_start3A_465 = tpu.memref_slice %arg2[%dma_start3A_463, %dma_start3A_464] : memref<1000000x128xf32, #tpu.memory_space<hbm>> -> memref<1000000x128xf32, #tpu.memory_space<hbm>>
        tpu.enqueue_indirect_dma source(%dma_start3A_465 : memref<1000000x128xf32, #tpu.memory_space<hbm>>) target(%dma_start3A_462 : memref<16x128xf32, #tpu.memory_space<vmem>>) offsets(%get3A_459 : vector<16xi32>) semaphore(%arg19 : memref<!tpu.dma_semaphore, #tpu.memory_space<semaphore_mem>>)
        %get3A_466 = arith.constant 32 : index
        %get3A_467 = tpu.vector_load %arg7[%get3A_466] {strides = array<i32>} : memref<200xi32, #tpu.memory_space<vmem>>, vector<16xi32>,
        %get3A_468 = vector.shape_cast %get3A_467 : vector<16xi32> to vector<16xi32>
        %dma_start3A_469 = arith.constant 32 : i32
        %dma_start3A_470 = arith.constant 0 : i32
        %dma_start3A_471 = tpu.memref_slice %arg11[%dma_start3A_469, %dma_start3A_470] : memref<200x128xf32, #tpu.memory_space<vmem>> -> memref<16x128xf32, #tpu.memory_space<vmem>>
        %dma_start3A_472 = arith.constant 0 : i32
        %dma_start3A_473 = arith.constant 0 : i32
        %dma_start3A_474 = tpu.memref_slice %arg2[%dma_start3A_472, %dma_start3A_473] : memref<1000000x128xf32, #tpu.memory_space<hbm>> -> memref<1000000x128xf32, #tpu.memory_space<hbm>>
        tpu.enqueue_indirect_dma source(%dma_start3A_474 : memref<1000000x128xf32, #tpu.memory_space<hbm>>) target(%dma_start3A_471 : memref<16x128xf32, #tpu.memory_space<vmem>>) offsets(%get3A_468 : vector<16xi32>) semaphore(%arg19 : memref<!tpu.dma_semaphore, #tpu.memory_space<semaphore_mem>>)
        %get3A_475 = arith.constant 48 : index
        %get3A_476 = tpu.vector_load %arg7[%get3A_475] {strides = array<i32>} : memref<200xi32, #tpu.memory_space<vmem>>, vector<16xi32>,
        %get3A_477 = vector.shape_cast %get3A_476 : vector<16xi32> to vector<16xi32>
        %dma_start3A_478 = arith.constant 48 : i32
        %dma_start3A_479 = arith.constant 0 : i32
        %dma_start3A_480 = tpu.memref_slice %arg11[%dma_start3A_478, %dma_start3A_479] : memref<200x128xf32, #tpu.memory_space<vmem>> -> memref<16x128xf32, #tpu.memory_space<vmem>>
        %dma_start3A_481 = arith.constant 0 : i32
        %dma_start3A_482 = arith.constant 0 : i32
        %dma_start3A_483 = tpu.memref_slice %arg2[%dma_start3A_481, %dma_start3A_482] : memref<1000000x128xf32, #tpu.memory_space<hbm>> -> memref<1000000x128xf32, #tpu.memory_space<hbm>>
        tpu.enqueue_indirect_dma source(%dma_start3A_483 : memref<1000000x128xf32, #tpu.memory_space<hbm>>) target(%dma_start3A_480 : memref<16x128xf32, #tpu.memory_space<vmem>>) offsets(%get3A_477 : vector<16xi32>) semaphore(%arg19 : memref<!tpu.dma_semaphore, #tpu.memory_space<semaphore_mem>>)
        %get3A_484 = arith.constant 64 : index
        %get3A_485 = tpu.vector_load %arg7[%get3A_484] {strides = array<i32>} : memref<200xi32, #tpu.memory_space<vmem>>, vector<16xi32>,
        %get3A_486 = vector.shape_cast %get3A_485 : vector<16xi32> to vector<16xi32>
        %dma_start3A_487 = arith.constant 64 : i32
        %dma_start3A_488 = arith.constant 0 : i32
        %dma_start3A_489 = tpu.memref_slice %arg11[%dma_start3A_487, %dma_start3A_488] : memref<200x128xf32, #tpu.memory_space<vmem>> -> memref<16x128xf32, #tpu.memory_space<vmem>>
        %dma_start3A_490 = arith.constant 0 : i32
        %dma_start3A_491 = arith.constant 0 : i32
        %dma_start3A_492 = tpu.memref_slice %arg2[%dma_start3A_490, %dma_start3A_491] : memref<1000000x128xf32, #tpu.memory_space<hbm>> -> memref<1000000x128xf32, #tpu.memory_space<hbm>>
        tpu.enqueue_indirect_dma source(%dma_start3A_492 : memref<1000000x128xf32, #tpu.memory_space<hbm>>) target(%dma_start3A_489 : memref<16x128xf32, #tpu.memory_space<vmem>>) offsets(%get3A_486 : vector<16xi32>) semaphore(%arg19 : memref<!tpu.dma_semaphore, #tpu.memory_space<semaphore_mem>>)
        %get3A_493 = arith.constant 80 : index
        %get3A_494 = tpu.vector_load %arg7[%get3A_493] {strides = array<i32>} : memref<200xi32, #tpu.memory_space<vmem>>, vector<16xi32>,
        %get3A_495 = vector.shape_cast %get3A_494 : vector<16xi32> to vector<16xi32>
        %dma_start3A_496 = arith.constant 80 : i32
        %dma_start3A_497 = arith.constant 0 : i32
        %dma_start3A_498 = tpu.memref_slice %arg11[%dma_start3A_496, %dma_start3A_497] : memref<200x128xf32, #tpu.memory_space<vmem>> -> memref<16x128xf32, #tpu.memory_space<vmem>>
        %dma_start3A_499 = arith.constant 0 : i32
        %dma_start3A_500 = arith.constant 0 : i32
        %dma_start3A_501 = tpu.memref_slice %arg2[%dma_start3A_499, %dma_start3A_500] : memref<1000000x128xf32, #tpu.memory_space<hbm>> -> memref<1000000x128xf32, #tpu.memory_space<hbm>>
        tpu.enqueue_indirect_dma source(%dma_start3A_501 : memref<1000000x128xf32, #tpu.memory_space<hbm>>) target(%dma_start3A_498 : memref<16x128xf32, #tpu.memory_space<vmem>>) offsets(%get3A_495 : vector<16xi32>) semaphore(%arg19 : memref<!tpu.dma_semaphore, #tpu.memory_space<semaphore_mem>>)
        %get3A_502 = arith.constant 96 : index
        %get3A_503 = tpu.vector_load %arg7[%get3A_502] {strides = array<i32>} : memref<200xi32, #tpu.memory_space<vmem>>, vector<16xi32>,
        %get3A_504 = vector.shape_cast %get3A_503 : vector<16xi32> to vector<16xi32>
        %dma_start3A_505 = arith.constant 96 : i32
        %dma_start3A_506 = arith.constant 0 : i32
        %dma_start3A_507 = tpu.memref_slice %arg11[%dma_start3A_505, %dma_start3A_506] : memref<200x128xf32, #tpu.memory_space<vmem>> -> memref<16x128xf32, #tpu.memory_space<vmem>>
        %dma_start3A_508 = arith.constant 0 : i32
        %dma_start3A_509 = arith.constant 0 : i32
        %dma_start3A_510 = tpu.memref_slice %arg2[%dma_start3A_508, %dma_start3A_509] : memref<1000000x128xf32, #tpu.memory_space<hbm>> -> memref<1000000x128xf32, #tpu.memory_space<hbm>>
        tpu.enqueue_indirect_dma source(%dma_start3A_510 : memref<1000000x128xf32, #tpu.memory_space<hbm>>) target(%dma_start3A_507 : memref<16x128xf32, #tpu.memory_space<vmem>>) offsets(%get3A_504 : vector<16xi32>) semaphore(%arg19 : memref<!tpu.dma_semaphore, #tpu.memory_space<semaphore_mem>>)
        %get3A_511 = arith.constant 112 : index
        %get3A_512 = tpu.vector_load %arg7[%get3A_511] {strides = array<i32>} : memref<200xi32, #tpu.memory_space<vmem>>, vector<16xi32>,
        %get3A_513 = vector.shape_cast %get3A_512 : vector<16xi32> to vector<16xi32>
        %dma_start3A_514 = arith.constant 112 : i32
        %dma_start3A_515 = arith.constant 0 : i32
        %dma_start3A_516 = tpu.memref_slice %arg11[%dma_start3A_514, %dma_start3A_515] : memref<200x128xf32, #tpu.memory_space<vmem>> -> memref<16x128xf32, #tpu.memory_space<vmem>>
        %dma_start3A_517 = arith.constant 0 : i32
        %dma_start3A_518 = arith.constant 0 : i32
        %dma_start3A_519 = tpu.memref_slice %arg2[%dma_start3A_517, %dma_start3A_518] : memref<1000000x128xf32, #tpu.memory_space<hbm>> -> memref<1000000x128xf32, #tpu.memory_space<hbm>>
        tpu.enqueue_indirect_dma source(%dma_start3A_519 : memref<1000000x128xf32, #tpu.memory_space<hbm>>) target(%dma_start3A_516 : memref<16x128xf32, #tpu.memory_space<vmem>>) offsets(%get3A_513 : vector<16xi32>) semaphore(%arg19 : memref<!tpu.dma_semaphore, #tpu.memory_space<semaphore_mem>>)
        %get3A_520 = arith.constant 128 : index
        %get3A_521 = tpu.vector_load %arg7[%get3A_520] {strides = array<i32>} : memref<200xi32, #tpu.memory_space<vmem>>, vector<16xi32>,
        %get3A_522 = vector.shape_cast %get3A_521 : vector<16xi32> to vector<16xi32>
        %dma_start3A_523 = arith.constant 128 : i32
        %dma_start3A_524 = arith.constant 0 : i32
        %dma_start3A_525 = tpu.memref_slice %arg11[%dma_start3A_523, %dma_start3A_524] : memref<200x128xf32, #tpu.memory_space<vmem>> -> memref<16x128xf32, #tpu.memory_space<vmem>>
        %dma_start3A_526 = arith.constant 0 : i32
        %dma_start3A_527 = arith.constant 0 : i32
        %dma_start3A_528 = tpu.memref_slice %arg2[%dma_start3A_526, %dma_start3A_527] : memref<1000000x128xf32, #tpu.memory_space<hbm>> -> memref<1000000x128xf32, #tpu.memory_space<hbm>>
        tpu.enqueue_indirect_dma source(%dma_start3A_528 : memref<1000000x128xf32, #tpu.memory_space<hbm>>) target(%dma_start3A_525 : memref<16x128xf32, #tpu.memory_space<vmem>>) offsets(%get3A_522 : vector<16xi32>) semaphore(%arg19 : memref<!tpu.dma_semaphore, #tpu.memory_space<semaphore_mem>>)
        %get3A_529 = arith.constant 144 : index
        %get3A_530 = tpu.vector_load %arg7[%get3A_529] {strides = array<i32>} : memref<200xi32, #tpu.memory_space<vmem>>, vector<16xi32>,
        %get3A_531 = vector.shape_cast %get3A_530 : vector<16xi32> to vector<16xi32>
        %dma_start3A_532 = arith.constant 144 : i32
        %dma_start3A_533 = arith.constant 0 : i32
        %dma_start3A_534 = tpu.memref_slice %arg11[%dma_start3A_532, %dma_start3A_533] : memref<200x128xf32, #tpu.memory_space<vmem>> -> memref<16x128xf32, #tpu.memory_space<vmem>>
        %dma_start3A_535 = arith.constant 0 : i32
        %dma_start3A_536 = arith.constant 0 : i32
        %dma_start3A_537 = tpu.memref_slice %arg2[%dma_start3A_535, %dma_start3A_536] : memref<1000000x128xf32, #tpu.memory_space<hbm>> -> memref<1000000x128xf32, #tpu.memory_space<hbm>>
        tpu.enqueue_indirect_dma source(%dma_start3A_537 : memref<1000000x128xf32, #tpu.memory_space<hbm>>) target(%dma_start3A_534 : memref<16x128xf32, #tpu.memory_space<vmem>>) offsets(%get3A_531 : vector<16xi32>) semaphore(%arg19 : memref<!tpu.dma_semaphore, #tpu.memory_space<semaphore_mem>>)
        %get3A_538 = arith.constant 160 : index
        %get3A_539 = tpu.vector_load %arg7[%get3A_538] {strides = array<i32>} : memref<200xi32, #tpu.memory_space<vmem>>, vector<16xi32>,
        %get3A_540 = vector.shape_cast %get3A_539 : vector<16xi32> to vector<16xi32>
        %dma_start3A_541 = arith.constant 160 : i32
        %dma_start3A_542 = arith.constant 0 : i32
        %dma_start3A_543 = tpu.memref_slice %arg11[%dma_start3A_541, %dma_start3A_542] : memref<200x128xf32, #tpu.memory_space<vmem>> -> memref<16x128xf32, #tpu.memory_space<vmem>>
        %dma_start3A_544 = arith.constant 0 : i32
        %dma_start3A_545 = arith.constant 0 : i32
        %dma_start3A_546 = tpu.memref_slice %arg2[%dma_start3A_544, %dma_start3A_545] : memref<1000000x128xf32, #tpu.memory_space<hbm>> -> memref<1000000x128xf32, #tpu.memory_space<hbm>>
        tpu.enqueue_indirect_dma source(%dma_start3A_546 : memref<1000000x128xf32, #tpu.memory_space<hbm>>) target(%dma_start3A_543 : memref<16x128xf32, #tpu.memory_space<vmem>>) offsets(%get3A_540 : vector<16xi32>) semaphore(%arg19 : memref<!tpu.dma_semaphore, #tpu.memory_space<semaphore_mem>>)
        %get3A_547 = arith.constant 176 : index
        %get3A_548 = tpu.vector_load %arg7[%get3A_547] {strides = array<i32>} : memref<200xi32, #tpu.memory_space<vmem>>, vector<16xi32>,
        %get3A_549 = vector.shape_cast %get3A_548 : vector<16xi32> to vector<16xi32>
        %dma_start3A_550 = arith.constant 176 : i32
        %dma_start3A_551 = arith.constant 0 : i32
        %dma_start3A_552 = tpu.memref_slice %arg11[%dma_start3A_550, %dma_start3A_551] : memref<200x128xf32, #tpu.memory_space<vmem>> -> memref<16x128xf32, #tpu.memory_space<vmem>>
        %dma_start3A_553 = arith.constant 0 : i32
        %dma_start3A_554 = arith.constant 0 : i32
        %dma_start3A_555 = tpu.memref_slice %arg2[%dma_start3A_553, %dma_start3A_554] : memref<1000000x128xf32, #tpu.memory_space<hbm>> -> memref<1000000x128xf32, #tpu.memory_space<hbm>>
        tpu.enqueue_indirect_dma source(%dma_start3A_555 : memref<1000000x128xf32, #tpu.memory_space<hbm>>) target(%dma_start3A_552 : memref<16x128xf32, #tpu.memory_space<vmem>>) offsets(%get3A_549 : vector<16xi32>) semaphore(%arg19 : memref<!tpu.dma_semaphore, #tpu.memory_space<semaphore_mem>>)
        %get3A_556 = arith.constant 184 : index
        %get3A_557 = tpu.vector_load %arg7[%get3A_556] {strides = array<i32>} : memref<200xi32, #tpu.memory_space<vmem>>, vector<16xi32>,
        %get3A_558 = vector.shape_cast %get3A_557 : vector<16xi32> to vector<16xi32>
        %dma_start3A_559 = arith.constant 184 : i32
        %dma_start3A_560 = arith.constant 0 : i32
        %dma_start3A_561 = tpu.memref_slice %arg11[%dma_start3A_559, %dma_start3A_560] : memref<200x128xf32, #tpu.memory_space<vmem>> -> memref<16x128xf32, #tpu.memory_space<vmem>>
        %dma_start3A_562 = arith.constant 0 : i32
        %dma_start3A_563 = arith.constant 0 : i32
        %dma_start3A_564 = tpu.memref_slice %arg2[%dma_start3A_562, %dma_start3A_563] : memref<1000000x128xf32, #tpu.memory_space<hbm>> -> memref<1000000x128xf32, #tpu.memory_space<hbm>>
        tpu.enqueue_indirect_dma source(%dma_start3A_564 : memref<1000000x128xf32, #tpu.memory_space<hbm>>) target(%dma_start3A_561 : memref<16x128xf32, #tpu.memory_space<vmem>>) offsets(%get3A_558 : vector<16xi32>) semaphore(%arg19 : memref<!tpu.dma_semaphore, #tpu.memory_space<semaphore_mem>>)
      } else {
      }
      %scan3A_425 = arith.constant 0 : i32
      %scan3A_426 = arith.constant 0 : i32
      %scan3A_427 = arith.constant 25 : i32
      %scan3A_428 = arith.addi %scan3A_426, %scan3A_427 : i32
      %scan3A_429 = arith.constant 1 : i32
      %scan3A_430 = scf.for %scan3A_441 = %scan3A_426 to %scan3A_428 step %scan3A_429 iter_args(%scan3A_442 = %scan3A_425) -> (i32)  : i32 {
        %mul3A_443 = arith.constant 8 : i32
        %mul3A_444 = arith.muli %scan3A_441, %mul3A_443 : i32
        %add3A_445 = arith.constant 0 : i32
        %add3A_446 = arith.addi %mul3A_444, %add3A_445 : i32
        %get3A_447 = arith.index_cast %add3A_446 : i32 to index
        %get3A_448 = arith.constant 0 : index
        %get3A_449 = tpu.vector_load %arg6[%get3A_447, %get3A_448] {strides = array<i32>} : memref<200x128xf32, #tpu.memory_space<vmem>>, vector<1x16xf32>,
        %get3A_450 = vector.shape_cast %get3A_449 : vector<1x16xf32> to vector<16xf32>
        %swap3A = arith.index_cast %add3A_446 : i32 to index
        %swap3A_451 = arith.constant 0 : index
        %swap3A_452 = tpu.vector_load %arg14[%swap3A, %swap3A_451] {strides = array<i32>} : memref<200x128xf32, #tpu.memory_space<vmem>>, vector<1x16xf32>,
        %swap3A_453 = vector.shape_cast %swap3A_452 : vector<1x16xf32> to vector<16xf32>
        %swap3A_454 = vector.shape_cast %get3A_450 : vector<16xf32> to vector<1x16xf32>
        tpu.vector_store %arg14[%swap3A, %swap3A_451], %swap3A_454 {add = true, strides = array<i32>} : memref<200x128xf32, #tpu.memory_space<vmem>>, vector<1x16xf32>,
        %get3A_455 = arith.index_cast %add3A_446 : i32 to index
        %get3A_456 = arith.constant 16 : index
        %get3A_457 = tpu.vector_load %arg6[%get3A_455, %get3A_456] {strides = array<i32>} : memref<200x128xf32, #tpu.memory_space<vmem>>, vector<1x16xf32>,
        %get3A_458 = vector.shape_cast %get3A_457 : vector<1x16xf32> to vector<16xf32>
        %swap3A_459 = arith.index_cast %add3A_446 : i32 to index
        %swap3A_460 = arith.constant 16 : index
        %swap3A_461 = tpu.vector_load %arg14[%swap3A_459, %swap3A_460] {strides = array<i32>} : memref<200x128xf32, #tpu.memory_space<vmem>>, vector<1x16xf32>,
        %swap3A_462 = vector.shape_cast %swap3A_461 : vector<1x16xf32> to vector<16xf32>
        %swap3A_463 = vector.shape_cast %get3A_458 : vector<16xf32> to vector<1x16xf32>
        tpu.vector_store %arg14[%swap3A_459, %swap3A_460], %swap3A_463 {add = true, strides = array<i32>} : memref<200x128xf32, #tpu.memory_space<vmem>>, vector<1x16xf32>,
        %get3A_464 = arith.index_cast %add3A_446 : i32 to index
        %get3A_465 = arith.constant 32 : index
        %get3A_466 = tpu.vector_load %arg6[%get3A_464, %get3A_465] {strides = array<i32>} : memref<200x128xf32, #tpu.memory_space<vmem>>, vector<1x16xf32>,
        %get3A_467 = vector.shape_cast %get3A_466 : vector<1x16xf32> to vector<16xf32>
        %swap3A_468 = arith.index_cast %add3A_446 : i32 to index
        %swap3A_469 = arith.constant 32 : index
        %swap3A_470 = tpu.vector_load %arg14[%swap3A_468, %swap3A_469] {strides = array<i32>} : memref<200x128xf32, #tpu.memory_space<vmem>>, vector<1x16xf32>,
        %swap3A_471 = vector.shape_cast %swap3A_470 : vector<1x16xf32> to vector<16xf32>
        %swap3A_472 = vector.shape_cast %get3A_467 : vector<16xf32> to vector<1x16xf32>
        tpu.vector_store %arg14[%swap3A_468, %swap3A_469], %swap3A_472 {add = true, strides = array<i32>} : memref<200x128xf32, #tpu.memory_space<vmem>>, vector<1x16xf32>,
        %get3A_473 = arith.index_cast %add3A_446 : i32 to index
        %get3A_474 = arith.constant 48 : index
        %get3A_475 = tpu.vector_load %arg6[%get3A_473, %get3A_474] {strides = array<i32>} : memref<200x128xf32, #tpu.memory_space<vmem>>, vector<1x16xf32>,
        %get3A_476 = vector.shape_cast %get3A_475 : vector<1x16xf32> to vector<16xf32>
        %swap3A_477 = arith.index_cast %add3A_446 : i32 to index
        %swap3A_478 = arith.constant 48 : index
        %swap3A_479 = tpu.vector_load %arg14[%swap3A_477, %swap3A_478] {strides = array<i32>} : memref<200x128xf32, #tpu.memory_space<vmem>>, vector<1x16xf32>,
        %swap3A_480 = vector.shape_cast %swap3A_479 : vector<1x16xf32> to vector<16xf32>
        %swap3A_481 = vector.shape_cast %get3A_476 : vector<16xf32> to vector<1x16xf32>
        tpu.vector_store %arg14[%swap3A_477, %swap3A_478], %swap3A_481 {add = true, strides = array<i32>} : memref<200x128xf32, #tpu.memory_space<vmem>>, vector<1x16xf32>,
        %mul3A_482 = arith.constant 8 : i32
        %mul3A_483 = arith.muli %scan3A_441, %mul3A_482 : i32
        %add3A_484 = arith.constant 1 : i32
        %add3A_485 = arith.addi %mul3A_483, %add3A_484 : i32
        %get3A_486 = arith.index_cast %add3A_485 : i32 to index
        %get3A_487 = arith.constant 0 : index
        %get3A_488 = tpu.vector_load %arg6[%get3A_486, %get3A_487] {strides = array<i32>} : memref<200x128xf32, #tpu.memory_space<vmem>>, vector<1x16xf32>,
        %get3A_489 = vector.shape_cast %get3A_488 : vector<1x16xf32> to vector<16xf32>
        %swap3A_490 = arith.index_cast %add3A_485 : i32 to index
        %swap3A_491 = arith.constant 0 : index
        %swap3A_492 = tpu.vector_load %arg14[%swap3A_490, %swap3A_491] {strides = array<i32>} : memref<200x128xf32, #tpu.memory_space<vmem>>, vector<1x16xf32>,
        %swap3A_493 = vector.shape_cast %swap3A_492 : vector<1x16xf32> to vector<16xf32>
        %swap3A_494 = vector.shape_cast %get3A_489 : vector<16xf32> to vector<1x16xf32>
        tpu.vector_store %arg14[%swap3A_490, %swap3A_491], %swap3A_494 {add = true, strides = array<i32>} : memref<200x128xf32, #tpu.memory_space<vmem>>, vector<1x16xf32>,
        %get3A_495 = arith.index_cast %add3A_485 : i32 to index
        %get3A_496 = arith.constant 16 : index
        %get3A_497 = tpu.vector_load %arg6[%get3A_495, %get3A_496] {strides = array<i32>} : memref<200x128xf32, #tpu.memory_space<vmem>>, vector<1x16xf32>,
        %get3A_498 = vector.shape_cast %get3A_497 : vector<1x16xf32> to vector<16xf32>
        %swap3A_499 = arith.index_cast %add3A_485 : i32 to index
        %swap3A_500 = arith.constant 16 : index
        %swap3A_501 = tpu.vector_load %arg14[%swap3A_499, %swap3A_500] {strides = array<i32>} : memref<200x128xf32, #tpu.memory_space<vmem>>, vector<1x16xf32>,
        %swap3A_502 = vector.shape_cast %swap3A_501 : vector<1x16xf32> to vector<16xf32>
        %swap3A_503 = vector.shape_cast %get3A_498 : vector<16xf32> to vector<1x16xf32>
        tpu.vector_store %arg14[%swap3A_499, %swap3A_500], %swap3A_503 {add = true, strides = array<i32>} : memref<200x128xf32, #tpu.memory_space<vmem>>, vector<1x16xf32>,
        %get3A_504 = arith.index_cast %add3A_485 : i32 to index
        %get3A_505 = arith.constant 32 : index
        %get3A_506 = tpu.vector_load %arg6[%get3A_504, %get3A_505] {strides = array<i32>} : memref<200x128xf32, #tpu.memory_space<vmem>>, vector<1x16xf32>,
        %get3A_507 = vector.shape_cast %get3A_506 : vector<1x16xf32> to vector<16xf32>
        %swap3A_508 = arith.index_cast %add3A_485 : i32 to index
        %swap3A_509 = arith.constant 32 : index
        %swap3A_510 = tpu.vector_load %arg14[%swap3A_508, %swap3A_509] {strides = array<i32>} : memref<200x128xf32, #tpu.memory_space<vmem>>, vector<1x16xf32>,
        %swap3A_511 = vector.shape_cast %swap3A_510 : vector<1x16xf32> to vector<16xf32>
        %swap3A_512 = vector.shape_cast %get3A_507 : vector<16xf32> to vector<1x16xf32>
        tpu.vector_store %arg14[%swap3A_508, %swap3A_509], %swap3A_512 {add = true, strides = array<i32>} : memref<200x128xf32, #tpu.memory_space<vmem>>, vector<1x16xf32>,
        %get3A_513 = arith.index_cast %add3A_485 : i32 to index
        %get3A_514 = arith.constant 48 : index
        %get3A_515 = tpu.vector_load %arg6[%get3A_513, %get3A_514] {strides = array<i32>} : memref<200x128xf32, #tpu.memory_space<vmem>>, vector<1x16xf32>,
        %get3A_516 = vector.shape_cast %get3A_515 : vector<1x16xf32> to vector<16xf32>
        %swap3A_517 = arith.index_cast %add3A_485 : i32 to index
        %swap3A_518 = arith.constant 48 : index
        %swap3A_519 = tpu.vector_load %arg14[%swap3A_517, %swap3A_518] {strides = array<i32>} : memref<200x128xf32, #tpu.memory_space<vmem>>, vector<1x16xf32>,
        %swap3A_520 = vector.shape_cast %swap3A_519 : vector<1x16xf32> to vector<16xf32>
        %swap3A_521 = vector.shape_cast %get3A_516 : vector<16xf32> to vector<1x16xf32>
        tpu.vector_store %arg14[%swap3A_517, %swap3A_518], %swap3A_521 {add = true, strides = array<i32>} : memref<200x128xf32, #tpu.memory_space<vmem>>, vector<1x16xf32>,
        %mul3A_522 = arith.constant 8 : i32
        %mul3A_523 = arith.muli %scan3A_441, %mul3A_522 : i32
        %add3A_524 = arith.constant 2 : i32
        %add3A_525 = arith.addi %mul3A_523, %add3A_524 : i32
        %get3A_526 = arith.index_cast %add3A_525 : i32 to index
        %get3A_527 = arith.constant 0 : index
        %get3A_528 = tpu.vector_load %arg6[%get3A_526, %get3A_527] {strides = array<i32>} : memref<200x128xf32, #tpu.memory_space<vmem>>, vector<1x16xf32>,
        %get3A_529 = vector.shape_cast %get3A_528 : vector<1x16xf32> to vector<16xf32>
        %swap3A_530 = arith.index_cast %add3A_525 : i32 to index
        %swap3A_531 = arith.constant 0 : index
        %swap3A_532 = tpu.vector_load %arg14[%swap3A_530, %swap3A_531] {strides = array<i32>} : memref<200x128xf32, #tpu.memory_space<vmem>>, vector<1x16xf32>,
        %swap3A_533 = vector.shape_cast %swap3A_532 : vector<1x16xf32> to vector<16xf32>
        %swap3A_534 = vector.shape_cast %get3A_529 : vector<16xf32> to vector<1x16xf32>
        tpu.vector_store %arg14[%swap3A_530, %swap3A_531], %swap3A_534 {add = true, strides = array<i32>} : memref<200x128xf32, #tpu.memory_space<vmem>>, vector<1x16xf32>,
        %get3A_535 = arith.index_cast %add3A_525 : i32 to index
        %get3A_536 = arith.constant 16 : index
        %get3A_537 = tpu.vector_load %arg6[%get3A_535, %get3A_536] {strides = array<i32>} : memref<200x128xf32, #tpu.memory_space<vmem>>, vector<1x16xf32>,
        %get3A_538 = vector.shape_cast %get3A_537 : vector<1x16xf32> to vector<16xf32>
        %swap3A_539 = arith.index_cast %add3A_525 : i32 to index
        %swap3A_540 = arith.constant 16 : index
        %swap3A_541 = tpu.vector_load %arg14[%swap3A_539, %swap3A_540] {strides = array<i32>} : memref<200x128xf32, #tpu.memory_space<vmem>>, vector<1x16xf32>,
        %swap3A_542 = vector.shape_cast %swap3A_541 : vector<1x16xf32> to vector<16xf32>
        %swap3A_543 = vector.shape_cast %get3A_538 : vector<16xf32> to vector<1x16xf32>
        tpu.vector_store %arg14[%swap3A_539, %swap3A_540], %swap3A_543 {add = true, strides = array<i32>} : memref<200x128xf32, #tpu.memory_space<vmem>>, vector<1x16xf32>,
        %get3A_544 = arith.index_cast %add3A_525 : i32 to index
        %get3A_545 = arith.constant 32 : index
        %get3A_546 = tpu.vector_load %arg6[%get3A_544, %get3A_545] {strides = array<i32>} : memref<200x128xf32, #tpu.memory_space<vmem>>, vector<1x16xf32>,
        %get3A_547 = vector.shape_cast %get3A_546 : vector<1x16xf32> to vector<16xf32>
        %swap3A_548 = arith.index_cast %add3A_525 : i32 to index
        %swap3A_549 = arith.constant 32 : index
        %swap3A_550 = tpu.vector_load %arg14[%swap3A_548, %swap3A_549] {strides = array<i32>} : memref<200x128xf32, #tpu.memory_space<vmem>>, vector<1x16xf32>,
        %swap3A_551 = vector.shape_cast %swap3A_550 : vector<1x16xf32> to vector<16xf32>
        %swap3A_552 = vector.shape_cast %get3A_547 : vector<16xf32> to vector<1x16xf32>
        tpu.vector_store %arg14[%swap3A_548, %swap3A_549], %swap3A_552 {add = true, strides = array<i32>} : memref<200x128xf32, #tpu.memory_space<vmem>>, vector<1x16xf32>,
        %get3A_553 = arith.index_cast %add3A_525 : i32 to index
        %get3A_554 = arith.constant 48 : index
        %get3A_555 = tpu.vector_load %arg6[%get3A_553, %get3A_554] {strides = array<i32>} : memref<200x128xf32, #tpu.memory_space<vmem>>, vector<1x16xf32>,
        %get3A_556 = vector.shape_cast %get3A_555 : vector<1x16xf32> to vector<16xf32>
        %swap3A_557 = arith.index_cast %add3A_525 : i32 to index
        %swap3A_558 = arith.constant 48 : index
        %swap3A_559 = tpu.vector_load %arg14[%swap3A_557, %swap3A_558] {strides = array<i32>} : memref<200x128xf32, #tpu.memory_space<vmem>>, vector<1x16xf32>,
        %swap3A_560 = vector.shape_cast %swap3A_559 : vector<1x16xf32> to vector<16xf32>
        %swap3A_561 = vector.shape_cast %get3A_556 : vector<16xf32> to vector<1x16xf32>
        tpu.vector_store %arg14[%swap3A_557, %swap3A_558], %swap3A_561 {add = true, strides = array<i32>} : memref<200x128xf32, #tpu.memory_space<vmem>>, vector<1x16xf32>,
        %mul3A_562 = arith.constant 8 : i32
        %mul3A_563 = arith.muli %scan3A_441, %mul3A_562 : i32
        %add3A_564 = arith.constant 3 : i32
        %add3A_565 = arith.addi %mul3A_563, %add3A_564 : i32
        %get3A_566 = arith.index_cast %add3A_565 : i32 to index
        %get3A_567 = arith.constant 0 : index
        %get3A_568 = tpu.vector_load %arg6[%get3A_566, %get3A_567] {strides = array<i32>} : memref<200x128xf32, #tpu.memory_space<vmem>>, vector<1x16xf32>,
        %get3A_569 = vector.shape_cast %get3A_568 : vector<1x16xf32> to vector<16xf32>
        %swap3A_570 = arith.index_cast %add3A_565 : i32 to index
        %swap3A_571 = arith.constant 0 : index
        %swap3A_572 = tpu.vector_load %arg14[%swap3A_570, %swap3A_571] {strides = array<i32>} : memref<200x128xf32, #tpu.memory_space<vmem>>, vector<1x16xf32>,
        %swap3A_573 = vector.shape_cast %swap3A_572 : vector<1x16xf32> to vector<16xf32>
        %swap3A_574 = vector.shape_cast %get3A_569 : vector<16xf32> to vector<1x16xf32>
        tpu.vector_store %arg14[%swap3A_570, %swap3A_571], %swap3A_574 {add = true, strides = array<i32>} : memref<200x128xf32, #tpu.memory_space<vmem>>, vector<1x16xf32>,
        %get3A_575 = arith.index_cast %add3A_565 : i32 to index
        %get3A_576 = arith.constant 16 : index
        %get3A_577 = tpu.vector_load %arg6[%get3A_575, %get3A_576] {strides = array<i32>} : memref<200x128xf32, #tpu.memory_space<vmem>>, vector<1x16xf32>,
        %get3A_578 = vector.shape_cast %get3A_577 : vector<1x16xf32> to vector<16xf32>
        %swap3A_579 = arith.index_cast %add3A_565 : i32 to index
        %swap3A_580 = arith.constant 16 : index
        %swap3A_581 = tpu.vector_load %arg14[%swap3A_579, %swap3A_580] {strides = array<i32>} : memref<200x128xf32, #tpu.memory_space<vmem>>, vector<1x16xf32>,
        %swap3A_582 = vector.shape_cast %swap3A_581 : vector<1x16xf32> to vector<16xf32>
        %swap3A_583 = vector.shape_cast %get3A_578 : vector<16xf32> to vector<1x16xf32>
        tpu.vector_store %arg14[%swap3A_579, %swap3A_580], %swap3A_583 {add = true, strides = array<i32>} : memref<200x128xf32, #tpu.memory_space<vmem>>, vector<1x16xf32>,
        %get3A_584 = arith.index_cast %add3A_565 : i32 to index
        %get3A_585 = arith.constant 32 : index
        %get3A_586 = tpu.vector_load %arg6[%get3A_584, %get3A_585] {strides = array<i32>} : memref<200x128xf32, #tpu.memory_space<vmem>>, vector<1x16xf32>,
        %get3A_587 = vector.shape_cast %get3A_586 : vector<1x16xf32> to vector<16xf32>
        %swap3A_588 = arith.index_cast %add3A_565 : i32 to index
        %swap3A_589 = arith.constant 32 : index
        %swap3A_590 = tpu.vector_load %arg14[%swap3A_588, %swap3A_589] {strides = array<i32>} : memref<200x128xf32, #tpu.memory_space<vmem>>, vector<1x16xf32>,
        %swap3A_591 = vector.shape_cast %swap3A_590 : vector<1x16xf32> to vector<16xf32>
        %swap3A_592 = vector.shape_cast %get3A_587 : vector<16xf32> to vector<1x16xf32>
        tpu.vector_store %arg14[%swap3A_588, %swap3A_589], %swap3A_592 {add = true, strides = array<i32>} : memref<200x128xf32, #tpu.memory_space<vmem>>, vector<1x16xf32>,
        %get3A_593 = arith.index_cast %add3A_565 : i32 to index
        %get3A_594 = arith.constant 48 : index
        %get3A_595 = tpu.vector_load %arg6[%get3A_593, %get3A_594] {strides = array<i32>} : memref<200x128xf32, #tpu.memory_space<vmem>>, vector<1x16xf32>,
        %get3A_596 = vector.shape_cast %get3A_595 : vector<1x16xf32> to vector<16xf32>
        %swap3A_597 = arith.index_cast %add3A_565 : i32 to index
        %swap3A_598 = arith.constant 48 : index
        %swap3A_599 = tpu.vector_load %arg14[%swap3A_597, %swap3A_598] {strides = array<i32>} : memref<200x128xf32, #tpu.memory_space<vmem>>, vector<1x16xf32>,
        %swap3A_600 = vector.shape_cast %swap3A_599 : vector<1x16xf32> to vector<16xf32>
        %swap3A_601 = vector.shape_cast %get3A_596 : vector<16xf32> to vector<1x16xf32>
        tpu.vector_store %arg14[%swap3A_597, %swap3A_598], %swap3A_601 {add = true, strides = array<i32>} : memref<200x128xf32, #tpu.memory_space<vmem>>, vector<1x16xf32>,
        %mul3A_602 = arith.constant 8 : i32
        %mul3A_603 = arith.muli %scan3A_441, %mul3A_602 : i32
        %add3A_604 = arith.constant 4 : i32
        %add3A_605 = arith.addi %mul3A_603, %add3A_604 : i32
        %get3A_606 = arith.index_cast %add3A_605 : i32 to index
        %get3A_607 = arith.constant 0 : index
        %get3A_608 = tpu.vector_load %arg6[%get3A_606, %get3A_607] {strides = array<i32>} : memref<200x128xf32, #tpu.memory_space<vmem>>, vector<1x16xf32>,
        %get3A_609 = vector.shape_cast %get3A_608 : vector<1x16xf32> to vector<16xf32>
        %swap3A_610 = arith.index_cast %add3A_605 : i32 to index
        %swap3A_611 = arith.constant 0 : index
        %swap3A_612 = tpu.vector_load %arg14[%swap3A_610, %swap3A_611] {strides = array<i32>} : memref<200x128xf32, #tpu.memory_space<vmem>>, vector<1x16xf32>,
        %swap3A_613 = vector.shape_cast %swap3A_612 : vector<1x16xf32> to vector<16xf32>
        %swap3A_614 = vector.shape_cast %get3A_609 : vector<16xf32> to vector<1x16xf32>
        tpu.vector_store %arg14[%swap3A_610, %swap3A_611], %swap3A_614 {add = true, strides = array<i32>} : memref<200x128xf32, #tpu.memory_space<vmem>>, vector<1x16xf32>,
        %get3A_615 = arith.index_cast %add3A_605 : i32 to index
        %get3A_616 = arith.constant 16 : index
        %get3A_617 = tpu.vector_load %arg6[%get3A_615, %get3A_616] {strides = array<i32>} : memref<200x128xf32, #tpu.memory_space<vmem>>, vector<1x16xf32>,
        %get3A_618 = vector.shape_cast %get3A_617 : vector<1x16xf32> to vector<16xf32>
        %swap3A_619 = arith.index_cast %add3A_605 : i32 to index
        %swap3A_620 = arith.constant 16 : index
        %swap3A_621 = tpu.vector_load %arg14[%swap3A_619, %swap3A_620] {strides = array<i32>} : memref<200x128xf32, #tpu.memory_space<vmem>>, vector<1x16xf32>,
        %swap3A_622 = vector.shape_cast %swap3A_621 : vector<1x16xf32> to vector<16xf32>
        %swap3A_623 = vector.shape_cast %get3A_618 : vector<16xf32> to vector<1x16xf32>
        tpu.vector_store %arg14[%swap3A_619, %swap3A_620], %swap3A_623 {add = true, strides = array<i32>} : memref<200x128xf32, #tpu.memory_space<vmem>>, vector<1x16xf32>,
        %get3A_624 = arith.index_cast %add3A_605 : i32 to index
        %get3A_625 = arith.constant 32 : index
        %get3A_626 = tpu.vector_load %arg6[%get3A_624, %get3A_625] {strides = array<i32>} : memref<200x128xf32, #tpu.memory_space<vmem>>, vector<1x16xf32>,
        %get3A_627 = vector.shape_cast %get3A_626 : vector<1x16xf32> to vector<16xf32>
        %swap3A_628 = arith.index_cast %add3A_605 : i32 to index
        %swap3A_629 = arith.constant 32 : index
        %swap3A_630 = tpu.vector_load %arg14[%swap3A_628, %swap3A_629] {strides = array<i32>} : memref<200x128xf32, #tpu.memory_space<vmem>>, vector<1x16xf32>,
        %swap3A_631 = vector.shape_cast %swap3A_630 : vector<1x16xf32> to vector<16xf32>
        %swap3A_632 = vector.shape_cast %get3A_627 : vector<16xf32> to vector<1x16xf32>
        tpu.vector_store %arg14[%swap3A_628, %swap3A_629], %swap3A_632 {add = true, strides = array<i32>} : memref<200x128xf32, #tpu.memory_space<vmem>>, vector<1x16xf32>,
        %get3A_633 = arith.index_cast %add3A_605 : i32 to index
        %get3A_634 = arith.constant 48 : index
        %get3A_635 = tpu.vector_load %arg6[%get3A_633, %get3A_634] {strides = array<i32>} : memref<200x128xf32, #tpu.memory_space<vmem>>, vector<1x16xf32>,
        %get3A_636 = vector.shape_cast %get3A_635 : vector<1x16xf32> to vector<16xf32>
        %swap3A_637 = arith.index_cast %add3A_605 : i32 to index
        %swap3A_638 = arith.constant 48 : index
        %swap3A_639 = tpu.vector_load %arg14[%swap3A_637, %swap3A_638] {strides = array<i32>} : memref<200x128xf32, #tpu.memory_space<vmem>>, vector<1x16xf32>,
        %swap3A_640 = vector.shape_cast %swap3A_639 : vector<1x16xf32> to vector<16xf32>
        %swap3A_641 = vector.shape_cast %get3A_636 : vector<16xf32> to vector<1x16xf32>
        tpu.vector_store %arg14[%swap3A_637, %swap3A_638], %swap3A_641 {add = true, strides = array<i32>} : memref<200x128xf32, #tpu.memory_space<vmem>>, vector<1x16xf32>,
        %mul3A_642 = arith.constant 8 : i32
        %mul3A_643 = arith.muli %scan3A_441, %mul3A_642 : i32
        %add3A_644 = arith.constant 5 : i32
        %add3A_645 = arith.addi %mul3A_643, %add3A_644 : i32
        %get3A_646 = arith.index_cast %add3A_645 : i32 to index
        %get3A_647 = arith.constant 0 : index
        %get3A_648 = tpu.vector_load %arg6[%get3A_646, %get3A_647] {strides = array<i32>} : memref<200x128xf32, #tpu.memory_space<vmem>>, vector<1x16xf32>,
        %get3A_649 = vector.shape_cast %get3A_648 : vector<1x16xf32> to vector<16xf32>
        %swap3A_650 = arith.index_cast %add3A_645 : i32 to index
        %swap3A_651 = arith.constant 0 : index
        %swap3A_652 = tpu.vector_load %arg14[%swap3A_650, %swap3A_651] {strides = array<i32>} : memref<200x128xf32, #tpu.memory_space<vmem>>, vector<1x16xf32>,
        %swap3A_653 = vector.shape_cast %swap3A_652 : vector<1x16xf32> to vector<16xf32>
        %swap3A_654 = vector.shape_cast %get3A_649 : vector<16xf32> to vector<1x16xf32>
        tpu.vector_store %arg14[%swap3A_650, %swap3A_651], %swap3A_654 {add = true, strides = array<i32>} : memref<200x128xf32, #tpu.memory_space<vmem>>, vector<1x16xf32>,
        %get3A_655 = arith.index_cast %add3A_645 : i32 to index
        %get3A_656 = arith.constant 16 : index
        %get3A_657 = tpu.vector_load %arg6[%get3A_655, %get3A_656] {strides = array<i32>} : memref<200x128xf32, #tpu.memory_space<vmem>>, vector<1x16xf32>,
        %get3A_658 = vector.shape_cast %get3A_657 : vector<1x16xf32> to vector<16xf32>
        %swap3A_659 = arith.index_cast %add3A_645 : i32 to index
        %swap3A_660 = arith.constant 16 : index
        %swap3A_661 = tpu.vector_load %arg14[%swap3A_659, %swap3A_660] {strides = array<i32>} : memref<200x128xf32, #tpu.memory_space<vmem>>, vector<1x16xf32>,
        %swap3A_662 = vector.shape_cast %swap3A_661 : vector<1x16xf32> to vector<16xf32>
        %swap3A_663 = vector.shape_cast %get3A_658 : vector<16xf32> to vector<1x16xf32>
        tpu.vector_store %arg14[%swap3A_659, %swap3A_660], %swap3A_663 {add = true, strides = array<i32>} : memref<200x128xf32, #tpu.memory_space<vmem>>, vector<1x16xf32>,
        %get3A_664 = arith.index_cast %add3A_645 : i32 to index
        %get3A_665 = arith.constant 32 : index
        %get3A_666 = tpu.vector_load %arg6[%get3A_664, %get3A_665] {strides = array<i32>} : memref<200x128xf32, #tpu.memory_space<vmem>>, vector<1x16xf32>,
        %get3A_667 = vector.shape_cast %get3A_666 : vector<1x16xf32> to vector<16xf32>
        %swap3A_668 = arith.index_cast %add3A_645 : i32 to index
        %swap3A_669 = arith.constant 32 : index
        %swap3A_670 = tpu.vector_load %arg14[%swap3A_668, %swap3A_669] {strides = array<i32>} : memref<200x128xf32, #tpu.memory_space<vmem>>, vector<1x16xf32>,
        %swap3A_671 = vector.shape_cast %swap3A_670 : vector<1x16xf32> to vector<16xf32>
        %swap3A_672 = vector.shape_cast %get3A_667 : vector<16xf32> to vector<1x16xf32>
        tpu.vector_store %arg14[%swap3A_668, %swap3A_669], %swap3A_672 {add = true, strides = array<i32>} : memref<200x128xf32, #tpu.memory_space<vmem>>, vector<1x16xf32>,
        %get3A_673 = arith.index_cast %add3A_645 : i32 to index
        %get3A_674 = arith.constant 48 : index
        %get3A_675 = tpu.vector_load %arg6[%get3A_673, %get3A_674] {strides = array<i32>} : memref<200x128xf32, #tpu.memory_space<vmem>>, vector<1x16xf32>,
        %get3A_676 = vector.shape_cast %get3A_675 : vector<1x16xf32> to vector<16xf32>
        %swap3A_677 = arith.index_cast %add3A_645 : i32 to index
        %swap3A_678 = arith.constant 48 : index
        %swap3A_679 = tpu.vector_load %arg14[%swap3A_677, %swap3A_678] {strides = array<i32>} : memref<200x128xf32, #tpu.memory_space<vmem>>, vector<1x16xf32>,
        %swap3A_680 = vector.shape_cast %swap3A_679 : vector<1x16xf32> to vector<16xf32>
        %swap3A_681 = vector.shape_cast %get3A_676 : vector<16xf32> to vector<1x16xf32>
        tpu.vector_store %arg14[%swap3A_677, %swap3A_678], %swap3A_681 {add = true, strides = array<i32>} : memref<200x128xf32, #tpu.memory_space<vmem>>, vector<1x16xf32>,
        %mul3A_682 = arith.constant 8 : i32
        %mul3A_683 = arith.muli %scan3A_441, %mul3A_682 : i32
        %add3A_684 = arith.constant 6 : i32
        %add3A_685 = arith.addi %mul3A_683, %add3A_684 : i32
        %get3A_686 = arith.index_cast %add3A_685 : i32 to index
        %get3A_687 = arith.constant 0 : index
        %get3A_688 = tpu.vector_load %arg6[%get3A_686, %get3A_687] {strides = array<i32>} : memref<200x128xf32, #tpu.memory_space<vmem>>, vector<1x16xf32>,
        %get3A_689 = vector.shape_cast %get3A_688 : vector<1x16xf32> to vector<16xf32>
        %swap3A_690 = arith.index_cast %add3A_685 : i32 to index
        %swap3A_691 = arith.constant 0 : index
        %swap3A_692 = tpu.vector_load %arg14[%swap3A_690, %swap3A_691] {strides = array<i32>} : memref<200x128xf32, #tpu.memory_space<vmem>>, vector<1x16xf32>,
        %swap3A_693 = vector.shape_cast %swap3A_692 : vector<1x16xf32> to vector<16xf32>
        %swap3A_694 = vector.shape_cast %get3A_689 : vector<16xf32> to vector<1x16xf32>
        tpu.vector_store %arg14[%swap3A_690, %swap3A_691], %swap3A_694 {add = true, strides = array<i32>} : memref<200x128xf32, #tpu.memory_space<vmem>>, vector<1x16xf32>,
        %get3A_695 = arith.index_cast %add3A_685 : i32 to index
        %get3A_696 = arith.constant 16 : index
        %get3A_697 = tpu.vector_load %arg6[%get3A_695, %get3A_696] {strides = array<i32>} : memref<200x128xf32, #tpu.memory_space<vmem>>, vector<1x16xf32>,
        %get3A_698 = vector.shape_cast %get3A_697 : vector<1x16xf32> to vector<16xf32>
        %swap3A_699 = arith.index_cast %add3A_685 : i32 to index
        %swap3A_700 = arith.constant 16 : index
        %swap3A_701 = tpu.vector_load %arg14[%swap3A_699, %swap3A_700] {strides = array<i32>} : memref<200x128xf32, #tpu.memory_space<vmem>>, vector<1x16xf32>,
        %swap3A_702 = vector.shape_cast %swap3A_701 : vector<1x16xf32> to vector<16xf32>
        %swap3A_703 = vector.shape_cast %get3A_698 : vector<16xf32> to vector<1x16xf32>
        tpu.vector_store %arg14[%swap3A_699, %swap3A_700], %swap3A_703 {add = true, strides = array<i32>} : memref<200x128xf32, #tpu.memory_space<vmem>>, vector<1x16xf32>,
        %get3A_704 = arith.index_cast %add3A_685 : i32 to index
        %get3A_705 = arith.constant 32 : index
        %get3A_706 = tpu.vector_load %arg6[%get3A_704, %get3A_705] {strides = array<i32>} : memref<200x128xf32, #tpu.memory_space<vmem>>, vector<1x16xf32>,
        %get3A_707 = vector.shape_cast %get3A_706 : vector<1x16xf32> to vector<16xf32>
        %swap3A_708 = arith.index_cast %add3A_685 : i32 to index
        %swap3A_709 = arith.constant 32 : index
        %swap3A_710 = tpu.vector_load %arg14[%swap3A_708, %swap3A_709] {strides = array<i32>} : memref<200x128xf32, #tpu.memory_space<vmem>>, vector<1x16xf32>,
        %swap3A_711 = vector.shape_cast %swap3A_710 : vector<1x16xf32> to vector<16xf32>
        %swap3A_712 = vector.shape_cast %get3A_707 : vector<16xf32> to vector<1x16xf32>
        tpu.vector_store %arg14[%swap3A_708, %swap3A_709], %swap3A_712 {add = true, strides = array<i32>} : memref<200x128xf32, #tpu.memory_space<vmem>>, vector<1x16xf32>,
        %get3A_713 = arith.index_cast %add3A_685 : i32 to index
        %get3A_714 = arith.constant 48 : index
        %get3A_715 = tpu.vector_load %arg6[%get3A_713, %get3A_714] {strides = array<i32>} : memref<200x128xf32, #tpu.memory_space<vmem>>, vector<1x16xf32>,
        %get3A_716 = vector.shape_cast %get3A_715 : vector<1x16xf32> to vector<16xf32>
        %swap3A_717 = arith.index_cast %add3A_685 : i32 to index
        %swap3A_718 = arith.constant 48 : index
        %swap3A_719 = tpu.vector_load %arg14[%swap3A_717, %swap3A_718] {strides = array<i32>} : memref<200x128xf32, #tpu.memory_space<vmem>>, vector<1x16xf32>,
        %swap3A_720 = vector.shape_cast %swap3A_719 : vector<1x16xf32> to vector<16xf32>
        %swap3A_721 = vector.shape_cast %get3A_716 : vector<16xf32> to vector<1x16xf32>
        tpu.vector_store %arg14[%swap3A_717, %swap3A_718], %swap3A_721 {add = true, strides = array<i32>} : memref<200x128xf32, #tpu.memory_space<vmem>>, vector<1x16xf32>,
        %mul3A_722 = arith.constant 8 : i32
        %mul3A_723 = arith.muli %scan3A_441, %mul3A_722 : i32
        %add3A_724 = arith.constant 7 : i32
        %add3A_725 = arith.addi %mul3A_723, %add3A_724 : i32
        %get3A_726 = arith.index_cast %add3A_725 : i32 to index
        %get3A_727 = arith.constant 0 : index
        %get3A_728 = tpu.vector_load %arg6[%get3A_726, %get3A_727] {strides = array<i32>} : memref<200x128xf32, #tpu.memory_space<vmem>>, vector<1x16xf32>,
        %get3A_729 = vector.shape_cast %get3A_728 : vector<1x16xf32> to vector<16xf32>
        %swap3A_730 = arith.index_cast %add3A_725 : i32 to index
        %swap3A_731 = arith.constant 0 : index
        %swap3A_732 = tpu.vector_load %arg14[%swap3A_730, %swap3A_731] {strides = array<i32>} : memref<200x128xf32, #tpu.memory_space<vmem>>, vector<1x16xf32>,
        %swap3A_733 = vector.shape_cast %swap3A_732 : vector<1x16xf32> to vector<16xf32>
        %swap3A_734 = vector.shape_cast %get3A_729 : vector<16xf32> to vector<1x16xf32>
        tpu.vector_store %arg14[%swap3A_730, %swap3A_731], %swap3A_734 {add = true, strides = array<i32>} : memref<200x128xf32, #tpu.memory_space<vmem>>, vector<1x16xf32>,
        %get3A_735 = arith.index_cast %add3A_725 : i32 to index
        %get3A_736 = arith.constant 16 : index
        %get3A_737 = tpu.vector_load %arg6[%get3A_735, %get3A_736] {strides = array<i32>} : memref<200x128xf32, #tpu.memory_space<vmem>>, vector<1x16xf32>,
        %get3A_738 = vector.shape_cast %get3A_737 : vector<1x16xf32> to vector<16xf32>
        %swap3A_739 = arith.index_cast %add3A_725 : i32 to index
        %swap3A_740 = arith.constant 16 : index
        %swap3A_741 = tpu.vector_load %arg14[%swap3A_739, %swap3A_740] {strides = array<i32>} : memref<200x128xf32, #tpu.memory_space<vmem>>, vector<1x16xf32>,
        %swap3A_742 = vector.shape_cast %swap3A_741 : vector<1x16xf32> to vector<16xf32>
        %swap3A_743 = vector.shape_cast %get3A_738 : vector<16xf32> to vector<1x16xf32>
        tpu.vector_store %arg14[%swap3A_739, %swap3A_740], %swap3A_743 {add = true, strides = array<i32>} : memref<200x128xf32, #tpu.memory_space<vmem>>, vector<1x16xf32>,
        %get3A_744 = arith.index_cast %add3A_725 : i32 to index
        %get3A_745 = arith.constant 32 : index
        %get3A_746 = tpu.vector_load %arg6[%get3A_744, %get3A_745] {strides = array<i32>} : memref<200x128xf32, #tpu.memory_space<vmem>>, vector<1x16xf32>,
        %get3A_747 = vector.shape_cast %get3A_746 : vector<1x16xf32> to vector<16xf32>
        %swap3A_748 = arith.index_cast %add3A_725 : i32 to index
        %swap3A_749 = arith.constant 32 : index
        %swap3A_750 = tpu.vector_load %arg14[%swap3A_748, %swap3A_749] {strides = array<i32>} : memref<200x128xf32, #tpu.memory_space<vmem>>, vector<1x16xf32>,
        %swap3A_751 = vector.shape_cast %swap3A_750 : vector<1x16xf32> to vector<16xf32>
        %swap3A_752 = vector.shape_cast %get3A_747 : vector<16xf32> to vector<1x16xf32>
        tpu.vector_store %arg14[%swap3A_748, %swap3A_749], %swap3A_752 {add = true, strides = array<i32>} : memref<200x128xf32, #tpu.memory_space<vmem>>, vector<1x16xf32>,
        %get3A_753 = arith.index_cast %add3A_725 : i32 to index
        %get3A_754 = arith.constant 48 : index
        %get3A_755 = tpu.vector_load %arg6[%get3A_753, %get3A_754] {strides = array<i32>} : memref<200x128xf32, #tpu.memory_space<vmem>>, vector<1x16xf32>,
        %get3A_756 = vector.shape_cast %get3A_755 : vector<1x16xf32> to vector<16xf32>
        %swap3A_757 = arith.index_cast %add3A_725 : i32 to index
        %swap3A_758 = arith.constant 48 : index
        %swap3A_759 = tpu.vector_load %arg14[%swap3A_757, %swap3A_758] {strides = array<i32>} : memref<200x128xf32, #tpu.memory_space<vmem>>, vector<1x16xf32>,
        %swap3A_760 = vector.shape_cast %swap3A_759 : vector<1x16xf32> to vector<16xf32>
        %swap3A_761 = vector.shape_cast %get3A_756 : vector<16xf32> to vector<1x16xf32>
        tpu.vector_store %arg14[%swap3A_757, %swap3A_758], %swap3A_761 {add = true, strides = array<i32>} : memref<200x128xf32, #tpu.memory_space<vmem>>, vector<1x16xf32>,
        %scan3A_762 = arith.constant 0 : i32
        scf.yield %scan3A_762 : i32
      }
      %scan3A_431 = arith.constant 25 : i32
      %add3A_432 = arith.addi %mul3A_2, %add3A_378 : i32
      %dma_start3A_433 = arith.constant 0 : i32
      %dma_start3A_434 = arith.constant 0 : i32
      %dma_start3A_435 = tpu.memref_slice %arg5[%add3A_432, %dma_start3A_433, %dma_start3A_434] : memref<4096x200x128xf32, #tpu.memory_space<hbm>> -> memref<1x200x128xf32, #tpu.memory_space<hbm>>
      %dma_start3A_436 = tpu.memref_squeeze %dma_start3A_435 : memref<1x200x128xf32, #tpu.memory_space<hbm>> -> memref<200x128xf32, #tpu.memory_space<hbm>>
      %dma_start3A_437 = arith.constant 0 : i32
      %dma_start3A_438 = arith.constant 0 : i32
      %dma_start3A_439 = tpu.memref_slice %arg5[%add3A_432, %dma_start3A_437, %dma_start3A_438] : memref<4096x200x128xf32, #tpu.memory_space<hbm>> -> memref<1x200x128xf32, #tpu.memory_space<hbm>>
      %dma_start3A_440 = tpu.memref_squeeze %dma_start3A_439 : memref<1x200x128xf32, #tpu.memory_space<hbm>> -> memref<200x128xf32, #tpu.memory_space<hbm>>
      tpu.enqueue_dma source(%arg14 : memref<200x128xf32, #tpu.memory_space<vmem>>) target(%dma_start3A_440 : memref<200x128xf32, #tpu.memory_space<hbm>>) target_semaphore(%arg26 : memref<!tpu.dma_semaphore, #tpu.memory_space<semaphore_mem>>)
    }
    %scan3A_156 = arith.constant 32 : i32
    %dma_wait3A_157 = arith.constant 0 : i32
    %dma_wait3A_158 = arith.constant 0 : i32
    %dma_wait3A_159 = tpu.memref_slice %arg5[%mul3A_2, %dma_wait3A_157, %dma_wait3A_158] : memref<4096x200x128xf32, #tpu.memory_space<hbm>> -> memref<1x200x128xf32, #tpu.memory_space<hbm>>
    %dma_wait3A_160 = tpu.memref_squeeze %dma_wait3A_159 : memref<1x200x128xf32, #tpu.memory_space<hbm>> -> memref<200x128xf32, #tpu.memory_space<hbm>>
    %dma_wait3A_161 = arith.constant 0 : i32
    %dma_wait3A_162 = arith.constant 0 : i32
    %dma_wait3A_163 = tpu.memref_slice %arg5[%mul3A_2, %dma_wait3A_161, %dma_wait3A_162] : memref<4096x200x128xf32, #tpu.memory_space<hbm>> -> memref<1x200x128xf32, #tpu.memory_space<hbm>>
    %dma_wait3A_164 = tpu.memref_squeeze %dma_wait3A_163 : memref<1x200x128xf32, #tpu.memory_space<hbm>> -> memref<200x128xf32, #tpu.memory_space<hbm>>
    tpu.wait_dma2 semaphore(%arg24 : memref<!tpu.dma_semaphore, #tpu.memory_space<semaphore_mem>>) src(%arg12 : memref<200x128xf32, #tpu.memory_space<vmem>>) dst(%dma_wait3A_164 : memref<200x128xf32, #tpu.memory_space<hbm>>)
    %dma_wait3A_165 = arith.constant 0 : i32
    %dma_wait3A_166 = arith.constant 0 : i32
    %dma_wait3A_167 = tpu.memref_slice %arg5[%mul3A_2, %dma_wait3A_165, %dma_wait3A_166] : memref<4096x200x128xf32, #tpu.memory_space<hbm>> -> memref<1x200x128xf32, #tpu.memory_space<hbm>>
    %dma_wait3A_168 = tpu.memref_squeeze %dma_wait3A_167 : memref<1x200x128xf32, #tpu.memory_space<hbm>> -> memref<200x128xf32, #tpu.memory_space<hbm>>
    %dma_wait3A_169 = arith.constant 0 : i32
    %dma_wait3A_170 = arith.constant 0 : i32
    %dma_wait3A_171 = tpu.memref_slice %arg5[%mul3A_2, %dma_wait3A_169, %dma_wait3A_170] : memref<4096x200x128xf32, #tpu.memory_space<hbm>> -> memref<1x200x128xf32, #tpu.memory_space<hbm>>
    %dma_wait3A_172 = tpu.memref_squeeze %dma_wait3A_171 : memref<1x200x128xf32, #tpu.memory_space<hbm>> -> memref<200x128xf32, #tpu.memory_space<hbm>>
    tpu.wait_dma2 semaphore(%arg25 : memref<!tpu.dma_semaphore, #tpu.memory_space<semaphore_mem>>) src(%arg13 : memref<200x128xf32, #tpu.memory_space<vmem>>) dst(%dma_wait3A_172 : memref<200x128xf32, #tpu.memory_space<hbm>>)
    %dma_wait3A_173 = arith.constant 0 : i32
    %dma_wait3A_174 = arith.constant 0 : i32
    %dma_wait3A_175 = tpu.memref_slice %arg5[%mul3A_2, %dma_wait3A_173, %dma_wait3A_174] : memref<4096x200x128xf32, #tpu.memory_space<hbm>> -> memref<1x200x128xf32, #tpu.memory_space<hbm>>
    %dma_wait3A_176 = tpu.memref_squeeze %dma_wait3A_175 : memref<1x200x128xf32, #tpu.memory_space<hbm>> -> memref<200x128xf32, #tpu.memory_space<hbm>>
    %dma_wait3A_177 = arith.constant 0 : i32
    %dma_wait3A_178 = arith.constant 0 : i32
    %dma_wait3A_179 = tpu.memref_slice %arg5[%mul3A_2, %dma_wait3A_177, %dma_wait3A_178] : memref<4096x200x128xf32, #tpu.memory_space<hbm>> -> memref<1x200x128xf32, #tpu.memory_space<hbm>>
    %dma_wait3A_180 = tpu.memref_squeeze %dma_wait3A_179 : memref<1x200x128xf32, #tpu.memory_space<hbm>> -> memref<200x128xf32, #tpu.memory_space<hbm>>
    tpu.wait_dma2 semaphore(%arg26 : memref<!tpu.dma_semaphore, #tpu.memory_space<semaphore_mem>>) src(%arg14 : memref<200x128xf32, #tpu.memory_space<vmem>>) dst(%dma_wait3A_180 : memref<200x128xf32, #tpu.memory_space<hbm>>)
    return
  }
}

</mosaic_0001>

<sc_bundles>
// kernel: kernel.3.cloned.1.call-start
scs
__scs_entry_jumppad:
0x0: {  	(pc) =	sbr.rel $0x88, $3  }
0x1: {  	(tag) =	ssettag $0x0;
	lr =	simm.s32 $0x1  }
0x2: {  	[smem:$0x3F9F] =	sst lr;
	_ =	strace $0xD0000000  }
0x3: {  	_ = 	snop  }
0x4: {  	_ = 	snop  }
0x5: {  	_ = 	snop  }
0x6: {  	_ = 	snop  }
0x7: {  	_ = 	snop  }
__scs_overlays_trampoline_lowered:
0x8: {  	[smem:$0x3FAE] =	sst s0  }
0x9: {  	[smem:$0x3FAF] =	sst s1  }
0xa: {  	[smem:$0x3FB0] =	sst s2  }
0xb: {  	[smem:$0x3FB1] =	sst s3  }
0xc: {  	[smem:$0x3FB2] =	sst s4  }
0xd: {  	[smem:$0x3FB3] =	sst s5  }
0xe: {  	[smem:$0x3FB4] =	sst s6  }
0xf: {  	[smem:$0x3FB5] =	sst s7  }
0x10: {  	[smem:$0x3FB6] =	sst s8  }
0x11: {  	[smem:$0x3FB7] =	sst s9;
	s0 =	simm.s32 @!p0 $0x0  }
0x12: {  	s1 =	sld [smem:$0x3F9D];
	s0 =	simm.s32 @p0 $0x1  }
0x13: {  	[smem:$0x3FB8] =	sst s0;
	s0 =	simm.s32 @!p1 $0x0  }
0x14: {  	s2 =	sld [smem:$0x3F9C];
	s0 =	simm.s32 @p1 $0x1  }
0x15: {  	[smem:$0x3FB9] =	sst s0;
	s0 =	simm.s32 @!p2 $0x0  }
0x16: {  	s3 =	sld [smem:$0x3FDB];
	s0 =	simm.s32 @p2 $0x1  }
0x17: {  	s4 =	simm.s32 $0x1BF5;
	[smem:$0x3FBB] =	sst s0  }
0x18: {  	s0 =	sld [smem:$0x3F9E];
	_ =	swait.ge [sflag:s4], $0x0  }
0x19: {  	s7 =	sld [smem:$0x3F9F]  }
0x1a: {  	s8 =	sadd.s32 $0xFFFFE003, lr  }
0x1b: {  	s9 =	sadd.s32 $0xFFFFFEF7, lr;
	s5 =	simm.s32 $0xFFFFFFFF;
	p2 =	slt.u32 s8, $0xFFFFF086  }
0x1c: {  	p1 =	slt.u32 s9, $0xF7A;
	s5 =	simm.s32 @!p2 $0x0  }
0x1d: {  	s5 =	simm.s32 @p1 $0x1;
	p0 =	seq.s32 s7, s2  }
0x1e: {  	s7 =	smul.u32 @!p0 $0xF7A, s2;
	p2 =	seq.s32 @!p0 s5, $0x0  }
0x1f: {  	s9 =	smul.u32 $0xF7A, s1;
	s8 =	simm.s32 @!p0 $0x1BF5;
	p2 =	por !p2, p0  }
0x20: {  	[sflag:s8] =	ssyncset.s32 @!p0 $0xFFFFF086;
	s6 =	sadd.s32 @!p0 s3, s7;
	s7 =	simm.s32 @!p0 $0x108  }
0x21: {  	s3 =	sadd.s32 s3, s9;
	s6 =	sadd.s32 @!p0 $0x88, s6;
	s7 =	simm.s32 @p2 $0x1082  }
0x22: {  	[simem:s7], [sflag:s8] =	dma.local @!p0 [hbm:s6], $0xF7A  }
0x23: {  	s9 =	sor.u32 $0xD0000000, s2;
	s6 =	simm.s32 $0x108;
	_ =	swait.ge @!p0 [sflag:s8], $0x0  }
0x24: {  	s3 =	sadd.s32 $0x88, s3;
	s6 =	simm.s32 @!p1 $0x1082;
	[sflag:s4] =	ssyncset.s32 $0xFFFFF086  }
0x25: {  	[simem:s6], [sflag:s4] =	dma.local [hbm:s3], $0xF7A  }
0x26: {  	[smem:$0x3F9F] =	sst s1;
	(tag) =	ssettag s2;
	_ =	strace s9  }
0x27: {  	s1 =	sld [smem:$0x3FAF]  }
0x28: {  	s2 =	sld [smem:$0x3FB0]  }
0x29: {  	s4 =	sld [smem:$0x3FB2]  }
0x2a: {  	p0 =	seq.s32 s5, $0x0;
	s5 =	sld [smem:$0x3FB3]  }
0x2b: {  	s6 =	sld [smem:$0x3FB4]  }
0x2c: {  	s7 =	sld [smem:$0x3FB5]  }
0x2d: {  	s3 =	simm.s32 $0x108;
	s8 =	sld [smem:$0x3FB6]  }
0x2e: {  	s3 =	simm.s32 @!p0 $0x1082;
	s9 =	sld [smem:$0x3FB7]  }
0x2f: {  	lr =	sadd.s32 s0, s3;
	s0 =	sld [smem:$0x3FAE]  }
0x30: {  	s3 =	sld [smem:$0x3FB1]  }
0x31: {  	[smem:$0x3FBA] =	sst s10  }
0x32: {  	s10 =	sld [smem:$0x3FB8];
	_ =	sdelay $0x3  }
0x33: {  	p0 =	seq.s32 s10, $0x1;
	s10 =	sld [smem:$0x3FBA];
	_ =	sdelay $0x3  }
0x34: {  	[smem:$0x3FBA] =	sst s10  }
0x35: {  	s10 =	sld [smem:$0x3FB9];
	_ =	sdelay $0x3  }
0x36: {  	p1 =	seq.s32 s10, $0x1;
	s10 =	sld [smem:$0x3FBA];
	_ =	sdelay $0x3  }
0x37: {  	[smem:$0x3FBA] =	sst s10  }
0x38: {  	s10 =	sld [smem:$0x3FBB]  }
0x39: {  	_ = 	snop;
	(pc) =	sbr.ind lr, $3  }
0x3a: {  	_ = 	snop  }
0x3b: {  	_ = 	snop  }
0x3c: {  	p2 =	seq.s32 s10, $0x1;
	s10 =	sld [smem:$0x3FBA]  }
0x3d: {  	_ =	shalt  }
0x3e: {  	_ =	shalt  }
0x3f: {  	_ =	shalt  }
0x40: {  	_ =	shalt  }
0x41: {  	_ =	shalt  }
0x42: {  	_ =	shalt  }
0x43: {  	_ =	shalt  }
0x44: {  	_ =	shalt  }
0x45: {  	_ =	shalt  }
0x46: {  	_ =	shalt  }
0x47: {  	_ =	shalt  }
0x48: {  	_ =	shalt  }
0x49: {  	_ =	shalt  }
0x4a: {  	_ =	shalt  }
0x4b: {  	_ =	shalt  }
0x4c: {  	_ =	shalt  }
0x4d: {  	_ =	shalt  }
0x4e: {  	_ =	shalt  }
0x4f: {  	_ =	shalt  }
0x50: {  	_ =	shalt  }
0x51: {  	_ =	shalt  }
0x52: {  	_ =	shalt  }
0x53: {  	_ =	shalt  }
0x54: {  	_ =	shalt  }
0x55: {  	_ =	shalt  }
0x56: {  	_ =	shalt  }
0x57: {  	_ =	shalt  }
0x58: {  	_ =	shalt  }
0x59: {  	_ =	shalt  }
0x5a: {  	_ =	shalt  }
0x5b: {  	_ =	shalt  }
0x5c: {  	_ =	shalt  }
0x5d: {  	_ =	shalt  }
0x5e: {  	_ =	shalt  }
0x5f: {  	_ =	shalt  }
0x60: {  	_ =	shalt  }
0x61: {  	_ =	shalt  }
0x62: {  	_ =	shalt  }
0x63: {  	_ =	shalt  }
0x64: {  	_ =	shalt  }
0x65: {  	_ =	shalt  }
0x66: {  	_ =	shalt  }
0x67: {  	_ =	shalt  }
0x68: {  	_ =	shalt  }
0x69: {  	_ =	shalt  }
0x6a: {  	_ =	shalt  }
0x6b: {  	_ =	shalt  }
0x6c: {  	_ =	shalt  }
0x6d: {  	_ =	shalt  }
0x6e: {  	_ =	shalt  }
0x6f: {  	_ =	shalt  }
0x70: {  	_ =	shalt  }
0x71: {  	_ =	shalt  }
0x72: {  	_ =	shalt  }
0x73: {  	_ =	shalt  }
0x74: {  	_ =	shalt  }
0x75: {  	_ =	shalt  }
0x76: {  	_ =	shalt  }
0x77: {  	_ =	shalt  }
0x78: {  	_ =	shalt  }
0x79: {  	_ =	shalt  }
0x7a: {  	_ =	shalt  }
0x7b: {  	_ =	shalt  }
0x7c: {  	_ =	shalt  }
0x7d: {  	_ =	shalt  }
0x7e: {  	_ =	shalt  }
0x7f: {  	_ =	shalt  }
0x80: {  	_ =	shalt  }
0x81: {  	_ =	shalt  }
0x82: {  	_ =	shalt  }
0x83: {  	_ =	shalt  }
0x84: {  	_ =	shalt  }
0x85: {  	_ =	shalt  }
0x86: {  	_ =	shalt  }
0x87: {  	_ =	shalt  }
.Lfunc_end0:
.L_simem_size_0:
called_computation.1_lowered:
.L_overlay_start_0:
0x88: {  	s2 =	sld [smem:$0x3FD9]  }
0x89: {  	s3 =	sld [smem:$0x3FFE];
	_ =	sdelay $0x1  }
0x8a: {  	s1 =	srdreg.scid  }
0x8b: {  	s0 =	sand.u32 $0x1, s1  }
0x8c: {  	s17 =	sshll.u32 s0, $0xA;
	s2 =	sadd.s32 s3, s2  }
0x8d: {  	s2 =	sadd.s32 s2, s17  }
0x8e: {  	[smem:$0x3FC6] =	sst s2  }
0x8f: {  	_ = 	snop  }
0x90: {  	s2 =	sld [smem:$0x3FD0];
	(tm) =	ssettm $0x1  }
0x91: {  	s18 =	sld [smem:$0x3FFB];
	_ =	sdelay $0x3  }
0x92: {  	_ =	strace s18  }
0x93: {  	s3 =	sld [smem:$0x3FFC];
	_ =	sdelay $0x3  }
0x94: {  	_ =	strace s3  }
0x95: {  	s3 =	sld [smem:$0x3FFD];
	_ =	sdelay $0x3  }
0x96: {  	_ =	strace s3  }
0x97: {  	_ =	strace $0x8FFFFFFF  }
0x98: {  	s19 =	sld [smem:$0x3FDB];
	_ =	sdelay $0x1  }
0x99: {  	s4 =	simm.s32 $_scs_section_size  }
0x9a: {  	s5 =	simm.s32 $_size__tile_overlayer_lowered;
	s6 =	simm.s32 $_tile_overlayer_lowered  }
0x9b: {  	s22 =	simm.s32 $0x1BFF;
	s21 =	sshll.u32 s6, $0x1;
	s3 =	sadd.s32 s4, s19  }
0x9c: {  	s7 =	simm.s32 $0x0;
	s20 =	sshll.u32 s5, $0x1;
	s5 =	sadd.s32 s21, s3  }
0x9d: {  	[timem:s7], [sflag:s22] =	dma.local [hbm:s5], s20  }
0x9e: {  	_ =	swait.ge [sflag:s22], s20  }
0x9f: {  	s4 =	ssub.s32 $0x0, s20;
	[sflag:s22] =	ssyncset.done $0x0  }
0xa0: {  	[sflag:s22] =	ssyncadd.s32 s4;
	_ =	sdelay $0x1  }
0xa1: {  	s23 =	simm.s32 $0x1B8B  }
0xa2: {  	_ =	swait.ge [sflag:s23], $0x1  }
0xa3: {  	[sflag:s23] =	ssyncset.done $0x0  }
0xa4: {  	s25 =	simm.s32 $0x1B8E;
	s24 =	sld [smem:$0x3FFE];
	[sflag:s23] =	ssyncadd.s32 $0xFFFFFFFF  }
0xa5: {  	s26 =	simm.s32 $execute0_lowered;
	[smem:$0x3FD2] =	sst s25  }
0xa6: {  	s5 =	sshll.u32 s26, $0x1;
	_ =	strace $0x80000046;
	[dreg:$0x1] =	wrdreg $0xFFFFFFFF  }
0xa7: {  	s28 =	simm.s32 $_size_execute0_lowered;
	s3 =	sadd.s32 s3, s5;
	[dreg:$0x0] =	wrdreg $0x0  }
0xa8: {  	s5 =	sshll.u32 s28, $0x1;
	[dreg:$0x2] =	wrdreg s3  }
0xa9: {  	[dreg:$0x3] =	wrdreg s5  }
0xaa: {  	[dreg:$0x4] =	wrdreg $0xC0  }
0xab: {  	_ =	task [dreg:s7], $0x5FFFF  }
0xac: {  	[dreg:$0x1] =	wrdreg $0xFFFFFFFF  }
0xad: {  	[dreg:$0x0] =	wrdreg $0x60  }
0xae: {  	[dreg:$0x2] =	wrdreg s24  }
0xaf: {  	[dreg:$0x3] =	wrdreg s2  }
0xb0: {  	[dreg:$0x4] =	wrdreg $0x9  }
0xb1: {  	_ =	task.clear_ibuf [dreg:s7], $0x5FFFF;
	_ =	strace $0x90000046  }
0xb2: {  	s29 =	simm.s32 $0x9;
	_ =	strace $0x80000048  }
0xb3: {  	_ =	swait.ge [sflag:s29], $0x1  }
0xb4: {  	[sflag:s29] =	ssyncadd.s32 $0xFFFFFFFF  }
0xb5: {  	_ =	strace $0x90000048  }
0xb6: {  	_ =	sfence  }
0xb7: {  	s30 =	sld [smem:$0x0];
	_ =	sdelay $0x2  }
0xb8: {  	s31 =	sshll.u32 s1, $0xD;
	s1 =	sshrl.u32 s1, $0x2  }
0xb9: {  	s3 =	sand.u32 $0x4000, s31;
	s1 =	sadd.s32 s1, s30  }
0xba: {  	s0 =	sor.u32 s3, s0;
	s1 =	sshll.u32 s1, $0x11  }
0xbb: {  	s0 =	sor.u32 s1, s0  }
0xbc: {  	s0 =	sadd.s32 $0x8F2B, s0  }
0xbd: {  	[sflag:s0] =	ssyncadd.remote.s32 $0x1  }
0xbe: {  	_ =	sfence.sel $0xFFFF  }
0xbf: {  	[dreg:$0x0] =	wrdreg $0xFFFFFFFF;
	(pc) =	sbr.abs _section_cstart, $3  }
0xc0: {  	[dreg:$0x1] =	wrdreg $0xFFFFFFFF  }
0xc1: {  	_ =	task.clear_ibuf [dreg:s7], $0x2FFFF;
	_ =	strace $0x9FFFFFFF  }
0xc2: {  	(tm) =	ssettm $0x7FFFFFFF  }
0xc3: {  	_ =	shalt  }
tec
execute0_lowered:
.L_overlay_start_1:
0x0: {  	(tag) =	ssettag $0x1  }
0x1: {  	s0 =	rddreg [dreg:$0x0]  }
0x2: {  	s1 =	rddreg [dreg:$0x1];
	s3 =	simm.s32 $0x0;
	s2 =	srdreg.scid  }
0x3: {  	s6 =	stileid.u32;
	s19 =	simm.s32 $0x5;
	s20 =	simm.s32 $0x2  }
0x4: {  	s10 =	simm.s32 $0x6;
	s11 =	simm.s32 $0xB;
	s12 =	simm.s32 $0x3  }
0x5: {  	s13 =	simm.s32 $0x13000;
	s17 =	simm.s32 $0x19400;
	s28 =	simm.s32 $0x1F000  }
0x6: {  	s29 =	simm.s32 $0x8;
	s30 =	simm.s32 $0xA;
	s31 =	simm.s32 $0xC  }
0x7: {  	s9 =	simm.s32 $0x0;
	[smem:$0x7FF] =	sst s3;
	s2 =	sand.u32 $0x1, s2  }
0x8: {  	s4 =	sadd.s32 $0xF43000, s0;
	s6 =	sshll.u32 s6, $0x1;
	s7 =	sadd.s32 $0x600, s0  }
0x9: {  	_ =	strace $0x80000047;
	s5 =	ssub.s32 $0x2, s2;
	s2 =	sor.u32 s2, s6  }
0xa: {  	[dreg:$0x3] =	wrdreg s7;
	s6 =	sadd.s32 $0x1400, s0;
	s24 =	sshll.u32 s2, $0xC  }
0xb: {  	s22 =	sshrl.u32 s5, $0x1;
	s7 =	sshll.u32 s2, $0x7;
	s25 =	sadd.s32 s1, s24  }
0xc: {  	s23 =	ssub.s32 s5, s22;
	s5 =	sadd.s32 $0x10, s25;
	[dreg:$0x4] =	wrdreg s25  }
0xd: {  	s8 =	sshll.u32 s2, $0xF;
	s26 =	sadd.s32 $0x20, s25;
	[dreg:$0x5] =	wrdreg s5  }
0xe: {  	s22 =	simm.s32 $0x1D400;
	s2 =	sadd.s32 $0x30, s25;
	[dreg:$0x6] =	wrdreg s26  }
0xf: {  	s24 =	simm.s32 $0x1DC00;
	s0 =	smax.u32 s23, $0x1;
	[dreg:$0x7] =	wrdreg s2  }
0x10: {  	s23 =	simm.s32 $0xCC00;
	s25 =	simm.s32 $0x1E400;
	[dreg:$0x8] =	wrdreg s0  }
0x11: {  	vm0 =	vmmov $0xffff;
	s0 =	simm.s32 $0x7;
	s2 =	simm.s32 $0x4;
	s26 =	simm.s32 $0x1EC00  }
.LBB2_1:
0x12: {  	[dreg:$0x9] =	wrdreg s9  }
0x13: {  	s5 =	rddreg [dreg:$0x3];
	s18 =	simm.s32 $0xD  }
0x14: {  	[tilespmem:s3], [sflag:$0xD] =	stream.linear.gather [hbm4b:s5+s3], $0x6400, $0x38;
	[tilespmem:$0x1F800] =	vst v63  }
0x15: {  	_ =	swait.ge [sflag:s18], $0x6400  }
0x16: {  	s9 =	simm.s32 $0x80;
	s14 =	simm.s32 $0x400;
	[sflag:s18] =	ssyncset.done $0x0  }
0x17: {  	s15 =	simm.s32 $0x6400;
	s21 =	rddreg [dreg:$0x4];
	[sflag:s18] =	ssyncadd.s32 $0xFFFF9C00  }
0x18: {  	[tilespmem:s15], [sflag:$0x1] =	stream.strided.gather [hbm4b:s21+s9], $0x100, s14, s9, $0x38;
	[tilespmem:$0x1F800] =	vst v63  }
0x19: {  	s16 =	simm.s32 $0x6500;
	s15 =	rddreg [dreg:$0x5]  }
0x1a: {  	[tilespmem:s16], [sflag:$0x2] =	stream.strided.gather [hbm4b:s15+s9], $0x100, s14, s9, $0x38;
	[tilespmem:$0x1F800] =	vst v63  }
0x1b: {  	s18 =	rddreg [dreg:$0x6];
	s21 =	simm.s32 $0x6600  }
0x1c: {  	[tilespmem:s21], [sflag:$0x3] =	stream.strided.gather [hbm4b:s18+s9], $0x100, s14, s9, $0x38;
	[tilespmem:$0x1F800] =	vst v63  }
0x1d: {  	s15 =	rddreg [dreg:$0x7];
	s16 =	simm.s32 $0x6700;
	s18 =	simm.s32 $0x1  }
0x1e: {  	[tilespmem:s16], [sflag:$0x4] =	stream.strided.gather [hbm4b:s15+s9], $0x100, s14, s9, $0x38;
	[tilespmem:$0x1F800] =	vst v63  }
0x1f: {  	_ =	swait.ge [sflag:s18], $0x100  }
0x20: {  	[sflag:s18] =	ssyncset.done $0x0  }
0x21: {  	[sflag:s18] =	ssyncadd.s32 $0xFFFFFF00  }
0x22: {  	v0 =	vld [tilespmem:$0x6400];
	_ =	sdelay $0x6  }
0x23: {  	s21 =	simm.s32 $0x6800  }
0x24: {  	[tilespmem:s21], [sflag:$0x5] =	stream.indirect_vreg.gather [hbm4b:s4+s3], $0x80, v0, vm0, $0xb8;
	[tilespmem:$0x1F800] =	vst v63  }
0x25: {  	v0 =	vld [tilespmem:$0x6410];
	_ =	sdelay $0x6  }
0x26: {  	s9 =	simm.s32 $0x7000  }
0x27: {  	[tilespmem:s9], [sflag:$0x5] =	stream.indirect_vreg.gather [hbm4b:s4+s3], $0x80, v0, vm0, $0xb8;
	[tilespmem:$0x1F800] =	vst v63  }
0x28: {  	v0 =	vld [tilespmem:$0x6420];
	_ =	sdelay $0x6  }
0x29: {  	s14 =	simm.s32 $0x7800  }
0x2a: {  	[tilespmem:s14], [sflag:$0x5] =	stream.indirect_vreg.gather [hbm4b:s4+s3], $0x80, v0, vm0, $0xb8;
	[tilespmem:$0x1F800] =	vst v63  }
0x2b: {  	v0 =	vld [tilespmem:$0x6430];
	_ =	sdelay $0x6  }
0x2c: {  	s15 =	simm.s32 $0x8000  }
0x2d: {  	[tilespmem:s15], [sflag:$0x5] =	stream.indirect_vreg.gather [hbm4b:s4+s3], $0x80, v0, vm0, $0xb8;
	[tilespmem:$0x1F800] =	vst v63  }
0x2e: {  	v0 =	vld [tilespmem:$0x6440];
	_ =	sdelay $0x6  }
0x2f: {  	s16 =	simm.s32 $0x8800  }
0x30: {  	[tilespmem:s16], [sflag:$0x5] =	stream.indirect_vreg.gather [hbm4b:s4+s3], $0x80, v0, vm0, $0xb8;
	[tilespmem:$0x1F800] =	vst v63  }
0x31: {  	v0 =	vld [tilespmem:$0x6450];
	_ =	sdelay $0x6  }
0x32: {  	s18 =	simm.s32 $0x9000  }
0x33: {  	[tilespmem:s18], [sflag:$0x5] =	stream.indirect_vreg.gather [hbm4b:s4+s3], $0x80, v0, vm0, $0xb8;
	[tilespmem:$0x1F800] =	vst v63  }
0x34: {  	v0 =	vld [tilespmem:$0x6460];
	_ =	sdelay $0x6  }
0x35: {  	s21 =	simm.s32 $0x9800  }
0x36: {  	[tilespmem:s21], [sflag:$0x5] =	stream.indirect_vreg.gather [hbm4b:s4+s3], $0x80, v0, vm0, $0xb8;
	[tilespmem:$0x1F800] =	vst v63  }
0x37: {  	v0 =	vld [tilespmem:$0x6470];
	_ =	sdelay $0x6  }
0x38: {  	s9 =	simm.s32 $0xA000  }
0x39: {  	[tilespmem:s9], [sflag:$0x5] =	stream.indirect_vreg.gather [hbm4b:s4+s3], $0x80, v0, vm0, $0xb8;
	[tilespmem:$0x1F800] =	vst v63  }
0x3a: {  	v0 =	vld [tilespmem:$0x6480];
	_ =	sdelay $0x6  }
0x3b: {  	s14 =	simm.s32 $0xA800  }
0x3c: {  	[tilespmem:s14], [sflag:$0x5] =	stream.indirect_vreg.gather [hbm4b:s4+s3], $0x80, v0, vm0, $0xb8;
	[tilespmem:$0x1F800] =	vst v63  }
0x3d: {  	v0 =	vld [tilespmem:$0x6490];
	_ =	sdelay $0x6  }
0x3e: {  	s15 =	simm.s32 $0xB000  }
0x3f: {  	[tilespmem:s15], [sflag:$0x5] =	stream.indirect_vreg.gather [hbm4b:s4+s3], $0x80, v0, vm0, $0xb8;
	[tilespmem:$0x1F800] =	vst v63  }
0x40: {  	v0 =	vld [tilespmem:$0x64A0];
	_ =	sdelay $0x6  }
0x41: {  	s16 =	simm.s32 $0xB800  }
0x42: {  	[tilespmem:s16], [sflag:$0x5] =	stream.indirect_vreg.gather [hbm4b:s4+s3], $0x80, v0, vm0, $0xb8;
	[tilespmem:$0x1F800] =	vst v63  }
0x43: {  	v0 =	vld [tilespmem:$0x64B0];
	_ =	sdelay $0x6  }
0x44: {  	s18 =	simm.s32 $0xC000  }
0x45: {  	[tilespmem:s18], [sflag:$0x5] =	stream.indirect_vreg.gather [hbm4b:s4+s3], $0x80, v0, vm0, $0xb8;
	[tilespmem:$0x1F800] =	vst v63  }
0x46: {  	v0 =	vld [tilespmem:$0x64B8];
	_ =	sdelay $0x6  }
0x47: {  	s21 =	simm.s32 $0xC400;
	s18 =	simm.s32 $0x0  }
0x48: {  	[tilespmem:s21], [sflag:$0x5] =	stream.indirect_vreg.gather [hbm4b:s4+s3], $0x80, v0, vm0, $0xb8;
	[tilespmem:$0x1F800] =	vst v63  }
.LBB2_2:
0x49: {  	s5 =	sshll.u32 s18, $0x2;
	p0 =	seq.s32 s18, $0x1F;
	_ =	swait.ge [sflag:s19], $0x6000  }
0x4a: {  	s9 =	sadd.s32 @!p0 $0x4, s5;
	[sflag:s19] =	ssyncset.done $0x0  }
0x4b: {  	p1 =	seq.s32 @!p0 s18, $0x0;
	s14 =	sshll.u32 @!p0 s9, $0x8;
	s9 =	sshll.u32 @!p0 s9, $0x7  }
0x4c: {  	[sflag:s19] =	ssyncadd.s32 $0xFFFFA000;
	p1 =	por p0, !p1;
	s14 =	sand.u32 @!p0 $0xF800, s14  }
.Ltmp0:
0x4d: {  	s9 =	sand.u32 @!p0 $0x200, s9;
	s14 =	sadd.s32 @!p0 s8, s14;
	(pc) =	sbr.rel @!p1 .LBB2_3-.Ltmp0, $4  }
0x4e: {  	s15 =	simm.s32 @!p0 $0x400;
	_ =	swait.ge [sflag:s19], $0x800;
	s9 =	sor.u32 @!p0 s9, s14  }
0x4f: {  	s21 =	simm.s32 @!p0 $0x6400;
	[sflag:s19] =	ssyncset.done $0x0;
	s9 =	sshrl.u32 @!p0 s9, $0x3  }
0x50: {  	[sflag:s19] =	ssyncadd.s32 $0xFFFFF800;
	s14 =	simm.s32 @!p0 $0x80;
	s9 =	sadd.s32 @!p0 s1, s9  }
0x51: {  	[tilespmem:s21], [sflag:$0x1] =	stream.strided.gather @!p0 [hbm4b:s9+s14], $0x100, s15, s14, $0x38;
	[tilespmem:$0x1F800] =	vst v63  }
.Ltmp1:
0x52: {  	(pc) =	sbr.rel .LBB2_5-.Ltmp1, $4  }
0x53: {  	_ = 	snop  }
0x54: {  	_ =	swait.ge [sflag:s30], $0x6400  }
0x55: {  	[sflag:s30] =	ssyncset.done $0x0  }
0x56: {  	p1 =	por $0x0, $0x0;
	[sflag:s30] =	ssyncadd.s32 $0xFFFF9C00  }
.LBB2_3:
0x57: {  	p1 =	por @!p0 $0x1, $0x1  }
.LBB2_5:
0x58: {  	_ =	swait.ge [sflag:s20], $0x100  }
0x59: {  	[sflag:s20] =	ssyncset.done $0x0  }
0x5a: {  	[sflag:s20] =	ssyncadd.s32 $0xFFFFFF00  }
0x5b: {  	v0 =	vld [tilespmem:$0x6500];
	_ =	sdelay $0x6  }
0x5c: {  	s9 =	simm.s32 $0x0  }
0x5d: {  	[tilespmem:s23], [sflag:$0x6] =	stream.indirect_vreg.gather [hbm4b:s4+s9], $0x80, v0, vm0, $0xb8;
	[tilespmem:$0x1F800] =	vst v63  }
0x5e: {  	v0 =	vld [tilespmem:$0x6510];
	_ =	sdelay $0x6  }
0x5f: {  	s14 =	simm.s32 $0xD400  }
0x60: {  	[tilespmem:s14], [sflag:$0x6] =	stream.indirect_vreg.gather [hbm4b:s4+s9], $0x80, v0, vm0, $0xb8;
	[tilespmem:$0x1F800] =	vst v63  }
0x61: {  	v0 =	vld [tilespmem:$0x6520];
	_ =	sdelay $0x6  }
0x62: {  	s16 =	simm.s32 $0xDC00  }
0x63: {  	[tilespmem:s16], [sflag:$0x6] =	stream.indirect_vreg.gather [hbm4b:s4+s9], $0x80, v0, vm0, $0xb8;
	[tilespmem:$0x1F800] =	vst v63  }
0x64: {  	v0 =	vld [tilespmem:$0x6530];
	_ =	sdelay $0x6  }
0x65: {  	s21 =	simm.s32 $0xE400  }
0x66: {  	[tilespmem:s21], [sflag:$0x6] =	stream.indirect_vreg.gather [hbm4b:s4+s9], $0x80, v0, vm0, $0xb8;
	[tilespmem:$0x1F800] =	vst v63  }
0x67: {  	v0 =	vld [tilespmem:$0x6540];
	_ =	sdelay $0x6  }
0x68: {  	s15 =	simm.s32 $0xEC00  }
0x69: {  	[tilespmem:s15], [sflag:$0x6] =	stream.indirect_vreg.gather [hbm4b:s4+s9], $0x80, v0, vm0, $0xb8;
	[tilespmem:$0x1F800] =	vst v63  }
0x6a: {  	v0 =	vld [tilespmem:$0x6550];
	_ =	sdelay $0x6  }
0x6b: {  	s16 =	simm.s32 $0xF400  }
0x6c: {  	[tilespmem:s16], [sflag:$0x6] =	stream.indirect_vreg.gather [hbm4b:s4+s9], $0x80, v0, vm0, $0xb8;
	[tilespmem:$0x1F800] =	vst v63  }
0x6d: {  	v0 =	vld [tilespmem:$0x6560];
	_ =	sdelay $0x6  }
0x6e: {  	s21 =	simm.s32 $0xFC00  }
0x6f: {  	[tilespmem:s21], [sflag:$0x6] =	stream.indirect_vreg.gather [hbm4b:s4+s9], $0x80, v0, vm0, $0xb8;
	[tilespmem:$0x1F800] =	vst v63  }
0x70: {  	v0 =	vld [tilespmem:$0x6570];
	_ =	sdelay $0x6  }
0x71: {  	s15 =	simm.s32 $0x10400  }
0x72: {  	[tilespmem:s15], [sflag:$0x6] =	stream.indirect_vreg.gather [hbm4b:s4+s9], $0x80, v0, vm0, $0xb8;
	[tilespmem:$0x1F800] =	vst v63  }
0x73: {  	v0 =	vld [tilespmem:$0x6580];
	_ =	sdelay $0x6  }
0x74: {  	s16 =	simm.s32 $0x10C00  }
0x75: {  	[tilespmem:s16], [sflag:$0x6] =	stream.indirect_vreg.gather [hbm4b:s4+s9], $0x80, v0, vm0, $0xb8;
	[tilespmem:$0x1F800] =	vst v63  }
0x76: {  	v0 =	vld [tilespmem:$0x6590];
	_ =	sdelay $0x6  }
0x77: {  	s21 =	simm.s32 $0x11400  }
0x78: {  	[tilespmem:s21], [sflag:$0x6] =	stream.indirect_vreg.gather [hbm4b:s4+s9], $0x80, v0, vm0, $0xb8;
	[tilespmem:$0x1F800] =	vst v63  }
0x79: {  	v0 =	vld [tilespmem:$0x65A0];
	_ =	sdelay $0x6  }
0x7a: {  	s15 =	simm.s32 $0x11C00  }
0x7b: {  	[tilespmem:s15], [sflag:$0x6] =	stream.indirect_vreg.gather [hbm4b:s4+s9], $0x80, v0, vm0, $0xb8;
	[tilespmem:$0x1F800] =	vst v63  }
0x7c: {  	v0 =	vld [tilespmem:$0x65B0];
	_ =	sdelay $0x6  }
0x7d: {  	s16 =	simm.s32 $0x12400  }
0x7e: {  	[tilespmem:s16], [sflag:$0x6] =	stream.indirect_vreg.gather [hbm4b:s4+s9], $0x80, v0, vm0, $0xb8;
	[tilespmem:$0x1F800] =	vst v63  }
0x7f: {  	v0 =	vld [tilespmem:$0x65B8];
	_ =	sdelay $0x6  }
0x80: {  	s21 =	simm.s32 $0x12800  }
0x81: {  	[tilespmem:s21], [sflag:$0x6] =	stream.indirect_vreg.gather [hbm4b:s4+s9], $0x80, v0, vm0, $0xb8;
	[tilespmem:$0x1F800] =	vst v63  }
0x82: {  	s14 =	simm.s32 $0x0;
	s9 =	sor.u32 $0x1, s5;
	s21 =	simm.s32 $0x1000  }
.LBB2_6:
0x83: {  	p2 =	sne.s32 s21, $0x18000;
	v0 =	vld [tilespmem:s14+$0x3B0]  }
0x84: {  	v1 =	vld [tilespmem:s14+$0x0]  }
0x85: {  	v2 =	vld [tilespmem:s14+$0x10]  }
0x86: {  	v3 =	vld [tilespmem:s14+$0x20]  }
0x87: {  	v4 =	vld [tilespmem:s14+$0x30]  }
0x88: {  	[tilespmem:s14+$0x6BB0] =	vst.add.f32.msk $0xffff, v0  }
0x89: {  	v0 =	vld [tilespmem:s14+$0x80]  }
0x8a: {  	v5 =	vld [tilespmem:s14+$0x90]  }
0x8b: {  	v6 =	vld [tilespmem:s14+$0xA0]  }
0x8c: {  	v7 =	vld [tilespmem:s14+$0xB0]  }
0x8d: {  	v8 =	vld [tilespmem:s14+$0x100]  }
0x8e: {  	v9 =	vld [tilespmem:s14+$0x110]  }
0x8f: {  	v10 =	vld [tilespmem:s14+$0x120]  }
0x90: {  	v11 =	vld [tilespmem:s14+$0x130]  }
0x91: {  	v12 =	vld [tilespmem:s14+$0x180]  }
0x92: {  	v13 =	vld [tilespmem:s14+$0x190]  }
0x93: {  	v14 =	vld [tilespmem:s14+$0x1A0]  }
0x94: {  	v15 =	vld [tilespmem:s14+$0x1B0]  }
0x95: {  	v16 =	vld [tilespmem:s14+$0x200]  }
0x96: {  	v17 =	vld [tilespmem:s14+$0x210]  }
0x97: {  	v18 =	vld [tilespmem:s14+$0x220]  }
0x98: {  	v19 =	vld [tilespmem:s14+$0x230]  }
0x99: {  	v20 =	vld [tilespmem:s14+$0x280]  }
0x9a: {  	v21 =	vld [tilespmem:s14+$0x290]  }
0x9b: {  	v22 =	vld [tilespmem:s14+$0x2A0]  }
0x9c: {  	v23 =	vld [tilespmem:s14+$0x2B0]  }
0x9d: {  	v24 =	vld [tilespmem:s14+$0x300]  }
0x9e: {  	v25 =	vld [tilespmem:s14+$0x310]  }
0x9f: {  	v26 =	vld [tilespmem:s14+$0x320]  }
0xa0: {  	v27 =	vld [tilespmem:s14+$0x330]  }
0xa1: {  	v28 =	vld [tilespmem:s14+$0x380]  }
0xa2: {  	v29 =	vld [tilespmem:s14+$0x390]  }
0xa3: {  	v30 =	vld [tilespmem:s14+$0x3A0]  }
0xa4: {  	[tilespmem:s14+$0x6800] =	vst.add.f32.msk $0xffff, v1  }
0xa5: {  	[tilespmem:s14+$0x6810] =	vst.add.f32.msk $0xffff, v2  }
0xa6: {  	[tilespmem:s14+$0x6820] =	vst.add.f32.msk $0xffff, v3  }
0xa7: {  	[tilespmem:s14+$0x6830] =	vst.add.f32.msk $0xffff, v4  }
0xa8: {  	[tilespmem:s14+$0x6880] =	vst.add.f32.msk $0xffff, v0  }
0xa9: {  	[tilespmem:s14+$0x6890] =	vst.add.f32.msk $0xffff, v5  }
0xaa: {  	[tilespmem:s14+$0x68A0] =	vst.add.f32.msk $0xffff, v6  }
0xab: {  	[tilespmem:s14+$0x68B0] =	vst.add.f32.msk $0xffff, v7  }
0xac: {  	[tilespmem:s14+$0x6900] =	vst.add.f32.msk $0xffff, v8  }
0xad: {  	[tilespmem:s14+$0x6910] =	vst.add.f32.msk $0xffff, v9  }
0xae: {  	[tilespmem:s14+$0x6920] =	vst.add.f32.msk $0xffff, v10  }
0xaf: {  	[tilespmem:s14+$0x6930] =	vst.add.f32.msk $0xffff, v11  }
0xb0: {  	[tilespmem:s14+$0x6980] =	vst.add.f32.msk $0xffff, v12  }
0xb1: {  	[tilespmem:s14+$0x6990] =	vst.add.f32.msk $0xffff, v13  }
0xb2: {  	[tilespmem:s14+$0x69A0] =	vst.add.f32.msk $0xffff, v14  }
0xb3: {  	[tilespmem:s14+$0x69B0] =	vst.add.f32.msk $0xffff, v15  }
0xb4: {  	[tilespmem:s14+$0x6A00] =	vst.add.f32.msk $0xffff, v16  }
0xb5: {  	[tilespmem:s14+$0x6A10] =	vst.add.f32.msk $0xffff, v17  }
0xb6: {  	[tilespmem:s14+$0x6A20] =	vst.add.f32.msk $0xffff, v18  }
0xb7: {  	[tilespmem:s14+$0x6A30] =	vst.add.f32.msk $0xffff, v19  }
0xb8: {  	[tilespmem:s14+$0x6A80] =	vst.add.f32.msk $0xffff, v20  }
0xb9: {  	[tilespmem:s14+$0x6A90] =	vst.add.f32.msk $0xffff, v21  }
0xba: {  	[tilespmem:s14+$0x6AA0] =	vst.add.f32.msk $0xffff, v22  }
0xbb: {  	[tilespmem:s14+$0x6AB0] =	vst.add.f32.msk $0xffff, v23  }
0xbc: {  	[tilespmem:s14+$0x6B00] =	vst.add.f32.msk $0xffff, v24  }
0xbd: {  	[tilespmem:s14+$0x6B10] =	vst.add.f32.msk $0xffff, v25  }
.Ltmp2:
0xbe: {  	[tilespmem:s14+$0x6B20] =	vst.add.f32.msk $0xffff, v26;
	(pc) =	sbr.rel @p2 .LBB2_6-.Ltmp2, $4  }
0xbf: {  	[tilespmem:s14+$0x6B30] =	vst.add.f32.msk $0xffff, v27  }
0xc0: {  	[tilespmem:s14+$0x6B80] =	vst.add.f32.msk $0xffff, v28  }
0xc1: {  	[tilespmem:s14+$0x6B90] =	vst.add.f32.msk $0xffff, v29  }
0xc2: {  	[tilespmem:s14+$0x6BA0] =	vst.add.f32.msk $0xffff, v30;
	s14 =	sshra.s32 s21, $0x2;
	s21 =	sadd.s32 $0x1000, s21  }
0xc3: {  	v0 =	vld [tilespmem:s14+$0x3B0]  }
0xc4: {  	v1 =	vld [tilespmem:s14+$0x0]  }
0xc5: {  	v2 =	vld [tilespmem:s14+$0x10]  }
0xc6: {  	v3 =	vld [tilespmem:s14+$0x20]  }
0xc7: {  	v4 =	vld [tilespmem:s14+$0x30]  }
0xc8: {  	v62 =	vld [tilespmem:s14+$0x80]  }
0xc9: {  	v5 =	vld [tilespmem:s14+$0x90]  }
0xca: {  	v6 =	vld [tilespmem:s14+$0xA0]  }
0xcb: {  	v7 =	vld [tilespmem:s14+$0xB0]  }
0xcc: {  	v8 =	vld [tilespmem:s14+$0x100]  }
0xcd: {  	v9 =	vld [tilespmem:s14+$0x110]  }
0xce: {  	v10 =	vld [tilespmem:s14+$0x120]  }
0xcf: {  	v11 =	vld [tilespmem:s14+$0x130]  }
0xd0: {  	v12 =	vld [tilespmem:s14+$0x180]  }
0xd1: {  	v13 =	vld [tilespmem:s14+$0x190]  }
0xd2: {  	v14 =	vld [tilespmem:s14+$0x1A0]  }
0xd3: {  	v15 =	vld [tilespmem:s14+$0x1B0]  }
0xd4: {  	v16 =	vld [tilespmem:s14+$0x200]  }
0xd5: {  	v17 =	vld [tilespmem:s14+$0x210]  }
0xd6: {  	v18 =	vld [tilespmem:s14+$0x220]  }
0xd7: {  	v19 =	vld [tilespmem:s14+$0x230]  }
0xd8: {  	v20 =	vld [tilespmem:s14+$0x280]  }
0xd9: {  	v21 =	vld [tilespmem:s14+$0x290]  }
0xda: {  	v22 =	vld [tilespmem:s14+$0x2A0]  }
0xdb: {  	v23 =	vld [tilespmem:s14+$0x2B0]  }
0xdc: {  	v24 =	vld [tilespmem:s14+$0x300]  }
0xdd: {  	v25 =	vld [tilespmem:s14+$0x310]  }
0xde: {  	v26 =	vld [tilespmem:s14+$0x320]  }
0xdf: {  	v27 =	vld [tilespmem:s14+$0x330]  }
0xe0: {  	v28 =	vld [tilespmem:s14+$0x380]  }
0xe1: {  	v29 =	vld [tilespmem:s14+$0x390]  }
0xe2: {  	v30 =	vld [tilespmem:s14+$0x3A0]  }
0xe3: {  	[tilespmem:s14+$0x6BB0] =	vst.add.f32.msk $0xffff, v0  }
0xe4: {  	[tilespmem:s14+$0x6800] =	vst.add.f32.msk $0xffff, v1  }
0xe5: {  	[tilespmem:s14+$0x6810] =	vst.add.f32.msk $0xffff, v2  }
0xe6: {  	[tilespmem:s14+$0x6820] =	vst.add.f32.msk $0xffff, v3  }
0xe7: {  	[tilespmem:s14+$0x6830] =	vst.add.f32.msk $0xffff, v4  }
0xe8: {  	[tilespmem:s14+$0x6880] =	vst.add.f32.msk $0xffff, v62  }
0xe9: {  	[tilespmem:s14+$0x6890] =	vst.add.f32.msk $0xffff, v5  }
0xea: {  	[tilespmem:s14+$0x68A0] =	vst.add.f32.msk $0xffff, v6  }
0xeb: {  	[tilespmem:s14+$0x68B0] =	vst.add.f32.msk $0xffff, v7  }
0xec: {  	[tilespmem:s14+$0x6900] =	vst.add.f32.msk $0xffff, v8  }
0xed: {  	[tilespmem:s14+$0x6910] =	vst.add.f32.msk $0xffff, v9  }
0xee: {  	[tilespmem:s14+$0x6920] =	vst.add.f32.msk $0xffff, v10  }
0xef: {  	[tilespmem:s14+$0x6930] =	vst.add.f32.msk $0xffff, v11  }
0xf0: {  	[tilespmem:s14+$0x6980] =	vst.add.f32.msk $0xffff, v12  }
0xf1: {  	[tilespmem:s14+$0x6990] =	vst.add.f32.msk $0xffff, v13  }
0xf2: {  	[tilespmem:s14+$0x69A0] =	vst.add.f32.msk $0xffff, v14  }
0xf3: {  	[tilespmem:s14+$0x69B0] =	vst.add.f32.msk $0xffff, v15  }
0xf4: {  	[tilespmem:s14+$0x6A00] =	vst.add.f32.msk $0xffff, v16  }
0xf5: {  	[tilespmem:s14+$0x6A10] =	vst.add.f32.msk $0xffff, v17  }
0xf6: {  	[tilespmem:s14+$0x6A20] =	vst.add.f32.msk $0xffff, v18  }
0xf7: {  	[tilespmem:s14+$0x6A30] =	vst.add.f32.msk $0xffff, v19  }
0xf8: {  	[tilespmem:s14+$0x6A80] =	vst.add.f32.msk $0xffff, v20  }
0xf9: {  	[tilespmem:s14+$0x6A90] =	vst.add.f32.msk $0xffff, v21  }
0xfa: {  	[tilespmem:s14+$0x6AA0] =	vst.add.f32.msk $0xffff, v22  }
0xfb: {  	[tilespmem:s14+$0x6AB0] =	vst.add.f32.msk $0xffff, v23  }
0xfc: {  	[tilespmem:s14+$0x6B00] =	vst.add.f32.msk $0xffff, v24  }
0xfd: {  	[tilespmem:s14+$0x6B10] =	vst.add.f32.msk $0xffff, v25  }
0xfe: {  	[tilespmem:s14+$0x6B20] =	vst.add.f32.msk $0xffff, v26  }
0xff: {  	s15 =	sadd.s32 s7, s5;
	[tilespmem:s14+$0x6B30] =	vst.add.f32.msk $0xffff, v27  }
0x100: {  	s15 =	smul.u32 $0xC80, s15;
	[tilespmem:s14+$0x6B80] =	vst.add.f32.msk $0xffff, v28  }
0x101: {  	[tilespmem:s14+$0x6B90] =	vst.add.f32.msk $0xffff, v29  }
0x102: {  	s21 =	simm.s32 $0x6800;
	s16 =	sadd.s32 s6, s15;
	[tilespmem:s14+$0x6BA0] =	vst.add.f32.msk $0xffff, v30;
	s14 =	sadd.s32 @!p0 $0x5, s5  }
0x103: {  	[hbm4b:s16+s3] =	stream.linear.scatter [tilespmem:s21], [sflag:$0x9], $0x6400, $0x38;
	[tilespmem:$0x1F800] =	vst v63  }
0x104: {  	s15 =	sshll.u32 @!p0 s14, $0x8;
	_ =	swait.ge [sflag:s10], $0x6000  }
0x105: {  	s14 =	sshll.u32 @!p0 s14, $0x7;
	s15 =	sand.u32 @!p0 $0xF800, s15;
	[sflag:s10] =	ssyncset.done $0x0  }
0x106: {  	s14 =	sand.u32 @!p0 $0x280, s14;
	s15 =	sadd.s32 @!p0 s8, s15;
	[sflag:s10] =	ssyncadd.s32 $0xFFFFA000  }
0x107: {  	s21 =	simm.s32 @!p0 $0x400;
	s14 =	sor.u32 @!p0 s14, s15;
	_ =	swait.ge [sflag:s10], $0x800  }
0x108: {  	s16 =	simm.s32 @!p0 $0x6500;
	s14 =	sshrl.u32 @!p0 s14, $0x3;
	[sflag:s10] =	ssyncset.done $0x0  }
0x109: {  	s15 =	simm.s32 @!p0 $0x80;
	s14 =	sadd.s32 @!p0 s1, s14;
	[sflag:s10] =	ssyncadd.s32 $0xFFFFF800  }
0x10a: {  	[tilespmem:s16], [sflag:$0x2] =	stream.strided.gather @!p0 [hbm4b:s14+s15], $0x100, s21, s15, $0x38;
	[tilespmem:$0x1F800] =	vst v63  }
0x10b: {  	s14 =	sadd.s32 @!p0 $0xFFFFFFFC, s5  }
0x10c: {  	p2 =	sgt.u32 @!p0 s14, $0x7B  }
0x10d: {  	p2 =	por p0, !p2  }
0x10e: {  	_ =	swait.ge @p2 [sflag:s11], $0x6400  }
0x10f: {  	[sflag:s11] =	ssyncset.done @p2 $0x0  }
0x110: {  	[sflag:s11] =	ssyncadd.s32 @p2 $0xFFFF9C00  }
0x111: {  	_ =	swait.ge [sflag:s12], $0x100  }
0x112: {  	[sflag:s12] =	ssyncset.done $0x0  }
0x113: {  	[sflag:s12] =	ssyncadd.s32 $0xFFFFFF00  }
0x114: {  	v63 =	vld [tilespmem:$0x6600];
	_ =	sdelay $0x6  }
0x115: {  	s14 =	simm.s32 $0x0  }
0x116: {  	[tilespmem:s13], [sflag:$0x7] =	stream.indirect_vreg.gather [hbm4b:s4+s14], $0x80, v63, vm0, $0xb8;
	[tilespmem:$0x1F800] =	vst v63  }
0x117: {  	v0 =	vld [tilespmem:$0x6610];
	_ =	sdelay $0x6  }
0x118: {  	s16 =	simm.s32 $0x13800  }
0x119: {  	[tilespmem:s16], [sflag:$0x7] =	stream.indirect_vreg.gather [hbm4b:s4+s14], $0x80, v0, vm0, $0xb8;
	[tilespmem:$0x1F800] =	vst v63  }
0x11a: {  	v0 =	vld [tilespmem:$0x6620];
	_ =	sdelay $0x6  }
0x11b: {  	s21 =	simm.s32 $0x14000  }
0x11c: {  	[tilespmem:s21], [sflag:$0x7] =	stream.indirect_vreg.gather [hbm4b:s4+s14], $0x80, v0, vm0, $0xb8;
	[tilespmem:$0x1F800] =	vst v63  }
0x11d: {  	v0 =	vld [tilespmem:$0x6630];
	_ =	sdelay $0x6  }
0x11e: {  	s16 =	simm.s32 $0x14800  }
0x11f: {  	[tilespmem:s16], [sflag:$0x7] =	stream.indirect_vreg.gather [hbm4b:s4+s14], $0x80, v0, vm0, $0xb8;
	[tilespmem:$0x1F800] =	vst v63  }
0x120: {  	v0 =	vld [tilespmem:$0x6640];
	_ =	sdelay $0x6  }
0x121: {  	s21 =	simm.s32 $0x15000  }
0x122: {  	[tilespmem:s21], [sflag:$0x7] =	stream.indirect_vreg.gather [hbm4b:s4+s14], $0x80, v0, vm0, $0xb8;
	[tilespmem:$0x1F800] =	vst v63  }
0x123: {  	v0 =	vld [tilespmem:$0x6650];
	_ =	sdelay $0x6  }
0x124: {  	s16 =	simm.s32 $0x15800  }
0x125: {  	[tilespmem:s16], [sflag:$0x7] =	stream.indirect_vreg.gather [hbm4b:s4+s14], $0x80, v0, vm0, $0xb8;
	[tilespmem:$0x1F800] =	vst v63  }
0x126: {  	v0 =	vld [tilespmem:$0x6660];
	_ =	sdelay $0x6  }
0x127: {  	s21 =	simm.s32 $0x16000  }
0x128: {  	[tilespmem:s21], [sflag:$0x7] =	stream.indirect_vreg.gather [hbm4b:s4+s14], $0x80, v0, vm0, $0xb8;
	[tilespmem:$0x1F800] =	vst v63  }
0x129: {  	v0 =	vld [tilespmem:$0x6670];
	_ =	sdelay $0x6  }
0x12a: {  	s16 =	simm.s32 $0x16800  }
0x12b: {  	[tilespmem:s16], [sflag:$0x7] =	stream.indirect_vreg.gather [hbm4b:s4+s14], $0x80, v0, vm0, $0xb8;
	[tilespmem:$0x1F800] =	vst v63  }
0x12c: {  	v0 =	vld [tilespmem:$0x6680];
	_ =	sdelay $0x6  }
0x12d: {  	s21 =	simm.s32 $0x17000  }
0x12e: {  	[tilespmem:s21], [sflag:$0x7] =	stream.indirect_vreg.gather [hbm4b:s4+s14], $0x80, v0, vm0, $0xb8;
	[tilespmem:$0x1F800] =	vst v63  }
0x12f: {  	v0 =	vld [tilespmem:$0x6690];
	_ =	sdelay $0x6  }
0x130: {  	s16 =	simm.s32 $0x17800  }
0x131: {  	[tilespmem:s16], [sflag:$0x7] =	stream.indirect_vreg.gather [hbm4b:s4+s14], $0x80, v0, vm0, $0xb8;
	[tilespmem:$0x1F800] =	vst v63  }
0x132: {  	v0 =	vld [tilespmem:$0x66A0];
	_ =	sdelay $0x6  }
0x133: {  	s21 =	simm.s32 $0x18000  }
0x134: {  	[tilespmem:s21], [sflag:$0x7] =	stream.indirect_vreg.gather [hbm4b:s4+s14], $0x80, v0, vm0, $0xb8;
	[tilespmem:$0x1F800] =	vst v63  }
0x135: {  	v0 =	vld [tilespmem:$0x66B0];
	_ =	sdelay $0x6  }
0x136: {  	s16 =	simm.s32 $0x18800  }
0x137: {  	[tilespmem:s16], [sflag:$0x7] =	stream.indirect_vreg.gather [hbm4b:s4+s14], $0x80, v0, vm0, $0xb8;
	[tilespmem:$0x1F800] =	vst v63  }
0x138: {  	v0 =	vld [tilespmem:$0x66B8];
	_ =	sdelay $0x6  }
0x139: {  	s21 =	simm.s32 $0x18C00  }
0x13a: {  	[tilespmem:s21], [sflag:$0x7] =	stream.indirect_vreg.gather [hbm4b:s4+s14], $0x80, v0, vm0, $0xb8;
	[tilespmem:$0x1F800] =	vst v63  }
0x13b: {  	s15 =	simm.s32 $0x1000;
	s14 =	sor.u32 $0x2, s5;
	s21 =	simm.s32 $0x0  }
.LBB2_8:
0x13c: {  	p2 =	sne.s32 s15, $0x18000;
	v0 =	vld [tilespmem:s21+$0x3B0]  }
0x13d: {  	v1 =	vld [tilespmem:s21+$0x0]  }
0x13e: {  	v2 =	vld [tilespmem:s21+$0x10]  }
0x13f: {  	v3 =	vld [tilespmem:s21+$0x20]  }
0x140: {  	v4 =	vld [tilespmem:s21+$0x30]  }
0x141: {  	[tilespmem:s21+$0xCFB0] =	vst.add.f32.msk $0xffff, v0  }
0x142: {  	v0 =	vld [tilespmem:s21+$0x80]  }
0x143: {  	v5 =	vld [tilespmem:s21+$0x90]  }
0x144: {  	v6 =	vld [tilespmem:s21+$0xA0]  }
0x145: {  	v7 =	vld [tilespmem:s21+$0xB0]  }
0x146: {  	v8 =	vld [tilespmem:s21+$0x100]  }
0x147: {  	v9 =	vld [tilespmem:s21+$0x110]  }
0x148: {  	v10 =	vld [tilespmem:s21+$0x120]  }
0x149: {  	v11 =	vld [tilespmem:s21+$0x130]  }
0x14a: {  	v12 =	vld [tilespmem:s21+$0x180]  }
0x14b: {  	v13 =	vld [tilespmem:s21+$0x190]  }
0x14c: {  	v14 =	vld [tilespmem:s21+$0x1A0]  }
0x14d: {  	v15 =	vld [tilespmem:s21+$0x1B0]  }
0x14e: {  	v16 =	vld [tilespmem:s21+$0x200]  }
0x14f: {  	v17 =	vld [tilespmem:s21+$0x210]  }
0x150: {  	v18 =	vld [tilespmem:s21+$0x220]  }
0x151: {  	v19 =	vld [tilespmem:s21+$0x230]  }
0x152: {  	v20 =	vld [tilespmem:s21+$0x280]  }
0x153: {  	v21 =	vld [tilespmem:s21+$0x290]  }
0x154: {  	v22 =	vld [tilespmem:s21+$0x2A0]  }
0x155: {  	v23 =	vld [tilespmem:s21+$0x2B0]  }
0x156: {  	v24 =	vld [tilespmem:s21+$0x300]  }
0x157: {  	v25 =	vld [tilespmem:s21+$0x310]  }
0x158: {  	v26 =	vld [tilespmem:s21+$0x320]  }
0x159: {  	v27 =	vld [tilespmem:s21+$0x330]  }
0x15a: {  	v28 =	vld [tilespmem:s21+$0x380]  }
0x15b: {  	v29 =	vld [tilespmem:s21+$0x390]  }
0x15c: {  	v30 =	vld [tilespmem:s21+$0x3A0]  }
0x15d: {  	[tilespmem:s21+$0xCC00] =	vst.add.f32.msk $0xffff, v1  }
0x15e: {  	[tilespmem:s21+$0xCC10] =	vst.add.f32.msk $0xffff, v2  }
0x15f: {  	[tilespmem:s21+$0xCC20] =	vst.add.f32.msk $0xffff, v3  }
0x160: {  	[tilespmem:s21+$0xCC30] =	vst.add.f32.msk $0xffff, v4  }
0x161: {  	[tilespmem:s21+$0xCC80] =	vst.add.f32.msk $0xffff, v0  }
0x162: {  	[tilespmem:s21+$0xCC90] =	vst.add.f32.msk $0xffff, v5  }
0x163: {  	[tilespmem:s21+$0xCCA0] =	vst.add.f32.msk $0xffff, v6  }
0x164: {  	[tilespmem:s21+$0xCCB0] =	vst.add.f32.msk $0xffff, v7  }
0x165: {  	[tilespmem:s21+$0xCD00] =	vst.add.f32.msk $0xffff, v8  }
0x166: {  	[tilespmem:s21+$0xCD10] =	vst.add.f32.msk $0xffff, v9  }
0x167: {  	[tilespmem:s21+$0xCD20] =	vst.add.f32.msk $0xffff, v10  }
0x168: {  	[tilespmem:s21+$0xCD30] =	vst.add.f32.msk $0xffff, v11  }
0x169: {  	[tilespmem:s21+$0xCD80] =	vst.add.f32.msk $0xffff, v12  }
0x16a: {  	[tilespmem:s21+$0xCD90] =	vst.add.f32.msk $0xffff, v13  }
0x16b: {  	[tilespmem:s21+$0xCDA0] =	vst.add.f32.msk $0xffff, v14  }
0x16c: {  	[tilespmem:s21+$0xCDB0] =	vst.add.f32.msk $0xffff, v15  }
0x16d: {  	[tilespmem:s21+$0xCE00] =	vst.add.f32.msk $0xffff, v16  }
0x16e: {  	[tilespmem:s21+$0xCE10] =	vst.add.f32.msk $0xffff, v17  }
0x16f: {  	[tilespmem:s21+$0xCE20] =	vst.add.f32.msk $0xffff, v18  }
0x170: {  	[tilespmem:s21+$0xCE30] =	vst.add.f32.msk $0xffff, v19  }
0x171: {  	[tilespmem:s21+$0xCE80] =	vst.add.f32.msk $0xffff, v20  }
0x172: {  	[tilespmem:s21+$0xCE90] =	vst.add.f32.msk $0xffff, v21  }
0x173: {  	[tilespmem:s21+$0xCEA0] =	vst.add.f32.msk $0xffff, v22  }
0x174: {  	[tilespmem:s21+$0xCEB0] =	vst.add.f32.msk $0xffff, v23  }
0x175: {  	[tilespmem:s21+$0xCF00] =	vst.add.f32.msk $0xffff, v24  }
0x176: {  	[tilespmem:s21+$0xCF10] =	vst.add.f32.msk $0xffff, v25  }
.Ltmp3:
0x177: {  	[tilespmem:s21+$0xCF20] =	vst.add.f32.msk $0xffff, v26;
	(pc) =	sbr.rel @p2 .LBB2_8-.Ltmp3, $4  }
0x178: {  	[tilespmem:s21+$0xCF30] =	vst.add.f32.msk $0xffff, v27  }
0x179: {  	[tilespmem:s21+$0xCF80] =	vst.add.f32.msk $0xffff, v28  }
0x17a: {  	[tilespmem:s21+$0xCF90] =	vst.add.f32.msk $0xffff, v29  }
0x17b: {  	[tilespmem:s21+$0xCFA0] =	vst.add.f32.msk $0xffff, v30;
	s21 =	sshra.s32 s15, $0x2;
	s15 =	sadd.s32 $0x1000, s15  }
0x17c: {  	v0 =	vld [tilespmem:s21+$0x3B0]  }
0x17d: {  	v1 =	vld [tilespmem:s21+$0x0]  }
0x17e: {  	v2 =	vld [tilespmem:s21+$0x10]  }
0x17f: {  	v3 =	vld [tilespmem:s21+$0x20]  }
0x180: {  	v4 =	vld [tilespmem:s21+$0x30]  }
0x181: {  	v62 =	vld [tilespmem:s21+$0x80]  }
0x182: {  	v5 =	vld [tilespmem:s21+$0x90]  }
0x183: {  	v6 =	vld [tilespmem:s21+$0xA0]  }
0x184: {  	v7 =	vld [tilespmem:s21+$0xB0]  }
0x185: {  	v8 =	vld [tilespmem:s21+$0x100]  }
0x186: {  	v9 =	vld [tilespmem:s21+$0x110]  }
0x187: {  	v10 =	vld [tilespmem:s21+$0x120]  }
0x188: {  	v11 =	vld [tilespmem:s21+$0x130]  }
0x189: {  	v12 =	vld [tilespmem:s21+$0x180]  }
0x18a: {  	v13 =	vld [tilespmem:s21+$0x190]  }
0x18b: {  	v14 =	vld [tilespmem:s21+$0x1A0]  }
0x18c: {  	v15 =	vld [tilespmem:s21+$0x1B0]  }
0x18d: {  	v16 =	vld [tilespmem:s21+$0x200]  }
0x18e: {  	v17 =	vld [tilespmem:s21+$0x210]  }
0x18f: {  	v18 =	vld [tilespmem:s21+$0x220]  }
0x190: {  	v19 =	vld [tilespmem:s21+$0x230]  }
0x191: {  	v20 =	vld [tilespmem:s21+$0x280]  }
0x192: {  	v21 =	vld [tilespmem:s21+$0x290]  }
0x193: {  	v22 =	vld [tilespmem:s21+$0x2A0]  }
0x194: {  	v23 =	vld [tilespmem:s21+$0x2B0]  }
0x195: {  	v24 =	vld [tilespmem:s21+$0x300]  }
0x196: {  	v25 =	vld [tilespmem:s21+$0x310]  }
0x197: {  	v26 =	vld [tilespmem:s21+$0x320]  }
0x198: {  	v27 =	vld [tilespmem:s21+$0x330]  }
0x199: {  	v28 =	vld [tilespmem:s21+$0x380]  }
0x19a: {  	v29 =	vld [tilespmem:s21+$0x390]  }
0x19b: {  	v30 =	vld [tilespmem:s21+$0x3A0]  }
0x19c: {  	[tilespmem:s21+$0xCFB0] =	vst.add.f32.msk $0xffff, v0  }
0x19d: {  	[tilespmem:s21+$0xCC00] =	vst.add.f32.msk $0xffff, v1  }
0x19e: {  	[tilespmem:s21+$0xCC10] =	vst.add.f32.msk $0xffff, v2  }
0x19f: {  	[tilespmem:s21+$0xCC20] =	vst.add.f32.msk $0xffff, v3  }
0x1a0: {  	[tilespmem:s21+$0xCC30] =	vst.add.f32.msk $0xffff, v4  }
0x1a1: {  	[tilespmem:s21+$0xCC80] =	vst.add.f32.msk $0xffff, v62  }
0x1a2: {  	[tilespmem:s21+$0xCC90] =	vst.add.f32.msk $0xffff, v5  }
0x1a3: {  	[tilespmem:s21+$0xCCA0] =	vst.add.f32.msk $0xffff, v6  }
0x1a4: {  	[tilespmem:s21+$0xCCB0] =	vst.add.f32.msk $0xffff, v7  }
0x1a5: {  	[tilespmem:s21+$0xCD00] =	vst.add.f32.msk $0xffff, v8  }
0x1a6: {  	[tilespmem:s21+$0xCD10] =	vst.add.f32.msk $0xffff, v9  }
0x1a7: {  	[tilespmem:s21+$0xCD20] =	vst.add.f32.msk $0xffff, v10  }
0x1a8: {  	[tilespmem:s21+$0xCD30] =	vst.add.f32.msk $0xffff, v11  }
0x1a9: {  	[tilespmem:s21+$0xCD80] =	vst.add.f32.msk $0xffff, v12  }
0x1aa: {  	[tilespmem:s21+$0xCD90] =	vst.add.f32.msk $0xffff, v13  }
0x1ab: {  	[tilespmem:s21+$0xCDA0] =	vst.add.f32.msk $0xffff, v14  }
0x1ac: {  	[tilespmem:s21+$0xCDB0] =	vst.add.f32.msk $0xffff, v15  }
0x1ad: {  	[tilespmem:s21+$0xCE00] =	vst.add.f32.msk $0xffff, v16  }
0x1ae: {  	[tilespmem:s21+$0xCE10] =	vst.add.f32.msk $0xffff, v17  }
0x1af: {  	[tilespmem:s21+$0xCE20] =	vst.add.f32.msk $0xffff, v18  }
0x1b0: {  	[tilespmem:s21+$0xCE30] =	vst.add.f32.msk $0xffff, v19  }
0x1b1: {  	[tilespmem:s21+$0xCE80] =	vst.add.f32.msk $0xffff, v20  }
0x1b2: {  	[tilespmem:s21+$0xCE90] =	vst.add.f32.msk $0xffff, v21  }
0x1b3: {  	[tilespmem:s21+$0xCEA0] =	vst.add.f32.msk $0xffff, v22  }
0x1b4: {  	[tilespmem:s21+$0xCEB0] =	vst.add.f32.msk $0xffff, v23  }
0x1b5: {  	[tilespmem:s21+$0xCF00] =	vst.add.f32.msk $0xffff, v24  }
0x1b6: {  	[tilespmem:s21+$0xCF10] =	vst.add.f32.msk $0xffff, v25  }
0x1b7: {  	[tilespmem:s21+$0xCF20] =	vst.add.f32.msk $0xffff, v26  }
0x1b8: {  	s9 =	sadd.s32 s7, s9;
	[tilespmem:s21+$0xCF30] =	vst.add.f32.msk $0xffff, v27  }
0x1b9: {  	s9 =	smul.u32 $0xC80, s9;
	[tilespmem:s21+$0xCF80] =	vst.add.f32.msk $0xffff, v28  }
0x1ba: {  	[tilespmem:s21+$0xCF90] =	vst.add.f32.msk $0xffff, v29  }
0x1bb: {  	s9 =	sadd.s32 s6, s9;
	[tilespmem:s21+$0xCFA0] =	vst.add.f32.msk $0xffff, v30  }
0x1bc: {  	[hbm4b:s9+s3] =	stream.linear.scatter [tilespmem:s23], [sflag:$0xA], $0x6400, $0x38;
	[tilespmem:$0x1F800] =	vst v63  }
0x1bd: {  	s9 =	sadd.s32 @!p0 $0x6, s5  }
0x1be: {  	s16 =	simm.s32 @!p0 $0x400;
	_ =	swait.ge [sflag:s0], $0x6000;
	s15 =	sshll.u32 @!p0 s9, $0x8  }
0x1bf: {  	s9 =	sshll.u32 @!p0 s9, $0x7;
	[sflag:s0] =	ssyncset.done $0x0;
	s15 =	sand.u32 @!p0 $0xF800, s15  }
0x1c0: {  	s9 =	sand.u32 @!p0 $0x300, s9;
	[sflag:s0] =	ssyncadd.s32 $0xFFFFA000;
	s15 =	sadd.s32 @!p0 s8, s15  }
0x1c1: {  	p1 =	por p0, !p1;
	_ =	swait.ge [sflag:s0], $0x800;
	s9 =	sor.u32 @!p0 s9, s15  }
0x1c2: {  	s21 =	simm.s32 @!p0 $0x6600;
	[sflag:s0] =	ssyncset.done $0x0;
	s9 =	sshrl.u32 @!p0 s9, $0x3  }
0x1c3: {  	s15 =	simm.s32 @!p0 $0x80;
	[sflag:s0] =	ssyncadd.s32 $0xFFFFF800;
	s9 =	sadd.s32 @!p0 s1, s9  }
0x1c4: {  	[tilespmem:s21], [sflag:$0x3] =	stream.strided.gather @!p0 [hbm4b:s9+s15], $0x100, s16, s15, $0x38;
	[tilespmem:$0x1F800] =	vst v63  }
0x1c5: {  	_ =	swait.ge @p1 [sflag:s31], $0x6400  }
0x1c6: {  	[sflag:s31] =	ssyncset.done @p1 $0x0  }
0x1c7: {  	[sflag:s31] =	ssyncadd.s32 @p1 $0xFFFF9C00  }
0x1c8: {  	_ =	swait.ge [sflag:s2], $0x100  }
0x1c9: {  	[sflag:s2] =	ssyncset.done $0x0  }
0x1ca: {  	[sflag:s2] =	ssyncadd.s32 $0xFFFFFF00  }
0x1cb: {  	v63 =	vld [tilespmem:$0x6700];
	_ =	sdelay $0x6  }
0x1cc: {  	s9 =	simm.s32 $0x0  }
0x1cd: {  	[tilespmem:s17], [sflag:$0x8] =	stream.indirect_vreg.gather [hbm4b:s4+s9], $0x80, v63, vm0, $0xb8;
	[tilespmem:$0x1F800] =	vst v63  }
0x1ce: {  	v0 =	vld [tilespmem:$0x6710];
	_ =	sdelay $0x6  }
0x1cf: {  	s21 =	simm.s32 $0x19C00  }
0x1d0: {  	[tilespmem:s21], [sflag:$0x8] =	stream.indirect_vreg.gather [hbm4b:s4+s9], $0x80, v0, vm0, $0xb8;
	[tilespmem:$0x1F800] =	vst v63  }
0x1d1: {  	v0 =	vld [tilespmem:$0x6720];
	_ =	sdelay $0x6  }
0x1d2: {  	s16 =	simm.s32 $0x1A400  }
0x1d3: {  	[tilespmem:s16], [sflag:$0x8] =	stream.indirect_vreg.gather [hbm4b:s4+s9], $0x80, v0, vm0, $0xb8;
	[tilespmem:$0x1F800] =	vst v63  }
0x1d4: {  	v0 =	vld [tilespmem:$0x6730];
	_ =	sdelay $0x6  }
0x1d5: {  	s21 =	simm.s32 $0x1AC00  }
0x1d6: {  	[tilespmem:s21], [sflag:$0x8] =	stream.indirect_vreg.gather [hbm4b:s4+s9], $0x80, v0, vm0, $0xb8;
	[tilespmem:$0x1F800] =	vst v63  }
0x1d7: {  	v0 =	vld [tilespmem:$0x6740];
	_ =	sdelay $0x6  }
0x1d8: {  	s16 =	simm.s32 $0x1B400  }
0x1d9: {  	[tilespmem:s16], [sflag:$0x8] =	stream.indirect_vreg.gather [hbm4b:s4+s9], $0x80, v0, vm0, $0xb8;
	[tilespmem:$0x1F800] =	vst v63  }
0x1da: {  	v0 =	vld [tilespmem:$0x6750];
	_ =	sdelay $0x6  }
0x1db: {  	s21 =	simm.s32 $0x1BC00  }
0x1dc: {  	[tilespmem:s21], [sflag:$0x8] =	stream.indirect_vreg.gather [hbm4b:s4+s9], $0x80, v0, vm0, $0xb8;
	[tilespmem:$0x1F800] =	vst v63  }
0x1dd: {  	v0 =	vld [tilespmem:$0x6760];
	_ =	sdelay $0x6  }
0x1de: {  	s16 =	simm.s32 $0x1C400  }
0x1df: {  	[tilespmem:s16], [sflag:$0x8] =	stream.indirect_vreg.gather [hbm4b:s4+s9], $0x80, v0, vm0, $0xb8;
	[tilespmem:$0x1F800] =	vst v63  }
0x1e0: {  	v0 =	vld [tilespmem:$0x6770];
	_ =	sdelay $0x6  }
0x1e1: {  	s21 =	simm.s32 $0x1CC00  }
0x1e2: {  	[tilespmem:s21], [sflag:$0x8] =	stream.indirect_vreg.gather [hbm4b:s4+s9], $0x80, v0, vm0, $0xb8;
	[tilespmem:$0x1F800] =	vst v63  }
0x1e3: {  	v0 =	vld [tilespmem:$0x6780];
	_ =	sdelay $0x7  }
0x1e4: {  	[tilespmem:s22], [sflag:$0x8] =	stream.indirect_vreg.gather [hbm4b:s4+s9], $0x80, v0, vm0, $0xb8;
	[tilespmem:$0x1F800] =	vst v63  }
0x1e5: {  	v0 =	vld [tilespmem:$0x6790];
	_ =	sdelay $0x7  }
0x1e6: {  	[tilespmem:s24], [sflag:$0x8] =	stream.indirect_vreg.gather [hbm4b:s4+s9], $0x80, v0, vm0, $0xb8;
	[tilespmem:$0x1F800] =	vst v63  }
0x1e7: {  	v0 =	vld [tilespmem:$0x67A0];
	_ =	sdelay $0x7  }
0x1e8: {  	[tilespmem:s25], [sflag:$0x8] =	stream.indirect_vreg.gather [hbm4b:s4+s9], $0x80, v0, vm0, $0xb8;
	[tilespmem:$0x1F800] =	vst v63  }
0x1e9: {  	v0 =	vld [tilespmem:$0x67B0];
	_ =	sdelay $0x7  }
0x1ea: {  	[tilespmem:s26], [sflag:$0x8] =	stream.indirect_vreg.gather [hbm4b:s4+s9], $0x80, v0, vm0, $0xb8;
	[tilespmem:$0x1F800] =	vst v63  }
0x1eb: {  	v0 =	vld [tilespmem:$0x67B8];
	_ =	sdelay $0x7  }
0x1ec: {  	[tilespmem:s28], [sflag:$0x8] =	stream.indirect_vreg.gather [hbm4b:s4+s9], $0x80, v0, vm0, $0xb8;
	[tilespmem:$0x1F800] =	vst v63  }
0x1ed: {  	s15 =	simm.s32 $0x1000;
	s21 =	simm.s32 $0x0;
	s9 =	sor.u32 $0x3, s5  }
.LBB2_10:
0x1ee: {  	p1 =	sne.s32 s15, $0x18000;
	v0 =	vld [tilespmem:s21+$0x3B0]  }
0x1ef: {  	v1 =	vld [tilespmem:s21+$0x0]  }
0x1f0: {  	v2 =	vld [tilespmem:s21+$0x10]  }
0x1f1: {  	v3 =	vld [tilespmem:s21+$0x20]  }
0x1f2: {  	v4 =	vld [tilespmem:s21+$0x30]  }
0x1f3: {  	[tilespmem:s21+$0x133B0] =	vst.add.f32.msk $0xffff, v0  }
0x1f4: {  	v0 =	vld [tilespmem:s21+$0x80]  }
0x1f5: {  	v5 =	vld [tilespmem:s21+$0x90]  }
0x1f6: {  	v6 =	vld [tilespmem:s21+$0xA0]  }
0x1f7: {  	v7 =	vld [tilespmem:s21+$0xB0]  }
0x1f8: {  	v8 =	vld [tilespmem:s21+$0x100]  }
0x1f9: {  	v9 =	vld [tilespmem:s21+$0x110]  }
0x1fa: {  	v10 =	vld [tilespmem:s21+$0x120]  }
0x1fb: {  	v11 =	vld [tilespmem:s21+$0x130]  }
0x1fc: {  	v12 =	vld [tilespmem:s21+$0x180]  }
0x1fd: {  	v13 =	vld [tilespmem:s21+$0x190]  }
0x1fe: {  	v14 =	vld [tilespmem:s21+$0x1A0]  }
0x1ff: {  	v15 =	vld [tilespmem:s21+$0x1B0]  }
0x200: {  	v16 =	vld [tilespmem:s21+$0x200]  }
0x201: {  	v17 =	vld [tilespmem:s21+$0x210]  }
0x202: {  	v18 =	vld [tilespmem:s21+$0x220]  }
0x203: {  	v19 =	vld [tilespmem:s21+$0x230]  }
0x204: {  	v20 =	vld [tilespmem:s21+$0x280]  }
0x205: {  	v21 =	vld [tilespmem:s21+$0x290]  }
0x206: {  	v22 =	vld [tilespmem:s21+$0x2A0]  }
0x207: {  	v23 =	vld [tilespmem:s21+$0x2B0]  }
0x208: {  	v24 =	vld [tilespmem:s21+$0x300]  }
0x209: {  	v25 =	vld [tilespmem:s21+$0x310]  }
0x20a: {  	v26 =	vld [tilespmem:s21+$0x320]  }
0x20b: {  	v27 =	vld [tilespmem:s21+$0x330]  }
0x20c: {  	v28 =	vld [tilespmem:s21+$0x380]  }
0x20d: {  	v29 =	vld [tilespmem:s21+$0x390]  }
0x20e: {  	v30 =	vld [tilespmem:s21+$0x3A0]  }
0x20f: {  	[tilespmem:s21+$0x13000] =	vst.add.f32.msk $0xffff, v1  }
0x210: {  	[tilespmem:s21+$0x13010] =	vst.add.f32.msk $0xffff, v2  }
0x211: {  	[tilespmem:s21+$0x13020] =	vst.add.f32.msk $0xffff, v3  }
0x212: {  	[tilespmem:s21+$0x13030] =	vst.add.f32.msk $0xffff, v4  }
0x213: {  	[tilespmem:s21+$0x13080] =	vst.add.f32.msk $0xffff, v0  }
0x214: {  	[tilespmem:s21+$0x13090] =	vst.add.f32.msk $0xffff, v5  }
0x215: {  	[tilespmem:s21+$0x130A0] =	vst.add.f32.msk $0xffff, v6  }
0x216: {  	[tilespmem:s21+$0x130B0] =	vst.add.f32.msk $0xffff, v7  }
0x217: {  	[tilespmem:s21+$0x13100] =	vst.add.f32.msk $0xffff, v8  }
0x218: {  	[tilespmem:s21+$0x13110] =	vst.add.f32.msk $0xffff, v9  }
0x219: {  	[tilespmem:s21+$0x13120] =	vst.add.f32.msk $0xffff, v10  }
0x21a: {  	[tilespmem:s21+$0x13130] =	vst.add.f32.msk $0xffff, v11  }
0x21b: {  	[tilespmem:s21+$0x13180] =	vst.add.f32.msk $0xffff, v12  }
0x21c: {  	[tilespmem:s21+$0x13190] =	vst.add.f32.msk $0xffff, v13  }
0x21d: {  	[tilespmem:s21+$0x131A0] =	vst.add.f32.msk $0xffff, v14  }
0x21e: {  	[tilespmem:s21+$0x131B0] =	vst.add.f32.msk $0xffff, v15  }
0x21f: {  	[tilespmem:s21+$0x13200] =	vst.add.f32.msk $0xffff, v16  }
0x220: {  	[tilespmem:s21+$0x13210] =	vst.add.f32.msk $0xffff, v17  }
0x221: {  	[tilespmem:s21+$0x13220] =	vst.add.f32.msk $0xffff, v18  }
0x222: {  	[tilespmem:s21+$0x13230] =	vst.add.f32.msk $0xffff, v19  }
0x223: {  	[tilespmem:s21+$0x13280] =	vst.add.f32.msk $0xffff, v20  }
0x224: {  	[tilespmem:s21+$0x13290] =	vst.add.f32.msk $0xffff, v21  }
0x225: {  	[tilespmem:s21+$0x132A0] =	vst.add.f32.msk $0xffff, v22  }
0x226: {  	[tilespmem:s21+$0x132B0] =	vst.add.f32.msk $0xffff, v23  }
0x227: {  	[tilespmem:s21+$0x13300] =	vst.add.f32.msk $0xffff, v24  }
0x228: {  	[tilespmem:s21+$0x13310] =	vst.add.f32.msk $0xffff, v25  }
.Ltmp4:
0x229: {  	[tilespmem:s21+$0x13320] =	vst.add.f32.msk $0xffff, v26;
	(pc) =	sbr.rel @p1 .LBB2_10-.Ltmp4, $4  }
0x22a: {  	[tilespmem:s21+$0x13330] =	vst.add.f32.msk $0xffff, v27  }
0x22b: {  	[tilespmem:s21+$0x13380] =	vst.add.f32.msk $0xffff, v28  }
0x22c: {  	[tilespmem:s21+$0x13390] =	vst.add.f32.msk $0xffff, v29  }
0x22d: {  	[tilespmem:s21+$0x133A0] =	vst.add.f32.msk $0xffff, v30;
	s21 =	sshra.s32 s15, $0x2;
	s15 =	sadd.s32 $0x1000, s15  }
0x22e: {  	v0 =	vld [tilespmem:s21+$0x3B0]  }
0x22f: {  	v1 =	vld [tilespmem:s21+$0x0]  }
0x230: {  	v2 =	vld [tilespmem:s21+$0x10]  }
0x231: {  	v3 =	vld [tilespmem:s21+$0x20]  }
0x232: {  	v4 =	vld [tilespmem:s21+$0x30]  }
0x233: {  	v63 =	vld [tilespmem:s21+$0x80]  }
0x234: {  	v5 =	vld [tilespmem:s21+$0x90]  }
0x235: {  	v6 =	vld [tilespmem:s21+$0xA0]  }
0x236: {  	v7 =	vld [tilespmem:s21+$0xB0]  }
0x237: {  	v8 =	vld [tilespmem:s21+$0x100]  }
0x238: {  	v9 =	vld [tilespmem:s21+$0x110]  }
0x239: {  	v10 =	vld [tilespmem:s21+$0x120]  }
0x23a: {  	v11 =	vld [tilespmem:s21+$0x130]  }
0x23b: {  	v12 =	vld [tilespmem:s21+$0x180]  }
0x23c: {  	v13 =	vld [tilespmem:s21+$0x190]  }
0x23d: {  	v14 =	vld [tilespmem:s21+$0x1A0]  }
0x23e: {  	v15 =	vld [tilespmem:s21+$0x1B0]  }
0x23f: {  	v16 =	vld [tilespmem:s21+$0x200]  }
0x240: {  	v17 =	vld [tilespmem:s21+$0x210]  }
0x241: {  	v18 =	vld [tilespmem:s21+$0x220]  }
0x242: {  	v19 =	vld [tilespmem:s21+$0x230]  }
0x243: {  	v20 =	vld [tilespmem:s21+$0x280]  }
0x244: {  	v21 =	vld [tilespmem:s21+$0x290]  }
0x245: {  	v22 =	vld [tilespmem:s21+$0x2A0]  }
0x246: {  	v23 =	vld [tilespmem:s21+$0x2B0]  }
0x247: {  	v24 =	vld [tilespmem:s21+$0x300]  }
0x248: {  	v25 =	vld [tilespmem:s21+$0x310]  }
0x249: {  	v26 =	vld [tilespmem:s21+$0x320]  }
0x24a: {  	v27 =	vld [tilespmem:s21+$0x330]  }
0x24b: {  	v28 =	vld [tilespmem:s21+$0x380]  }
0x24c: {  	v29 =	vld [tilespmem:s21+$0x390]  }
0x24d: {  	v30 =	vld [tilespmem:s21+$0x3A0]  }
0x24e: {  	[tilespmem:s21+$0x133B0] =	vst.add.f32.msk $0xffff, v0  }
0x24f: {  	[tilespmem:s21+$0x13000] =	vst.add.f32.msk $0xffff, v1  }
0x250: {  	[tilespmem:s21+$0x13010] =	vst.add.f32.msk $0xffff, v2  }
0x251: {  	[tilespmem:s21+$0x13020] =	vst.add.f32.msk $0xffff, v3  }
0x252: {  	[tilespmem:s21+$0x13030] =	vst.add.f32.msk $0xffff, v4  }
0x253: {  	[tilespmem:s21+$0x13080] =	vst.add.f32.msk $0xffff, v63  }
0x254: {  	[tilespmem:s21+$0x13090] =	vst.add.f32.msk $0xffff, v5  }
0x255: {  	[tilespmem:s21+$0x130A0] =	vst.add.f32.msk $0xffff, v6  }
0x256: {  	[tilespmem:s21+$0x130B0] =	vst.add.f32.msk $0xffff, v7  }
0x257: {  	[tilespmem:s21+$0x13100] =	vst.add.f32.msk $0xffff, v8  }
0x258: {  	[tilespmem:s21+$0x13110] =	vst.add.f32.msk $0xffff, v9  }
0x259: {  	[tilespmem:s21+$0x13120] =	vst.add.f32.msk $0xffff, v10  }
0x25a: {  	[tilespmem:s21+$0x13130] =	vst.add.f32.msk $0xffff, v11  }
0x25b: {  	[tilespmem:s21+$0x13180] =	vst.add.f32.msk $0xffff, v12  }
0x25c: {  	[tilespmem:s21+$0x13190] =	vst.add.f32.msk $0xffff, v13  }
0x25d: {  	[tilespmem:s21+$0x131A0] =	vst.add.f32.msk $0xffff, v14  }
0x25e: {  	[tilespmem:s21+$0x131B0] =	vst.add.f32.msk $0xffff, v15  }
0x25f: {  	[tilespmem:s21+$0x13200] =	vst.add.f32.msk $0xffff, v16  }
0x260: {  	[tilespmem:s21+$0x13210] =	vst.add.f32.msk $0xffff, v17  }
0x261: {  	[tilespmem:s21+$0x13220] =	vst.add.f32.msk $0xffff, v18  }
0x262: {  	[tilespmem:s21+$0x13230] =	vst.add.f32.msk $0xffff, v19  }
0x263: {  	[tilespmem:s21+$0x13280] =	vst.add.f32.msk $0xffff, v20  }
0x264: {  	[tilespmem:s21+$0x13290] =	vst.add.f32.msk $0xffff, v21  }
0x265: {  	[tilespmem:s21+$0x132A0] =	vst.add.f32.msk $0xffff, v22  }
0x266: {  	[tilespmem:s21+$0x132B0] =	vst.add.f32.msk $0xffff, v23  }
0x267: {  	[tilespmem:s21+$0x13300] =	vst.add.f32.msk $0xffff, v24  }
0x268: {  	[tilespmem:s21+$0x13310] =	vst.add.f32.msk $0xffff, v25  }
0x269: {  	[tilespmem:s21+$0x13320] =	vst.add.f32.msk $0xffff, v26  }
0x26a: {  	s14 =	sadd.s32 s7, s14;
	[tilespmem:s21+$0x13330] =	vst.add.f32.msk $0xffff, v27  }
0x26b: {  	s14 =	smul.u32 $0xC80, s14;
	[tilespmem:s21+$0x13380] =	vst.add.f32.msk $0xffff, v28  }
0x26c: {  	[tilespmem:s21+$0x13390] =	vst.add.f32.msk $0xffff, v29  }
0x26d: {  	s5 =	sadd.s32 @!p0 $0x7, s5;
	s14 =	sadd.s32 s6, s14;
	[tilespmem:s21+$0x133A0] =	vst.add.f32.msk $0xffff, v30  }
0x26e: {  	[hbm4b:s14+s3] =	stream.linear.scatter [tilespmem:s13], [sflag:$0xB], $0x6400, $0x38;
	[tilespmem:$0x1F800] =	vst v63  }
0x26f: {  	s14 =	sshll.u32 @!p0 s5, $0x8;
	_ =	swait.ge [sflag:s29], $0x6000  }
0x270: {  	s5 =	sshll.u32 @!p0 s5, $0x7;
	s14 =	sand.u32 @!p0 $0xF800, s14;
	[sflag:s29] =	ssyncset.done $0x0  }
0x271: {  	s5 =	sand.u32 @!p0 $0x380, s5;
	s14 =	sadd.s32 @!p0 s8, s14;
	[sflag:s29] =	ssyncadd.s32 $0xFFFFA000  }
0x272: {  	s15 =	simm.s32 @!p0 $0x400;
	s5 =	sor.u32 @!p0 s5, s14;
	_ =	swait.ge [sflag:s29], $0x800  }
0x273: {  	s16 =	simm.s32 @!p0 $0x6700;
	s5 =	sshrl.u32 @!p0 s5, $0x3;
	[sflag:s29] =	ssyncset.done $0x0  }
0x274: {  	s14 =	simm.s32 @!p0 $0x80;
	s5 =	sadd.s32 @!p0 s1, s5;
	[sflag:s29] =	ssyncadd.s32 $0xFFFFF800  }
0x275: {  	[tilespmem:s16], [sflag:$0x4] =	stream.strided.gather @!p0 [hbm4b:s5+s14], $0x100, s15, s14, $0x38;
	[tilespmem:$0x1F800] =	vst v63  }
0x276: {  	s5 =	simm.s32 @!p0 $0x9  }
0x277: {  	_ =	swait.ge @!p0 [sflag:s5], $0x6400  }
0x278: {  	[sflag:s5] =	ssyncset.done @!p0 $0x0  }
0x279: {  	[sflag:s5] =	ssyncadd.s32 @!p0 $0xFFFF9C00;
	s5 =	simm.s32 @!p0 $0x1  }
0x27a: {  	_ =	swait.ge @!p0 [sflag:s5], $0x100  }
0x27b: {  	[sflag:s5] =	ssyncset.done @!p0 $0x0  }
0x27c: {  	[sflag:s5] =	ssyncadd.s32 @!p0 $0xFFFFFF00  }
0x27d: {  	v0 =	vld @!p0 [tilespmem:$0x6400];
	_ =	sdelay $0x6  }
0x27e: {  	vm1 =	vmmov @!p0 $0xffff;
	s14 =	simm.s32 @!p0 $0x6800;
	s5 =	simm.s32 @!p0 $0x0  }
0x27f: {  	[tilespmem:s14], [sflag:$0x5] =	stream.indirect_vreg.gather @!p0 [hbm4b:s4+s5], $0x80, v0, vm1, $0xb8;
	[tilespmem:$0x1F800] =	vst v63  }
0x280: {  	v0 =	vld @!p0 [tilespmem:$0x6410];
	_ =	sdelay $0x6  }
0x281: {  	s14 =	simm.s32 @!p0 $0x7000  }
0x282: {  	[tilespmem:s14], [sflag:$0x5] =	stream.indirect_vreg.gather @!p0 [hbm4b:s4+s5], $0x80, v0, vm1, $0xb8;
	[tilespmem:$0x1F800] =	vst v63  }
0x283: {  	v0 =	vld @!p0 [tilespmem:$0x6420];
	_ =	sdelay $0x6  }
0x284: {  	s14 =	simm.s32 @!p0 $0x7800  }
0x285: {  	[tilespmem:s14], [sflag:$0x5] =	stream.indirect_vreg.gather @!p0 [hbm4b:s4+s5], $0x80, v0, vm1, $0xb8;
	[tilespmem:$0x1F800] =	vst v63  }
0x286: {  	v0 =	vld @!p0 [tilespmem:$0x6430];
	_ =	sdelay $0x6  }
0x287: {  	s14 =	simm.s32 @!p0 $0x8000  }
0x288: {  	[tilespmem:s14], [sflag:$0x5] =	stream.indirect_vreg.gather @!p0 [hbm4b:s4+s5], $0x80, v0, vm1, $0xb8;
	[tilespmem:$0x1F800] =	vst v63  }
0x289: {  	v0 =	vld @!p0 [tilespmem:$0x6440];
	_ =	sdelay $0x6  }
0x28a: {  	s14 =	simm.s32 @!p0 $0x8800  }
0x28b: {  	[tilespmem:s14], [sflag:$0x5] =	stream.indirect_vreg.gather @!p0 [hbm4b:s4+s5], $0x80, v0, vm1, $0xb8;
	[tilespmem:$0x1F800] =	vst v63  }
0x28c: {  	v0 =	vld @!p0 [tilespmem:$0x6450];
	_ =	sdelay $0x6  }
0x28d: {  	s14 =	simm.s32 @!p0 $0x9000  }
0x28e: {  	[tilespmem:s14], [sflag:$0x5] =	stream.indirect_vreg.gather @!p0 [hbm4b:s4+s5], $0x80, v0, vm1, $0xb8;
	[tilespmem:$0x1F800] =	vst v63  }
0x28f: {  	v0 =	vld @!p0 [tilespmem:$0x6460];
	_ =	sdelay $0x6  }
0x290: {  	s14 =	simm.s32 @!p0 $0x9800  }
0x291: {  	[tilespmem:s14], [sflag:$0x5] =	stream.indirect_vreg.gather @!p0 [hbm4b:s4+s5], $0x80, v0, vm1, $0xb8;
	[tilespmem:$0x1F800] =	vst v63  }
0x292: {  	v0 =	vld @!p0 [tilespmem:$0x6470];
	_ =	sdelay $0x6  }
0x293: {  	s14 =	simm.s32 @!p0 $0xA000  }
0x294: {  	[tilespmem:s14], [sflag:$0x5] =	stream.indirect_vreg.gather @!p0 [hbm4b:s4+s5], $0x80, v0, vm1, $0xb8;
	[tilespmem:$0x1F800] =	vst v63  }
0x295: {  	v0 =	vld @!p0 [tilespmem:$0x6480];
	_ =	sdelay $0x6  }
0x296: {  	s14 =	simm.s32 @!p0 $0xA800  }
0x297: {  	[tilespmem:s14], [sflag:$0x5] =	stream.indirect_vreg.gather @!p0 [hbm4b:s4+s5], $0x80, v0, vm1, $0xb8;
	[tilespmem:$0x1F800] =	vst v63  }
0x298: {  	v0 =	vld @!p0 [tilespmem:$0x6490];
	_ =	sdelay $0x6  }
0x299: {  	s14 =	simm.s32 @!p0 $0xB000  }
0x29a: {  	[tilespmem:s14], [sflag:$0x5] =	stream.indirect_vreg.gather @!p0 [hbm4b:s4+s5], $0x80, v0, vm1, $0xb8;
	[tilespmem:$0x1F800] =	vst v63  }
0x29b: {  	v0 =	vld @!p0 [tilespmem:$0x64A0];
	_ =	sdelay $0x6  }
0x29c: {  	s14 =	simm.s32 @!p0 $0xB800  }
0x29d: {  	[tilespmem:s14], [sflag:$0x5] =	stream.indirect_vreg.gather @!p0 [hbm4b:s4+s5], $0x80, v0, vm1, $0xb8;
	[tilespmem:$0x1F800] =	vst v63  }
0x29e: {  	v0 =	vld @!p0 [tilespmem:$0x64B0];
	_ =	sdelay $0x6  }
0x29f: {  	s14 =	simm.s32 @!p0 $0xC000  }
0x2a0: {  	[tilespmem:s14], [sflag:$0x5] =	stream.indirect_vreg.gather @!p0 [hbm4b:s4+s5], $0x80, v0, vm1, $0xb8;
	[tilespmem:$0x1F800] =	vst v63  }
0x2a1: {  	v0 =	vld @!p0 [tilespmem:$0x64B8];
	_ =	sdelay $0x6  }
0x2a2: {  	s14 =	simm.s32 @!p0 $0xC400  }
0x2a3: {  	[tilespmem:s14], [sflag:$0x5] =	stream.indirect_vreg.gather @!p0 [hbm4b:s4+s5], $0x80, v0, vm1, $0xb8;
	[tilespmem:$0x1F800] =	vst v63  }
0x2a4: {  	s5 =	simm.s32 $0x0;
	s14 =	simm.s32 $0x1000  }
.LBB2_12:
0x2a5: {  	p0 =	sne.s32 s14, $0x18000;
	v0 =	vld [tilespmem:s5+$0x3B0]  }
0x2a6: {  	v1 =	vld [tilespmem:s5+$0x0]  }
0x2a7: {  	v2 =	vld [tilespmem:s5+$0x10]  }
0x2a8: {  	v3 =	vld [tilespmem:s5+$0x20]  }
0x2a9: {  	v4 =	vld [tilespmem:s5+$0x30]  }
0x2aa: {  	[tilespmem:s5+$0x197B0] =	vst.add.f32.msk $0xffff, v0  }
0x2ab: {  	v0 =	vld [tilespmem:s5+$0x80]  }
0x2ac: {  	v5 =	vld [tilespmem:s5+$0x90]  }
0x2ad: {  	v6 =	vld [tilespmem:s5+$0xA0]  }
0x2ae: {  	v7 =	vld [tilespmem:s5+$0xB0]  }
0x2af: {  	v8 =	vld [tilespmem:s5+$0x100]  }
0x2b0: {  	v9 =	vld [tilespmem:s5+$0x110]  }
0x2b1: {  	v10 =	vld [tilespmem:s5+$0x120]  }
0x2b2: {  	v11 =	vld [tilespmem:s5+$0x130]  }
0x2b3: {  	v12 =	vld [tilespmem:s5+$0x180]  }
0x2b4: {  	v13 =	vld [tilespmem:s5+$0x190]  }
0x2b5: {  	v14 =	vld [tilespmem:s5+$0x1A0]  }
0x2b6: {  	v15 =	vld [tilespmem:s5+$0x1B0]  }
0x2b7: {  	v16 =	vld [tilespmem:s5+$0x200]  }
0x2b8: {  	v17 =	vld [tilespmem:s5+$0x210]  }
0x2b9: {  	v18 =	vld [tilespmem:s5+$0x220]  }
0x2ba: {  	v19 =	vld [tilespmem:s5+$0x230]  }
0x2bb: {  	v20 =	vld [tilespmem:s5+$0x280]  }
0x2bc: {  	v21 =	vld [tilespmem:s5+$0x290]  }
0x2bd: {  	v22 =	vld [tilespmem:s5+$0x2A0]  }
0x2be: {  	v23 =	vld [tilespmem:s5+$0x2B0]  }
0x2bf: {  	v24 =	vld [tilespmem:s5+$0x300]  }
0x2c0: {  	v25 =	vld [tilespmem:s5+$0x310]  }
0x2c1: {  	v26 =	vld [tilespmem:s5+$0x320]  }
0x2c2: {  	v27 =	vld [tilespmem:s5+$0x330]  }
0x2c3: {  	v28 =	vld [tilespmem:s5+$0x380]  }
0x2c4: {  	v29 =	vld [tilespmem:s5+$0x390]  }
0x2c5: {  	v30 =	vld [tilespmem:s5+$0x3A0]  }
0x2c6: {  	[tilespmem:s5+$0x19400] =	vst.add.f32.msk $0xffff, v1  }
0x2c7: {  	[tilespmem:s5+$0x19410] =	vst.add.f32.msk $0xffff, v2  }
0x2c8: {  	[tilespmem:s5+$0x19420] =	vst.add.f32.msk $0xffff, v3  }
0x2c9: {  	[tilespmem:s5+$0x19430] =	vst.add.f32.msk $0xffff, v4  }
0x2ca: {  	[tilespmem:s5+$0x19480] =	vst.add.f32.msk $0xffff, v0  }
0x2cb: {  	[tilespmem:s5+$0x19490] =	vst.add.f32.msk $0xffff, v5  }
0x2cc: {  	[tilespmem:s5+$0x194A0] =	vst.add.f32.msk $0xffff, v6  }
0x2cd: {  	[tilespmem:s5+$0x194B0] =	vst.add.f32.msk $0xffff, v7  }
0x2ce: {  	[tilespmem:s5+$0x19500] =	vst.add.f32.msk $0xffff, v8  }
0x2cf: {  	[tilespmem:s5+$0x19510] =	vst.add.f32.msk $0xffff, v9  }
0x2d0: {  	[tilespmem:s5+$0x19520] =	vst.add.f32.msk $0xffff, v10  }
0x2d1: {  	[tilespmem:s5+$0x19530] =	vst.add.f32.msk $0xffff, v11  }
0x2d2: {  	[tilespmem:s5+$0x19580] =	vst.add.f32.msk $0xffff, v12  }
0x2d3: {  	[tilespmem:s5+$0x19590] =	vst.add.f32.msk $0xffff, v13  }
0x2d4: {  	[tilespmem:s5+$0x195A0] =	vst.add.f32.msk $0xffff, v14  }
0x2d5: {  	[tilespmem:s5+$0x195B0] =	vst.add.f32.msk $0xffff, v15  }
0x2d6: {  	[tilespmem:s5+$0x19600] =	vst.add.f32.msk $0xffff, v16  }
0x2d7: {  	[tilespmem:s5+$0x19610] =	vst.add.f32.msk $0xffff, v17  }
0x2d8: {  	[tilespmem:s5+$0x19620] =	vst.add.f32.msk $0xffff, v18  }
0x2d9: {  	[tilespmem:s5+$0x19630] =	vst.add.f32.msk $0xffff, v19  }
0x2da: {  	[tilespmem:s5+$0x19680] =	vst.add.f32.msk $0xffff, v20  }
0x2db: {  	[tilespmem:s5+$0x19690] =	vst.add.f32.msk $0xffff, v21  }
0x2dc: {  	[tilespmem:s5+$0x196A0] =	vst.add.f32.msk $0xffff, v22  }
0x2dd: {  	[tilespmem:s5+$0x196B0] =	vst.add.f32.msk $0xffff, v23  }
0x2de: {  	[tilespmem:s5+$0x19700] =	vst.add.f32.msk $0xffff, v24  }
0x2df: {  	[tilespmem:s5+$0x19710] =	vst.add.f32.msk $0xffff, v25  }
.Ltmp5:
0x2e0: {  	[tilespmem:s5+$0x19720] =	vst.add.f32.msk $0xffff, v26;
	(pc) =	sbr.rel @p0 .LBB2_12-.Ltmp5, $4  }
0x2e1: {  	[tilespmem:s5+$0x19730] =	vst.add.f32.msk $0xffff, v27  }
0x2e2: {  	[tilespmem:s5+$0x19780] =	vst.add.f32.msk $0xffff, v28  }
0x2e3: {  	[tilespmem:s5+$0x19790] =	vst.add.f32.msk $0xffff, v29  }
0x2e4: {  	[tilespmem:s5+$0x197A0] =	vst.add.f32.msk $0xffff, v30;
	s5 =	sshra.s32 s14, $0x2;
	s14 =	sadd.s32 $0x1000, s14  }
0x2e5: {  	v0 =	vld [tilespmem:s5+$0x3B0]  }
0x2e6: {  	v1 =	vld [tilespmem:s5+$0x0]  }
0x2e7: {  	v2 =	vld [tilespmem:s5+$0x10]  }
0x2e8: {  	v3 =	vld [tilespmem:s5+$0x20]  }
0x2e9: {  	v4 =	vld [tilespmem:s5+$0x30]  }
0x2ea: {  	v63 =	vld [tilespmem:s5+$0x80]  }
0x2eb: {  	v5 =	vld [tilespmem:s5+$0x90]  }
0x2ec: {  	v6 =	vld [tilespmem:s5+$0xA0]  }
0x2ed: {  	v7 =	vld [tilespmem:s5+$0xB0]  }
0x2ee: {  	v8 =	vld [tilespmem:s5+$0x100]  }
0x2ef: {  	v9 =	vld [tilespmem:s5+$0x110]  }
0x2f0: {  	v10 =	vld [tilespmem:s5+$0x120]  }
0x2f1: {  	v11 =	vld [tilespmem:s5+$0x130]  }
0x2f2: {  	v12 =	vld [tilespmem:s5+$0x180]  }
0x2f3: {  	v13 =	vld [tilespmem:s5+$0x190]  }
0x2f4: {  	v14 =	vld [tilespmem:s5+$0x1A0]  }
0x2f5: {  	v15 =	vld [tilespmem:s5+$0x1B0]  }
0x2f6: {  	v16 =	vld [tilespmem:s5+$0x200]  }
0x2f7: {  	v17 =	vld [tilespmem:s5+$0x210]  }
0x2f8: {  	v18 =	vld [tilespmem:s5+$0x220]  }
0x2f9: {  	v19 =	vld [tilespmem:s5+$0x230]  }
0x2fa: {  	v20 =	vld [tilespmem:s5+$0x280]  }
0x2fb: {  	v21 =	vld [tilespmem:s5+$0x290]  }
0x2fc: {  	v22 =	vld [tilespmem:s5+$0x2A0]  }
0x2fd: {  	v23 =	vld [tilespmem:s5+$0x2B0]  }
0x2fe: {  	v24 =	vld [tilespmem:s5+$0x300]  }
0x2ff: {  	v25 =	vld [tilespmem:s5+$0x310]  }
0x300: {  	v26 =	vld [tilespmem:s5+$0x320]  }
0x301: {  	v27 =	vld [tilespmem:s5+$0x330]  }
0x302: {  	v28 =	vld [tilespmem:s5+$0x380]  }
0x303: {  	v29 =	vld [tilespmem:s5+$0x390]  }
0x304: {  	v30 =	vld [tilespmem:s5+$0x3A0]  }
0x305: {  	[tilespmem:s5+$0x197B0] =	vst.add.f32.msk $0xffff, v0  }
0x306: {  	[tilespmem:s5+$0x19400] =	vst.add.f32.msk $0xffff, v1  }
0x307: {  	[tilespmem:s5+$0x19410] =	vst.add.f32.msk $0xffff, v2  }
0x308: {  	[tilespmem:s5+$0x19420] =	vst.add.f32.msk $0xffff, v3  }
0x309: {  	[tilespmem:s5+$0x19430] =	vst.add.f32.msk $0xffff, v4  }
0x30a: {  	[tilespmem:s5+$0x19480] =	vst.add.f32.msk $0xffff, v63  }
0x30b: {  	[tilespmem:s5+$0x19490] =	vst.add.f32.msk $0xffff, v5  }
0x30c: {  	[tilespmem:s5+$0x194A0] =	vst.add.f32.msk $0xffff, v6  }
0x30d: {  	[tilespmem:s5+$0x194B0] =	vst.add.f32.msk $0xffff, v7  }
0x30e: {  	[tilespmem:s5+$0x19500] =	vst.add.f32.msk $0xffff, v8  }
0x30f: {  	[tilespmem:s5+$0x19510] =	vst.add.f32.msk $0xffff, v9  }
0x310: {  	[tilespmem:s5+$0x19520] =	vst.add.f32.msk $0xffff, v10  }
0x311: {  	[tilespmem:s5+$0x19530] =	vst.add.f32.msk $0xffff, v11  }
0x312: {  	[tilespmem:s5+$0x19580] =	vst.add.f32.msk $0xffff, v12  }
0x313: {  	[tilespmem:s5+$0x19590] =	vst.add.f32.msk $0xffff, v13  }
0x314: {  	[tilespmem:s5+$0x195A0] =	vst.add.f32.msk $0xffff, v14  }
0x315: {  	[tilespmem:s5+$0x195B0] =	vst.add.f32.msk $0xffff, v15  }
0x316: {  	[tilespmem:s5+$0x19600] =	vst.add.f32.msk $0xffff, v16  }
0x317: {  	[tilespmem:s5+$0x19610] =	vst.add.f32.msk $0xffff, v17  }
0x318: {  	[tilespmem:s5+$0x19620] =	vst.add.f32.msk $0xffff, v18  }
0x319: {  	[tilespmem:s5+$0x19630] =	vst.add.f32.msk $0xffff, v19  }
0x31a: {  	[tilespmem:s5+$0x19680] =	vst.add.f32.msk $0xffff, v20  }
0x31b: {  	[tilespmem:s5+$0x19690] =	vst.add.f32.msk $0xffff, v21  }
0x31c: {  	[tilespmem:s5+$0x196A0] =	vst.add.f32.msk $0xffff, v22  }
0x31d: {  	[tilespmem:s5+$0x196B0] =	vst.add.f32.msk $0xffff, v23  }
0x31e: {  	[tilespmem:s5+$0x19700] =	vst.add.f32.msk $0xffff, v24  }
0x31f: {  	s18 =	sadd.s32 $0x1, s18;
	[tilespmem:s5+$0x19710] =	vst.add.f32.msk $0xffff, v25  }
0x320: {  	p0 =	sne.s32 s18, $0x20;
	[tilespmem:s5+$0x19720] =	vst.add.f32.msk $0xffff, v26  }
.Ltmp6:
0x321: {  	s9 =	sadd.s32 s7, s9;
	[tilespmem:s5+$0x19730] =	vst.add.f32.msk $0xffff, v27;
	(pc) =	sbr.rel @p0 .LBB2_2-.Ltmp6, $4  }
0x322: {  	s9 =	smul.u32 $0xC80, s9;
	[tilespmem:s5+$0x19780] =	vst.add.f32.msk $0xffff, v28  }
0x323: {  	[tilespmem:s5+$0x19790] =	vst.add.f32.msk $0xffff, v29  }
0x324: {  	s21 =	sadd.s32 s6, s9;
	[tilespmem:s5+$0x197A0] =	vst.add.f32.msk $0xffff, v30  }
0x325: {  	[hbm4b:s21+s3] =	stream.linear.scatter [tilespmem:s17], [sflag:$0xC], $0x6400, $0x38;
	[tilespmem:$0x1F800] =	vst v63  }
0x326: {  	_ =	swait.ge [sflag:s30], $0x6400  }
0x327: {  	[sflag:s30] =	ssyncset.done $0x0  }
0x328: {  	[sflag:s30] =	ssyncadd.s32 $0xFFFF9C00  }
0x329: {  	_ =	swait.ge [sflag:s11], $0x6400  }
0x32a: {  	[sflag:s11] =	ssyncset.done $0x0  }
0x32b: {  	[sflag:s11] =	ssyncadd.s32 $0xFFFF9C00  }
0x32c: {  	_ =	swait.ge [sflag:s31], $0x6400  }
0x32d: {  	s9 =	rddreg [dreg:$0x9]  }
0x32e: {  	s5 =	rddreg [dreg:$0x8];
	s9 =	sadd.s32 $0x1, s9  }
0x32f: {  	p0 =	sne.s32 s9, s5  }
.Ltmp7:
0x330: {  	_ = 	snop;
	(pc) =	sbr.rel @p0 .LBB2_1-.Ltmp7, $3  }
0x331: {  	_ =	sdelay $0x1  }
0x332: {  	[sflag:s31] =	ssyncset.done $0x0  }
0x333: {  	[sflag:s31] =	ssyncadd.s32 $0xFFFF9C00  }
0x334: {  	_ =	sfence.sel $0x180000  }
0x335: {  	[bflag:$0x0] =	sbarrier.arrive $0xFFFF  }
0x336: {  	_ =	strace $0x90000047  }
0x337: {  	s0 =	stileid.u32;
	[bflag:$0x2] =	sbarrier.arrive $0xFFFF  }
0x338: {  	p0 =	sne.s32 s0, $0x0;
	s0 =	rddreg [dreg:$0x2]  }
0x339: {  	s0 =	sadd.s32 @!p0 $0x100000, s0  }
0x33a: {  	[sflag:s0] =	ssyncadd.tile.s32 @!p0 $0x1;
	_ =	shalt  }
.Lfunc_end2:
_tile_overlayer_lowered:
.L_overlay_start_2:
0x33b: {  	(tag) =	ssettag $0x2  }
0x33c: {  	s0 =	rddreg [dreg:$0x0];
	s2 =	stileid.u32  }
0x33d: {  	s1 =	rddreg [dreg:$0x1];
	p0 =	sne.s32 s2, $0x0  }
0x33e: {  	s3 =	rddreg [dreg:$0x2];
	[bflag:$0x3] =	sbarrier.arrive $0xFFFF;
	s2 =	simm.s32 @!p0 $0x1C0D  }
0x33f: {  	[timem:s3], [sflag:s2] =	dma.local @!p0 [hbm:s0], s1  }
0x340: {  	s0 =	simm.s32 @!p0 $0xD  }
0x341: {  	_ =	swait.ge @!p0 [sflag:s0], s1  }
0x342: {  	s1 =	ssub.s32 @!p0 $0x0, s1;
	[sflag:s0] =	ssyncset.done @!p0 $0x0  }
0x343: {  	[sflag:s0] =	ssyncadd.s32 @!p0 s1  }
0x344: {  	[bflag:$0x3] =	sbarrier.arrive $0xFFFF  }
0x345: {  	_ =	shalt  }

// kernel: sparse-core-data-format-call.cloned.1.call-start
scs
called_computation_lowered:
.L_overlay_start_0:
0x0: {  	s2 =	sld [smem:$0x3FD9]  }
0x1: {  	s3 =	sld [smem:$0x3FFE];
	_ =	sdelay $0x1  }
0x2: {  	s1 =	srdreg.scid  }
0x3: {  	s0 =	sand.u32 $0x1, s1  }
0x4: {  	s18 =	sshll.u32 s0, $0xA;
	s2 =	sadd.s32 s3, s2  }
0x5: {  	s2 =	sadd.s32 s2, s18  }
0x6: {  	[smem:$0x3FC6] =	sst s2  }
0x7: {  	_ = 	snop  }
0x8: {  	s2 =	sld [smem:$0x3FD0];
	(tm) =	ssettm $0x1  }
0x9: {  	s19 =	sld [smem:$0x3FFB];
	_ =	sdelay $0x3  }
0xa: {  	_ =	strace s19  }
0xb: {  	s3 =	sld [smem:$0x3FFC];
	_ =	sdelay $0x3  }
0xc: {  	_ =	strace s3  }
0xd: {  	s3 =	sld [smem:$0x3FFD];
	_ =	sdelay $0x3  }
0xe: {  	_ =	strace s3  }
0xf: {  	_ =	strace $0x8FFFFFFF  }
0x10: {  	s20 =	sld [smem:$0x3FDB];
	_ =	sdelay $0x1  }
0x11: {  	s4 =	simm.s32 $_scs_section_size  }
0x12: {  	s5 =	simm.s32 $_size__tile_overlayer_lowered;
	s6 =	simm.s32 $_tile_overlayer_lowered  }
0x13: {  	s23 =	simm.s32 $0x1BFF;
	s22 =	sshll.u32 s6, $0x1;
	s3 =	sadd.s32 s4, s20  }
0x14: {  	s7 =	simm.s32 $0x0;
	s21 =	sshll.u32 s5, $0x1;
	s5 =	sadd.s32 s22, s3  }
0x15: {  	[timem:s7], [sflag:s23] =	dma.local [hbm:s5], s21  }
0x16: {  	_ =	swait.ge [sflag:s23], s21  }
0x17: {  	s4 =	ssub.s32 $0x0, s21;
	[sflag:s23] =	ssyncset.done $0x0  }
0x18: {  	[sflag:s23] =	ssyncadd.s32 s4;
	_ =	sdelay $0x1  }
0x19: {  	s24 =	simm.s32 $0x1B8B  }
0x1a: {  	_ =	swait.ge [sflag:s24], $0x1  }
0x1b: {  	[sflag:s24] =	ssyncset.done $0x0  }
0x1c: {  	s26 =	simm.s32 $0x1B8E;
	s25 =	sld [smem:$0x3FFE];
	[sflag:s24] =	ssyncadd.s32 $0xFFFFFFFF  }
0x1d: {  	s27 =	simm.s32 $execute0_lowered;
	[smem:$0x3FD2] =	sst s26  }
0x1e: {  	s5 =	sshll.u32 s27, $0x1;
	_ =	strace $0x80000049;
	[dreg:$0x1] =	wrdreg $0xFFFFFFFF  }
0x1f: {  	s28 =	simm.s32 $_size_execute0_lowered;
	s3 =	sadd.s32 s3, s5;
	[dreg:$0x0] =	wrdreg $0x0  }
0x20: {  	s5 =	sshll.u32 s28, $0x1;
	[dreg:$0x2] =	wrdreg s3  }
0x21: {  	[dreg:$0x3] =	wrdreg s5  }
0x22: {  	[dreg:$0x4] =	wrdreg $0xC0  }
0x23: {  	_ =	task [dreg:s7], $0x5FFFF  }
0x24: {  	[dreg:$0x1] =	wrdreg $0xFFFFFFFF  }
0x25: {  	[dreg:$0x0] =	wrdreg $0x60  }
0x26: {  	[dreg:$0x2] =	wrdreg s25  }
0x27: {  	[dreg:$0x3] =	wrdreg s2  }
0x28: {  	[dreg:$0x4] =	wrdreg $0x9  }
0x29: {  	_ =	task.clear_ibuf [dreg:s7], $0x5FFFF;
	_ =	strace $0x90000049  }
0x2a: {  	s29 =	simm.s32 $0x9;
	_ =	strace $0x8000004B  }
0x2b: {  	_ =	swait.ge [sflag:s29], $0x1  }
0x2c: {  	[sflag:s29] =	ssyncadd.s32 $0xFFFFFFFF  }
0x2d: {  	_ =	strace $0x9000004B  }
0x2e: {  	_ =	sfence  }
0x2f: {  	s30 =	sld [smem:$0x0];
	_ =	sdelay $0x2  }
0x30: {  	s31 =	sshll.u32 s1, $0xD;
	s1 =	sshrl.u32 s1, $0x2  }
0x31: {  	s3 =	sand.u32 $0x4000, s31;
	s1 =	sadd.s32 s1, s30  }
0x32: {  	s0 =	sor.u32 s3, s0;
	s1 =	sshll.u32 s1, $0x11  }
0x33: {  	s0 =	sor.u32 s1, s0  }
0x34: {  	s0 =	sadd.s32 $0x8F2B, s0  }
0x35: {  	[sflag:s0] =	ssyncadd.remote.s32 $0x1  }
0x36: {  	_ =	sfence.sel $0xFFFF  }
0x37: {  	[dreg:$0x0] =	wrdreg $0xFFFFFFFF;
	(pc) =	sbr.abs _section_cstart, $3  }
0x38: {  	[dreg:$0x1] =	wrdreg $0xFFFFFFFF  }
0x39: {  	_ =	task.clear_ibuf [dreg:s7], $0x2FFFF;
	_ =	strace $0x9FFFFFFF  }
0x3a: {  	(tm) =	ssettm $0x7FFFFFFF  }
0x3b: {  	_ =	shalt  }
tec
execute0_lowered:
.L_overlay_start_1:
0x0: {  	(tag) =	ssettag $0x1  }
0x1: {  	s0 =	srdreg.scid  }
0x2: {  	s1 =	sshll.u32 s0, $0x4  }
0x3: {  	s0 =	stileid.u32;
	s1 =	sand.u32 $0x10, s1  }
0x4: {  	s1 =	sor.u32 s0, s1  }
0x5: {  	s6 =	rddreg [dreg:$0x0];
	s4 =	simm.s32 $0x1;
	s2 =	sshll.u32 s1, $0x7  }
0x6: {  	s7 =	simm.s32 $0x2;
	s12 =	simm.s32 $0x0;
	s1 =	ssub.s32 $0x1000, s2  }
0x7: {  	s8 =	simm.s32 $0x8000;
	s13 =	simm.s32 $0x0;
	s3 =	sand.u32 $0xF80, s1  }
0x8: {  	s9 =	simm.s32 $0x0;
	s5 =	sshrl.u32 s1, $0xC;
	p0 =	sne.s32 s3, $0x0  }
.Ltmp0:
0x9: {  	s1 =	rddreg [dreg:$0x2];
	s4 =	simm.s32 @!p0 $0x0;
	(pc) =	sbr.rel .LBB1_1-.Ltmp0, $4  }
0xa: {  	s11 =	simm.s32 $0x0;
	s3 =	rddreg [dreg:$0x1];
	s5 =	sadd.s32 s4, s5  }
0xb: {  	_ =	strace $0x8000004A;
	s4 =	simm.s32 $0x1;
	s5 =	smul.u32 $0xC8, s5  }
0xc: {  	s6 =	sadd.s32 $0x1400, s6;
	s10 =	smov.u32 s2;
	[sflag:s4] =	ssyncpa.u1 $0x0  }
0xd: {  	p0 =	por $0x0, $0x0;
	[sflag:s7] =	ssyncpa.u1 $0x0;
	s7 =	sor.u32 $0x1, s5  }
.LBB1_4:
0xe: {  	s16 =	sshll.u32 s13, $0x3;
	s17 =	sand.u32 $0x78, s13  }
0xf: {  	s30 =	sand.u32 $0x7E00, s13;
	s12 =	sshll.u32 s12, $0xF;
	s16 =	sand.u32 $0xC00, s16  }
0x10: {  	[tilespmem:s15+$0x810 ss:$0x81] =	vst.msk $0xffff, v2;
	s31 =	sand.u32 $0x7, s13;
	s16 =	sor.u32 s17, s16;
	s17 =	sadd.s32 s3, s30  }
0x11: {  	[tilespmem:s15+$0x1020 ss:$0x81] =	vst.msk $0xffff, v0;
	s13 =	sshll.u32 s31, $0x12;
	s12 =	sadd.s32 s12, s17;
	s16 =	sshrl.u32 s16, $0x3  }
0x12: {  	[tilespmem:s15+$0x0 ss:$0x81] =	vst.msk $0xffff, v1;
	s13 =	sor.u32 $0x400, s13;
	s12 =	sadd.s32 s16, s12  }
0x13: {  	[hbm4b:s12+s13] =	stream.strided.scatter [tilespmem:s14], [sflag:$0x2], $0x2000, s8, s13, $0x20;
	[tilespmem:$0x8080] =	vst v63  }
.LBB1_5:
0x14: {  	s14 =	sadd.s32 $0x1, s9  }
0x15: {  	s12 =	sadd.s32 $0x1000, s10;
	s16 =	smov.u32 s10;
	p2 =	sgt.s32 s14, $0xC7  }
0x16: {  	s16 =	smov.u32 @p2 s12  }
0x17: {  	s14 =	simm.s32 @p2 $0x0;
	p2 =	sgt.s32 s16, $0xFFF  }
0x18: {  	s16 =	smov.u32 @p2 s2;
	p2 =	sne.s32 s11, s7  }
.Ltmp1:
0x19: {  	p1 =	slt.u32 s11, $0x2;
	(pc) =	sbr.rel @!p2 .LBB1_6-.Ltmp1, $4  }
0x1a: {  	s15 =	simm.s32 @!p1 $0x2  }
0x1b: {  	s13 =	smov.u32 s10;
	p0 =	por !p0, !p0;
	_ =	swait.ge @!p1 [sflag:s15], $0x2000  }
0x1c: {  	s12 =	smov.u32 s9;
	[sflag:s15] =	ssyncset.done @!p1 $0x0;
	s9 =	smov.u32 s14  }
0x1d: {  	s11 =	sadd.s32 $0x1, s11;
	[sflag:s15] =	ssyncadd.s32 @!p1 $0xFFFFE000;
	s10 =	smov.u32 s16  }
.LBB1_1:
0x1e: {  	p1 =	sge.u32 s11, s5  }
0x1f: {  	s14 =	sand.u32 @!p1 $0x1FFFFFF, s9  }
0x20: {  	s15 =	smulhi.u32 @!p1 $0x147AE15, s14;
	_ =	sdelay $0x1  }
0x21: {  	s15 =	smul.u32 @!p1 $0xC8, s15  }
0x22: {  	s16 =	sxor.u32 @!p1 $0xFFFFFFFF, s11;
	s17 =	smul.u32 @!p1 $0xC80, s10  }
0x23: {  	s31 =	sadd.s32 $0xFFFFFFFF, s11;
	s16 =	sshll.u32 @!p1 s16, $0xD;
	s14 =	ssub.s32 @!p1 s14, s15  }
0x24: {  	s15 =	sand.u32 @!p1 $0x2000, s16;
	s16 =	sadd.s32 @!p1 s6, s17;
	s14 =	sshll.u32 @!p1 s14, $0x4  }
0x25: {  	s17 =	simm.s32 @!p1 $0x6400;
	s14 =	sadd.s32 @!p1 s14, s16;
	s16 =	simm.s32 @!p1 $0x40  }
0x26: {  	[tilespmem:s15], [sflag:$0x1] =	stream.strided.gather @!p1 [hbm4b:s14+s16], $0x2000, s17, s16, $0x38;
	[tilespmem:$0x8080] =	vst v63  }
0x27: {  	p1 =	sge.u32 s31, s5  }
.Ltmp2:
0x28: {  	_ = 	snop;
	(pc) =	sbr.rel @p1 .LBB1_5-.Ltmp2, $1  }
0x29: {  	_ =	sdelay $0x3  }
0x2a: {  	s14 =	simm.s32 $0x1  }
0x2b: {  	_ =	swait.ge [sflag:s4], $0x2000;
	s14 =	simm.s32 @!p0 $0x0  }
0x2c: {  	[sflag:s4] =	ssyncset.done $0x0;
	s15 =	sshll.u32 s14, $0xD  }
0x2d: {  	[sflag:s4] =	ssyncadd.s32 $0xFFFFE000;
	s18 =	sor.u32 $0x20, s15  }
0x2e: {  	s14 =	smul.u32 $0x8100, s14;
	v3 =	vld [tilespmem:s18+$0x10]  }
0x2f: {  	s30 =	sand.u32 $0x1, s11;
	v2 =	vld [tilespmem:s18+$0xFFFFFFF0]  }
0x30: {  	s15 =	smul.u32 $0x8100, s30;
	s14 =	sshrl.u32 s14, $0x2;
	v0 =	vld [tilespmem:s18+$0x0]  }
0x31: {  	v1 =	vld [tilespmem:s18+$0xFFFFFFE0];
	s16 =	sor.u32 $0x4000, s14  }
0x32: {  	s31 =	sshrl.u32 s15, $0x2;
	s15 =	sadd.s32 $0x0, s16  }
0x33: {  	s17 =	simm.s32 $0x4;
	s18 =	sadd.s32 $0x40, s18;
	s14 =	sor.u32 $0x4000, s31;
	[tilespmem:s15+$0x1830 ss:$0x81] =	vst.msk $0xffff, v3  }
.LBB1_3:
0x34: {  	v3 =	vld [tilespmem:s18+$0x10];
	p1 =	sne.s32 s17, $0x1FC;
	[tilespmem:s15+$0x810 ss:$0x81] =	vst.msk $0xffff, v2;
	s19 =	smov.u32 s17;
	s17 =	sadd.s32 $0x4, s17  }
.Ltmp3:
0x35: {  	v2 =	vld [tilespmem:s18+$0xFFFFFFF0];
	[tilespmem:s15+$0x1020 ss:$0x81] =	vst.msk $0xffff, v0;
	(pc) =	sbr.rel @p1 .LBB1_3-.Ltmp3, $4  }
0x36: {  	v0 =	vld [tilespmem:s18+$0x0];
	[tilespmem:s15+$0x0 ss:$0x81] =	vst.msk $0xffff, v1  }
0x37: {  	s15 =	sshra.s32 s19, $0x2;
	v1 =	vld [tilespmem:s18+$0xFFFFFFE0]  }
0x38: {  	s15 =	sadd.s32 s15, s16  }
0x39: {  	s18 =	sadd.s32 $0x40, s18;
	[tilespmem:s15+$0x1830 ss:$0x81] =	vst.msk $0xffff, v3  }
.Ltmp4:
0x3a: {  	_ = 	snop;
	(pc) =	sbr.rel .LBB1_4-.Ltmp4, $1  }
0x3b: {  	_ =	sdelay $0x3  }
.LBB1_6:
0x3c: {  	_ =	sfence.sel $0x180000  }
0x3d: {  	s2 =	simm.s32 $0x1;
	[bflag:$0x0] =	sbarrier.arrive $0xFFFF  }
0x3e: {  	s31 =	simm.s32 $0x2;
	[sflag:s2] =	ssyncpa.u1 $0x1  }
0x3f: {  	[sflag:s31] =	ssyncpa.u1 $0x1  }
0x40: {  	p0 =	sne.s32 s0, $0x0;
	_ =	strace $0x9000004A  }
0x41: {  	s0 =	sadd.s32 @!p0 $0x100000, s1;
	[bflag:$0x2] =	sbarrier.arrive $0xFFFF  }
0x42: {  	[sflag:s0] =	ssyncadd.tile.s32 @!p0 $0x1;
	_ =	shalt  }
.Lfunc_end1:
_tile_overlayer_lowered:
.L_overlay_start_2:
0x43: {  	(tag) =	ssettag $0x2  }
0x44: {  	s0 =	rddreg [dreg:$0x0];
	s2 =	stileid.u32  }
0x45: {  	s1 =	rddreg [dreg:$0x1];
	p0 =	sne.s32 s2, $0x0  }
0x46: {  	s3 =	rddreg [dreg:$0x2];
	[bflag:$0x3] =	sbarrier.arrive $0xFFFF;
	s2 =	simm.s32 @!p0 $0x1C01  }
0x47: {  	[timem:s3], [sflag:s2] =	dma.local @!p0 [hbm:s0], s1  }
0x48: {  	s0 =	simm.s32 @!p0 $0x1  }
0x49: {  	_ =	swait.ge @!p0 [sflag:s0], s1  }
0x4a: {  	s1 =	ssub.s32 @!p0 $0x0, s1;
	[sflag:s0] =	ssyncset.done @!p0 $0x0  }
0x4b: {  	[sflag:s0] =	ssyncadd.s32 @!p0 s1  }
0x4c: {  	[bflag:$0x3] =	sbarrier.arrive $0xFFFF  }
0x4d: {  	_ =	shalt  }

</sc_bundles>
